<compile_context>
chip_gen: v7x
topology: tpu7x:2x2x1
jax: 0.10.2.dev20260603
libtpu: 0.0.44.dev20260713+nightly
codegen_flags: <defaults>
</compile_context>

<pallas_src>
import functools

import jax
import jax.numpy as jnp
from jax import lax
from jax.experimental import pallas as pl
from jax.experimental.pallas import tpu as pltpu
from jax.experimental.pallas import tpu_sc as plsc

F = 16
G = 64
NC, NS = 2, 16
NW = NC * NS
SUB = 128
KSUB = 4
NP = 100096
RPT = NP // NS
NB = 102400
GP = 128

_MESH = dict(core_axis_name="c", subcore_axis_name="s",
             num_cores=NC, num_subcores=NS)
_SC_PARAMS = pltpu.CompilerParams(use_tc_tiling_on_sc=False)


def _deg_pass(e2d, zeros_tile, ones_sub, n_iters):

    @functools.partial(
        pl.kernel,
        out_type=jax.ShapeDtypeStruct((NC, NP, F), jnp.float32),
        mesh=plsc.VectorSubcoreMesh(**_MESH),
        compiler_params=_SC_PARAMS,
        scratch_types=[
            pltpu.VMEM((KSUB, 2, SUB), jnp.int32),
            pltpu.VMEM((KSUB, 2, SUB), jnp.int32),
            pltpu.VMEM((SUB, F), jnp.float32),
            pltpu.VMEM_SHARED((NP, F), jnp.float32),
            pltpu.SemaphoreType.DMA,
        ],
    )
    def k(e_h, z_h, one_h, out_h, ev0, ev1, ones_v, acc_sh, isem):
        cid = lax.axis_index("c")
        sid = lax.axis_index("s")
        wid = sid * NC + cid
        pltpu.sync_copy(z_h, acc_sh.at[pl.ds(sid * RPT, RPT)])
        pltpu.sync_copy(one_h, ones_v)
        plsc.subcore_barrier()
        base = wid * (n_iters * KSUB)
        ev = (ev0, ev1)

        pltpu.sync_copy(e_h.at[pl.ds(base, KSUB)], ev0)
        pltpu.async_copy(e_h.at[pl.ds(base + KSUB, KSUB)], ev1, isem)

        @pl.loop(0, n_iters // 2)
        def _(ii):
            for b in range(2):
                k_it = ii * 2 + b
                evb, evn = ev[b], ev[1 - b]
                for j in range(KSUB):
                    pltpu.sync_copy(ones_v, acc_sh.at[evb.at[j, 1]], add=True)
                pltpu.make_async_copy(e_h.at[pl.ds(base, KSUB)], evn, isem).wait()
                pltpu.async_copy(
                    e_h.at[pl.ds(base + (k_it + 2) * KSUB, KSUB)], evb, isem)

        pltpu.make_async_copy(e_h.at[pl.ds(base, KSUB)], ev0, isem).wait()
        plsc.subcore_barrier()
        pltpu.sync_copy(acc_sh.at[pl.ds(sid * RPT, RPT)],
                        out_h.at[cid, pl.ds(sid * RPT, RPT)])

    return k(e2d, zeros_tile, ones_sub)


def _edge_pass(table, e2d, zeros_tile, n_iters):

    @functools.partial(
        pl.kernel,
        out_type=jax.ShapeDtypeStruct((NC, NP, F), jnp.float32),
        mesh=plsc.VectorSubcoreMesh(**_MESH),
        compiler_params=_SC_PARAMS,
        scratch_types=[
            pltpu.VMEM((KSUB, 2, SUB), jnp.int32),
            pltpu.VMEM((KSUB, 2, SUB), jnp.int32),
            pltpu.VMEM((KSUB * SUB, F), jnp.float32),
            pltpu.VMEM((KSUB * SUB, F), jnp.float32),
            pltpu.VMEM_SHARED((NP, F), jnp.float32),
            pltpu.SemaphoreType.DMA,
            pltpu.SemaphoreType.DMA,
        ],
    )
    def k(tab_h, e_h, z_h, out_h, ev0, ev1, rows0, rows1, acc_sh, isem, gsem):
        cid = lax.axis_index("c")
        sid = lax.axis_index("s")
        wid = sid * NC + cid
        pltpu.sync_copy(z_h, acc_sh.at[pl.ds(sid * RPT, RPT)])
        plsc.subcore_barrier()
        base = wid * (n_iters * KSUB)
        ev = (ev0, ev1)
        rows = (rows0, rows1)

        def fire_gathers(evx, rowsx):
            for j in range(KSUB):
                pltpu.async_copy(tab_h.at[evx.at[j, 0]],
                                 rowsx.at[pl.ds(j * SUB, SUB)], gsem)

        def drain_gathers(rowsx):
            for j in range(KSUB):
                pltpu.make_async_copy(
                    tab_h.at[pl.ds(0, SUB)],
                    rowsx.at[pl.ds(j * SUB, SUB)], gsem).wait()

        pltpu.sync_copy(e_h.at[pl.ds(base, KSUB)], ev0)
        pltpu.async_copy(e_h.at[pl.ds(base + KSUB, KSUB)], ev1, isem)
        fire_gathers(ev0, rows0)

        @pl.loop(0, n_iters // 2)
        def _(ii):
            for b in range(2):
                k_it = ii * 2 + b
                evb, evn = ev[b], ev[1 - b]
                rowsb, rowsn = rows[b], rows[1 - b]
                drain_gathers(rowsb)
                pltpu.make_async_copy(e_h.at[pl.ds(base, KSUB)], evn, isem).wait()
                fire_gathers(evn, rowsn)
                for j in range(KSUB):
                    pltpu.sync_copy(rowsb.at[pl.ds(j * SUB, SUB)],
                                    acc_sh.at[evb.at[j, 1]], add=True)
                pltpu.async_copy(
                    e_h.at[pl.ds(base + (k_it + 2) * KSUB, KSUB)], evb, isem)

        drain_gathers(rows0)
        pltpu.make_async_copy(e_h.at[pl.ds(base, KSUB)], ev0, isem).wait()
        plsc.subcore_barrier()
        pltpu.sync_copy(acc_sh.at[pl.ds(sid * RPT, RPT)],
                        out_h.at[cid, pl.ds(sid * RPT, RPT)])

    return k(table, e2d, zeros_tile)


def _pool_pass(w_nb, batch2d, zeros_gp, ones_sub, n_iters):

    @functools.partial(
        pl.kernel,
        out_type=jax.ShapeDtypeStruct((NC, 2, GP, F), jnp.float32),
        mesh=plsc.VectorSubcoreMesh(**_MESH),
        compiler_params=_SC_PARAMS,
        scratch_types=[
            pltpu.VMEM((1, SUB), jnp.int32),
            pltpu.VMEM((SUB, F), jnp.float32),
            pltpu.VMEM((SUB, F), jnp.float32),
            pltpu.VMEM_SHARED((GP, F), jnp.float32),
            pltpu.VMEM_SHARED((GP, F), jnp.float32),
        ],
    )
    def k(w_h, b_h, z_h, one_h, out_h, b_v, w_v, ones_v, qacc, cacc):
        cid = lax.axis_index("c")
        sid = lax.axis_index("s")
        wid = sid * NC + cid

        @pl.when(sid == 0)
        def _():
            pltpu.sync_copy(z_h, qacc)
            pltpu.sync_copy(z_h, cacc)

        pltpu.sync_copy(one_h, ones_v)
        plsc.subcore_barrier()
        base = wid * n_iters

        @pl.loop(0, n_iters)
        def _(i):
            r = base + i
            pltpu.sync_copy(b_h.at[pl.ds(r, 1)], b_v)
            pltpu.sync_copy(w_h.at[pl.ds(r * SUB, SUB)], w_v)
            pltpu.sync_copy(w_v, qacc.at[b_v.at[0]], add=True)
            pltpu.sync_copy(ones_v, cacc.at[b_v.at[0]], add=True)

        plsc.subcore_barrier()

        @pl.when(sid == 0)
        def _():
            pltpu.sync_copy(qacc, out_h.at[cid, 0])
            pltpu.sync_copy(cacc, out_h.at[cid, 1])

    return k(w_nb, batch2d, zeros_gp, ones_sub)


NF = NP * F // 128
BNF = NF // 4
BN1 = NP // 32


def _dense1a(degp_flat):

    def body(d0, d1, dinv_o):
        dinv_o[...] = lax.rsqrt(d0[...] + d1[...] + 1.0)

    return pl.pallas_call(
        body,
        grid=(NF // BNF,),
        in_specs=[
            pl.BlockSpec((BNF, 128), lambda i: (i, 0)),
            pl.BlockSpec((BNF, 128), lambda i: (NF // BNF + i, 0)),
        ],
        out_specs=pl.BlockSpec((BNF, 128), lambda i: (i, 0)),
        out_shape=jax.ShapeDtypeStruct((NF, 128), jnp.float32),
    )(degp_flat, degp_flat)


def _dense1b(dinv16, x_p, W1):

    def body(dv, xr, w1, xw1s_o):
        xb = xr[...].astype(jnp.bfloat16)
        w1b = w1[...].astype(jnp.bfloat16)
        xw1 = jnp.dot(xb, w1b, preferred_element_type=jnp.float32)
        xw1s_o[...] = dv[...] * xw1

    return pl.pallas_call(
        body,
        grid=(NP // BN1,),
        in_specs=[
            pl.BlockSpec((BN1, F), lambda i: (i, 0)),
            pl.BlockSpec((BN1, 3), lambda i: (i, 0)),
            pl.BlockSpec((3, F), lambda i: (0, 0)),
        ],
        out_specs=pl.BlockSpec((BN1, F), lambda i: (i, 0)),
        out_shape=jax.ShapeDtypeStruct((NP, F), jnp.float32),
    )(dinv16, x_p, W1)


def _dense2(up_flat, xw1s_flat, dinv_flat, b1_flat, W2blk):

    def body(u0, u1, xs, dv, b1, w2, hws_o):
        dinv = dv[...]
        pre = dinv * (u0[...] + u1[...] + xs[...]) + b1[...]
        h = jnp.maximum(pre, 0.0)
        hw = jnp.dot(h.astype(jnp.bfloat16), w2[...],
                     preferred_element_type=jnp.float32)
        hws_o[...] = dinv * hw

    return pl.pallas_call(
        body,
        grid=(NF // BNF,),
        in_specs=[
            pl.BlockSpec((BNF, 128), lambda i: (i, 0)),
            pl.BlockSpec((BNF, 128), lambda i: (NF // BNF + i, 0)),
            pl.BlockSpec((BNF, 128), lambda i: (i, 0)),
            pl.BlockSpec((BNF, 128), lambda i: (i, 0)),
            pl.BlockSpec((1, 128), lambda i: (0, 0)),
            pl.BlockSpec((128, 128), lambda i: (0, 0)),
        ],
        out_specs=pl.BlockSpec((BNF, 128), lambda i: (i, 0)),
        out_shape=jax.ShapeDtypeStruct((NF, 128), jnp.float32),
    )(up_flat, up_flat, xw1s_flat, dinv_flat, b1_flat, W2blk)


def _dense3(vp_flat, hws_flat, dinv_flat):
    def body(v0, v1, hv, dv, w_o):
        w_o[...] = dv[...] * (v0[...] + v1[...] + hv[...])

    return pl.pallas_call(
        body,
        grid=(NF // BNF,),
        in_specs=[
            pl.BlockSpec((BNF, 128), lambda i: (i, 0)),
            pl.BlockSpec((BNF, 128), lambda i: (NF // BNF + i, 0)),
            pl.BlockSpec((BNF, 128), lambda i: (i, 0)),
            pl.BlockSpec((BNF, 128), lambda i: (i, 0)),
        ],
        out_specs=pl.BlockSpec((BNF, 128), lambda i: (i, 0)),
        out_shape=jax.ShapeDtypeStruct((NF, 128), jnp.float32),
    )(vp_flat, vp_flat, hws_flat, dinv_flat)


def _dense_head(pool, b2r, fW1, fb1r, fW2, fb2r):
    def body(p_ref, b2, f1, g1, f2, g2, o_ref):
        pv = p_ref[...]
        q = pv[0, 0, :G, :] + pv[1, 0, :G, :]
        cnt = pv[0, 1, :G, 0:1] + pv[1, 1, :G, 0:1]
        p = q + cnt * b2[...]
        pb = p.astype(jnp.bfloat16).astype(jnp.float32)
        f1v = f1[...].astype(jnp.bfloat16).astype(jnp.float32)
        acc = jnp.broadcast_to(g1[...], (G, F))
        for kk in range(F):
            acc = acc + pb[:, kk:kk + 1] * f1v[kk:kk + 1, :]
        zrelu = jnp.maximum(acc, 0.0)
        zb = zrelu.astype(jnp.bfloat16).astype(jnp.float32)
        f2v = f2[...].astype(jnp.bfloat16).astype(jnp.float32)
        o = jnp.broadcast_to(g2[...], (G, 7))
        for kk in range(F):
            o = o + zb[:, kk:kk + 1] * f2v[kk:kk + 1, :]
        m = jnp.max(o, axis=1, keepdims=True)
        s = jnp.log(jnp.sum(jnp.exp(o - m), axis=1, keepdims=True))
        o_ref[...] = o - m - s

    return pl.pallas_call(
        body,
        in_specs=[
            pl.BlockSpec((NC, 2, GP, F), lambda: (0, 0, 0, 0)),
            pl.BlockSpec((1, F), lambda: (0, 0)),
            pl.BlockSpec((F, F), lambda: (0, 0)),
            pl.BlockSpec((1, F), lambda: (0, 0)),
            pl.BlockSpec((F, 7), lambda: (0, 0)),
            pl.BlockSpec((1, 7), lambda: (0, 0)),
        ],
        out_specs=pl.BlockSpec((G, 7), lambda: (0, 0)),
        out_shape=jax.ShapeDtypeStruct((G, 7), jnp.float32),
    )(pool, b2r, fW1, fb1r, fW2, fb2r)


def kernel(x, edge_index, batch, W1, b1, W2, b2, fW1, fb1, fW2, fb2):
    N = x.shape[0]
    E = edge_index.shape[1]
    chunk = 2 * NW * SUB * KSUB
    EP = -(-E // chunk) * chunk
    n_iters = EP // (NW * SUB * KSUB)
    pad = EP - E

    src_p = jnp.concatenate(
        [edge_index[0], jnp.zeros((pad,), edge_index.dtype)]
    ).reshape(EP // SUB, SUB)
    dst_p = jnp.concatenate(
        [edge_index[1], jnp.full((pad,), NP - 1, edge_index.dtype)]
    ).reshape(EP // SUB, SUB)
    e2d = jnp.pad(jnp.stack([src_p, dst_p], axis=1),
                  ((0, 2 * KSUB), (0, 0), (0, 0)))
    x_p = jnp.pad(x, ((0, NP - N), (0, 0)))
    zeros_tile = jnp.zeros((RPT, F), jnp.float32)
    ones_sub = jnp.ones((SUB, F), jnp.float32)
    zeros_gp = jnp.zeros((GP, F), jnp.float32)

    b1_flat = jnp.tile(b1, 8).reshape(1, 128)
    W2blk = jnp.kron(jnp.eye(8, dtype=jnp.float32), W2).astype(jnp.bfloat16)

    degp = _deg_pass(e2d, zeros_tile, ones_sub, n_iters)
    dinv_flat = _dense1a(degp.reshape(2 * NF, 128))
    xw1s = _dense1b(dinv_flat.reshape(NP, F), x_p, W1)
    up = _edge_pass(xw1s, e2d, zeros_tile, n_iters)
    hws_flat = _dense2(up.reshape(2 * NF, 128), xw1s.reshape(NF, 128),
                       dinv_flat, b1_flat, W2blk)
    vp = _edge_pass(hws_flat.reshape(NP, F), e2d, zeros_tile, n_iters)
    w_flat = _dense3(vp.reshape(2 * NF, 128), hws_flat, dinv_flat)
    w = w_flat.reshape(NP, F)

    w_nb = jnp.pad(w[:N], ((0, NB - N), (0, 0)))
    batch_nb = jnp.pad(batch, (0, NB - N),
                       constant_values=G).reshape(NB // SUB, SUB)
    pool = _pool_pass(w_nb, batch_nb, zeros_gp, ones_sub, NB // (NW * SUB))

    return _dense_head(pool, b2.reshape(1, F), fW1, fb1.reshape(1, F),
                       fW2, fb2.reshape(1, 7))

# --- scband reference (transcript-rebuilt; emitter-appended) ---
"""Pipeline reference for scband-net-65644280152360 (READ-ONLY COPY).

The authoritative reference and input builder live on the scoring server;
editing this copy changes nothing except your own understanding.
"""

import jax, jax.numpy as jnp
import numpy as np

N = 100000
E = 3200000
G = 64

def gcn_conv(x, edge_index, W, b):
    n = x.shape[0]
    loop = jnp.arange(n, dtype=edge_index.dtype)
    src = jnp.concatenate([edge_index[0], loop])
    dst = jnp.concatenate([edge_index[1], loop])
    deg = jnp.zeros((n,), x.dtype).at[dst].add(1.0)
    dinv = jnp.where(deg > 0, deg ** -0.5, 0.0)
    norm = dinv[src] * dinv[dst]
    xw = x @ W
    out = jnp.zeros((n, W.shape[1]), x.dtype).at[dst].add(xw[src] * norm[:, None])
    return out + b

def setup_inputs(seed: int = 0):
    key = jax.random.key(seed)
    ks = jax.random.split(key, 12)
    x = jax.random.normal(ks[0], (N, 3), jnp.float32)
    edge_index = jax.random.randint(ks[1], (2, E), 0, N, dtype=jnp.int32)
    batch = jnp.sort(jax.random.randint(ks[2], (N,), 0, G, dtype=jnp.int32))
    W1 = jax.random.normal(ks[3], (3, 16), jnp.float32) * 0.2
    b1 = jnp.zeros((16,), jnp.float32)
    W2 = jax.random.normal(ks[4], (16, 16), jnp.float32) * 0.2
    b2 = jnp.zeros((16,), jnp.float32)
    fW1 = jax.random.normal(ks[5], (16, 16), jnp.float32) * 0.2
    fb1 = jnp.zeros((16,), jnp.float32)
    fW2 = jax.random.normal(ks[6], (16, 7), jnp.float32) * 0.2
    fb2 = jnp.zeros((7,), jnp.float32)
    return {"x": x, "edge_index": edge_index, "batch": batch, "W1": W1, "b1": b1, "W2": W2, "b2": b2, "fW1": fW1, "fb1": fb1, "fW2": fW2, "fb2": fb2}

def reference(x, edge_index, batch, W1, b1, W2, b2, fW1, fb1, fW2, fb2):
    h = jax.nn.relu(gcn_conv(x, edge_index, W1, b1))
    h = gcn_conv(h, edge_index, W2, b2)
    p = jax.ops.segment_sum(h, batch, num_segments=G)
    p = jax.nn.relu(p @ fW1 + fb1)
    # Dropout(0.2) is identity in eval mode
    p = p @ fW2 + fb2
    return jax.nn.log_softmax(p, axis=1)

if __name__ == "__main__":
    import jax
    _d = setup_inputs()
    print(jax.jit(kernel)(*tuple(_d.values())))

</pallas_src>

<mosaic_0001>
#map = affine_map<(d0, d1) -> (0, 0, 0)>
#map1 = affine_map<(d0, d1) -> (0, 0)>
module attributes {stable_mosaic.version = 14 : i64} {
  func.func @k(%arg0: i32, %arg1: i32, %arg2: memref<25096x2x128xi32, #tpu.memory_space<hbm>>, %arg3: memref<6256x16xf32, #tpu.memory_space<hbm>>, %arg4: memref<128x16xf32, #tpu.memory_space<hbm>>, %arg5: memref<2x100096x16xf32, #tpu.memory_space<hbm>>, %arg6: memref<4x2x128xi32, #tpu.memory_space<vmem>>, %arg7: memref<4x2x128xi32, #tpu.memory_space<vmem>>, %arg8: memref<128x16xf32, #tpu.memory_space<vmem>>, %arg9: memref<100096x16xf32, #tpu.memory_space<vmem_shared>>, %arg10: memref<!tpu.dma_semaphore, #tpu.memory_space<semaphore_mem>>) attributes {dimension_semantics = [#tpu.dimension_semantics<core_parallel>, #tpu.dimension_semantics<subcore_parallel>], iteration_bounds = array<i64: 2, 16>, scalar_prefetch = 0 : i64, scratch_operands = 5 : i64, tpu.core_type = #tpu.core_type<sc_vector_subcore>, window_params = [{transform_indices = #map}, {transform_indices = #map1}, {transform_indices = #map1}, {transform_indices = #map}]} {
    %mul3A = arith.constant 2 : i32
    %mul3A_0 = arith.muli %arg1, %mul3A : i32
    %add3A = arith.addi %mul3A_0, %arg0 : i32
    %mul3A_1 = arith.constant 6256 : i32
    %mul3A_2 = arith.muli %arg1, %mul3A_1 : i32
    "tpu.region"() ({
      %run_scoped3A = tpu.sem_alloc : memref<!tpu.dma_semaphore, #tpu.memory_space<semaphore_mem>>
      %dma_start3A_26 = arith.constant 0 : i32
      %dma_start3A_27 = tpu.memref_slice %arg9[%mul3A_2, %dma_start3A_26] : memref<100096x16xf32, #tpu.memory_space<vmem_shared>> -> memref<6256x16xf32, #tpu.memory_space<vmem_shared>>
      tpu.enqueue_dma source(%arg3 : memref<6256x16xf32, #tpu.memory_space<hbm>>) target(%dma_start3A_27 : memref<6256x16xf32, #tpu.memory_space<vmem_shared>>) target_semaphore(%run_scoped3A : memref<!tpu.dma_semaphore, #tpu.memory_space<semaphore_mem>>)
      %dma_wait3A_28 = arith.constant 0 : i32
      %dma_wait3A_29 = tpu.memref_slice %arg9[%mul3A_2, %dma_wait3A_28] : memref<100096x16xf32, #tpu.memory_space<vmem_shared>> -> memref<6256x16xf32, #tpu.memory_space<vmem_shared>>
      tpu.wait_dma2 semaphore(%run_scoped3A : memref<!tpu.dma_semaphore, #tpu.memory_space<semaphore_mem>>) src(%arg3 : memref<6256x16xf32, #tpu.memory_space<hbm>>) dst(%dma_wait3A_29 : memref<6256x16xf32, #tpu.memory_space<vmem_shared>>)
      tpu.yield
    }) : () -> ()
    "tpu.region"() ({
      %run_scoped3A = tpu.sem_alloc : memref<!tpu.dma_semaphore, #tpu.memory_space<semaphore_mem>>
      tpu.enqueue_dma source(%arg4 : memref<128x16xf32, #tpu.memory_space<hbm>>) target(%arg8 : memref<128x16xf32, #tpu.memory_space<vmem>>) target_semaphore(%run_scoped3A : memref<!tpu.dma_semaphore, #tpu.memory_space<semaphore_mem>>)
      tpu.wait_dma2 semaphore(%run_scoped3A : memref<!tpu.dma_semaphore, #tpu.memory_space<semaphore_mem>>) src(%arg4 : memref<128x16xf32, #tpu.memory_space<hbm>>) dst(%arg8 : memref<128x16xf32, #tpu.memory_space<vmem>>)
      tpu.yield
    }) : () -> ()
    %barrier3A = arith.constant 0 : index
    tpu.barrier barrier_id(%barrier3A)
    %mul3A_3 = arith.constant 784 : i32
    %mul3A_4 = arith.muli %add3A, %mul3A_3 : i32
    "tpu.region"() ({
      %run_scoped3A = tpu.sem_alloc : memref<!tpu.dma_semaphore, #tpu.memory_space<semaphore_mem>>
      %dma_start3A_26 = arith.constant 0 : i32
      %dma_start3A_27 = arith.constant 0 : i32
      %dma_start3A_28 = tpu.memref_slice %arg2[%mul3A_4, %dma_start3A_26, %dma_start3A_27] : memref<25096x2x128xi32, #tpu.memory_space<hbm>> -> memref<4x2x128xi32, #tpu.memory_space<hbm>>
      %dma_start3A_29 = arith.constant 0 : i32
      %dma_start3A_30 = arith.constant 0 : i32
      %dma_start3A_31 = tpu.memref_slice %arg2[%mul3A_4, %dma_start3A_29, %dma_start3A_30] : memref<25096x2x128xi32, #tpu.memory_space<hbm>> -> memref<4x2x128xi32, #tpu.memory_space<hbm>>
      tpu.enqueue_dma source(%dma_start3A_31 : memref<4x2x128xi32, #tpu.memory_space<hbm>>) target(%arg6 : memref<4x2x128xi32, #tpu.memory_space<vmem>>) target_semaphore(%run_scoped3A : memref<!tpu.dma_semaphore, #tpu.memory_space<semaphore_mem>>)
      %dma_wait3A_32 = arith.constant 0 : i32
      %dma_wait3A_33 = arith.constant 0 : i32
      %dma_wait3A_34 = tpu.memref_slice %arg2[%mul3A_4, %dma_wait3A_32, %dma_wait3A_33] : memref<25096x2x128xi32, #tpu.memory_space<hbm>> -> memref<4x2x128xi32, #tpu.memory_space<hbm>>
      %dma_wait3A_35 = arith.constant 0 : i32
      %dma_wait3A_36 = arith.constant 0 : i32
      %dma_wait3A_37 = tpu.memref_slice %arg2[%mul3A_4, %dma_wait3A_35, %dma_wait3A_36] : memref<25096x2x128xi32, #tpu.memory_space<hbm>> -> memref<4x2x128xi32, #tpu.memory_space<hbm>>
      tpu.wait_dma2 semaphore(%run_scoped3A : memref<!tpu.dma_semaphore, #tpu.memory_space<semaphore_mem>>) src(%dma_wait3A_37 : memref<4x2x128xi32, #tpu.memory_space<hbm>>) dst(%arg6 : memref<4x2x128xi32, #tpu.memory_space<vmem>>)
      tpu.yield
    }) : () -> ()
    %add3A_5 = arith.constant 4 : i32
    %add3A_6 = arith.addi %mul3A_4, %add3A_5 : i32
    %dma_start3A = arith.constant 0 : i32
    %dma_start3A_7 = arith.constant 0 : i32
    %dma_start3A_8 = tpu.memref_slice %arg2[%add3A_6, %dma_start3A, %dma_start3A_7] : memref<25096x2x128xi32, #tpu.memory_space<hbm>> -> memref<4x2x128xi32, #tpu.memory_space<hbm>>
    %dma_start3A_9 = arith.constant 0 : i32
    %dma_start3A_10 = arith.constant 0 : i32
    %dma_start3A_11 = tpu.memref_slice %arg2[%add3A_6, %dma_start3A_9, %dma_start3A_10] : memref<25096x2x128xi32, #tpu.memory_space<hbm>> -> memref<4x2x128xi32, #tpu.memory_space<hbm>>
    tpu.enqueue_dma source(%dma_start3A_11 : memref<4x2x128xi32, #tpu.memory_space<hbm>>) target(%arg7 : memref<4x2x128xi32, #tpu.memory_space<vmem>>) target_semaphore(%arg10 : memref<!tpu.dma_semaphore, #tpu.memory_space<semaphore_mem>>)
    %scan3A = arith.constant 0 : i32
    %scan3A_12 = arith.constant 98 : i32
    %scan3A_13 = arith.addi %scan3A, %scan3A_12 : i32
    %scan3A_14 = arith.constant 1 : i32
    scf.for %scan3A_26 = %scan3A to %scan3A_13 step %scan3A_14  : i32 {
      %mul3A_27 = arith.constant 1 : i32
      %mul3A_28 = arith.muli %scan3A_26, %mul3A_27 : i32
      %add3A_29 = arith.constant 0 : i32
      %add3A_30 = arith.addi %add3A_29, %mul3A_28 : i32
      %mul3A_31 = arith.constant 2 : i32
      %mul3A_32 = arith.muli %add3A_30, %mul3A_31 : i32
      %add3A_33 = arith.constant 0 : i32
      %add3A_34 = arith.addi %mul3A_32, %add3A_33 : i32
      %run_scoped3A = arith.constant 0 : i32
      %run_scoped3A_35 = arith.constant 1 : i32
      "tpu.region"() ({
        %run_scoped3A_88 = tpu.sem_alloc : memref<!tpu.dma_semaphore, #tpu.memory_space<semaphore_mem>>
        %dma_start3A_89 = arith.constant 0 : i32
        %dma_start3A_90 = tpu.memref_slice %arg6[%run_scoped3A, %run_scoped3A_35, %dma_start3A_89] : memref<4x2x128xi32, #tpu.memory_space<vmem>> -> memref<1x1x128xi32, #tpu.memory_space<vmem>>
        %dma_start3A_91 = tpu.memref_squeeze %dma_start3A_90 : memref<1x1x128xi32, #tpu.memory_space<vmem>> -> memref<128xi32, #tpu.memory_space<vmem>>
        %dma_start3A_92 = arith.constant 0 : i32
        %dma_start3A_93 = arith.constant 0 : i32
        %dma_start3A_94 = tpu.memref_slice %arg9[%dma_start3A_92, %dma_start3A_93] : memref<100096x16xf32, #tpu.memory_space<vmem_shared>> -> memref<100096x16xf32, #tpu.memory_space<vmem_shared>>
        tpu.enqueue_indirect_dma source(%arg8 : memref<128x16xf32, #tpu.memory_space<vmem>>) target(%dma_start3A_94 : memref<100096x16xf32, #tpu.memory_space<vmem_shared>>) offsets(%dma_start3A_91 : memref<128xi32, #tpu.memory_space<vmem>>) semaphore(%run_scoped3A_88 : memref<!tpu.dma_semaphore, #tpu.memory_space<semaphore_mem>>) {add = true}
        %dma_wait3A_95 = arith.constant 0 : i32
        %dma_wait3A_96 = tpu.memref_slice %arg6[%run_scoped3A, %run_scoped3A_35, %dma_wait3A_95] : memref<4x2x128xi32, #tpu.memory_space<vmem>> -> memref<1x1x128xi32, #tpu.memory_space<vmem>>
        %dma_wait3A_97 = tpu.memref_squeeze %dma_wait3A_96 : memref<1x1x128xi32, #tpu.memory_space<vmem>> -> memref<128xi32, #tpu.memory_space<vmem>>
        %dma_wait3A_98 = arith.constant 0 : i32
        %dma_wait3A_99 = arith.constant 0 : i32
        %dma_wait3A_100 = tpu.memref_slice %arg9[%dma_wait3A_98, %dma_wait3A_99] : memref<100096x16xf32, #tpu.memory_space<vmem_shared>> -> memref<100096x16xf32, #tpu.memory_space<vmem_shared>>
        tpu.wait_indirect_dma semaphore(%run_scoped3A_88 : memref<!tpu.dma_semaphore, #tpu.memory_space<semaphore_mem>>) src(%arg8 : memref<128x16xf32, #tpu.memory_space<vmem>>) dst(%dma_wait3A_100 : memref<100096x16xf32, #tpu.memory_space<vmem_shared>>)
        tpu.yield
      }) : () -> ()
      %run_scoped3A_36 = arith.constant 1 : i32
      %run_scoped3A_37 = arith.constant 1 : i32
      "tpu.region"() ({
        %run_scoped3A_88 = tpu.sem_alloc : memref<!tpu.dma_semaphore, #tpu.memory_space<semaphore_mem>>
        %dma_start3A_89 = arith.constant 0 : i32
        %dma_start3A_90 = tpu.memref_slice %arg6[%run_scoped3A_36, %run_scoped3A_37, %dma_start3A_89] : memref<4x2x128xi32, #tpu.memory_space<vmem>> -> memref<1x1x128xi32, #tpu.memory_space<vmem>>
        %dma_start3A_91 = tpu.memref_squeeze %dma_start3A_90 : memref<1x1x128xi32, #tpu.memory_space<vmem>> -> memref<128xi32, #tpu.memory_space<vmem>>
        %dma_start3A_92 = arith.constant 0 : i32
        %dma_start3A_93 = arith.constant 0 : i32
        %dma_start3A_94 = tpu.memref_slice %arg9[%dma_start3A_92, %dma_start3A_93] : memref<100096x16xf32, #tpu.memory_space<vmem_shared>> -> memref<100096x16xf32, #tpu.memory_space<vmem_shared>>
        tpu.enqueue_indirect_dma source(%arg8 : memref<128x16xf32, #tpu.memory_space<vmem>>) target(%dma_start3A_94 : memref<100096x16xf32, #tpu.memory_space<vmem_shared>>) offsets(%dma_start3A_91 : memref<128xi32, #tpu.memory_space<vmem>>) semaphore(%run_scoped3A_88 : memref<!tpu.dma_semaphore, #tpu.memory_space<semaphore_mem>>) {add = true}
        %dma_wait3A_95 = arith.constant 0 : i32
        %dma_wait3A_96 = tpu.memref_slice %arg6[%run_scoped3A_36, %run_scoped3A_37, %dma_wait3A_95] : memref<4x2x128xi32, #tpu.memory_space<vmem>> -> memref<1x1x128xi32, #tpu.memory_space<vmem>>
        %dma_wait3A_97 = tpu.memref_squeeze %dma_wait3A_96 : memref<1x1x128xi32, #tpu.memory_space<vmem>> -> memref<128xi32, #tpu.memory_space<vmem>>
        %dma_wait3A_98 = arith.constant 0 : i32
        %dma_wait3A_99 = arith.constant 0 : i32
        %dma_wait3A_100 = tpu.memref_slice %arg9[%dma_wait3A_98, %dma_wait3A_99] : memref<100096x16xf32, #tpu.memory_space<vmem_shared>> -> memref<100096x16xf32, #tpu.memory_space<vmem_shared>>
        tpu.wait_indirect_dma semaphore(%run_scoped3A_88 : memref<!tpu.dma_semaphore, #tpu.memory_space<semaphore_mem>>) src(%arg8 : memref<128x16xf32, #tpu.memory_space<vmem>>) dst(%dma_wait3A_100 : memref<100096x16xf32, #tpu.memory_space<vmem_shared>>)
        tpu.yield
      }) : () -> ()
      %run_scoped3A_38 = arith.constant 2 : i32
      %run_scoped3A_39 = arith.constant 1 : i32
      "tpu.region"() ({
        %run_scoped3A_88 = tpu.sem_alloc : memref<!tpu.dma_semaphore, #tpu.memory_space<semaphore_mem>>
        %dma_start3A_89 = arith.constant 0 : i32
        %dma_start3A_90 = tpu.memref_slice %arg6[%run_scoped3A_38, %run_scoped3A_39, %dma_start3A_89] : memref<4x2x128xi32, #tpu.memory_space<vmem>> -> memref<1x1x128xi32, #tpu.memory_space<vmem>>
        %dma_start3A_91 = tpu.memref_squeeze %dma_start3A_90 : memref<1x1x128xi32, #tpu.memory_space<vmem>> -> memref<128xi32, #tpu.memory_space<vmem>>
        %dma_start3A_92 = arith.constant 0 : i32
        %dma_start3A_93 = arith.constant 0 : i32
        %dma_start3A_94 = tpu.memref_slice %arg9[%dma_start3A_92, %dma_start3A_93] : memref<100096x16xf32, #tpu.memory_space<vmem_shared>> -> memref<100096x16xf32, #tpu.memory_space<vmem_shared>>
        tpu.enqueue_indirect_dma source(%arg8 : memref<128x16xf32, #tpu.memory_space<vmem>>) target(%dma_start3A_94 : memref<100096x16xf32, #tpu.memory_space<vmem_shared>>) offsets(%dma_start3A_91 : memref<128xi32, #tpu.memory_space<vmem>>) semaphore(%run_scoped3A_88 : memref<!tpu.dma_semaphore, #tpu.memory_space<semaphore_mem>>) {add = true}
        %dma_wait3A_95 = arith.constant 0 : i32
        %dma_wait3A_96 = tpu.memref_slice %arg6[%run_scoped3A_38, %run_scoped3A_39, %dma_wait3A_95] : memref<4x2x128xi32, #tpu.memory_space<vmem>> -> memref<1x1x128xi32, #tpu.memory_space<vmem>>
        %dma_wait3A_97 = tpu.memref_squeeze %dma_wait3A_96 : memref<1x1x128xi32, #tpu.memory_space<vmem>> -> memref<128xi32, #tpu.memory_space<vmem>>
        %dma_wait3A_98 = arith.constant 0 : i32
        %dma_wait3A_99 = arith.constant 0 : i32
        %dma_wait3A_100 = tpu.memref_slice %arg9[%dma_wait3A_98, %dma_wait3A_99] : memref<100096x16xf32, #tpu.memory_space<vmem_shared>> -> memref<100096x16xf32, #tpu.memory_space<vmem_shared>>
        tpu.wait_indirect_dma semaphore(%run_scoped3A_88 : memref<!tpu.dma_semaphore, #tpu.memory_space<semaphore_mem>>) src(%arg8 : memref<128x16xf32, #tpu.memory_space<vmem>>) dst(%dma_wait3A_100 : memref<100096x16xf32, #tpu.memory_space<vmem_shared>>)
        tpu.yield
      }) : () -> ()
      %run_scoped3A_40 = arith.constant 3 : i32
      %run_scoped3A_41 = arith.constant 1 : i32
      "tpu.region"() ({
        %run_scoped3A_88 = tpu.sem_alloc : memref<!tpu.dma_semaphore, #tpu.memory_space<semaphore_mem>>
        %dma_start3A_89 = arith.constant 0 : i32
        %dma_start3A_90 = tpu.memref_slice %arg6[%run_scoped3A_40, %run_scoped3A_41, %dma_start3A_89] : memref<4x2x128xi32, #tpu.memory_space<vmem>> -> memref<1x1x128xi32, #tpu.memory_space<vmem>>
        %dma_start3A_91 = tpu.memref_squeeze %dma_start3A_90 : memref<1x1x128xi32, #tpu.memory_space<vmem>> -> memref<128xi32, #tpu.memory_space<vmem>>
        %dma_start3A_92 = arith.constant 0 : i32
        %dma_start3A_93 = arith.constant 0 : i32
        %dma_start3A_94 = tpu.memref_slice %arg9[%dma_start3A_92, %dma_start3A_93] : memref<100096x16xf32, #tpu.memory_space<vmem_shared>> -> memref<100096x16xf32, #tpu.memory_space<vmem_shared>>
        tpu.enqueue_indirect_dma source(%arg8 : memref<128x16xf32, #tpu.memory_space<vmem>>) target(%dma_start3A_94 : memref<100096x16xf32, #tpu.memory_space<vmem_shared>>) offsets(%dma_start3A_91 : memref<128xi32, #tpu.memory_space<vmem>>) semaphore(%run_scoped3A_88 : memref<!tpu.dma_semaphore, #tpu.memory_space<semaphore_mem>>) {add = true}
        %dma_wait3A_95 = arith.constant 0 : i32
        %dma_wait3A_96 = tpu.memref_slice %arg6[%run_scoped3A_40, %run_scoped3A_41, %dma_wait3A_95] : memref<4x2x128xi32, #tpu.memory_space<vmem>> -> memref<1x1x128xi32, #tpu.memory_space<vmem>>
        %dma_wait3A_97 = tpu.memref_squeeze %dma_wait3A_96 : memref<1x1x128xi32, #tpu.memory_space<vmem>> -> memref<128xi32, #tpu.memory_space<vmem>>
        %dma_wait3A_98 = arith.constant 0 : i32
        %dma_wait3A_99 = arith.constant 0 : i32
        %dma_wait3A_100 = tpu.memref_slice %arg9[%dma_wait3A_98, %dma_wait3A_99] : memref<100096x16xf32, #tpu.memory_space<vmem_shared>> -> memref<100096x16xf32, #tpu.memory_space<vmem_shared>>
        tpu.wait_indirect_dma semaphore(%run_scoped3A_88 : memref<!tpu.dma_semaphore, #tpu.memory_space<semaphore_mem>>) src(%arg8 : memref<128x16xf32, #tpu.memory_space<vmem>>) dst(%dma_wait3A_100 : memref<100096x16xf32, #tpu.memory_space<vmem_shared>>)
        tpu.yield
      }) : () -> ()
      %dma_wait3A_42 = arith.constant 0 : i32
      %dma_wait3A_43 = arith.constant 0 : i32
      %dma_wait3A_44 = tpu.memref_slice %arg2[%mul3A_4, %dma_wait3A_42, %dma_wait3A_43] : memref<25096x2x128xi32, #tpu.memory_space<hbm>> -> memref<4x2x128xi32, #tpu.memory_space<hbm>>
      %dma_wait3A_45 = arith.constant 0 : i32
      %dma_wait3A_46 = arith.constant 0 : i32
      %dma_wait3A_47 = tpu.memref_slice %arg2[%mul3A_4, %dma_wait3A_45, %dma_wait3A_46] : memref<25096x2x128xi32, #tpu.memory_space<hbm>> -> memref<4x2x128xi32, #tpu.memory_space<hbm>>
      tpu.wait_dma2 semaphore(%arg10 : memref<!tpu.dma_semaphore, #tpu.memory_space<semaphore_mem>>) src(%dma_wait3A_47 : memref<4x2x128xi32, #tpu.memory_space<hbm>>) dst(%arg7 : memref<4x2x128xi32, #tpu.memory_space<vmem>>)
      %add3A_48 = arith.constant 2 : i32
      %add3A_49 = arith.addi %add3A_34, %add3A_48 : i32
      %mul3A_50 = arith.constant 4 : i32
      %mul3A_51 = arith.muli %add3A_49, %mul3A_50 : i32
      %add3A_52 = arith.addi %mul3A_4, %mul3A_51 : i32
      %dma_start3A_53 = arith.constant 0 : i32
      %dma_start3A_54 = arith.constant 0 : i32
      %dma_start3A_55 = tpu.memref_slice %arg2[%add3A_52, %dma_start3A_53, %dma_start3A_54] : memref<25096x2x128xi32, #tpu.memory_space<hbm>> -> memref<4x2x128xi32, #tpu.memory_space<hbm>>
      %dma_start3A_56 = arith.constant 0 : i32
      %dma_start3A_57 = arith.constant 0 : i32
      %dma_start3A_58 = tpu.memref_slice %arg2[%add3A_52, %dma_start3A_56, %dma_start3A_57] : memref<25096x2x128xi32, #tpu.memory_space<hbm>> -> memref<4x2x128xi32, #tpu.memory_space<hbm>>
      tpu.enqueue_dma source(%dma_start3A_58 : memref<4x2x128xi32, #tpu.memory_space<hbm>>) target(%arg6 : memref<4x2x128xi32, #tpu.memory_space<vmem>>) target_semaphore(%arg10 : memref<!tpu.dma_semaphore, #tpu.memory_space<semaphore_mem>>)
      %mul3A_59 = arith.constant 2 : i32
      %mul3A_60 = arith.muli %add3A_30, %mul3A_59 : i32
      %add3A_61 = arith.constant 1 : i32
      %add3A_62 = arith.addi %mul3A_60, %add3A_61 : i32
      %run_scoped3A_63 = arith.constant 0 : i32
      %run_scoped3A_64 = arith.constant 1 : i32
      "tpu.region"() ({
        %run_scoped3A_88 = tpu.sem_alloc : memref<!tpu.dma_semaphore, #tpu.memory_space<semaphore_mem>>
        %dma_start3A_89 = arith.constant 0 : i32
        %dma_start3A_90 = tpu.memref_slice %arg7[%run_scoped3A_63, %run_scoped3A_64, %dma_start3A_89] : memref<4x2x128xi32, #tpu.memory_space<vmem>> -> memref<1x1x128xi32, #tpu.memory_space<vmem>>
        %dma_start3A_91 = tpu.memref_squeeze %dma_start3A_90 : memref<1x1x128xi32, #tpu.memory_space<vmem>> -> memref<128xi32, #tpu.memory_space<vmem>>
        %dma_start3A_92 = arith.constant 0 : i32
        %dma_start3A_93 = arith.constant 0 : i32
        %dma_start3A_94 = tpu.memref_slice %arg9[%dma_start3A_92, %dma_start3A_93] : memref<100096x16xf32, #tpu.memory_space<vmem_shared>> -> memref<100096x16xf32, #tpu.memory_space<vmem_shared>>
        tpu.enqueue_indirect_dma source(%arg8 : memref<128x16xf32, #tpu.memory_space<vmem>>) target(%dma_start3A_94 : memref<100096x16xf32, #tpu.memory_space<vmem_shared>>) offsets(%dma_start3A_91 : memref<128xi32, #tpu.memory_space<vmem>>) semaphore(%run_scoped3A_88 : memref<!tpu.dma_semaphore, #tpu.memory_space<semaphore_mem>>) {add = true}
        %dma_wait3A_95 = arith.constant 0 : i32
        %dma_wait3A_96 = tpu.memref_slice %arg7[%run_scoped3A_63, %run_scoped3A_64, %dma_wait3A_95] : memref<4x2x128xi32, #tpu.memory_space<vmem>> -> memref<1x1x128xi32, #tpu.memory_space<vmem>>
        %dma_wait3A_97 = tpu.memref_squeeze %dma_wait3A_96 : memref<1x1x128xi32, #tpu.memory_space<vmem>> -> memref<128xi32, #tpu.memory_space<vmem>>
        %dma_wait3A_98 = arith.constant 0 : i32
        %dma_wait3A_99 = arith.constant 0 : i32
        %dma_wait3A_100 = tpu.memref_slice %arg9[%dma_wait3A_98, %dma_wait3A_99] : memref<100096x16xf32, #tpu.memory_space<vmem_shared>> -> memref<100096x16xf32, #tpu.memory_space<vmem_shared>>
        tpu.wait_indirect_dma semaphore(%run_scoped3A_88 : memref<!tpu.dma_semaphore, #tpu.memory_space<semaphore_mem>>) src(%arg8 : memref<128x16xf32, #tpu.memory_space<vmem>>) dst(%dma_wait3A_100 : memref<100096x16xf32, #tpu.memory_space<vmem_shared>>)
        tpu.yield
      }) : () -> ()
      %run_scoped3A_65 = arith.constant 1 : i32
      %run_scoped3A_66 = arith.constant 1 : i32
      "tpu.region"() ({
        %run_scoped3A_88 = tpu.sem_alloc : memref<!tpu.dma_semaphore, #tpu.memory_space<semaphore_mem>>
        %dma_start3A_89 = arith.constant 0 : i32
        %dma_start3A_90 = tpu.memref_slice %arg7[%run_scoped3A_65, %run_scoped3A_66, %dma_start3A_89] : memref<4x2x128xi32, #tpu.memory_space<vmem>> -> memref<1x1x128xi32, #tpu.memory_space<vmem>>
        %dma_start3A_91 = tpu.memref_squeeze %dma_start3A_90 : memref<1x1x128xi32, #tpu.memory_space<vmem>> -> memref<128xi32, #tpu.memory_space<vmem>>
        %dma_start3A_92 = arith.constant 0 : i32
        %dma_start3A_93 = arith.constant 0 : i32
        %dma_start3A_94 = tpu.memref_slice %arg9[%dma_start3A_92, %dma_start3A_93] : memref<100096x16xf32, #tpu.memory_space<vmem_shared>> -> memref<100096x16xf32, #tpu.memory_space<vmem_shared>>
        tpu.enqueue_indirect_dma source(%arg8 : memref<128x16xf32, #tpu.memory_space<vmem>>) target(%dma_start3A_94 : memref<100096x16xf32, #tpu.memory_space<vmem_shared>>) offsets(%dma_start3A_91 : memref<128xi32, #tpu.memory_space<vmem>>) semaphore(%run_scoped3A_88 : memref<!tpu.dma_semaphore, #tpu.memory_space<semaphore_mem>>) {add = true}
        %dma_wait3A_95 = arith.constant 0 : i32
        %dma_wait3A_96 = tpu.memref_slice %arg7[%run_scoped3A_65, %run_scoped3A_66, %dma_wait3A_95] : memref<4x2x128xi32, #tpu.memory_space<vmem>> -> memref<1x1x128xi32, #tpu.memory_space<vmem>>
        %dma_wait3A_97 = tpu.memref_squeeze %dma_wait3A_96 : memref<1x1x128xi32, #tpu.memory_space<vmem>> -> memref<128xi32, #tpu.memory_space<vmem>>
        %dma_wait3A_98 = arith.constant 0 : i32
        %dma_wait3A_99 = arith.constant 0 : i32
        %dma_wait3A_100 = tpu.memref_slice %arg9[%dma_wait3A_98, %dma_wait3A_99] : memref<100096x16xf32, #tpu.memory_space<vmem_shared>> -> memref<100096x16xf32, #tpu.memory_space<vmem_shared>>
        tpu.wait_indirect_dma semaphore(%run_scoped3A_88 : memref<!tpu.dma_semaphore, #tpu.memory_space<semaphore_mem>>) src(%arg8 : memref<128x16xf32, #tpu.memory_space<vmem>>) dst(%dma_wait3A_100 : memref<100096x16xf32, #tpu.memory_space<vmem_shared>>)
        tpu.yield
      }) : () -> ()
      %run_scoped3A_67 = arith.constant 2 : i32
      %run_scoped3A_68 = arith.constant 1 : i32
      "tpu.region"() ({
        %run_scoped3A_88 = tpu.sem_alloc : memref<!tpu.dma_semaphore, #tpu.memory_space<semaphore_mem>>
        %dma_start3A_89 = arith.constant 0 : i32
        %dma_start3A_90 = tpu.memref_slice %arg7[%run_scoped3A_67, %run_scoped3A_68, %dma_start3A_89] : memref<4x2x128xi32, #tpu.memory_space<vmem>> -> memref<1x1x128xi32, #tpu.memory_space<vmem>>
        %dma_start3A_91 = tpu.memref_squeeze %dma_start3A_90 : memref<1x1x128xi32, #tpu.memory_space<vmem>> -> memref<128xi32, #tpu.memory_space<vmem>>
        %dma_start3A_92 = arith.constant 0 : i32
        %dma_start3A_93 = arith.constant 0 : i32
        %dma_start3A_94 = tpu.memref_slice %arg9[%dma_start3A_92, %dma_start3A_93] : memref<100096x16xf32, #tpu.memory_space<vmem_shared>> -> memref<100096x16xf32, #tpu.memory_space<vmem_shared>>
        tpu.enqueue_indirect_dma source(%arg8 : memref<128x16xf32, #tpu.memory_space<vmem>>) target(%dma_start3A_94 : memref<100096x16xf32, #tpu.memory_space<vmem_shared>>) offsets(%dma_start3A_91 : memref<128xi32, #tpu.memory_space<vmem>>) semaphore(%run_scoped3A_88 : memref<!tpu.dma_semaphore, #tpu.memory_space<semaphore_mem>>) {add = true}
        %dma_wait3A_95 = arith.constant 0 : i32
        %dma_wait3A_96 = tpu.memref_slice %arg7[%run_scoped3A_67, %run_scoped3A_68, %dma_wait3A_95] : memref<4x2x128xi32, #tpu.memory_space<vmem>> -> memref<1x1x128xi32, #tpu.memory_space<vmem>>
        %dma_wait3A_97 = tpu.memref_squeeze %dma_wait3A_96 : memref<1x1x128xi32, #tpu.memory_space<vmem>> -> memref<128xi32, #tpu.memory_space<vmem>>
        %dma_wait3A_98 = arith.constant 0 : i32
        %dma_wait3A_99 = arith.constant 0 : i32
        %dma_wait3A_100 = tpu.memref_slice %arg9[%dma_wait3A_98, %dma_wait3A_99] : memref<100096x16xf32, #tpu.memory_space<vmem_shared>> -> memref<100096x16xf32, #tpu.memory_space<vmem_shared>>
        tpu.wait_indirect_dma semaphore(%run_scoped3A_88 : memref<!tpu.dma_semaphore, #tpu.memory_space<semaphore_mem>>) src(%arg8 : memref<128x16xf32, #tpu.memory_space<vmem>>) dst(%dma_wait3A_100 : memref<100096x16xf32, #tpu.memory_space<vmem_shared>>)
        tpu.yield
      }) : () -> ()
      %run_scoped3A_69 = arith.constant 3 : i32
      %run_scoped3A_70 = arith.constant 1 : i32
      "tpu.region"() ({
        %run_scoped3A_88 = tpu.sem_alloc : memref<!tpu.dma_semaphore, #tpu.memory_space<semaphore_mem>>
        %dma_start3A_89 = arith.constant 0 : i32
        %dma_start3A_90 = tpu.memref_slice %arg7[%run_scoped3A_69, %run_scoped3A_70, %dma_start3A_89] : memref<4x2x128xi32, #tpu.memory_space<vmem>> -> memref<1x1x128xi32, #tpu.memory_space<vmem>>
        %dma_start3A_91 = tpu.memref_squeeze %dma_start3A_90 : memref<1x1x128xi32, #tpu.memory_space<vmem>> -> memref<128xi32, #tpu.memory_space<vmem>>
        %dma_start3A_92 = arith.constant 0 : i32
        %dma_start3A_93 = arith.constant 0 : i32
        %dma_start3A_94 = tpu.memref_slice %arg9[%dma_start3A_92, %dma_start3A_93] : memref<100096x16xf32, #tpu.memory_space<vmem_shared>> -> memref<100096x16xf32, #tpu.memory_space<vmem_shared>>
        tpu.enqueue_indirect_dma source(%arg8 : memref<128x16xf32, #tpu.memory_space<vmem>>) target(%dma_start3A_94 : memref<100096x16xf32, #tpu.memory_space<vmem_shared>>) offsets(%dma_start3A_91 : memref<128xi32, #tpu.memory_space<vmem>>) semaphore(%run_scoped3A_88 : memref<!tpu.dma_semaphore, #tpu.memory_space<semaphore_mem>>) {add = true}
        %dma_wait3A_95 = arith.constant 0 : i32
        %dma_wait3A_96 = tpu.memref_slice %arg7[%run_scoped3A_69, %run_scoped3A_70, %dma_wait3A_95] : memref<4x2x128xi32, #tpu.memory_space<vmem>> -> memref<1x1x128xi32, #tpu.memory_space<vmem>>
        %dma_wait3A_97 = tpu.memref_squeeze %dma_wait3A_96 : memref<1x1x128xi32, #tpu.memory_space<vmem>> -> memref<128xi32, #tpu.memory_space<vmem>>
        %dma_wait3A_98 = arith.constant 0 : i32
        %dma_wait3A_99 = arith.constant 0 : i32
        %dma_wait3A_100 = tpu.memref_slice %arg9[%dma_wait3A_98, %dma_wait3A_99] : memref<100096x16xf32, #tpu.memory_space<vmem_shared>> -> memref<100096x16xf32, #tpu.memory_space<vmem_shared>>
        tpu.wait_indirect_dma semaphore(%run_scoped3A_88 : memref<!tpu.dma_semaphore, #tpu.memory_space<semaphore_mem>>) src(%arg8 : memref<128x16xf32, #tpu.memory_space<vmem>>) dst(%dma_wait3A_100 : memref<100096x16xf32, #tpu.memory_space<vmem_shared>>)
        tpu.yield
      }) : () -> ()
      %dma_wait3A_71 = arith.constant 0 : i32
      %dma_wait3A_72 = arith.constant 0 : i32
      %dma_wait3A_73 = tpu.memref_slice %arg2[%mul3A_4, %dma_wait3A_71, %dma_wait3A_72] : memref<25096x2x128xi32, #tpu.memory_space<hbm>> -> memref<4x2x128xi32, #tpu.memory_space<hbm>>
      %dma_wait3A_74 = arith.constant 0 : i32
      %dma_wait3A_75 = arith.constant 0 : i32
      %dma_wait3A_76 = tpu.memref_slice %arg2[%mul3A_4, %dma_wait3A_74, %dma_wait3A_75] : memref<25096x2x128xi32, #tpu.memory_space<hbm>> -> memref<4x2x128xi32, #tpu.memory_space<hbm>>
      tpu.wait_dma2 semaphore(%arg10 : memref<!tpu.dma_semaphore, #tpu.memory_space<semaphore_mem>>) src(%dma_wait3A_76 : memref<4x2x128xi32, #tpu.memory_space<hbm>>) dst(%arg6 : memref<4x2x128xi32, #tpu.memory_space<vmem>>)
      %add3A_77 = arith.constant 2 : i32
      %add3A_78 = arith.addi %add3A_62, %add3A_77 : i32
      %mul3A_79 = arith.constant 4 : i32
      %mul3A_80 = arith.muli %add3A_78, %mul3A_79 : i32
      %add3A_81 = arith.addi %mul3A_4, %mul3A_80 : i32
      %dma_start3A_82 = arith.constant 0 : i32
      %dma_start3A_83 = arith.constant 0 : i32
      %dma_start3A_84 = tpu.memref_slice %arg2[%add3A_81, %dma_start3A_82, %dma_start3A_83] : memref<25096x2x128xi32, #tpu.memory_space<hbm>> -> memref<4x2x128xi32, #tpu.memory_space<hbm>>
      %dma_start3A_85 = arith.constant 0 : i32
      %dma_start3A_86 = arith.constant 0 : i32
      %dma_start3A_87 = tpu.memref_slice %arg2[%add3A_81, %dma_start3A_85, %dma_start3A_86] : memref<25096x2x128xi32, #tpu.memory_space<hbm>> -> memref<4x2x128xi32, #tpu.memory_space<hbm>>
      tpu.enqueue_dma source(%dma_start3A_87 : memref<4x2x128xi32, #tpu.memory_space<hbm>>) target(%arg7 : memref<4x2x128xi32, #tpu.memory_space<vmem>>) target_semaphore(%arg10 : memref<!tpu.dma_semaphore, #tpu.memory_space<semaphore_mem>>)
    }
    %scan3A_15 = arith.constant 98 : i32
    %dma_wait3A = arith.constant 0 : i32
    %dma_wait3A_16 = arith.constant 0 : i32
    %dma_wait3A_17 = tpu.memref_slice %arg2[%mul3A_4, %dma_wait3A, %dma_wait3A_16] : memref<25096x2x128xi32, #tpu.memory_space<hbm>> -> memref<4x2x128xi32, #tpu.memory_space<hbm>>
    %dma_wait3A_18 = arith.constant 0 : i32
    %dma_wait3A_19 = arith.constant 0 : i32
    %dma_wait3A_20 = tpu.memref_slice %arg2[%mul3A_4, %dma_wait3A_18, %dma_wait3A_19] : memref<25096x2x128xi32, #tpu.memory_space<hbm>> -> memref<4x2x128xi32, #tpu.memory_space<hbm>>
    tpu.wait_dma2 semaphore(%arg10 : memref<!tpu.dma_semaphore, #tpu.memory_space<semaphore_mem>>) src(%dma_wait3A_20 : memref<4x2x128xi32, #tpu.memory_space<hbm>>) dst(%arg6 : memref<4x2x128xi32, #tpu.memory_space<vmem>>)
    %barrier3A_21 = arith.constant 0 : index
    tpu.barrier barrier_id(%barrier3A_21)
    %mul3A_22 = arith.constant 6256 : i32
    %mul3A_23 = arith.muli %arg1, %mul3A_22 : i32
    %mul3A_24 = arith.constant 6256 : i32
    %mul3A_25 = arith.muli %arg1, %mul3A_24 : i32
    "tpu.region"() ({
      %run_scoped3A = tpu.sem_alloc : memref<!tpu.dma_semaphore, #tpu.memory_space<semaphore_mem>>
      %dma_start3A_26 = arith.constant 0 : i32
      %dma_start3A_27 = tpu.memref_slice %arg5[%arg0, %mul3A_25, %dma_start3A_26] : memref<2x100096x16xf32, #tpu.memory_space<hbm>> -> memref<1x6256x16xf32, #tpu.memory_space<hbm>>
      %dma_start3A_28 = tpu.memref_squeeze %dma_start3A_27 : memref<1x6256x16xf32, #tpu.memory_space<hbm>> -> memref<6256x16xf32, #tpu.memory_space<hbm>>
      %dma_start3A_29 = arith.constant 0 : i32
      %dma_start3A_30 = tpu.memref_slice %arg9[%mul3A_23, %dma_start3A_29] : memref<100096x16xf32, #tpu.memory_space<vmem_shared>> -> memref<6256x16xf32, #tpu.memory_space<vmem_shared>>
      tpu.enqueue_dma source(%dma_start3A_30 : memref<6256x16xf32, #tpu.memory_space<vmem_shared>>) target(%dma_start3A_28 : memref<6256x16xf32, #tpu.memory_space<hbm>>) target_semaphore(%run_scoped3A : memref<!tpu.dma_semaphore, #tpu.memory_space<semaphore_mem>>)
      %dma_wait3A_31 = arith.constant 0 : i32
      %dma_wait3A_32 = tpu.memref_slice %arg5[%arg0, %mul3A_25, %dma_wait3A_31] : memref<2x100096x16xf32, #tpu.memory_space<hbm>> -> memref<1x6256x16xf32, #tpu.memory_space<hbm>>
      %dma_wait3A_33 = tpu.memref_squeeze %dma_wait3A_32 : memref<1x6256x16xf32, #tpu.memory_space<hbm>> -> memref<6256x16xf32, #tpu.memory_space<hbm>>
      %dma_wait3A_34 = arith.constant 0 : i32
      %dma_wait3A_35 = tpu.memref_slice %arg9[%mul3A_23, %dma_wait3A_34] : memref<100096x16xf32, #tpu.memory_space<vmem_shared>> -> memref<6256x16xf32, #tpu.memory_space<vmem_shared>>
      tpu.wait_dma2 semaphore(%run_scoped3A : memref<!tpu.dma_semaphore, #tpu.memory_space<semaphore_mem>>) src(%dma_wait3A_35 : memref<6256x16xf32, #tpu.memory_space<vmem_shared>>) dst(%dma_wait3A_33 : memref<6256x16xf32, #tpu.memory_space<hbm>>)
      tpu.yield
    }) : () -> ()
    return
  }
}

#map = affine_map<(d0, d1) -> (0, 0)>
#map1 = affine_map<(d0, d1) -> (0, 0, 0, 0)>
module attributes {stable_mosaic.version = 14 : i64} {
  func.func @k(%arg0: i32, %arg1: i32, %arg2: memref<102400x16xf32, #tpu.memory_space<hbm>>, %arg3: memref<800x128xi32, #tpu.memory_space<hbm>>, %arg4: memref<128x16xf32, #tpu.memory_space<hbm>>, %arg5: memref<128x16xf32, #tpu.memory_space<hbm>>, %arg6: memref<2x2x128x16xf32, #tpu.memory_space<hbm>>, %arg7: memref<1x128xi32, #tpu.memory_space<vmem>>, %arg8: memref<128x16xf32, #tpu.memory_space<vmem>>, %arg9: memref<128x16xf32, #tpu.memory_space<vmem>>, %arg10: memref<128x16xf32, #tpu.memory_space<vmem_shared>>, %arg11: memref<128x16xf32, #tpu.memory_space<vmem_shared>>) attributes {dimension_semantics = [#tpu.dimension_semantics<core_parallel>, #tpu.dimension_semantics<subcore_parallel>], iteration_bounds = array<i64: 2, 16>, scalar_prefetch = 0 : i64, scratch_operands = 5 : i64, tpu.core_type = #tpu.core_type<sc_vector_subcore>, window_params = [{transform_indices = #map}, {transform_indices = #map}, {transform_indices = #map}, {transform_indices = #map}, {transform_indices = #map1}]} {
    %mul3A = arith.constant 2 : i32
    %mul3A_0 = arith.muli %arg1, %mul3A : i32
    %add3A = arith.addi %mul3A_0, %arg0 : i32
    %eq3A = arith.constant 0 : i32
    %eq3A_1 = arith.cmpi eq, %arg1, %eq3A : i32
    %convert_element_type3A = arith.extui %eq3A_1 : i1 to i32
    %cond3A = arith.constant 0 : i32
    %cond3A_2 = arith.cmpi ne, %convert_element_type3A, %cond3A : i32
    scf.if %cond3A_2 {
      "tpu.region"() ({
        %run_scoped3A = tpu.sem_alloc : memref<!tpu.dma_semaphore, #tpu.memory_space<semaphore_mem>>
        tpu.enqueue_dma source(%arg4 : memref<128x16xf32, #tpu.memory_space<hbm>>) target(%arg10 : memref<128x16xf32, #tpu.memory_space<vmem_shared>>) target_semaphore(%run_scoped3A : memref<!tpu.dma_semaphore, #tpu.memory_space<semaphore_mem>>)
        tpu.wait_dma2 semaphore(%run_scoped3A : memref<!tpu.dma_semaphore, #tpu.memory_space<semaphore_mem>>) src(%arg4 : memref<128x16xf32, #tpu.memory_space<hbm>>) dst(%arg10 : memref<128x16xf32, #tpu.memory_space<vmem_shared>>)
        tpu.yield
      }) : () -> ()
      "tpu.region"() ({
        %run_scoped3A = tpu.sem_alloc : memref<!tpu.dma_semaphore, #tpu.memory_space<semaphore_mem>>
        tpu.enqueue_dma source(%arg4 : memref<128x16xf32, #tpu.memory_space<hbm>>) target(%arg11 : memref<128x16xf32, #tpu.memory_space<vmem_shared>>) target_semaphore(%run_scoped3A : memref<!tpu.dma_semaphore, #tpu.memory_space<semaphore_mem>>)
        tpu.wait_dma2 semaphore(%run_scoped3A : memref<!tpu.dma_semaphore, #tpu.memory_space<semaphore_mem>>) src(%arg4 : memref<128x16xf32, #tpu.memory_space<hbm>>) dst(%arg11 : memref<128x16xf32, #tpu.memory_space<vmem_shared>>)
        tpu.yield
      }) : () -> ()
    } else {
    }
    "tpu.region"() ({
      %run_scoped3A = tpu.sem_alloc : memref<!tpu.dma_semaphore, #tpu.memory_space<semaphore_mem>>
      tpu.enqueue_dma source(%arg5 : memref<128x16xf32, #tpu.memory_space<hbm>>) target(%arg9 : memref<128x16xf32, #tpu.memory_space<vmem>>) target_semaphore(%run_scoped3A : memref<!tpu.dma_semaphore, #tpu.memory_space<semaphore_mem>>)
      tpu.wait_dma2 semaphore(%run_scoped3A : memref<!tpu.dma_semaphore, #tpu.memory_space<semaphore_mem>>) src(%arg5 : memref<128x16xf32, #tpu.memory_space<hbm>>) dst(%arg9 : memref<128x16xf32, #tpu.memory_space<vmem>>)
      tpu.yield
    }) : () -> ()
    %barrier3A = arith.constant 0 : index
    tpu.barrier barrier_id(%barrier3A)
    %mul3A_3 = arith.constant 25 : i32
    %mul3A_4 = arith.muli %add3A, %mul3A_3 : i32
    %scan3A = arith.constant 0 : i32
    %scan3A_5 = arith.constant 25 : i32
    %scan3A_6 = arith.addi %scan3A, %scan3A_5 : i32
    %scan3A_7 = arith.constant 1 : i32
    scf.for %scan3A_15 = %scan3A to %scan3A_6 step %scan3A_7  : i32 {
      %mul3A_16 = arith.constant 1 : i32
      %mul3A_17 = arith.muli %scan3A_15, %mul3A_16 : i32
      %add3A_18 = arith.constant 0 : i32
      %add3A_19 = arith.addi %add3A_18, %mul3A_17 : i32
      %add3A_20 = arith.addi %mul3A_4, %add3A_19 : i32
      "tpu.region"() ({
        %run_scoped3A_24 = tpu.sem_alloc : memref<!tpu.dma_semaphore, #tpu.memory_space<semaphore_mem>>
        %dma_start3A = arith.constant 0 : i32
        %dma_start3A_25 = tpu.memref_slice %arg3[%add3A_20, %dma_start3A] : memref<800x128xi32, #tpu.memory_space<hbm>> -> memref<1x128xi32, #tpu.memory_space<hbm>>
        %dma_start3A_26 = arith.constant 0 : i32
        %dma_start3A_27 = tpu.memref_slice %arg3[%add3A_20, %dma_start3A_26] : memref<800x128xi32, #tpu.memory_space<hbm>> -> memref<1x128xi32, #tpu.memory_space<hbm>>
        tpu.enqueue_dma source(%dma_start3A_27 : memref<1x128xi32, #tpu.memory_space<hbm>>) target(%arg7 : memref<1x128xi32, #tpu.memory_space<vmem>>) target_semaphore(%run_scoped3A_24 : memref<!tpu.dma_semaphore, #tpu.memory_space<semaphore_mem>>)
        %dma_wait3A = arith.constant 0 : i32
        %dma_wait3A_28 = tpu.memref_slice %arg3[%add3A_20, %dma_wait3A] : memref<800x128xi32, #tpu.memory_space<hbm>> -> memref<1x128xi32, #tpu.memory_space<hbm>>
        %dma_wait3A_29 = arith.constant 0 : i32
        %dma_wait3A_30 = tpu.memref_slice %arg3[%add3A_20, %dma_wait3A_29] : memref<800x128xi32, #tpu.memory_space<hbm>> -> memref<1x128xi32, #tpu.memory_space<hbm>>
        tpu.wait_dma2 semaphore(%run_scoped3A_24 : memref<!tpu.dma_semaphore, #tpu.memory_space<semaphore_mem>>) src(%dma_wait3A_30 : memref<1x128xi32, #tpu.memory_space<hbm>>) dst(%arg7 : memref<1x128xi32, #tpu.memory_space<vmem>>)
        tpu.yield
      }) : () -> ()
      %mul3A_21 = arith.constant 128 : i32
      %mul3A_22 = arith.muli %add3A_20, %mul3A_21 : i32
      "tpu.region"() ({
        %run_scoped3A_24 = tpu.sem_alloc : memref<!tpu.dma_semaphore, #tpu.memory_space<semaphore_mem>>
        %dma_start3A = arith.constant 0 : i32
        %dma_start3A_25 = tpu.memref_slice %arg2[%mul3A_22, %dma_start3A] : memref<102400x16xf32, #tpu.memory_space<hbm>> -> memref<128x16xf32, #tpu.memory_space<hbm>>
        %dma_start3A_26 = arith.constant 0 : i32
        %dma_start3A_27 = tpu.memref_slice %arg2[%mul3A_22, %dma_start3A_26] : memref<102400x16xf32, #tpu.memory_space<hbm>> -> memref<128x16xf32, #tpu.memory_space<hbm>>
        tpu.enqueue_dma source(%dma_start3A_27 : memref<128x16xf32, #tpu.memory_space<hbm>>) target(%arg8 : memref<128x16xf32, #tpu.memory_space<vmem>>) target_semaphore(%run_scoped3A_24 : memref<!tpu.dma_semaphore, #tpu.memory_space<semaphore_mem>>)
        %dma_wait3A = arith.constant 0 : i32
        %dma_wait3A_28 = tpu.memref_slice %arg2[%mul3A_22, %dma_wait3A] : memref<102400x16xf32, #tpu.memory_space<hbm>> -> memref<128x16xf32, #tpu.memory_space<hbm>>
        %dma_wait3A_29 = arith.constant 0 : i32
        %dma_wait3A_30 = tpu.memref_slice %arg2[%mul3A_22, %dma_wait3A_29] : memref<102400x16xf32, #tpu.memory_space<hbm>> -> memref<128x16xf32, #tpu.memory_space<hbm>>
        tpu.wait_dma2 semaphore(%run_scoped3A_24 : memref<!tpu.dma_semaphore, #tpu.memory_space<semaphore_mem>>) src(%dma_wait3A_30 : memref<128x16xf32, #tpu.memory_space<hbm>>) dst(%arg8 : memref<128x16xf32, #tpu.memory_space<vmem>>)
        tpu.yield
      }) : () -> ()
      %run_scoped3A = arith.constant 0 : i32
      "tpu.region"() ({
        %run_scoped3A_24 = tpu.sem_alloc : memref<!tpu.dma_semaphore, #tpu.memory_space<semaphore_mem>>
        %dma_start3A = arith.constant 0 : i32
        %dma_start3A_25 = tpu.memref_slice %arg7[%run_scoped3A, %dma_start3A] : memref<1x128xi32, #tpu.memory_space<vmem>> -> memref<1x128xi32, #tpu.memory_space<vmem>>
        %dma_start3A_26 = tpu.memref_squeeze %dma_start3A_25 : memref<1x128xi32, #tpu.memory_space<vmem>> -> memref<128xi32, #tpu.memory_space<vmem>>
        %dma_start3A_27 = arith.constant 0 : i32
        %dma_start3A_28 = arith.constant 0 : i32
        %dma_start3A_29 = tpu.memref_slice %arg10[%dma_start3A_27, %dma_start3A_28] : memref<128x16xf32, #tpu.memory_space<vmem_shared>> -> memref<128x16xf32, #tpu.memory_space<vmem_shared>>
        tpu.enqueue_indirect_dma source(%arg8 : memref<128x16xf32, #tpu.memory_space<vmem>>) target(%dma_start3A_29 : memref<128x16xf32, #tpu.memory_space<vmem_shared>>) offsets(%dma_start3A_26 : memref<128xi32, #tpu.memory_space<vmem>>) semaphore(%run_scoped3A_24 : memref<!tpu.dma_semaphore, #tpu.memory_space<semaphore_mem>>) {add = true}
        %dma_wait3A = arith.constant 0 : i32
        %dma_wait3A_30 = tpu.memref_slice %arg7[%run_scoped3A, %dma_wait3A] : memref<1x128xi32, #tpu.memory_space<vmem>> -> memref<1x128xi32, #tpu.memory_space<vmem>>
        %dma_wait3A_31 = tpu.memref_squeeze %dma_wait3A_30 : memref<1x128xi32, #tpu.memory_space<vmem>> -> memref<128xi32, #tpu.memory_space<vmem>>
        %dma_wait3A_32 = arith.constant 0 : i32
        %dma_wait3A_33 = arith.constant 0 : i32
        %dma_wait3A_34 = tpu.memref_slice %arg10[%dma_wait3A_32, %dma_wait3A_33] : memref<128x16xf32, #tpu.memory_space<vmem_shared>> -> memref<128x16xf32, #tpu.memory_space<vmem_shared>>
        tpu.wait_indirect_dma semaphore(%run_scoped3A_24 : memref<!tpu.dma_semaphore, #tpu.memory_space<semaphore_mem>>) src(%arg8 : memref<128x16xf32, #tpu.memory_space<vmem>>) dst(%dma_wait3A_34 : memref<128x16xf32, #tpu.memory_space<vmem_shared>>)
        tpu.yield
      }) : () -> ()
      %run_scoped3A_23 = arith.constant 0 : i32
      "tpu.region"() ({
        %run_scoped3A_24 = tpu.sem_alloc : memref<!tpu.dma_semaphore, #tpu.memory_space<semaphore_mem>>
        %dma_start3A = arith.constant 0 : i32
        %dma_start3A_25 = tpu.memref_slice %arg7[%run_scoped3A_23, %dma_start3A] : memref<1x128xi32, #tpu.memory_space<vmem>> -> memref<1x128xi32, #tpu.memory_space<vmem>>
        %dma_start3A_26 = tpu.memref_squeeze %dma_start3A_25 : memref<1x128xi32, #tpu.memory_space<vmem>> -> memref<128xi32, #tpu.memory_space<vmem>>
        %dma_start3A_27 = arith.constant 0 : i32
        %dma_start3A_28 = arith.constant 0 : i32
        %dma_start3A_29 = tpu.memref_slice %arg11[%dma_start3A_27, %dma_start3A_28] : memref<128x16xf32, #tpu.memory_space<vmem_shared>> -> memref<128x16xf32, #tpu.memory_space<vmem_shared>>
        tpu.enqueue_indirect_dma source(%arg9 : memref<128x16xf32, #tpu.memory_space<vmem>>) target(%dma_start3A_29 : memref<128x16xf32, #tpu.memory_space<vmem_shared>>) offsets(%dma_start3A_26 : memref<128xi32, #tpu.memory_space<vmem>>) semaphore(%run_scoped3A_24 : memref<!tpu.dma_semaphore, #tpu.memory_space<semaphore_mem>>) {add = true}
        %dma_wait3A = arith.constant 0 : i32
        %dma_wait3A_30 = tpu.memref_slice %arg7[%run_scoped3A_23, %dma_wait3A] : memref<1x128xi32, #tpu.memory_space<vmem>> -> memref<1x128xi32, #tpu.memory_space<vmem>>
        %dma_wait3A_31 = tpu.memref_squeeze %dma_wait3A_30 : memref<1x128xi32, #tpu.memory_space<vmem>> -> memref<128xi32, #tpu.memory_space<vmem>>
        %dma_wait3A_32 = arith.constant 0 : i32
        %dma_wait3A_33 = arith.constant 0 : i32
        %dma_wait3A_34 = tpu.memref_slice %arg11[%dma_wait3A_32, %dma_wait3A_33] : memref<128x16xf32, #tpu.memory_space<vmem_shared>> -> memref<128x16xf32, #tpu.memory_space<vmem_shared>>
        tpu.wait_indirect_dma semaphore(%run_scoped3A_24 : memref<!tpu.dma_semaphore, #tpu.memory_space<semaphore_mem>>) src(%arg9 : memref<128x16xf32, #tpu.memory_space<vmem>>) dst(%dma_wait3A_34 : memref<128x16xf32, #tpu.memory_space<vmem_shared>>)
        tpu.yield
      }) : () -> ()
    }
    %scan3A_8 = arith.constant 25 : i32
    %barrier3A_9 = arith.constant 0 : index
    tpu.barrier barrier_id(%barrier3A_9)
    %eq3A_10 = arith.constant 0 : i32
    %eq3A_11 = arith.cmpi eq, %arg1, %eq3A_10 : i32
    %convert_element_type3A_12 = arith.extui %eq3A_11 : i1 to i32
    %cond3A_13 = arith.constant 0 : i32
    %cond3A_14 = arith.cmpi ne, %convert_element_type3A_12, %cond3A_13 : i32
    scf.if %cond3A_14 {
      %run_scoped3A = arith.constant 0 : i32
      "tpu.region"() ({
        %run_scoped3A_16 = tpu.sem_alloc : memref<!tpu.dma_semaphore, #tpu.memory_space<semaphore_mem>>
        %dma_start3A = arith.constant 0 : i32
        %dma_start3A_17 = arith.constant 0 : i32
        %dma_start3A_18 = tpu.memref_slice %arg6[%arg0, %run_scoped3A, %dma_start3A, %dma_start3A_17] : memref<2x2x128x16xf32, #tpu.memory_space<hbm>> -> memref<1x1x128x16xf32, #tpu.memory_space<hbm>>
        %dma_start3A_19 = tpu.memref_squeeze %dma_start3A_18 : memref<1x1x128x16xf32, #tpu.memory_space<hbm>> -> memref<128x16xf32, #tpu.memory_space<hbm>>
        tpu.enqueue_dma source(%arg10 : memref<128x16xf32, #tpu.memory_space<vmem_shared>>) target(%dma_start3A_19 : memref<128x16xf32, #tpu.memory_space<hbm>>) target_semaphore(%run_scoped3A_16 : memref<!tpu.dma_semaphore, #tpu.memory_space<semaphore_mem>>)
        %dma_wait3A = arith.constant 0 : i32
        %dma_wait3A_20 = arith.constant 0 : i32
        %dma_wait3A_21 = tpu.memref_slice %arg6[%arg0, %run_scoped3A, %dma_wait3A, %dma_wait3A_20] : memref<2x2x128x16xf32, #tpu.memory_space<hbm>> -> memref<1x1x128x16xf32, #tpu.memory_space<hbm>>
        %dma_wait3A_22 = tpu.memref_squeeze %dma_wait3A_21 : memref<1x1x128x16xf32, #tpu.memory_space<hbm>> -> memref<128x16xf32, #tpu.memory_space<hbm>>
        tpu.wait_dma2 semaphore(%run_scoped3A_16 : memref<!tpu.dma_semaphore, #tpu.memory_space<semaphore_mem>>) src(%arg10 : memref<128x16xf32, #tpu.memory_space<vmem_shared>>) dst(%dma_wait3A_22 : memref<128x16xf32, #tpu.memory_space<hbm>>)
        tpu.yield
      }) : () -> ()
      %run_scoped3A_15 = arith.constant 1 : i32
      "tpu.region"() ({
        %run_scoped3A_16 = tpu.sem_alloc : memref<!tpu.dma_semaphore, #tpu.memory_space<semaphore_mem>>
        %dma_start3A = arith.constant 0 : i32
        %dma_start3A_17 = arith.constant 0 : i32
        %dma_start3A_18 = tpu.memref_slice %arg6[%arg0, %run_scoped3A_15, %dma_start3A, %dma_start3A_17] : memref<2x2x128x16xf32, #tpu.memory_space<hbm>> -> memref<1x1x128x16xf32, #tpu.memory_space<hbm>>
        %dma_start3A_19 = tpu.memref_squeeze %dma_start3A_18 : memref<1x1x128x16xf32, #tpu.memory_space<hbm>> -> memref<128x16xf32, #tpu.memory_space<hbm>>
        tpu.enqueue_dma source(%arg11 : memref<128x16xf32, #tpu.memory_space<vmem_shared>>) target(%dma_start3A_19 : memref<128x16xf32, #tpu.memory_space<hbm>>) target_semaphore(%run_scoped3A_16 : memref<!tpu.dma_semaphore, #tpu.memory_space<semaphore_mem>>)
        %dma_wait3A = arith.constant 0 : i32
        %dma_wait3A_20 = arith.constant 0 : i32
        %dma_wait3A_21 = tpu.memref_slice %arg6[%arg0, %run_scoped3A_15, %dma_wait3A, %dma_wait3A_20] : memref<2x2x128x16xf32, #tpu.memory_space<hbm>> -> memref<1x1x128x16xf32, #tpu.memory_space<hbm>>
        %dma_wait3A_22 = tpu.memref_squeeze %dma_wait3A_21 : memref<1x1x128x16xf32, #tpu.memory_space<hbm>> -> memref<128x16xf32, #tpu.memory_space<hbm>>
        tpu.wait_dma2 semaphore(%run_scoped3A_16 : memref<!tpu.dma_semaphore, #tpu.memory_space<semaphore_mem>>) src(%arg11 : memref<128x16xf32, #tpu.memory_space<vmem_shared>>) dst(%dma_wait3A_22 : memref<128x16xf32, #tpu.memory_space<hbm>>)
        tpu.yield
      }) : () -> ()
    } else {
    }
    return
  }
}

#map = affine_map<(d0, d1) -> (0, 0)>
#map1 = affine_map<(d0, d1) -> (0, 0, 0)>
module attributes {stable_mosaic.version = 14 : i64} {
  func.func @k(%arg0: i32, %arg1: i32, %arg2: memref<100096x16xf32, #tpu.memory_space<hbm>>, %arg3: memref<25096x2x128xi32, #tpu.memory_space<hbm>>, %arg4: memref<6256x16xf32, #tpu.memory_space<hbm>>, %arg5: memref<2x100096x16xf32, #tpu.memory_space<hbm>>, %arg6: memref<4x2x128xi32, #tpu.memory_space<vmem>>, %arg7: memref<4x2x128xi32, #tpu.memory_space<vmem>>, %arg8: memref<512x16xf32, #tpu.memory_space<vmem>>, %arg9: memref<512x16xf32, #tpu.memory_space<vmem>>, %arg10: memref<100096x16xf32, #tpu.memory_space<vmem_shared>>, %arg11: memref<!tpu.dma_semaphore, #tpu.memory_space<semaphore_mem>>, %arg12: memref<!tpu.dma_semaphore, #tpu.memory_space<semaphore_mem>>) attributes {dimension_semantics = [#tpu.dimension_semantics<core_parallel>, #tpu.dimension_semantics<subcore_parallel>], iteration_bounds = array<i64: 2, 16>, scalar_prefetch = 0 : i64, scratch_operands = 7 : i64, tpu.core_type = #tpu.core_type<sc_vector_subcore>, window_params = [{transform_indices = #map}, {transform_indices = #map1}, {transform_indices = #map}, {transform_indices = #map1}]} {
    %mul3A = arith.constant 2 : i32
    %mul3A_0 = arith.muli %arg1, %mul3A : i32
    %add3A = arith.addi %mul3A_0, %arg0 : i32
    %mul3A_1 = arith.constant 6256 : i32
    %mul3A_2 = arith.muli %arg1, %mul3A_1 : i32
    "tpu.region"() ({
      %run_scoped3A = tpu.sem_alloc : memref<!tpu.dma_semaphore, #tpu.memory_space<semaphore_mem>>
      %dma_start3A_118 = arith.constant 0 : i32
      %dma_start3A_119 = tpu.memref_slice %arg10[%mul3A_2, %dma_start3A_118] : memref<100096x16xf32, #tpu.memory_space<vmem_shared>> -> memref<6256x16xf32, #tpu.memory_space<vmem_shared>>
      tpu.enqueue_dma source(%arg4 : memref<6256x16xf32, #tpu.memory_space<hbm>>) target(%dma_start3A_119 : memref<6256x16xf32, #tpu.memory_space<vmem_shared>>) target_semaphore(%run_scoped3A : memref<!tpu.dma_semaphore, #tpu.memory_space<semaphore_mem>>)
      %dma_wait3A_120 = arith.constant 0 : i32
      %dma_wait3A_121 = tpu.memref_slice %arg10[%mul3A_2, %dma_wait3A_120] : memref<100096x16xf32, #tpu.memory_space<vmem_shared>> -> memref<6256x16xf32, #tpu.memory_space<vmem_shared>>
      tpu.wait_dma2 semaphore(%run_scoped3A : memref<!tpu.dma_semaphore, #tpu.memory_space<semaphore_mem>>) src(%arg4 : memref<6256x16xf32, #tpu.memory_space<hbm>>) dst(%dma_wait3A_121 : memref<6256x16xf32, #tpu.memory_space<vmem_shared>>)
      tpu.yield
    }) : () -> ()
    %barrier3A = arith.constant 0 : index
    tpu.barrier barrier_id(%barrier3A)
    %mul3A_3 = arith.constant 784 : i32
    %mul3A_4 = arith.muli %add3A, %mul3A_3 : i32
    "tpu.region"() ({
      %run_scoped3A = tpu.sem_alloc : memref<!tpu.dma_semaphore, #tpu.memory_space<semaphore_mem>>
      %dma_start3A_118 = arith.constant 0 : i32
      %dma_start3A_119 = arith.constant 0 : i32
      %dma_start3A_120 = tpu.memref_slice %arg3[%mul3A_4, %dma_start3A_118, %dma_start3A_119] : memref<25096x2x128xi32, #tpu.memory_space<hbm>> -> memref<4x2x128xi32, #tpu.memory_space<hbm>>
      %dma_start3A_121 = arith.constant 0 : i32
      %dma_start3A_122 = arith.constant 0 : i32
      %dma_start3A_123 = tpu.memref_slice %arg3[%mul3A_4, %dma_start3A_121, %dma_start3A_122] : memref<25096x2x128xi32, #tpu.memory_space<hbm>> -> memref<4x2x128xi32, #tpu.memory_space<hbm>>
      tpu.enqueue_dma source(%dma_start3A_123 : memref<4x2x128xi32, #tpu.memory_space<hbm>>) target(%arg6 : memref<4x2x128xi32, #tpu.memory_space<vmem>>) target_semaphore(%run_scoped3A : memref<!tpu.dma_semaphore, #tpu.memory_space<semaphore_mem>>)
      %dma_wait3A_124 = arith.constant 0 : i32
      %dma_wait3A_125 = arith.constant 0 : i32
      %dma_wait3A_126 = tpu.memref_slice %arg3[%mul3A_4, %dma_wait3A_124, %dma_wait3A_125] : memref<25096x2x128xi32, #tpu.memory_space<hbm>> -> memref<4x2x128xi32, #tpu.memory_space<hbm>>
      %dma_wait3A_127 = arith.constant 0 : i32
      %dma_wait3A_128 = arith.constant 0 : i32
      %dma_wait3A_129 = tpu.memref_slice %arg3[%mul3A_4, %dma_wait3A_127, %dma_wait3A_128] : memref<25096x2x128xi32, #tpu.memory_space<hbm>> -> memref<4x2x128xi32, #tpu.memory_space<hbm>>
      tpu.wait_dma2 semaphore(%run_scoped3A : memref<!tpu.dma_semaphore, #tpu.memory_space<semaphore_mem>>) src(%dma_wait3A_129 : memref<4x2x128xi32, #tpu.memory_space<hbm>>) dst(%arg6 : memref<4x2x128xi32, #tpu.memory_space<vmem>>)
      tpu.yield
    }) : () -> ()
    %add3A_5 = arith.constant 4 : i32
    %add3A_6 = arith.addi %mul3A_4, %add3A_5 : i32
    %dma_start3A = arith.constant 0 : i32
    %dma_start3A_7 = arith.constant 0 : i32
    %dma_start3A_8 = tpu.memref_slice %arg3[%add3A_6, %dma_start3A, %dma_start3A_7] : memref<25096x2x128xi32, #tpu.memory_space<hbm>> -> memref<4x2x128xi32, #tpu.memory_space<hbm>>
    %dma_start3A_9 = arith.constant 0 : i32
    %dma_start3A_10 = arith.constant 0 : i32
    %dma_start3A_11 = tpu.memref_slice %arg3[%add3A_6, %dma_start3A_9, %dma_start3A_10] : memref<25096x2x128xi32, #tpu.memory_space<hbm>> -> memref<4x2x128xi32, #tpu.memory_space<hbm>>
    tpu.enqueue_dma source(%dma_start3A_11 : memref<4x2x128xi32, #tpu.memory_space<hbm>>) target(%arg7 : memref<4x2x128xi32, #tpu.memory_space<vmem>>) target_semaphore(%arg11 : memref<!tpu.dma_semaphore, #tpu.memory_space<semaphore_mem>>)
    %dma_start3A_12 = arith.constant 0 : i32
    %dma_start3A_13 = arith.constant 0 : i32
    %dma_start3A_14 = arith.constant 0 : i32
    %dma_start3A_15 = arith.constant 0 : i32
    %dma_start3A_16 = tpu.memref_slice %arg8[%dma_start3A_14, %dma_start3A_15] : memref<512x16xf32, #tpu.memory_space<vmem>> -> memref<128x16xf32, #tpu.memory_space<vmem>>
    %dma_start3A_17 = arith.constant 0 : i32
    %dma_start3A_18 = tpu.memref_slice %arg6[%dma_start3A_12, %dma_start3A_13, %dma_start3A_17] : memref<4x2x128xi32, #tpu.memory_space<vmem>> -> memref<1x1x128xi32, #tpu.memory_space<vmem>>
    %dma_start3A_19 = tpu.memref_squeeze %dma_start3A_18 : memref<1x1x128xi32, #tpu.memory_space<vmem>> -> memref<128xi32, #tpu.memory_space<vmem>>
    %dma_start3A_20 = arith.constant 0 : i32
    %dma_start3A_21 = arith.constant 0 : i32
    %dma_start3A_22 = tpu.memref_slice %arg2[%dma_start3A_20, %dma_start3A_21] : memref<100096x16xf32, #tpu.memory_space<hbm>> -> memref<100096x16xf32, #tpu.memory_space<hbm>>
    tpu.enqueue_indirect_dma source(%dma_start3A_22 : memref<100096x16xf32, #tpu.memory_space<hbm>>) target(%dma_start3A_16 : memref<128x16xf32, #tpu.memory_space<vmem>>) offsets(%dma_start3A_19 : memref<128xi32, #tpu.memory_space<vmem>>) semaphore(%arg12 : memref<!tpu.dma_semaphore, #tpu.memory_space<semaphore_mem>>)
    %dma_start3A_23 = arith.constant 1 : i32
    %dma_start3A_24 = arith.constant 0 : i32
    %dma_start3A_25 = arith.constant 128 : i32
    %dma_start3A_26 = arith.constant 0 : i32
    %dma_start3A_27 = tpu.memref_slice %arg8[%dma_start3A_25, %dma_start3A_26] : memref<512x16xf32, #tpu.memory_space<vmem>> -> memref<128x16xf32, #tpu.memory_space<vmem>>
    %dma_start3A_28 = arith.constant 0 : i32
    %dma_start3A_29 = tpu.memref_slice %arg6[%dma_start3A_23, %dma_start3A_24, %dma_start3A_28] : memref<4x2x128xi32, #tpu.memory_space<vmem>> -> memref<1x1x128xi32, #tpu.memory_space<vmem>>
    %dma_start3A_30 = tpu.memref_squeeze %dma_start3A_29 : memref<1x1x128xi32, #tpu.memory_space<vmem>> -> memref<128xi32, #tpu.memory_space<vmem>>
    %dma_start3A_31 = arith.constant 0 : i32
    %dma_start3A_32 = arith.constant 0 : i32
    %dma_start3A_33 = tpu.memref_slice %arg2[%dma_start3A_31, %dma_start3A_32] : memref<100096x16xf32, #tpu.memory_space<hbm>> -> memref<100096x16xf32, #tpu.memory_space<hbm>>
    tpu.enqueue_indirect_dma source(%dma_start3A_33 : memref<100096x16xf32, #tpu.memory_space<hbm>>) target(%dma_start3A_27 : memref<128x16xf32, #tpu.memory_space<vmem>>) offsets(%dma_start3A_30 : memref<128xi32, #tpu.memory_space<vmem>>) semaphore(%arg12 : memref<!tpu.dma_semaphore, #tpu.memory_space<semaphore_mem>>)
    %dma_start3A_34 = arith.constant 2 : i32
    %dma_start3A_35 = arith.constant 0 : i32
    %dma_start3A_36 = arith.constant 256 : i32
    %dma_start3A_37 = arith.constant 0 : i32
    %dma_start3A_38 = tpu.memref_slice %arg8[%dma_start3A_36, %dma_start3A_37] : memref<512x16xf32, #tpu.memory_space<vmem>> -> memref<128x16xf32, #tpu.memory_space<vmem>>
    %dma_start3A_39 = arith.constant 0 : i32
    %dma_start3A_40 = tpu.memref_slice %arg6[%dma_start3A_34, %dma_start3A_35, %dma_start3A_39] : memref<4x2x128xi32, #tpu.memory_space<vmem>> -> memref<1x1x128xi32, #tpu.memory_space<vmem>>
    %dma_start3A_41 = tpu.memref_squeeze %dma_start3A_40 : memref<1x1x128xi32, #tpu.memory_space<vmem>> -> memref<128xi32, #tpu.memory_space<vmem>>
    %dma_start3A_42 = arith.constant 0 : i32
    %dma_start3A_43 = arith.constant 0 : i32
    %dma_start3A_44 = tpu.memref_slice %arg2[%dma_start3A_42, %dma_start3A_43] : memref<100096x16xf32, #tpu.memory_space<hbm>> -> memref<100096x16xf32, #tpu.memory_space<hbm>>
    tpu.enqueue_indirect_dma source(%dma_start3A_44 : memref<100096x16xf32, #tpu.memory_space<hbm>>) target(%dma_start3A_38 : memref<128x16xf32, #tpu.memory_space<vmem>>) offsets(%dma_start3A_41 : memref<128xi32, #tpu.memory_space<vmem>>) semaphore(%arg12 : memref<!tpu.dma_semaphore, #tpu.memory_space<semaphore_mem>>)
    %dma_start3A_45 = arith.constant 3 : i32
    %dma_start3A_46 = arith.constant 0 : i32
    %dma_start3A_47 = arith.constant 384 : i32
    %dma_start3A_48 = arith.constant 0 : i32
    %dma_start3A_49 = tpu.memref_slice %arg8[%dma_start3A_47, %dma_start3A_48] : memref<512x16xf32, #tpu.memory_space<vmem>> -> memref<128x16xf32, #tpu.memory_space<vmem>>
    %dma_start3A_50 = arith.constant 0 : i32
    %dma_start3A_51 = tpu.memref_slice %arg6[%dma_start3A_45, %dma_start3A_46, %dma_start3A_50] : memref<4x2x128xi32, #tpu.memory_space<vmem>> -> memref<1x1x128xi32, #tpu.memory_space<vmem>>
    %dma_start3A_52 = tpu.memref_squeeze %dma_start3A_51 : memref<1x1x128xi32, #tpu.memory_space<vmem>> -> memref<128xi32, #tpu.memory_space<vmem>>
    %dma_start3A_53 = arith.constant 0 : i32
    %dma_start3A_54 = arith.constant 0 : i32
    %dma_start3A_55 = tpu.memref_slice %arg2[%dma_start3A_53, %dma_start3A_54] : memref<100096x16xf32, #tpu.memory_space<hbm>> -> memref<100096x16xf32, #tpu.memory_space<hbm>>
    tpu.enqueue_indirect_dma source(%dma_start3A_55 : memref<100096x16xf32, #tpu.memory_space<hbm>>) target(%dma_start3A_49 : memref<128x16xf32, #tpu.memory_space<vmem>>) offsets(%dma_start3A_52 : memref<128xi32, #tpu.memory_space<vmem>>) semaphore(%arg12 : memref<!tpu.dma_semaphore, #tpu.memory_space<semaphore_mem>>)
    %scan3A = arith.constant 0 : i32
    %scan3A_56 = arith.constant 98 : i32
    %scan3A_57 = arith.addi %scan3A, %scan3A_56 : i32
    %scan3A_58 = arith.constant 1 : i32
    scf.for %scan3A_118 = %scan3A to %scan3A_57 step %scan3A_58  : i32 {
      %mul3A_119 = arith.constant 1 : i32
      %mul3A_120 = arith.muli %scan3A_118, %mul3A_119 : i32
      %add3A_121 = arith.constant 0 : i32
      %add3A_122 = arith.addi %add3A_121, %mul3A_120 : i32
      %mul3A_123 = arith.constant 2 : i32
      %mul3A_124 = arith.muli %add3A_122, %mul3A_123 : i32
      %add3A_125 = arith.constant 0 : i32
      %add3A_126 = arith.addi %mul3A_124, %add3A_125 : i32
      %dma_wait3A_127 = arith.constant 0 : i32
      %dma_wait3A_128 = arith.constant 0 : i32
      %dma_wait3A_129 = tpu.memref_slice %arg8[%dma_wait3A_127, %dma_wait3A_128] : memref<512x16xf32, #tpu.memory_space<vmem>> -> memref<128x16xf32, #tpu.memory_space<vmem>>
      %dma_wait3A_130 = arith.constant 0 : i32
      %dma_wait3A_131 = arith.constant 0 : i32
      %dma_wait3A_132 = tpu.memref_slice %arg2[%dma_wait3A_130, %dma_wait3A_131] : memref<100096x16xf32, #tpu.memory_space<hbm>> -> memref<128x16xf32, #tpu.memory_space<hbm>>
      %dma_wait3A_133 = arith.constant 0 : i32
      %dma_wait3A_134 = arith.constant 0 : i32
      %dma_wait3A_135 = tpu.memref_slice %arg8[%dma_wait3A_133, %dma_wait3A_134] : memref<512x16xf32, #tpu.memory_space<vmem>> -> memref<128x16xf32, #tpu.memory_space<vmem>>
      %dma_wait3A_136 = arith.constant 0 : i32
      %dma_wait3A_137 = arith.constant 0 : i32
      %dma_wait3A_138 = tpu.memref_slice %arg2[%dma_wait3A_136, %dma_wait3A_137] : memref<100096x16xf32, #tpu.memory_space<hbm>> -> memref<128x16xf32, #tpu.memory_space<hbm>>
      tpu.wait_dma2 semaphore(%arg12 : memref<!tpu.dma_semaphore, #tpu.memory_space<semaphore_mem>>) src(%dma_wait3A_138 : memref<128x16xf32, #tpu.memory_space<hbm>>) dst(%dma_wait3A_135 : memref<128x16xf32, #tpu.memory_space<vmem>>)
      %dma_wait3A_139 = arith.constant 128 : i32
      %dma_wait3A_140 = arith.constant 0 : i32
      %dma_wait3A_141 = tpu.memref_slice %arg8[%dma_wait3A_139, %dma_wait3A_140] : memref<512x16xf32, #tpu.memory_space<vmem>> -> memref<128x16xf32, #tpu.memory_space<vmem>>
      %dma_wait3A_142 = arith.constant 0 : i32
      %dma_wait3A_143 = arith.constant 0 : i32
      %dma_wait3A_144 = tpu.memref_slice %arg2[%dma_wait3A_142, %dma_wait3A_143] : memref<100096x16xf32, #tpu.memory_space<hbm>> -> memref<128x16xf32, #tpu.memory_space<hbm>>
      %dma_wait3A_145 = arith.constant 128 : i32
      %dma_wait3A_146 = arith.constant 0 : i32
      %dma_wait3A_147 = tpu.memref_slice %arg8[%dma_wait3A_145, %dma_wait3A_146] : memref<512x16xf32, #tpu.memory_space<vmem>> -> memref<128x16xf32, #tpu.memory_space<vmem>>
      %dma_wait3A_148 = arith.constant 0 : i32
      %dma_wait3A_149 = arith.constant 0 : i32
      %dma_wait3A_150 = tpu.memref_slice %arg2[%dma_wait3A_148, %dma_wait3A_149] : memref<100096x16xf32, #tpu.memory_space<hbm>> -> memref<128x16xf32, #tpu.memory_space<hbm>>
      tpu.wait_dma2 semaphore(%arg12 : memref<!tpu.dma_semaphore, #tpu.memory_space<semaphore_mem>>) src(%dma_wait3A_150 : memref<128x16xf32, #tpu.memory_space<hbm>>) dst(%dma_wait3A_147 : memref<128x16xf32, #tpu.memory_space<vmem>>)
      %dma_wait3A_151 = arith.constant 256 : i32
      %dma_wait3A_152 = arith.constant 0 : i32
      %dma_wait3A_153 = tpu.memref_slice %arg8[%dma_wait3A_151, %dma_wait3A_152] : memref<512x16xf32, #tpu.memory_space<vmem>> -> memref<128x16xf32, #tpu.memory_space<vmem>>
      %dma_wait3A_154 = arith.constant 0 : i32
      %dma_wait3A_155 = arith.constant 0 : i32
      %dma_wait3A_156 = tpu.memref_slice %arg2[%dma_wait3A_154, %dma_wait3A_155] : memref<100096x16xf32, #tpu.memory_space<hbm>> -> memref<128x16xf32, #tpu.memory_space<hbm>>
      %dma_wait3A_157 = arith.constant 256 : i32
      %dma_wait3A_158 = arith.constant 0 : i32
      %dma_wait3A_159 = tpu.memref_slice %arg8[%dma_wait3A_157, %dma_wait3A_158] : memref<512x16xf32, #tpu.memory_space<vmem>> -> memref<128x16xf32, #tpu.memory_space<vmem>>
      %dma_wait3A_160 = arith.constant 0 : i32
      %dma_wait3A_161 = arith.constant 0 : i32
      %dma_wait3A_162 = tpu.memref_slice %arg2[%dma_wait3A_160, %dma_wait3A_161] : memref<100096x16xf32, #tpu.memory_space<hbm>> -> memref<128x16xf32, #tpu.memory_space<hbm>>
      tpu.wait_dma2 semaphore(%arg12 : memref<!tpu.dma_semaphore, #tpu.memory_space<semaphore_mem>>) src(%dma_wait3A_162 : memref<128x16xf32, #tpu.memory_space<hbm>>) dst(%dma_wait3A_159 : memref<128x16xf32, #tpu.memory_space<vmem>>)
      %dma_wait3A_163 = arith.constant 384 : i32
      %dma_wait3A_164 = arith.constant 0 : i32
      %dma_wait3A_165 = tpu.memref_slice %arg8[%dma_wait3A_163, %dma_wait3A_164] : memref<512x16xf32, #tpu.memory_space<vmem>> -> memref<128x16xf32, #tpu.memory_space<vmem>>
      %dma_wait3A_166 = arith.constant 0 : i32
      %dma_wait3A_167 = arith.constant 0 : i32
      %dma_wait3A_168 = tpu.memref_slice %arg2[%dma_wait3A_166, %dma_wait3A_167] : memref<100096x16xf32, #tpu.memory_space<hbm>> -> memref<128x16xf32, #tpu.memory_space<hbm>>
      %dma_wait3A_169 = arith.constant 384 : i32
      %dma_wait3A_170 = arith.constant 0 : i32
      %dma_wait3A_171 = tpu.memref_slice %arg8[%dma_wait3A_169, %dma_wait3A_170] : memref<512x16xf32, #tpu.memory_space<vmem>> -> memref<128x16xf32, #tpu.memory_space<vmem>>
      %dma_wait3A_172 = arith.constant 0 : i32
      %dma_wait3A_173 = arith.constant 0 : i32
      %dma_wait3A_174 = tpu.memref_slice %arg2[%dma_wait3A_172, %dma_wait3A_173] : memref<100096x16xf32, #tpu.memory_space<hbm>> -> memref<128x16xf32, #tpu.memory_space<hbm>>
      tpu.wait_dma2 semaphore(%arg12 : memref<!tpu.dma_semaphore, #tpu.memory_space<semaphore_mem>>) src(%dma_wait3A_174 : memref<128x16xf32, #tpu.memory_space<hbm>>) dst(%dma_wait3A_171 : memref<128x16xf32, #tpu.memory_space<vmem>>)
      %dma_wait3A_175 = arith.constant 0 : i32
      %dma_wait3A_176 = arith.constant 0 : i32
      %dma_wait3A_177 = tpu.memref_slice %arg3[%mul3A_4, %dma_wait3A_175, %dma_wait3A_176] : memref<25096x2x128xi32, #tpu.memory_space<hbm>> -> memref<4x2x128xi32, #tpu.memory_space<hbm>>
      %dma_wait3A_178 = arith.constant 0 : i32
      %dma_wait3A_179 = arith.constant 0 : i32
      %dma_wait3A_180 = tpu.memref_slice %arg3[%mul3A_4, %dma_wait3A_178, %dma_wait3A_179] : memref<25096x2x128xi32, #tpu.memory_space<hbm>> -> memref<4x2x128xi32, #tpu.memory_space<hbm>>
      tpu.wait_dma2 semaphore(%arg11 : memref<!tpu.dma_semaphore, #tpu.memory_space<semaphore_mem>>) src(%dma_wait3A_180 : memref<4x2x128xi32, #tpu.memory_space<hbm>>) dst(%arg7 : memref<4x2x128xi32, #tpu.memory_space<vmem>>)
      %dma_start3A_181 = arith.constant 0 : i32
      %dma_start3A_182 = arith.constant 0 : i32
      %dma_start3A_183 = arith.constant 0 : i32
      %dma_start3A_184 = arith.constant 0 : i32
      %dma_start3A_185 = tpu.memref_slice %arg9[%dma_start3A_183, %dma_start3A_184] : memref<512x16xf32, #tpu.memory_space<vmem>> -> memref<128x16xf32, #tpu.memory_space<vmem>>
      %dma_start3A_186 = arith.constant 0 : i32
      %dma_start3A_187 = tpu.memref_slice %arg7[%dma_start3A_181, %dma_start3A_182, %dma_start3A_186] : memref<4x2x128xi32, #tpu.memory_space<vmem>> -> memref<1x1x128xi32, #tpu.memory_space<vmem>>
      %dma_start3A_188 = tpu.memref_squeeze %dma_start3A_187 : memref<1x1x128xi32, #tpu.memory_space<vmem>> -> memref<128xi32, #tpu.memory_space<vmem>>
      %dma_start3A_189 = arith.constant 0 : i32
      %dma_start3A_190 = arith.constant 0 : i32
      %dma_start3A_191 = tpu.memref_slice %arg2[%dma_start3A_189, %dma_start3A_190] : memref<100096x16xf32, #tpu.memory_space<hbm>> -> memref<100096x16xf32, #tpu.memory_space<hbm>>
      tpu.enqueue_indirect_dma source(%dma_start3A_191 : memref<100096x16xf32, #tpu.memory_space<hbm>>) target(%dma_start3A_185 : memref<128x16xf32, #tpu.memory_space<vmem>>) offsets(%dma_start3A_188 : memref<128xi32, #tpu.memory_space<vmem>>) semaphore(%arg12 : memref<!tpu.dma_semaphore, #tpu.memory_space<semaphore_mem>>)
      %dma_start3A_192 = arith.constant 1 : i32
      %dma_start3A_193 = arith.constant 0 : i32
      %dma_start3A_194 = arith.constant 128 : i32
      %dma_start3A_195 = arith.constant 0 : i32
      %dma_start3A_196 = tpu.memref_slice %arg9[%dma_start3A_194, %dma_start3A_195] : memref<512x16xf32, #tpu.memory_space<vmem>> -> memref<128x16xf32, #tpu.memory_space<vmem>>
      %dma_start3A_197 = arith.constant 0 : i32
      %dma_start3A_198 = tpu.memref_slice %arg7[%dma_start3A_192, %dma_start3A_193, %dma_start3A_197] : memref<4x2x128xi32, #tpu.memory_space<vmem>> -> memref<1x1x128xi32, #tpu.memory_space<vmem>>
      %dma_start3A_199 = tpu.memref_squeeze %dma_start3A_198 : memref<1x1x128xi32, #tpu.memory_space<vmem>> -> memref<128xi32, #tpu.memory_space<vmem>>
      %dma_start3A_200 = arith.constant 0 : i32
      %dma_start3A_201 = arith.constant 0 : i32
      %dma_start3A_202 = tpu.memref_slice %arg2[%dma_start3A_200, %dma_start3A_201] : memref<100096x16xf32, #tpu.memory_space<hbm>> -> memref<100096x16xf32, #tpu.memory_space<hbm>>
      tpu.enqueue_indirect_dma source(%dma_start3A_202 : memref<100096x16xf32, #tpu.memory_space<hbm>>) target(%dma_start3A_196 : memref<128x16xf32, #tpu.memory_space<vmem>>) offsets(%dma_start3A_199 : memref<128xi32, #tpu.memory_space<vmem>>) semaphore(%arg12 : memref<!tpu.dma_semaphore, #tpu.memory_space<semaphore_mem>>)
      %dma_start3A_203 = arith.constant 2 : i32
      %dma_start3A_204 = arith.constant 0 : i32
      %dma_start3A_205 = arith.constant 256 : i32
      %dma_start3A_206 = arith.constant 0 : i32
      %dma_start3A_207 = tpu.memref_slice %arg9[%dma_start3A_205, %dma_start3A_206] : memref<512x16xf32, #tpu.memory_space<vmem>> -> memref<128x16xf32, #tpu.memory_space<vmem>>
      %dma_start3A_208 = arith.constant 0 : i32
      %dma_start3A_209 = tpu.memref_slice %arg7[%dma_start3A_203, %dma_start3A_204, %dma_start3A_208] : memref<4x2x128xi32, #tpu.memory_space<vmem>> -> memref<1x1x128xi32, #tpu.memory_space<vmem>>
      %dma_start3A_210 = tpu.memref_squeeze %dma_start3A_209 : memref<1x1x128xi32, #tpu.memory_space<vmem>> -> memref<128xi32, #tpu.memory_space<vmem>>
      %dma_start3A_211 = arith.constant 0 : i32
      %dma_start3A_212 = arith.constant 0 : i32
      %dma_start3A_213 = tpu.memref_slice %arg2[%dma_start3A_211, %dma_start3A_212] : memref<100096x16xf32, #tpu.memory_space<hbm>> -> memref<100096x16xf32, #tpu.memory_space<hbm>>
      tpu.enqueue_indirect_dma source(%dma_start3A_213 : memref<100096x16xf32, #tpu.memory_space<hbm>>) target(%dma_start3A_207 : memref<128x16xf32, #tpu.memory_space<vmem>>) offsets(%dma_start3A_210 : memref<128xi32, #tpu.memory_space<vmem>>) semaphore(%arg12 : memref<!tpu.dma_semaphore, #tpu.memory_space<semaphore_mem>>)
      %dma_start3A_214 = arith.constant 3 : i32
      %dma_start3A_215 = arith.constant 0 : i32
      %dma_start3A_216 = arith.constant 384 : i32
      %dma_start3A_217 = arith.constant 0 : i32
      %dma_start3A_218 = tpu.memref_slice %arg9[%dma_start3A_216, %dma_start3A_217] : memref<512x16xf32, #tpu.memory_space<vmem>> -> memref<128x16xf32, #tpu.memory_space<vmem>>
      %dma_start3A_219 = arith.constant 0 : i32
      %dma_start3A_220 = tpu.memref_slice %arg7[%dma_start3A_214, %dma_start3A_215, %dma_start3A_219] : memref<4x2x128xi32, #tpu.memory_space<vmem>> -> memref<1x1x128xi32, #tpu.memory_space<vmem>>
      %dma_start3A_221 = tpu.memref_squeeze %dma_start3A_220 : memref<1x1x128xi32, #tpu.memory_space<vmem>> -> memref<128xi32, #tpu.memory_space<vmem>>
      %dma_start3A_222 = arith.constant 0 : i32
      %dma_start3A_223 = arith.constant 0 : i32
      %dma_start3A_224 = tpu.memref_slice %arg2[%dma_start3A_222, %dma_start3A_223] : memref<100096x16xf32, #tpu.memory_space<hbm>> -> memref<100096x16xf32, #tpu.memory_space<hbm>>
      tpu.enqueue_indirect_dma source(%dma_start3A_224 : memref<100096x16xf32, #tpu.memory_space<hbm>>) target(%dma_start3A_218 : memref<128x16xf32, #tpu.memory_space<vmem>>) offsets(%dma_start3A_221 : memref<128xi32, #tpu.memory_space<vmem>>) semaphore(%arg12 : memref<!tpu.dma_semaphore, #tpu.memory_space<semaphore_mem>>)
      %run_scoped3A = arith.constant 0 : i32
      %run_scoped3A_225 = arith.constant 1 : i32
      "tpu.region"() ({
        %run_scoped3A_364 = tpu.sem_alloc : memref<!tpu.dma_semaphore, #tpu.memory_space<semaphore_mem>>
        %dma_start3A_365 = arith.constant 0 : i32
        %dma_start3A_366 = arith.constant 0 : i32
        %dma_start3A_367 = tpu.memref_slice %arg8[%dma_start3A_365, %dma_start3A_366] : memref<512x16xf32, #tpu.memory_space<vmem>> -> memref<128x16xf32, #tpu.memory_space<vmem>>
        %dma_start3A_368 = arith.constant 0 : i32
        %dma_start3A_369 = tpu.memref_slice %arg6[%run_scoped3A, %run_scoped3A_225, %dma_start3A_368] : memref<4x2x128xi32, #tpu.memory_space<vmem>> -> memref<1x1x128xi32, #tpu.memory_space<vmem>>
        %dma_start3A_370 = tpu.memref_squeeze %dma_start3A_369 : memref<1x1x128xi32, #tpu.memory_space<vmem>> -> memref<128xi32, #tpu.memory_space<vmem>>
        %dma_start3A_371 = arith.constant 0 : i32
        %dma_start3A_372 = arith.constant 0 : i32
        %dma_start3A_373 = tpu.memref_slice %arg10[%dma_start3A_371, %dma_start3A_372] : memref<100096x16xf32, #tpu.memory_space<vmem_shared>> -> memref<100096x16xf32, #tpu.memory_space<vmem_shared>>
        tpu.enqueue_indirect_dma source(%dma_start3A_367 : memref<128x16xf32, #tpu.memory_space<vmem>>) target(%dma_start3A_373 : memref<100096x16xf32, #tpu.memory_space<vmem_shared>>) offsets(%dma_start3A_370 : memref<128xi32, #tpu.memory_space<vmem>>) semaphore(%run_scoped3A_364 : memref<!tpu.dma_semaphore, #tpu.memory_space<semaphore_mem>>) {add = true}
        %dma_wait3A_374 = arith.constant 0 : i32
        %dma_wait3A_375 = arith.constant 0 : i32
        %dma_wait3A_376 = tpu.memref_slice %arg8[%dma_wait3A_374, %dma_wait3A_375] : memref<512x16xf32, #tpu.memory_space<vmem>> -> memref<128x16xf32, #tpu.memory_space<vmem>>
        %dma_wait3A_377 = arith.constant 0 : i32
        %dma_wait3A_378 = tpu.memref_slice %arg6[%run_scoped3A, %run_scoped3A_225, %dma_wait3A_377] : memref<4x2x128xi32, #tpu.memory_space<vmem>> -> memref<1x1x128xi32, #tpu.memory_space<vmem>>
        %dma_wait3A_379 = tpu.memref_squeeze %dma_wait3A_378 : memref<1x1x128xi32, #tpu.memory_space<vmem>> -> memref<128xi32, #tpu.memory_space<vmem>>
        %dma_wait3A_380 = arith.constant 0 : i32
        %dma_wait3A_381 = arith.constant 0 : i32
        %dma_wait3A_382 = tpu.memref_slice %arg10[%dma_wait3A_380, %dma_wait3A_381] : memref<100096x16xf32, #tpu.memory_space<vmem_shared>> -> memref<100096x16xf32, #tpu.memory_space<vmem_shared>>
        tpu.wait_indirect_dma semaphore(%run_scoped3A_364 : memref<!tpu.dma_semaphore, #tpu.memory_space<semaphore_mem>>) src(%dma_wait3A_376 : memref<128x16xf32, #tpu.memory_space<vmem>>) dst(%dma_wait3A_382 : memref<100096x16xf32, #tpu.memory_space<vmem_shared>>)
        tpu.yield
      }) : () -> ()
      %run_scoped3A_226 = arith.constant 1 : i32
      %run_scoped3A_227 = arith.constant 1 : i32
      "tpu.region"() ({
        %run_scoped3A_364 = tpu.sem_alloc : memref<!tpu.dma_semaphore, #tpu.memory_space<semaphore_mem>>
        %dma_start3A_365 = arith.constant 128 : i32
        %dma_start3A_366 = arith.constant 0 : i32
        %dma_start3A_367 = tpu.memref_slice %arg8[%dma_start3A_365, %dma_start3A_366] : memref<512x16xf32, #tpu.memory_space<vmem>> -> memref<128x16xf32, #tpu.memory_space<vmem>>
        %dma_start3A_368 = arith.constant 0 : i32
        %dma_start3A_369 = tpu.memref_slice %arg6[%run_scoped3A_226, %run_scoped3A_227, %dma_start3A_368] : memref<4x2x128xi32, #tpu.memory_space<vmem>> -> memref<1x1x128xi32, #tpu.memory_space<vmem>>
        %dma_start3A_370 = tpu.memref_squeeze %dma_start3A_369 : memref<1x1x128xi32, #tpu.memory_space<vmem>> -> memref<128xi32, #tpu.memory_space<vmem>>
        %dma_start3A_371 = arith.constant 0 : i32
        %dma_start3A_372 = arith.constant 0 : i32
        %dma_start3A_373 = tpu.memref_slice %arg10[%dma_start3A_371, %dma_start3A_372] : memref<100096x16xf32, #tpu.memory_space<vmem_shared>> -> memref<100096x16xf32, #tpu.memory_space<vmem_shared>>
        tpu.enqueue_indirect_dma source(%dma_start3A_367 : memref<128x16xf32, #tpu.memory_space<vmem>>) target(%dma_start3A_373 : memref<100096x16xf32, #tpu.memory_space<vmem_shared>>) offsets(%dma_start3A_370 : memref<128xi32, #tpu.memory_space<vmem>>) semaphore(%run_scoped3A_364 : memref<!tpu.dma_semaphore, #tpu.memory_space<semaphore_mem>>) {add = true}
        %dma_wait3A_374 = arith.constant 128 : i32
        %dma_wait3A_375 = arith.constant 0 : i32
        %dma_wait3A_376 = tpu.memref_slice %arg8[%dma_wait3A_374, %dma_wait3A_375] : memref<512x16xf32, #tpu.memory_space<vmem>> -> memref<128x16xf32, #tpu.memory_space<vmem>>
        %dma_wait3A_377 = arith.constant 0 : i32
        %dma_wait3A_378 = tpu.memref_slice %arg6[%run_scoped3A_226, %run_scoped3A_227, %dma_wait3A_377] : memref<4x2x128xi32, #tpu.memory_space<vmem>> -> memref<1x1x128xi32, #tpu.memory_space<vmem>>
        %dma_wait3A_379 = tpu.memref_squeeze %dma_wait3A_378 : memref<1x1x128xi32, #tpu.memory_space<vmem>> -> memref<128xi32, #tpu.memory_space<vmem>>
        %dma_wait3A_380 = arith.constant 0 : i32
        %dma_wait3A_381 = arith.constant 0 : i32
        %dma_wait3A_382 = tpu.memref_slice %arg10[%dma_wait3A_380, %dma_wait3A_381] : memref<100096x16xf32, #tpu.memory_space<vmem_shared>> -> memref<100096x16xf32, #tpu.memory_space<vmem_shared>>
        tpu.wait_indirect_dma semaphore(%run_scoped3A_364 : memref<!tpu.dma_semaphore, #tpu.memory_space<semaphore_mem>>) src(%dma_wait3A_376 : memref<128x16xf32, #tpu.memory_space<vmem>>) dst(%dma_wait3A_382 : memref<100096x16xf32, #tpu.memory_space<vmem_shared>>)
        tpu.yield
      }) : () -> ()
      %run_scoped3A_228 = arith.constant 2 : i32
      %run_scoped3A_229 = arith.constant 1 : i32
      "tpu.region"() ({
        %run_scoped3A_364 = tpu.sem_alloc : memref<!tpu.dma_semaphore, #tpu.memory_space<semaphore_mem>>
        %dma_start3A_365 = arith.constant 256 : i32
        %dma_start3A_366 = arith.constant 0 : i32
        %dma_start3A_367 = tpu.memref_slice %arg8[%dma_start3A_365, %dma_start3A_366] : memref<512x16xf32, #tpu.memory_space<vmem>> -> memref<128x16xf32, #tpu.memory_space<vmem>>
        %dma_start3A_368 = arith.constant 0 : i32
        %dma_start3A_369 = tpu.memref_slice %arg6[%run_scoped3A_228, %run_scoped3A_229, %dma_start3A_368] : memref<4x2x128xi32, #tpu.memory_space<vmem>> -> memref<1x1x128xi32, #tpu.memory_space<vmem>>
        %dma_start3A_370 = tpu.memref_squeeze %dma_start3A_369 : memref<1x1x128xi32, #tpu.memory_space<vmem>> -> memref<128xi32, #tpu.memory_space<vmem>>
        %dma_start3A_371 = arith.constant 0 : i32
        %dma_start3A_372 = arith.constant 0 : i32
        %dma_start3A_373 = tpu.memref_slice %arg10[%dma_start3A_371, %dma_start3A_372] : memref<100096x16xf32, #tpu.memory_space<vmem_shared>> -> memref<100096x16xf32, #tpu.memory_space<vmem_shared>>
        tpu.enqueue_indirect_dma source(%dma_start3A_367 : memref<128x16xf32, #tpu.memory_space<vmem>>) target(%dma_start3A_373 : memref<100096x16xf32, #tpu.memory_space<vmem_shared>>) offsets(%dma_start3A_370 : memref<128xi32, #tpu.memory_space<vmem>>) semaphore(%run_scoped3A_364 : memref<!tpu.dma_semaphore, #tpu.memory_space<semaphore_mem>>) {add = true}
        %dma_wait3A_374 = arith.constant 256 : i32
        %dma_wait3A_375 = arith.constant 0 : i32
        %dma_wait3A_376 = tpu.memref_slice %arg8[%dma_wait3A_374, %dma_wait3A_375] : memref<512x16xf32, #tpu.memory_space<vmem>> -> memref<128x16xf32, #tpu.memory_space<vmem>>
        %dma_wait3A_377 = arith.constant 0 : i32
        %dma_wait3A_378 = tpu.memref_slice %arg6[%run_scoped3A_228, %run_scoped3A_229, %dma_wait3A_377] : memref<4x2x128xi32, #tpu.memory_space<vmem>> -> memref<1x1x128xi32, #tpu.memory_space<vmem>>
        %dma_wait3A_379 = tpu.memref_squeeze %dma_wait3A_378 : memref<1x1x128xi32, #tpu.memory_space<vmem>> -> memref<128xi32, #tpu.memory_space<vmem>>
        %dma_wait3A_380 = arith.constant 0 : i32
        %dma_wait3A_381 = arith.constant 0 : i32
        %dma_wait3A_382 = tpu.memref_slice %arg10[%dma_wait3A_380, %dma_wait3A_381] : memref<100096x16xf32, #tpu.memory_space<vmem_shared>> -> memref<100096x16xf32, #tpu.memory_space<vmem_shared>>
        tpu.wait_indirect_dma semaphore(%run_scoped3A_364 : memref<!tpu.dma_semaphore, #tpu.memory_space<semaphore_mem>>) src(%dma_wait3A_376 : memref<128x16xf32, #tpu.memory_space<vmem>>) dst(%dma_wait3A_382 : memref<100096x16xf32, #tpu.memory_space<vmem_shared>>)
        tpu.yield
      }) : () -> ()
      %run_scoped3A_230 = arith.constant 3 : i32
      %run_scoped3A_231 = arith.constant 1 : i32
      "tpu.region"() ({
        %run_scoped3A_364 = tpu.sem_alloc : memref<!tpu.dma_semaphore, #tpu.memory_space<semaphore_mem>>
        %dma_start3A_365 = arith.constant 384 : i32
        %dma_start3A_366 = arith.constant 0 : i32
        %dma_start3A_367 = tpu.memref_slice %arg8[%dma_start3A_365, %dma_start3A_366] : memref<512x16xf32, #tpu.memory_space<vmem>> -> memref<128x16xf32, #tpu.memory_space<vmem>>
        %dma_start3A_368 = arith.constant 0 : i32
        %dma_start3A_369 = tpu.memref_slice %arg6[%run_scoped3A_230, %run_scoped3A_231, %dma_start3A_368] : memref<4x2x128xi32, #tpu.memory_space<vmem>> -> memref<1x1x128xi32, #tpu.memory_space<vmem>>
        %dma_start3A_370 = tpu.memref_squeeze %dma_start3A_369 : memref<1x1x128xi32, #tpu.memory_space<vmem>> -> memref<128xi32, #tpu.memory_space<vmem>>
        %dma_start3A_371 = arith.constant 0 : i32
        %dma_start3A_372 = arith.constant 0 : i32
        %dma_start3A_373 = tpu.memref_slice %arg10[%dma_start3A_371, %dma_start3A_372] : memref<100096x16xf32, #tpu.memory_space<vmem_shared>> -> memref<100096x16xf32, #tpu.memory_space<vmem_shared>>
        tpu.enqueue_indirect_dma source(%dma_start3A_367 : memref<128x16xf32, #tpu.memory_space<vmem>>) target(%dma_start3A_373 : memref<100096x16xf32, #tpu.memory_space<vmem_shared>>) offsets(%dma_start3A_370 : memref<128xi32, #tpu.memory_space<vmem>>) semaphore(%run_scoped3A_364 : memref<!tpu.dma_semaphore, #tpu.memory_space<semaphore_mem>>) {add = true}
        %dma_wait3A_374 = arith.constant 384 : i32
        %dma_wait3A_375 = arith.constant 0 : i32
        %dma_wait3A_376 = tpu.memref_slice %arg8[%dma_wait3A_374, %dma_wait3A_375] : memref<512x16xf32, #tpu.memory_space<vmem>> -> memref<128x16xf32, #tpu.memory_space<vmem>>
        %dma_wait3A_377 = arith.constant 0 : i32
        %dma_wait3A_378 = tpu.memref_slice %arg6[%run_scoped3A_230, %run_scoped3A_231, %dma_wait3A_377] : memref<4x2x128xi32, #tpu.memory_space<vmem>> -> memref<1x1x128xi32, #tpu.memory_space<vmem>>
        %dma_wait3A_379 = tpu.memref_squeeze %dma_wait3A_378 : memref<1x1x128xi32, #tpu.memory_space<vmem>> -> memref<128xi32, #tpu.memory_space<vmem>>
        %dma_wait3A_380 = arith.constant 0 : i32
        %dma_wait3A_381 = arith.constant 0 : i32
        %dma_wait3A_382 = tpu.memref_slice %arg10[%dma_wait3A_380, %dma_wait3A_381] : memref<100096x16xf32, #tpu.memory_space<vmem_shared>> -> memref<100096x16xf32, #tpu.memory_space<vmem_shared>>
        tpu.wait_indirect_dma semaphore(%run_scoped3A_364 : memref<!tpu.dma_semaphore, #tpu.memory_space<semaphore_mem>>) src(%dma_wait3A_376 : memref<128x16xf32, #tpu.memory_space<vmem>>) dst(%dma_wait3A_382 : memref<100096x16xf32, #tpu.memory_space<vmem_shared>>)
        tpu.yield
      }) : () -> ()
      %add3A_232 = arith.constant 2 : i32
      %add3A_233 = arith.addi %add3A_126, %add3A_232 : i32
      %mul3A_234 = arith.constant 4 : i32
      %mul3A_235 = arith.muli %add3A_233, %mul3A_234 : i32
      %add3A_236 = arith.addi %mul3A_4, %mul3A_235 : i32
      %dma_start3A_237 = arith.constant 0 : i32
      %dma_start3A_238 = arith.constant 0 : i32
      %dma_start3A_239 = tpu.memref_slice %arg3[%add3A_236, %dma_start3A_237, %dma_start3A_238] : memref<25096x2x128xi32, #tpu.memory_space<hbm>> -> memref<4x2x128xi32, #tpu.memory_space<hbm>>
      %dma_start3A_240 = arith.constant 0 : i32
      %dma_start3A_241 = arith.constant 0 : i32
      %dma_start3A_242 = tpu.memref_slice %arg3[%add3A_236, %dma_start3A_240, %dma_start3A_241] : memref<25096x2x128xi32, #tpu.memory_space<hbm>> -> memref<4x2x128xi32, #tpu.memory_space<hbm>>
      tpu.enqueue_dma source(%dma_start3A_242 : memref<4x2x128xi32, #tpu.memory_space<hbm>>) target(%arg6 : memref<4x2x128xi32, #tpu.memory_space<vmem>>) target_semaphore(%arg11 : memref<!tpu.dma_semaphore, #tpu.memory_space<semaphore_mem>>)
      %mul3A_243 = arith.constant 2 : i32
      %mul3A_244 = arith.muli %add3A_122, %mul3A_243 : i32
      %add3A_245 = arith.constant 1 : i32
      %add3A_246 = arith.addi %mul3A_244, %add3A_245 : i32
      %dma_wait3A_247 = arith.constant 0 : i32
      %dma_wait3A_248 = arith.constant 0 : i32
      %dma_wait3A_249 = tpu.memref_slice %arg9[%dma_wait3A_247, %dma_wait3A_248] : memref<512x16xf32, #tpu.memory_space<vmem>> -> memref<128x16xf32, #tpu.memory_space<vmem>>
      %dma_wait3A_250 = arith.constant 0 : i32
      %dma_wait3A_251 = arith.constant 0 : i32
      %dma_wait3A_252 = tpu.memref_slice %arg2[%dma_wait3A_250, %dma_wait3A_251] : memref<100096x16xf32, #tpu.memory_space<hbm>> -> memref<128x16xf32, #tpu.memory_space<hbm>>
      %dma_wait3A_253 = arith.constant 0 : i32
      %dma_wait3A_254 = arith.constant 0 : i32
      %dma_wait3A_255 = tpu.memref_slice %arg9[%dma_wait3A_253, %dma_wait3A_254] : memref<512x16xf32, #tpu.memory_space<vmem>> -> memref<128x16xf32, #tpu.memory_space<vmem>>
      %dma_wait3A_256 = arith.constant 0 : i32
      %dma_wait3A_257 = arith.constant 0 : i32
      %dma_wait3A_258 = tpu.memref_slice %arg2[%dma_wait3A_256, %dma_wait3A_257] : memref<100096x16xf32, #tpu.memory_space<hbm>> -> memref<128x16xf32, #tpu.memory_space<hbm>>
      tpu.wait_dma2 semaphore(%arg12 : memref<!tpu.dma_semaphore, #tpu.memory_space<semaphore_mem>>) src(%dma_wait3A_258 : memref<128x16xf32, #tpu.memory_space<hbm>>) dst(%dma_wait3A_255 : memref<128x16xf32, #tpu.memory_space<vmem>>)
      %dma_wait3A_259 = arith.constant 128 : i32
      %dma_wait3A_260 = arith.constant 0 : i32
      %dma_wait3A_261 = tpu.memref_slice %arg9[%dma_wait3A_259, %dma_wait3A_260] : memref<512x16xf32, #tpu.memory_space<vmem>> -> memref<128x16xf32, #tpu.memory_space<vmem>>
      %dma_wait3A_262 = arith.constant 0 : i32
      %dma_wait3A_263 = arith.constant 0 : i32
      %dma_wait3A_264 = tpu.memref_slice %arg2[%dma_wait3A_262, %dma_wait3A_263] : memref<100096x16xf32, #tpu.memory_space<hbm>> -> memref<128x16xf32, #tpu.memory_space<hbm>>
      %dma_wait3A_265 = arith.constant 128 : i32
      %dma_wait3A_266 = arith.constant 0 : i32
      %dma_wait3A_267 = tpu.memref_slice %arg9[%dma_wait3A_265, %dma_wait3A_266] : memref<512x16xf32, #tpu.memory_space<vmem>> -> memref<128x16xf32, #tpu.memory_space<vmem>>
      %dma_wait3A_268 = arith.constant 0 : i32
      %dma_wait3A_269 = arith.constant 0 : i32
      %dma_wait3A_270 = tpu.memref_slice %arg2[%dma_wait3A_268, %dma_wait3A_269] : memref<100096x16xf32, #tpu.memory_space<hbm>> -> memref<128x16xf32, #tpu.memory_space<hbm>>
      tpu.wait_dma2 semaphore(%arg12 : memref<!tpu.dma_semaphore, #tpu.memory_space<semaphore_mem>>) src(%dma_wait3A_270 : memref<128x16xf32, #tpu.memory_space<hbm>>) dst(%dma_wait3A_267 : memref<128x16xf32, #tpu.memory_space<vmem>>)
      %dma_wait3A_271 = arith.constant 256 : i32
      %dma_wait3A_272 = arith.constant 0 : i32
      %dma_wait3A_273 = tpu.memref_slice %arg9[%dma_wait3A_271, %dma_wait3A_272] : memref<512x16xf32, #tpu.memory_space<vmem>> -> memref<128x16xf32, #tpu.memory_space<vmem>>
      %dma_wait3A_274 = arith.constant 0 : i32
      %dma_wait3A_275 = arith.constant 0 : i32
      %dma_wait3A_276 = tpu.memref_slice %arg2[%dma_wait3A_274, %dma_wait3A_275] : memref<100096x16xf32, #tpu.memory_space<hbm>> -> memref<128x16xf32, #tpu.memory_space<hbm>>
      %dma_wait3A_277 = arith.constant 256 : i32
      %dma_wait3A_278 = arith.constant 0 : i32
      %dma_wait3A_279 = tpu.memref_slice %arg9[%dma_wait3A_277, %dma_wait3A_278] : memref<512x16xf32, #tpu.memory_space<vmem>> -> memref<128x16xf32, #tpu.memory_space<vmem>>
      %dma_wait3A_280 = arith.constant 0 : i32
      %dma_wait3A_281 = arith.constant 0 : i32
      %dma_wait3A_282 = tpu.memref_slice %arg2[%dma_wait3A_280, %dma_wait3A_281] : memref<100096x16xf32, #tpu.memory_space<hbm>> -> memref<128x16xf32, #tpu.memory_space<hbm>>
      tpu.wait_dma2 semaphore(%arg12 : memref<!tpu.dma_semaphore, #tpu.memory_space<semaphore_mem>>) src(%dma_wait3A_282 : memref<128x16xf32, #tpu.memory_space<hbm>>) dst(%dma_wait3A_279 : memref<128x16xf32, #tpu.memory_space<vmem>>)
      %dma_wait3A_283 = arith.constant 384 : i32
      %dma_wait3A_284 = arith.constant 0 : i32
      %dma_wait3A_285 = tpu.memref_slice %arg9[%dma_wait3A_283, %dma_wait3A_284] : memref<512x16xf32, #tpu.memory_space<vmem>> -> memref<128x16xf32, #tpu.memory_space<vmem>>
      %dma_wait3A_286 = arith.constant 0 : i32
      %dma_wait3A_287 = arith.constant 0 : i32
      %dma_wait3A_288 = tpu.memref_slice %arg2[%dma_wait3A_286, %dma_wait3A_287] : memref<100096x16xf32, #tpu.memory_space<hbm>> -> memref<128x16xf32, #tpu.memory_space<hbm>>
      %dma_wait3A_289 = arith.constant 384 : i32
      %dma_wait3A_290 = arith.constant 0 : i32
      %dma_wait3A_291 = tpu.memref_slice %arg9[%dma_wait3A_289, %dma_wait3A_290] : memref<512x16xf32, #tpu.memory_space<vmem>> -> memref<128x16xf32, #tpu.memory_space<vmem>>
      %dma_wait3A_292 = arith.constant 0 : i32
      %dma_wait3A_293 = arith.constant 0 : i32
      %dma_wait3A_294 = tpu.memref_slice %arg2[%dma_wait3A_292, %dma_wait3A_293] : memref<100096x16xf32, #tpu.memory_space<hbm>> -> memref<128x16xf32, #tpu.memory_space<hbm>>
      tpu.wait_dma2 semaphore(%arg12 : memref<!tpu.dma_semaphore, #tpu.memory_space<semaphore_mem>>) src(%dma_wait3A_294 : memref<128x16xf32, #tpu.memory_space<hbm>>) dst(%dma_wait3A_291 : memref<128x16xf32, #tpu.memory_space<vmem>>)
      %dma_wait3A_295 = arith.constant 0 : i32
      %dma_wait3A_296 = arith.constant 0 : i32
      %dma_wait3A_297 = tpu.memref_slice %arg3[%mul3A_4, %dma_wait3A_295, %dma_wait3A_296] : memref<25096x2x128xi32, #tpu.memory_space<hbm>> -> memref<4x2x128xi32, #tpu.memory_space<hbm>>
      %dma_wait3A_298 = arith.constant 0 : i32
      %dma_wait3A_299 = arith.constant 0 : i32
      %dma_wait3A_300 = tpu.memref_slice %arg3[%mul3A_4, %dma_wait3A_298, %dma_wait3A_299] : memref<25096x2x128xi32, #tpu.memory_space<hbm>> -> memref<4x2x128xi32, #tpu.memory_space<hbm>>
      tpu.wait_dma2 semaphore(%arg11 : memref<!tpu.dma_semaphore, #tpu.memory_space<semaphore_mem>>) src(%dma_wait3A_300 : memref<4x2x128xi32, #tpu.memory_space<hbm>>) dst(%arg6 : memref<4x2x128xi32, #tpu.memory_space<vmem>>)
      %dma_start3A_301 = arith.constant 0 : i32
      %dma_start3A_302 = arith.constant 0 : i32
      %dma_start3A_303 = arith.constant 0 : i32
      %dma_start3A_304 = arith.constant 0 : i32
      %dma_start3A_305 = tpu.memref_slice %arg8[%dma_start3A_303, %dma_start3A_304] : memref<512x16xf32, #tpu.memory_space<vmem>> -> memref<128x16xf32, #tpu.memory_space<vmem>>
      %dma_start3A_306 = arith.constant 0 : i32
      %dma_start3A_307 = tpu.memref_slice %arg6[%dma_start3A_301, %dma_start3A_302, %dma_start3A_306] : memref<4x2x128xi32, #tpu.memory_space<vmem>> -> memref<1x1x128xi32, #tpu.memory_space<vmem>>
      %dma_start3A_308 = tpu.memref_squeeze %dma_start3A_307 : memref<1x1x128xi32, #tpu.memory_space<vmem>> -> memref<128xi32, #tpu.memory_space<vmem>>
      %dma_start3A_309 = arith.constant 0 : i32
      %dma_start3A_310 = arith.constant 0 : i32
      %dma_start3A_311 = tpu.memref_slice %arg2[%dma_start3A_309, %dma_start3A_310] : memref<100096x16xf32, #tpu.memory_space<hbm>> -> memref<100096x16xf32, #tpu.memory_space<hbm>>
      tpu.enqueue_indirect_dma source(%dma_start3A_311 : memref<100096x16xf32, #tpu.memory_space<hbm>>) target(%dma_start3A_305 : memref<128x16xf32, #tpu.memory_space<vmem>>) offsets(%dma_start3A_308 : memref<128xi32, #tpu.memory_space<vmem>>) semaphore(%arg12 : memref<!tpu.dma_semaphore, #tpu.memory_space<semaphore_mem>>)
      %dma_start3A_312 = arith.constant 1 : i32
      %dma_start3A_313 = arith.constant 0 : i32
      %dma_start3A_314 = arith.constant 128 : i32
      %dma_start3A_315 = arith.constant 0 : i32
      %dma_start3A_316 = tpu.memref_slice %arg8[%dma_start3A_314, %dma_start3A_315] : memref<512x16xf32, #tpu.memory_space<vmem>> -> memref<128x16xf32, #tpu.memory_space<vmem>>
      %dma_start3A_317 = arith.constant 0 : i32
      %dma_start3A_318 = tpu.memref_slice %arg6[%dma_start3A_312, %dma_start3A_313, %dma_start3A_317] : memref<4x2x128xi32, #tpu.memory_space<vmem>> -> memref<1x1x128xi32, #tpu.memory_space<vmem>>
      %dma_start3A_319 = tpu.memref_squeeze %dma_start3A_318 : memref<1x1x128xi32, #tpu.memory_space<vmem>> -> memref<128xi32, #tpu.memory_space<vmem>>
      %dma_start3A_320 = arith.constant 0 : i32
      %dma_start3A_321 = arith.constant 0 : i32
      %dma_start3A_322 = tpu.memref_slice %arg2[%dma_start3A_320, %dma_start3A_321] : memref<100096x16xf32, #tpu.memory_space<hbm>> -> memref<100096x16xf32, #tpu.memory_space<hbm>>
      tpu.enqueue_indirect_dma source(%dma_start3A_322 : memref<100096x16xf32, #tpu.memory_space<hbm>>) target(%dma_start3A_316 : memref<128x16xf32, #tpu.memory_space<vmem>>) offsets(%dma_start3A_319 : memref<128xi32, #tpu.memory_space<vmem>>) semaphore(%arg12 : memref<!tpu.dma_semaphore, #tpu.memory_space<semaphore_mem>>)
      %dma_start3A_323 = arith.constant 2 : i32
      %dma_start3A_324 = arith.constant 0 : i32
      %dma_start3A_325 = arith.constant 256 : i32
      %dma_start3A_326 = arith.constant 0 : i32
      %dma_start3A_327 = tpu.memref_slice %arg8[%dma_start3A_325, %dma_start3A_326] : memref<512x16xf32, #tpu.memory_space<vmem>> -> memref<128x16xf32, #tpu.memory_space<vmem>>
      %dma_start3A_328 = arith.constant 0 : i32
      %dma_start3A_329 = tpu.memref_slice %arg6[%dma_start3A_323, %dma_start3A_324, %dma_start3A_328] : memref<4x2x128xi32, #tpu.memory_space<vmem>> -> memref<1x1x128xi32, #tpu.memory_space<vmem>>
      %dma_start3A_330 = tpu.memref_squeeze %dma_start3A_329 : memref<1x1x128xi32, #tpu.memory_space<vmem>> -> memref<128xi32, #tpu.memory_space<vmem>>
      %dma_start3A_331 = arith.constant 0 : i32
      %dma_start3A_332 = arith.constant 0 : i32
      %dma_start3A_333 = tpu.memref_slice %arg2[%dma_start3A_331, %dma_start3A_332] : memref<100096x16xf32, #tpu.memory_space<hbm>> -> memref<100096x16xf32, #tpu.memory_space<hbm>>
      tpu.enqueue_indirect_dma source(%dma_start3A_333 : memref<100096x16xf32, #tpu.memory_space<hbm>>) target(%dma_start3A_327 : memref<128x16xf32, #tpu.memory_space<vmem>>) offsets(%dma_start3A_330 : memref<128xi32, #tpu.memory_space<vmem>>) semaphore(%arg12 : memref<!tpu.dma_semaphore, #tpu.memory_space<semaphore_mem>>)
      %dma_start3A_334 = arith.constant 3 : i32
      %dma_start3A_335 = arith.constant 0 : i32
      %dma_start3A_336 = arith.constant 384 : i32
      %dma_start3A_337 = arith.constant 0 : i32
      %dma_start3A_338 = tpu.memref_slice %arg8[%dma_start3A_336, %dma_start3A_337] : memref<512x16xf32, #tpu.memory_space<vmem>> -> memref<128x16xf32, #tpu.memory_space<vmem>>
      %dma_start3A_339 = arith.constant 0 : i32
      %dma_start3A_340 = tpu.memref_slice %arg6[%dma_start3A_334, %dma_start3A_335, %dma_start3A_339] : memref<4x2x128xi32, #tpu.memory_space<vmem>> -> memref<1x1x128xi32, #tpu.memory_space<vmem>>
      %dma_start3A_341 = tpu.memref_squeeze %dma_start3A_340 : memref<1x1x128xi32, #tpu.memory_space<vmem>> -> memref<128xi32, #tpu.memory_space<vmem>>
      %dma_start3A_342 = arith.constant 0 : i32
      %dma_start3A_343 = arith.constant 0 : i32
      %dma_start3A_344 = tpu.memref_slice %arg2[%dma_start3A_342, %dma_start3A_343] : memref<100096x16xf32, #tpu.memory_space<hbm>> -> memref<100096x16xf32, #tpu.memory_space<hbm>>
      tpu.enqueue_indirect_dma source(%dma_start3A_344 : memref<100096x16xf32, #tpu.memory_space<hbm>>) target(%dma_start3A_338 : memref<128x16xf32, #tpu.memory_space<vmem>>) offsets(%dma_start3A_341 : memref<128xi32, #tpu.memory_space<vmem>>) semaphore(%arg12 : memref<!tpu.dma_semaphore, #tpu.memory_space<semaphore_mem>>)
      %run_scoped3A_345 = arith.constant 0 : i32
      %run_scoped3A_346 = arith.constant 1 : i32
      "tpu.region"() ({
        %run_scoped3A_364 = tpu.sem_alloc : memref<!tpu.dma_semaphore, #tpu.memory_space<semaphore_mem>>
        %dma_start3A_365 = arith.constant 0 : i32
        %dma_start3A_366 = arith.constant 0 : i32
        %dma_start3A_367 = tpu.memref_slice %arg9[%dma_start3A_365, %dma_start3A_366] : memref<512x16xf32, #tpu.memory_space<vmem>> -> memref<128x16xf32, #tpu.memory_space<vmem>>
        %dma_start3A_368 = arith.constant 0 : i32
        %dma_start3A_369 = tpu.memref_slice %arg7[%run_scoped3A_345, %run_scoped3A_346, %dma_start3A_368] : memref<4x2x128xi32, #tpu.memory_space<vmem>> -> memref<1x1x128xi32, #tpu.memory_space<vmem>>
        %dma_start3A_370 = tpu.memref_squeeze %dma_start3A_369 : memref<1x1x128xi32, #tpu.memory_space<vmem>> -> memref<128xi32, #tpu.memory_space<vmem>>
        %dma_start3A_371 = arith.constant 0 : i32
        %dma_start3A_372 = arith.constant 0 : i32
        %dma_start3A_373 = tpu.memref_slice %arg10[%dma_start3A_371, %dma_start3A_372] : memref<100096x16xf32, #tpu.memory_space<vmem_shared>> -> memref<100096x16xf32, #tpu.memory_space<vmem_shared>>
        tpu.enqueue_indirect_dma source(%dma_start3A_367 : memref<128x16xf32, #tpu.memory_space<vmem>>) target(%dma_start3A_373 : memref<100096x16xf32, #tpu.memory_space<vmem_shared>>) offsets(%dma_start3A_370 : memref<128xi32, #tpu.memory_space<vmem>>) semaphore(%run_scoped3A_364 : memref<!tpu.dma_semaphore, #tpu.memory_space<semaphore_mem>>) {add = true}
        %dma_wait3A_374 = arith.constant 0 : i32
        %dma_wait3A_375 = arith.constant 0 : i32
        %dma_wait3A_376 = tpu.memref_slice %arg9[%dma_wait3A_374, %dma_wait3A_375] : memref<512x16xf32, #tpu.memory_space<vmem>> -> memref<128x16xf32, #tpu.memory_space<vmem>>
        %dma_wait3A_377 = arith.constant 0 : i32
        %dma_wait3A_378 = tpu.memref_slice %arg7[%run_scoped3A_345, %run_scoped3A_346, %dma_wait3A_377] : memref<4x2x128xi32, #tpu.memory_space<vmem>> -> memref<1x1x128xi32, #tpu.memory_space<vmem>>
        %dma_wait3A_379 = tpu.memref_squeeze %dma_wait3A_378 : memref<1x1x128xi32, #tpu.memory_space<vmem>> -> memref<128xi32, #tpu.memory_space<vmem>>
        %dma_wait3A_380 = arith.constant 0 : i32
        %dma_wait3A_381 = arith.constant 0 : i32
        %dma_wait3A_382 = tpu.memref_slice %arg10[%dma_wait3A_380, %dma_wait3A_381] : memref<100096x16xf32, #tpu.memory_space<vmem_shared>> -> memref<100096x16xf32, #tpu.memory_space<vmem_shared>>
        tpu.wait_indirect_dma semaphore(%run_scoped3A_364 : memref<!tpu.dma_semaphore, #tpu.memory_space<semaphore_mem>>) src(%dma_wait3A_376 : memref<128x16xf32, #tpu.memory_space<vmem>>) dst(%dma_wait3A_382 : memref<100096x16xf32, #tpu.memory_space<vmem_shared>>)
        tpu.yield
      }) : () -> ()
      %run_scoped3A_347 = arith.constant 1 : i32
      %run_scoped3A_348 = arith.constant 1 : i32
      "tpu.region"() ({
        %run_scoped3A_364 = tpu.sem_alloc : memref<!tpu.dma_semaphore, #tpu.memory_space<semaphore_mem>>
        %dma_start3A_365 = arith.constant 128 : i32
        %dma_start3A_366 = arith.constant 0 : i32
        %dma_start3A_367 = tpu.memref_slice %arg9[%dma_start3A_365, %dma_start3A_366] : memref<512x16xf32, #tpu.memory_space<vmem>> -> memref<128x16xf32, #tpu.memory_space<vmem>>
        %dma_start3A_368 = arith.constant 0 : i32
        %dma_start3A_369 = tpu.memref_slice %arg7[%run_scoped3A_347, %run_scoped3A_348, %dma_start3A_368] : memref<4x2x128xi32, #tpu.memory_space<vmem>> -> memref<1x1x128xi32, #tpu.memory_space<vmem>>
        %dma_start3A_370 = tpu.memref_squeeze %dma_start3A_369 : memref<1x1x128xi32, #tpu.memory_space<vmem>> -> memref<128xi32, #tpu.memory_space<vmem>>
        %dma_start3A_371 = arith.constant 0 : i32
        %dma_start3A_372 = arith.constant 0 : i32
        %dma_start3A_373 = tpu.memref_slice %arg10[%dma_start3A_371, %dma_start3A_372] : memref<100096x16xf32, #tpu.memory_space<vmem_shared>> -> memref<100096x16xf32, #tpu.memory_space<vmem_shared>>
        tpu.enqueue_indirect_dma source(%dma_start3A_367 : memref<128x16xf32, #tpu.memory_space<vmem>>) target(%dma_start3A_373 : memref<100096x16xf32, #tpu.memory_space<vmem_shared>>) offsets(%dma_start3A_370 : memref<128xi32, #tpu.memory_space<vmem>>) semaphore(%run_scoped3A_364 : memref<!tpu.dma_semaphore, #tpu.memory_space<semaphore_mem>>) {add = true}
        %dma_wait3A_374 = arith.constant 128 : i32
        %dma_wait3A_375 = arith.constant 0 : i32
        %dma_wait3A_376 = tpu.memref_slice %arg9[%dma_wait3A_374, %dma_wait3A_375] : memref<512x16xf32, #tpu.memory_space<vmem>> -> memref<128x16xf32, #tpu.memory_space<vmem>>
        %dma_wait3A_377 = arith.constant 0 : i32
        %dma_wait3A_378 = tpu.memref_slice %arg7[%run_scoped3A_347, %run_scoped3A_348, %dma_wait3A_377] : memref<4x2x128xi32, #tpu.memory_space<vmem>> -> memref<1x1x128xi32, #tpu.memory_space<vmem>>
        %dma_wait3A_379 = tpu.memref_squeeze %dma_wait3A_378 : memref<1x1x128xi32, #tpu.memory_space<vmem>> -> memref<128xi32, #tpu.memory_space<vmem>>
        %dma_wait3A_380 = arith.constant 0 : i32
        %dma_wait3A_381 = arith.constant 0 : i32
        %dma_wait3A_382 = tpu.memref_slice %arg10[%dma_wait3A_380, %dma_wait3A_381] : memref<100096x16xf32, #tpu.memory_space<vmem_shared>> -> memref<100096x16xf32, #tpu.memory_space<vmem_shared>>
        tpu.wait_indirect_dma semaphore(%run_scoped3A_364 : memref<!tpu.dma_semaphore, #tpu.memory_space<semaphore_mem>>) src(%dma_wait3A_376 : memref<128x16xf32, #tpu.memory_space<vmem>>) dst(%dma_wait3A_382 : memref<100096x16xf32, #tpu.memory_space<vmem_shared>>)
        tpu.yield
      }) : () -> ()
      %run_scoped3A_349 = arith.constant 2 : i32
      %run_scoped3A_350 = arith.constant 1 : i32
      "tpu.region"() ({
        %run_scoped3A_364 = tpu.sem_alloc : memref<!tpu.dma_semaphore, #tpu.memory_space<semaphore_mem>>
        %dma_start3A_365 = arith.constant 256 : i32
        %dma_start3A_366 = arith.constant 0 : i32
        %dma_start3A_367 = tpu.memref_slice %arg9[%dma_start3A_365, %dma_start3A_366] : memref<512x16xf32, #tpu.memory_space<vmem>> -> memref<128x16xf32, #tpu.memory_space<vmem>>
        %dma_start3A_368 = arith.constant 0 : i32
        %dma_start3A_369 = tpu.memref_slice %arg7[%run_scoped3A_349, %run_scoped3A_350, %dma_start3A_368] : memref<4x2x128xi32, #tpu.memory_space<vmem>> -> memref<1x1x128xi32, #tpu.memory_space<vmem>>
        %dma_start3A_370 = tpu.memref_squeeze %dma_start3A_369 : memref<1x1x128xi32, #tpu.memory_space<vmem>> -> memref<128xi32, #tpu.memory_space<vmem>>
        %dma_start3A_371 = arith.constant 0 : i32
        %dma_start3A_372 = arith.constant 0 : i32
        %dma_start3A_373 = tpu.memref_slice %arg10[%dma_start3A_371, %dma_start3A_372] : memref<100096x16xf32, #tpu.memory_space<vmem_shared>> -> memref<100096x16xf32, #tpu.memory_space<vmem_shared>>
        tpu.enqueue_indirect_dma source(%dma_start3A_367 : memref<128x16xf32, #tpu.memory_space<vmem>>) target(%dma_start3A_373 : memref<100096x16xf32, #tpu.memory_space<vmem_shared>>) offsets(%dma_start3A_370 : memref<128xi32, #tpu.memory_space<vmem>>) semaphore(%run_scoped3A_364 : memref<!tpu.dma_semaphore, #tpu.memory_space<semaphore_mem>>) {add = true}
        %dma_wait3A_374 = arith.constant 256 : i32
        %dma_wait3A_375 = arith.constant 0 : i32
        %dma_wait3A_376 = tpu.memref_slice %arg9[%dma_wait3A_374, %dma_wait3A_375] : memref<512x16xf32, #tpu.memory_space<vmem>> -> memref<128x16xf32, #tpu.memory_space<vmem>>
        %dma_wait3A_377 = arith.constant 0 : i32
        %dma_wait3A_378 = tpu.memref_slice %arg7[%run_scoped3A_349, %run_scoped3A_350, %dma_wait3A_377] : memref<4x2x128xi32, #tpu.memory_space<vmem>> -> memref<1x1x128xi32, #tpu.memory_space<vmem>>
        %dma_wait3A_379 = tpu.memref_squeeze %dma_wait3A_378 : memref<1x1x128xi32, #tpu.memory_space<vmem>> -> memref<128xi32, #tpu.memory_space<vmem>>
        %dma_wait3A_380 = arith.constant 0 : i32
        %dma_wait3A_381 = arith.constant 0 : i32
        %dma_wait3A_382 = tpu.memref_slice %arg10[%dma_wait3A_380, %dma_wait3A_381] : memref<100096x16xf32, #tpu.memory_space<vmem_shared>> -> memref<100096x16xf32, #tpu.memory_space<vmem_shared>>
        tpu.wait_indirect_dma semaphore(%run_scoped3A_364 : memref<!tpu.dma_semaphore, #tpu.memory_space<semaphore_mem>>) src(%dma_wait3A_376 : memref<128x16xf32, #tpu.memory_space<vmem>>) dst(%dma_wait3A_382 : memref<100096x16xf32, #tpu.memory_space<vmem_shared>>)
        tpu.yield
      }) : () -> ()
      %run_scoped3A_351 = arith.constant 3 : i32
      %run_scoped3A_352 = arith.constant 1 : i32
      "tpu.region"() ({
        %run_scoped3A_364 = tpu.sem_alloc : memref<!tpu.dma_semaphore, #tpu.memory_space<semaphore_mem>>
        %dma_start3A_365 = arith.constant 384 : i32
        %dma_start3A_366 = arith.constant 0 : i32
        %dma_start3A_367 = tpu.memref_slice %arg9[%dma_start3A_365, %dma_start3A_366] : memref<512x16xf32, #tpu.memory_space<vmem>> -> memref<128x16xf32, #tpu.memory_space<vmem>>
        %dma_start3A_368 = arith.constant 0 : i32
        %dma_start3A_369 = tpu.memref_slice %arg7[%run_scoped3A_351, %run_scoped3A_352, %dma_start3A_368] : memref<4x2x128xi32, #tpu.memory_space<vmem>> -> memref<1x1x128xi32, #tpu.memory_space<vmem>>
        %dma_start3A_370 = tpu.memref_squeeze %dma_start3A_369 : memref<1x1x128xi32, #tpu.memory_space<vmem>> -> memref<128xi32, #tpu.memory_space<vmem>>
        %dma_start3A_371 = arith.constant 0 : i32
        %dma_start3A_372 = arith.constant 0 : i32
        %dma_start3A_373 = tpu.memref_slice %arg10[%dma_start3A_371, %dma_start3A_372] : memref<100096x16xf32, #tpu.memory_space<vmem_shared>> -> memref<100096x16xf32, #tpu.memory_space<vmem_shared>>
        tpu.enqueue_indirect_dma source(%dma_start3A_367 : memref<128x16xf32, #tpu.memory_space<vmem>>) target(%dma_start3A_373 : memref<100096x16xf32, #tpu.memory_space<vmem_shared>>) offsets(%dma_start3A_370 : memref<128xi32, #tpu.memory_space<vmem>>) semaphore(%run_scoped3A_364 : memref<!tpu.dma_semaphore, #tpu.memory_space<semaphore_mem>>) {add = true}
        %dma_wait3A_374 = arith.constant 384 : i32
        %dma_wait3A_375 = arith.constant 0 : i32
        %dma_wait3A_376 = tpu.memref_slice %arg9[%dma_wait3A_374, %dma_wait3A_375] : memref<512x16xf32, #tpu.memory_space<vmem>> -> memref<128x16xf32, #tpu.memory_space<vmem>>
        %dma_wait3A_377 = arith.constant 0 : i32
        %dma_wait3A_378 = tpu.memref_slice %arg7[%run_scoped3A_351, %run_scoped3A_352, %dma_wait3A_377] : memref<4x2x128xi32, #tpu.memory_space<vmem>> -> memref<1x1x128xi32, #tpu.memory_space<vmem>>
        %dma_wait3A_379 = tpu.memref_squeeze %dma_wait3A_378 : memref<1x1x128xi32, #tpu.memory_space<vmem>> -> memref<128xi32, #tpu.memory_space<vmem>>
        %dma_wait3A_380 = arith.constant 0 : i32
        %dma_wait3A_381 = arith.constant 0 : i32
        %dma_wait3A_382 = tpu.memref_slice %arg10[%dma_wait3A_380, %dma_wait3A_381] : memref<100096x16xf32, #tpu.memory_space<vmem_shared>> -> memref<100096x16xf32, #tpu.memory_space<vmem_shared>>
        tpu.wait_indirect_dma semaphore(%run_scoped3A_364 : memref<!tpu.dma_semaphore, #tpu.memory_space<semaphore_mem>>) src(%dma_wait3A_376 : memref<128x16xf32, #tpu.memory_space<vmem>>) dst(%dma_wait3A_382 : memref<100096x16xf32, #tpu.memory_space<vmem_shared>>)
        tpu.yield
      }) : () -> ()
      %add3A_353 = arith.constant 2 : i32
      %add3A_354 = arith.addi %add3A_246, %add3A_353 : i32
      %mul3A_355 = arith.constant 4 : i32
      %mul3A_356 = arith.muli %add3A_354, %mul3A_355 : i32
      %add3A_357 = arith.addi %mul3A_4, %mul3A_356 : i32
      %dma_start3A_358 = arith.constant 0 : i32
      %dma_start3A_359 = arith.constant 0 : i32
      %dma_start3A_360 = tpu.memref_slice %arg3[%add3A_357, %dma_start3A_358, %dma_start3A_359] : memref<25096x2x128xi32, #tpu.memory_space<hbm>> -> memref<4x2x128xi32, #tpu.memory_space<hbm>>
      %dma_start3A_361 = arith.constant 0 : i32
      %dma_start3A_362 = arith.constant 0 : i32
      %dma_start3A_363 = tpu.memref_slice %arg3[%add3A_357, %dma_start3A_361, %dma_start3A_362] : memref<25096x2x128xi32, #tpu.memory_space<hbm>> -> memref<4x2x128xi32, #tpu.memory_space<hbm>>
      tpu.enqueue_dma source(%dma_start3A_363 : memref<4x2x128xi32, #tpu.memory_space<hbm>>) target(%arg7 : memref<4x2x128xi32, #tpu.memory_space<vmem>>) target_semaphore(%arg11 : memref<!tpu.dma_semaphore, #tpu.memory_space<semaphore_mem>>)
    }
    %scan3A_59 = arith.constant 98 : i32
    %dma_wait3A = arith.constant 0 : i32
    %dma_wait3A_60 = arith.constant 0 : i32
    %dma_wait3A_61 = tpu.memref_slice %arg8[%dma_wait3A, %dma_wait3A_60] : memref<512x16xf32, #tpu.memory_space<vmem>> -> memref<128x16xf32, #tpu.memory_space<vmem>>
    %dma_wait3A_62 = arith.constant 0 : i32
    %dma_wait3A_63 = arith.constant 0 : i32
    %dma_wait3A_64 = tpu.memref_slice %arg2[%dma_wait3A_62, %dma_wait3A_63] : memref<100096x16xf32, #tpu.memory_space<hbm>> -> memref<128x16xf32, #tpu.memory_space<hbm>>
    %dma_wait3A_65 = arith.constant 0 : i32
    %dma_wait3A_66 = arith.constant 0 : i32
    %dma_wait3A_67 = tpu.memref_slice %arg8[%dma_wait3A_65, %dma_wait3A_66] : memref<512x16xf32, #tpu.memory_space<vmem>> -> memref<128x16xf32, #tpu.memory_space<vmem>>
    %dma_wait3A_68 = arith.constant 0 : i32
    %dma_wait3A_69 = arith.constant 0 : i32
    %dma_wait3A_70 = tpu.memref_slice %arg2[%dma_wait3A_68, %dma_wait3A_69] : memref<100096x16xf32, #tpu.memory_space<hbm>> -> memref<128x16xf32, #tpu.memory_space<hbm>>
    tpu.wait_dma2 semaphore(%arg12 : memref<!tpu.dma_semaphore, #tpu.memory_space<semaphore_mem>>) src(%dma_wait3A_70 : memref<128x16xf32, #tpu.memory_space<hbm>>) dst(%dma_wait3A_67 : memref<128x16xf32, #tpu.memory_space<vmem>>)
    %dma_wait3A_71 = arith.constant 128 : i32
    %dma_wait3A_72 = arith.constant 0 : i32
    %dma_wait3A_73 = tpu.memref_slice %arg8[%dma_wait3A_71, %dma_wait3A_72] : memref<512x16xf32, #tpu.memory_space<vmem>> -> memref<128x16xf32, #tpu.memory_space<vmem>>
    %dma_wait3A_74 = arith.constant 0 : i32
    %dma_wait3A_75 = arith.constant 0 : i32
    %dma_wait3A_76 = tpu.memref_slice %arg2[%dma_wait3A_74, %dma_wait3A_75] : memref<100096x16xf32, #tpu.memory_space<hbm>> -> memref<128x16xf32, #tpu.memory_space<hbm>>
    %dma_wait3A_77 = arith.constant 128 : i32
    %dma_wait3A_78 = arith.constant 0 : i32
    %dma_wait3A_79 = tpu.memref_slice %arg8[%dma_wait3A_77, %dma_wait3A_78] : memref<512x16xf32, #tpu.memory_space<vmem>> -> memref<128x16xf32, #tpu.memory_space<vmem>>
    %dma_wait3A_80 = arith.constant 0 : i32
    %dma_wait3A_81 = arith.constant 0 : i32
    %dma_wait3A_82 = tpu.memref_slice %arg2[%dma_wait3A_80, %dma_wait3A_81] : memref<100096x16xf32, #tpu.memory_space<hbm>> -> memref<128x16xf32, #tpu.memory_space<hbm>>
    tpu.wait_dma2 semaphore(%arg12 : memref<!tpu.dma_semaphore, #tpu.memory_space<semaphore_mem>>) src(%dma_wait3A_82 : memref<128x16xf32, #tpu.memory_space<hbm>>) dst(%dma_wait3A_79 : memref<128x16xf32, #tpu.memory_space<vmem>>)
    %dma_wait3A_83 = arith.constant 256 : i32
    %dma_wait3A_84 = arith.constant 0 : i32
    %dma_wait3A_85 = tpu.memref_slice %arg8[%dma_wait3A_83, %dma_wait3A_84] : memref<512x16xf32, #tpu.memory_space<vmem>> -> memref<128x16xf32, #tpu.memory_space<vmem>>
    %dma_wait3A_86 = arith.constant 0 : i32
    %dma_wait3A_87 = arith.constant 0 : i32
    %dma_wait3A_88 = tpu.memref_slice %arg2[%dma_wait3A_86, %dma_wait3A_87] : memref<100096x16xf32, #tpu.memory_space<hbm>> -> memref<128x16xf32, #tpu.memory_space<hbm>>
    %dma_wait3A_89 = arith.constant 256 : i32
    %dma_wait3A_90 = arith.constant 0 : i32
    %dma_wait3A_91 = tpu.memref_slice %arg8[%dma_wait3A_89, %dma_wait3A_90] : memref<512x16xf32, #tpu.memory_space<vmem>> -> memref<128x16xf32, #tpu.memory_space<vmem>>
    %dma_wait3A_92 = arith.constant 0 : i32
    %dma_wait3A_93 = arith.constant 0 : i32
    %dma_wait3A_94 = tpu.memref_slice %arg2[%dma_wait3A_92, %dma_wait3A_93] : memref<100096x16xf32, #tpu.memory_space<hbm>> -> memref<128x16xf32, #tpu.memory_space<hbm>>
    tpu.wait_dma2 semaphore(%arg12 : memref<!tpu.dma_semaphore, #tpu.memory_space<semaphore_mem>>) src(%dma_wait3A_94 : memref<128x16xf32, #tpu.memory_space<hbm>>) dst(%dma_wait3A_91 : memref<128x16xf32, #tpu.memory_space<vmem>>)
    %dma_wait3A_95 = arith.constant 384 : i32
    %dma_wait3A_96 = arith.constant 0 : i32
    %dma_wait3A_97 = tpu.memref_slice %arg8[%dma_wait3A_95, %dma_wait3A_96] : memref<512x16xf32, #tpu.memory_space<vmem>> -> memref<128x16xf32, #tpu.memory_space<vmem>>
    %dma_wait3A_98 = arith.constant 0 : i32
    %dma_wait3A_99 = arith.constant 0 : i32
    %dma_wait3A_100 = tpu.memref_slice %arg2[%dma_wait3A_98, %dma_wait3A_99] : memref<100096x16xf32, #tpu.memory_space<hbm>> -> memref<128x16xf32, #tpu.memory_space<hbm>>
    %dma_wait3A_101 = arith.constant 384 : i32
    %dma_wait3A_102 = arith.constant 0 : i32
    %dma_wait3A_103 = tpu.memref_slice %arg8[%dma_wait3A_101, %dma_wait3A_102] : memref<512x16xf32, #tpu.memory_space<vmem>> -> memref<128x16xf32, #tpu.memory_space<vmem>>
    %dma_wait3A_104 = arith.constant 0 : i32
    %dma_wait3A_105 = arith.constant 0 : i32
    %dma_wait3A_106 = tpu.memref_slice %arg2[%dma_wait3A_104, %dma_wait3A_105] : memref<100096x16xf32, #tpu.memory_space<hbm>> -> memref<128x16xf32, #tpu.memory_space<hbm>>
    tpu.wait_dma2 semaphore(%arg12 : memref<!tpu.dma_semaphore, #tpu.memory_space<semaphore_mem>>) src(%dma_wait3A_106 : memref<128x16xf32, #tpu.memory_space<hbm>>) dst(%dma_wait3A_103 : memref<128x16xf32, #tpu.memory_space<vmem>>)
    %dma_wait3A_107 = arith.constant 0 : i32
    %dma_wait3A_108 = arith.constant 0 : i32
    %dma_wait3A_109 = tpu.memref_slice %arg3[%mul3A_4, %dma_wait3A_107, %dma_wait3A_108] : memref<25096x2x128xi32, #tpu.memory_space<hbm>> -> memref<4x2x128xi32, #tpu.memory_space<hbm>>
    %dma_wait3A_110 = arith.constant 0 : i32
    %dma_wait3A_111 = arith.constant 0 : i32
    %dma_wait3A_112 = tpu.memref_slice %arg3[%mul3A_4, %dma_wait3A_110, %dma_wait3A_111] : memref<25096x2x128xi32, #tpu.memory_space<hbm>> -> memref<4x2x128xi32, #tpu.memory_space<hbm>>
    tpu.wait_dma2 semaphore(%arg11 : memref<!tpu.dma_semaphore, #tpu.memory_space<semaphore_mem>>) src(%dma_wait3A_112 : memref<4x2x128xi32, #tpu.memory_space<hbm>>) dst(%arg6 : memref<4x2x128xi32, #tpu.memory_space<vmem>>)
    %barrier3A_113 = arith.constant 0 : index
    tpu.barrier barrier_id(%barrier3A_113)
    %mul3A_114 = arith.constant 6256 : i32
    %mul3A_115 = arith.muli %arg1, %mul3A_114 : i32
    %mul3A_116 = arith.constant 6256 : i32
    %mul3A_117 = arith.muli %arg1, %mul3A_116 : i32
    "tpu.region"() ({
      %run_scoped3A = tpu.sem_alloc : memref<!tpu.dma_semaphore, #tpu.memory_space<semaphore_mem>>
      %dma_start3A_118 = arith.constant 0 : i32
      %dma_start3A_119 = tpu.memref_slice %arg5[%arg0, %mul3A_117, %dma_start3A_118] : memref<2x100096x16xf32, #tpu.memory_space<hbm>> -> memref<1x6256x16xf32, #tpu.memory_space<hbm>>
      %dma_start3A_120 = tpu.memref_squeeze %dma_start3A_119 : memref<1x6256x16xf32, #tpu.memory_space<hbm>> -> memref<6256x16xf32, #tpu.memory_space<hbm>>
      %dma_start3A_121 = arith.constant 0 : i32
      %dma_start3A_122 = tpu.memref_slice %arg10[%mul3A_115, %dma_start3A_121] : memref<100096x16xf32, #tpu.memory_space<vmem_shared>> -> memref<6256x16xf32, #tpu.memory_space<vmem_shared>>
      tpu.enqueue_dma source(%dma_start3A_122 : memref<6256x16xf32, #tpu.memory_space<vmem_shared>>) target(%dma_start3A_120 : memref<6256x16xf32, #tpu.memory_space<hbm>>) target_semaphore(%run_scoped3A : memref<!tpu.dma_semaphore, #tpu.memory_space<semaphore_mem>>)
      %dma_wait3A_123 = arith.constant 0 : i32
      %dma_wait3A_124 = tpu.memref_slice %arg5[%arg0, %mul3A_117, %dma_wait3A_123] : memref<2x100096x16xf32, #tpu.memory_space<hbm>> -> memref<1x6256x16xf32, #tpu.memory_space<hbm>>
      %dma_wait3A_125 = tpu.memref_squeeze %dma_wait3A_124 : memref<1x6256x16xf32, #tpu.memory_space<hbm>> -> memref<6256x16xf32, #tpu.memory_space<hbm>>
      %dma_wait3A_126 = arith.constant 0 : i32
      %dma_wait3A_127 = tpu.memref_slice %arg10[%mul3A_115, %dma_wait3A_126] : memref<100096x16xf32, #tpu.memory_space<vmem_shared>> -> memref<6256x16xf32, #tpu.memory_space<vmem_shared>>
      tpu.wait_dma2 semaphore(%run_scoped3A : memref<!tpu.dma_semaphore, #tpu.memory_space<semaphore_mem>>) src(%dma_wait3A_127 : memref<6256x16xf32, #tpu.memory_space<vmem_shared>>) dst(%dma_wait3A_125 : memref<6256x16xf32, #tpu.memory_space<hbm>>)
      tpu.yield
    }) : () -> ()
    return
  }
}

#map = affine_map<(d0, d1) -> (0, 0)>
#map1 = affine_map<(d0, d1) -> (0, 0, 0)>
module attributes {stable_mosaic.version = 14 : i64} {
  func.func @k(%arg0: i32, %arg1: i32, %arg2: memref<100096x16xf32, #tpu.memory_space<hbm>>, %arg3: memref<25096x2x128xi32, #tpu.memory_space<hbm>>, %arg4: memref<6256x16xf32, #tpu.memory_space<hbm>>, %arg5: memref<2x100096x16xf32, #tpu.memory_space<hbm>>, %arg6: memref<4x2x128xi32, #tpu.memory_space<vmem>>, %arg7: memref<4x2x128xi32, #tpu.memory_space<vmem>>, %arg8: memref<512x16xf32, #tpu.memory_space<vmem>>, %arg9: memref<512x16xf32, #tpu.memory_space<vmem>>, %arg10: memref<100096x16xf32, #tpu.memory_space<vmem_shared>>, %arg11: memref<!tpu.dma_semaphore, #tpu.memory_space<semaphore_mem>>, %arg12: memref<!tpu.dma_semaphore, #tpu.memory_space<semaphore_mem>>) attributes {dimension_semantics = [#tpu.dimension_semantics<core_parallel>, #tpu.dimension_semantics<subcore_parallel>], iteration_bounds = array<i64: 2, 16>, scalar_prefetch = 0 : i64, scratch_operands = 7 : i64, tpu.core_type = #tpu.core_type<sc_vector_subcore>, window_params = [{transform_indices = #map}, {transform_indices = #map1}, {transform_indices = #map}, {transform_indices = #map1}]} {
    %mul3A = arith.constant 2 : i32
    %mul3A_0 = arith.muli %arg1, %mul3A : i32
    %add3A = arith.addi %mul3A_0, %arg0 : i32
    %mul3A_1 = arith.constant 6256 : i32
    %mul3A_2 = arith.muli %arg1, %mul3A_1 : i32
    "tpu.region"() ({
      %run_scoped3A = tpu.sem_alloc : memref<!tpu.dma_semaphore, #tpu.memory_space<semaphore_mem>>
      %dma_start3A_118 = arith.constant 0 : i32
      %dma_start3A_119 = tpu.memref_slice %arg10[%mul3A_2, %dma_start3A_118] : memref<100096x16xf32, #tpu.memory_space<vmem_shared>> -> memref<6256x16xf32, #tpu.memory_space<vmem_shared>>
      tpu.enqueue_dma source(%arg4 : memref<6256x16xf32, #tpu.memory_space<hbm>>) target(%dma_start3A_119 : memref<6256x16xf32, #tpu.memory_space<vmem_shared>>) target_semaphore(%run_scoped3A : memref<!tpu.dma_semaphore, #tpu.memory_space<semaphore_mem>>)
      %dma_wait3A_120 = arith.constant 0 : i32
      %dma_wait3A_121 = tpu.memref_slice %arg10[%mul3A_2, %dma_wait3A_120] : memref<100096x16xf32, #tpu.memory_space<vmem_shared>> -> memref<6256x16xf32, #tpu.memory_space<vmem_shared>>
      tpu.wait_dma2 semaphore(%run_scoped3A : memref<!tpu.dma_semaphore, #tpu.memory_space<semaphore_mem>>) src(%arg4 : memref<6256x16xf32, #tpu.memory_space<hbm>>) dst(%dma_wait3A_121 : memref<6256x16xf32, #tpu.memory_space<vmem_shared>>)
      tpu.yield
    }) : () -> ()
    %barrier3A = arith.constant 0 : index
    tpu.barrier barrier_id(%barrier3A)
    %mul3A_3 = arith.constant 784 : i32
    %mul3A_4 = arith.muli %add3A, %mul3A_3 : i32
    "tpu.region"() ({
      %run_scoped3A = tpu.sem_alloc : memref<!tpu.dma_semaphore, #tpu.memory_space<semaphore_mem>>
      %dma_start3A_118 = arith.constant 0 : i32
      %dma_start3A_119 = arith.constant 0 : i32
      %dma_start3A_120 = tpu.memref_slice %arg3[%mul3A_4, %dma_start3A_118, %dma_start3A_119] : memref<25096x2x128xi32, #tpu.memory_space<hbm>> -> memref<4x2x128xi32, #tpu.memory_space<hbm>>
      %dma_start3A_121 = arith.constant 0 : i32
      %dma_start3A_122 = arith.constant 0 : i32
      %dma_start3A_123 = tpu.memref_slice %arg3[%mul3A_4, %dma_start3A_121, %dma_start3A_122] : memref<25096x2x128xi32, #tpu.memory_space<hbm>> -> memref<4x2x128xi32, #tpu.memory_space<hbm>>
      tpu.enqueue_dma source(%dma_start3A_123 : memref<4x2x128xi32, #tpu.memory_space<hbm>>) target(%arg6 : memref<4x2x128xi32, #tpu.memory_space<vmem>>) target_semaphore(%run_scoped3A : memref<!tpu.dma_semaphore, #tpu.memory_space<semaphore_mem>>)
      %dma_wait3A_124 = arith.constant 0 : i32
      %dma_wait3A_125 = arith.constant 0 : i32
      %dma_wait3A_126 = tpu.memref_slice %arg3[%mul3A_4, %dma_wait3A_124, %dma_wait3A_125] : memref<25096x2x128xi32, #tpu.memory_space<hbm>> -> memref<4x2x128xi32, #tpu.memory_space<hbm>>
      %dma_wait3A_127 = arith.constant 0 : i32
      %dma_wait3A_128 = arith.constant 0 : i32
      %dma_wait3A_129 = tpu.memref_slice %arg3[%mul3A_4, %dma_wait3A_127, %dma_wait3A_128] : memref<25096x2x128xi32, #tpu.memory_space<hbm>> -> memref<4x2x128xi32, #tpu.memory_space<hbm>>
      tpu.wait_dma2 semaphore(%run_scoped3A : memref<!tpu.dma_semaphore, #tpu.memory_space<semaphore_mem>>) src(%dma_wait3A_129 : memref<4x2x128xi32, #tpu.memory_space<hbm>>) dst(%arg6 : memref<4x2x128xi32, #tpu.memory_space<vmem>>)
      tpu.yield
    }) : () -> ()
    %add3A_5 = arith.constant 4 : i32
    %add3A_6 = arith.addi %mul3A_4, %add3A_5 : i32
    %dma_start3A = arith.constant 0 : i32
    %dma_start3A_7 = arith.constant 0 : i32
    %dma_start3A_8 = tpu.memref_slice %arg3[%add3A_6, %dma_start3A, %dma_start3A_7] : memref<25096x2x128xi32, #tpu.memory_space<hbm>> -> memref<4x2x128xi32, #tpu.memory_space<hbm>>
    %dma_start3A_9 = arith.constant 0 : i32
    %dma_start3A_10 = arith.constant 0 : i32
    %dma_start3A_11 = tpu.memref_slice %arg3[%add3A_6, %dma_start3A_9, %dma_start3A_10] : memref<25096x2x128xi32, #tpu.memory_space<hbm>> -> memref<4x2x128xi32, #tpu.memory_space<hbm>>
    tpu.enqueue_dma source(%dma_start3A_11 : memref<4x2x128xi32, #tpu.memory_space<hbm>>) target(%arg7 : memref<4x2x128xi32, #tpu.memory_space<vmem>>) target_semaphore(%arg11 : memref<!tpu.dma_semaphore, #tpu.memory_space<semaphore_mem>>)
    %dma_start3A_12 = arith.constant 0 : i32
    %dma_start3A_13 = arith.constant 0 : i32
    %dma_start3A_14 = arith.constant 0 : i32
    %dma_start3A_15 = arith.constant 0 : i32
    %dma_start3A_16 = tpu.memref_slice %arg8[%dma_start3A_14, %dma_start3A_15] : memref<512x16xf32, #tpu.memory_space<vmem>> -> memref<128x16xf32, #tpu.memory_space<vmem>>
    %dma_start3A_17 = arith.constant 0 : i32
    %dma_start3A_18 = tpu.memref_slice %arg6[%dma_start3A_12, %dma_start3A_13, %dma_start3A_17] : memref<4x2x128xi32, #tpu.memory_space<vmem>> -> memref<1x1x128xi32, #tpu.memory_space<vmem>>
    %dma_start3A_19 = tpu.memref_squeeze %dma_start3A_18 : memref<1x1x128xi32, #tpu.memory_space<vmem>> -> memref<128xi32, #tpu.memory_space<vmem>>
    %dma_start3A_20 = arith.constant 0 : i32
    %dma_start3A_21 = arith.constant 0 : i32
    %dma_start3A_22 = tpu.memref_slice %arg2[%dma_start3A_20, %dma_start3A_21] : memref<100096x16xf32, #tpu.memory_space<hbm>> -> memref<100096x16xf32, #tpu.memory_space<hbm>>
    tpu.enqueue_indirect_dma source(%dma_start3A_22 : memref<100096x16xf32, #tpu.memory_space<hbm>>) target(%dma_start3A_16 : memref<128x16xf32, #tpu.memory_space<vmem>>) offsets(%dma_start3A_19 : memref<128xi32, #tpu.memory_space<vmem>>) semaphore(%arg12 : memref<!tpu.dma_semaphore, #tpu.memory_space<semaphore_mem>>)
    %dma_start3A_23 = arith.constant 1 : i32
    %dma_start3A_24 = arith.constant 0 : i32
    %dma_start3A_25 = arith.constant 128 : i32
    %dma_start3A_26 = arith.constant 0 : i32
    %dma_start3A_27 = tpu.memref_slice %arg8[%dma_start3A_25, %dma_start3A_26] : memref<512x16xf32, #tpu.memory_space<vmem>> -> memref<128x16xf32, #tpu.memory_space<vmem>>
    %dma_start3A_28 = arith.constant 0 : i32
    %dma_start3A_29 = tpu.memref_slice %arg6[%dma_start3A_23, %dma_start3A_24, %dma_start3A_28] : memref<4x2x128xi32, #tpu.memory_space<vmem>> -> memref<1x1x128xi32, #tpu.memory_space<vmem>>
    %dma_start3A_30 = tpu.memref_squeeze %dma_start3A_29 : memref<1x1x128xi32, #tpu.memory_space<vmem>> -> memref<128xi32, #tpu.memory_space<vmem>>
    %dma_start3A_31 = arith.constant 0 : i32
    %dma_start3A_32 = arith.constant 0 : i32
    %dma_start3A_33 = tpu.memref_slice %arg2[%dma_start3A_31, %dma_start3A_32] : memref<100096x16xf32, #tpu.memory_space<hbm>> -> memref<100096x16xf32, #tpu.memory_space<hbm>>
    tpu.enqueue_indirect_dma source(%dma_start3A_33 : memref<100096x16xf32, #tpu.memory_space<hbm>>) target(%dma_start3A_27 : memref<128x16xf32, #tpu.memory_space<vmem>>) offsets(%dma_start3A_30 : memref<128xi32, #tpu.memory_space<vmem>>) semaphore(%arg12 : memref<!tpu.dma_semaphore, #tpu.memory_space<semaphore_mem>>)
    %dma_start3A_34 = arith.constant 2 : i32
    %dma_start3A_35 = arith.constant 0 : i32
    %dma_start3A_36 = arith.constant 256 : i32
    %dma_start3A_37 = arith.constant 0 : i32
    %dma_start3A_38 = tpu.memref_slice %arg8[%dma_start3A_36, %dma_start3A_37] : memref<512x16xf32, #tpu.memory_space<vmem>> -> memref<128x16xf32, #tpu.memory_space<vmem>>
    %dma_start3A_39 = arith.constant 0 : i32
    %dma_start3A_40 = tpu.memref_slice %arg6[%dma_start3A_34, %dma_start3A_35, %dma_start3A_39] : memref<4x2x128xi32, #tpu.memory_space<vmem>> -> memref<1x1x128xi32, #tpu.memory_space<vmem>>
    %dma_start3A_41 = tpu.memref_squeeze %dma_start3A_40 : memref<1x1x128xi32, #tpu.memory_space<vmem>> -> memref<128xi32, #tpu.memory_space<vmem>>
    %dma_start3A_42 = arith.constant 0 : i32
    %dma_start3A_43 = arith.constant 0 : i32
    %dma_start3A_44 = tpu.memref_slice %arg2[%dma_start3A_42, %dma_start3A_43] : memref<100096x16xf32, #tpu.memory_space<hbm>> -> memref<100096x16xf32, #tpu.memory_space<hbm>>
    tpu.enqueue_indirect_dma source(%dma_start3A_44 : memref<100096x16xf32, #tpu.memory_space<hbm>>) target(%dma_start3A_38 : memref<128x16xf32, #tpu.memory_space<vmem>>) offsets(%dma_start3A_41 : memref<128xi32, #tpu.memory_space<vmem>>) semaphore(%arg12 : memref<!tpu.dma_semaphore, #tpu.memory_space<semaphore_mem>>)
    %dma_start3A_45 = arith.constant 3 : i32
    %dma_start3A_46 = arith.constant 0 : i32
    %dma_start3A_47 = arith.constant 384 : i32
    %dma_start3A_48 = arith.constant 0 : i32
    %dma_start3A_49 = tpu.memref_slice %arg8[%dma_start3A_47, %dma_start3A_48] : memref<512x16xf32, #tpu.memory_space<vmem>> -> memref<128x16xf32, #tpu.memory_space<vmem>>
    %dma_start3A_50 = arith.constant 0 : i32
    %dma_start3A_51 = tpu.memref_slice %arg6[%dma_start3A_45, %dma_start3A_46, %dma_start3A_50] : memref<4x2x128xi32, #tpu.memory_space<vmem>> -> memref<1x1x128xi32, #tpu.memory_space<vmem>>
    %dma_start3A_52 = tpu.memref_squeeze %dma_start3A_51 : memref<1x1x128xi32, #tpu.memory_space<vmem>> -> memref<128xi32, #tpu.memory_space<vmem>>
    %dma_start3A_53 = arith.constant 0 : i32
    %dma_start3A_54 = arith.constant 0 : i32
    %dma_start3A_55 = tpu.memref_slice %arg2[%dma_start3A_53, %dma_start3A_54] : memref<100096x16xf32, #tpu.memory_space<hbm>> -> memref<100096x16xf32, #tpu.memory_space<hbm>>
    tpu.enqueue_indirect_dma source(%dma_start3A_55 : memref<100096x16xf32, #tpu.memory_space<hbm>>) target(%dma_start3A_49 : memref<128x16xf32, #tpu.memory_space<vmem>>) offsets(%dma_start3A_52 : memref<128xi32, #tpu.memory_space<vmem>>) semaphore(%arg12 : memref<!tpu.dma_semaphore, #tpu.memory_space<semaphore_mem>>)
    %scan3A = arith.constant 0 : i32
    %scan3A_56 = arith.constant 98 : i32
    %scan3A_57 = arith.addi %scan3A, %scan3A_56 : i32
    %scan3A_58 = arith.constant 1 : i32
    scf.for %scan3A_118 = %scan3A to %scan3A_57 step %scan3A_58  : i32 {
      %mul3A_119 = arith.constant 1 : i32
      %mul3A_120 = arith.muli %scan3A_118, %mul3A_119 : i32
      %add3A_121 = arith.constant 0 : i32
      %add3A_122 = arith.addi %add3A_121, %mul3A_120 : i32
      %mul3A_123 = arith.constant 2 : i32
      %mul3A_124 = arith.muli %add3A_122, %mul3A_123 : i32
      %add3A_125 = arith.constant 0 : i32
      %add3A_126 = arith.addi %mul3A_124, %add3A_125 : i32
      %dma_wait3A_127 = arith.constant 0 : i32
      %dma_wait3A_128 = arith.constant 0 : i32
      %dma_wait3A_129 = tpu.memref_slice %arg8[%dma_wait3A_127, %dma_wait3A_128] : memref<512x16xf32, #tpu.memory_space<vmem>> -> memref<128x16xf32, #tpu.memory_space<vmem>>
      %dma_wait3A_130 = arith.constant 0 : i32
      %dma_wait3A_131 = arith.constant 0 : i32
      %dma_wait3A_132 = tpu.memref_slice %arg2[%dma_wait3A_130, %dma_wait3A_131] : memref<100096x16xf32, #tpu.memory_space<hbm>> -> memref<128x16xf32, #tpu.memory_space<hbm>>
      %dma_wait3A_133 = arith.constant 0 : i32
      %dma_wait3A_134 = arith.constant 0 : i32
      %dma_wait3A_135 = tpu.memref_slice %arg8[%dma_wait3A_133, %dma_wait3A_134] : memref<512x16xf32, #tpu.memory_space<vmem>> -> memref<128x16xf32, #tpu.memory_space<vmem>>
      %dma_wait3A_136 = arith.constant 0 : i32
      %dma_wait3A_137 = arith.constant 0 : i32
      %dma_wait3A_138 = tpu.memref_slice %arg2[%dma_wait3A_136, %dma_wait3A_137] : memref<100096x16xf32, #tpu.memory_space<hbm>> -> memref<128x16xf32, #tpu.memory_space<hbm>>
      tpu.wait_dma2 semaphore(%arg12 : memref<!tpu.dma_semaphore, #tpu.memory_space<semaphore_mem>>) src(%dma_wait3A_138 : memref<128x16xf32, #tpu.memory_space<hbm>>) dst(%dma_wait3A_135 : memref<128x16xf32, #tpu.memory_space<vmem>>)
      %dma_wait3A_139 = arith.constant 128 : i32
      %dma_wait3A_140 = arith.constant 0 : i32
      %dma_wait3A_141 = tpu.memref_slice %arg8[%dma_wait3A_139, %dma_wait3A_140] : memref<512x16xf32, #tpu.memory_space<vmem>> -> memref<128x16xf32, #tpu.memory_space<vmem>>
      %dma_wait3A_142 = arith.constant 0 : i32
      %dma_wait3A_143 = arith.constant 0 : i32
      %dma_wait3A_144 = tpu.memref_slice %arg2[%dma_wait3A_142, %dma_wait3A_143] : memref<100096x16xf32, #tpu.memory_space<hbm>> -> memref<128x16xf32, #tpu.memory_space<hbm>>
      %dma_wait3A_145 = arith.constant 128 : i32
      %dma_wait3A_146 = arith.constant 0 : i32
      %dma_wait3A_147 = tpu.memref_slice %arg8[%dma_wait3A_145, %dma_wait3A_146] : memref<512x16xf32, #tpu.memory_space<vmem>> -> memref<128x16xf32, #tpu.memory_space<vmem>>
      %dma_wait3A_148 = arith.constant 0 : i32
      %dma_wait3A_149 = arith.constant 0 : i32
      %dma_wait3A_150 = tpu.memref_slice %arg2[%dma_wait3A_148, %dma_wait3A_149] : memref<100096x16xf32, #tpu.memory_space<hbm>> -> memref<128x16xf32, #tpu.memory_space<hbm>>
      tpu.wait_dma2 semaphore(%arg12 : memref<!tpu.dma_semaphore, #tpu.memory_space<semaphore_mem>>) src(%dma_wait3A_150 : memref<128x16xf32, #tpu.memory_space<hbm>>) dst(%dma_wait3A_147 : memref<128x16xf32, #tpu.memory_space<vmem>>)
      %dma_wait3A_151 = arith.constant 256 : i32
      %dma_wait3A_152 = arith.constant 0 : i32
      %dma_wait3A_153 = tpu.memref_slice %arg8[%dma_wait3A_151, %dma_wait3A_152] : memref<512x16xf32, #tpu.memory_space<vmem>> -> memref<128x16xf32, #tpu.memory_space<vmem>>
      %dma_wait3A_154 = arith.constant 0 : i32
      %dma_wait3A_155 = arith.constant 0 : i32
      %dma_wait3A_156 = tpu.memref_slice %arg2[%dma_wait3A_154, %dma_wait3A_155] : memref<100096x16xf32, #tpu.memory_space<hbm>> -> memref<128x16xf32, #tpu.memory_space<hbm>>
      %dma_wait3A_157 = arith.constant 256 : i32
      %dma_wait3A_158 = arith.constant 0 : i32
      %dma_wait3A_159 = tpu.memref_slice %arg8[%dma_wait3A_157, %dma_wait3A_158] : memref<512x16xf32, #tpu.memory_space<vmem>> -> memref<128x16xf32, #tpu.memory_space<vmem>>
      %dma_wait3A_160 = arith.constant 0 : i32
      %dma_wait3A_161 = arith.constant 0 : i32
      %dma_wait3A_162 = tpu.memref_slice %arg2[%dma_wait3A_160, %dma_wait3A_161] : memref<100096x16xf32, #tpu.memory_space<hbm>> -> memref<128x16xf32, #tpu.memory_space<hbm>>
      tpu.wait_dma2 semaphore(%arg12 : memref<!tpu.dma_semaphore, #tpu.memory_space<semaphore_mem>>) src(%dma_wait3A_162 : memref<128x16xf32, #tpu.memory_space<hbm>>) dst(%dma_wait3A_159 : memref<128x16xf32, #tpu.memory_space<vmem>>)
      %dma_wait3A_163 = arith.constant 384 : i32
      %dma_wait3A_164 = arith.constant 0 : i32
      %dma_wait3A_165 = tpu.memref_slice %arg8[%dma_wait3A_163, %dma_wait3A_164] : memref<512x16xf32, #tpu.memory_space<vmem>> -> memref<128x16xf32, #tpu.memory_space<vmem>>
      %dma_wait3A_166 = arith.constant 0 : i32
      %dma_wait3A_167 = arith.constant 0 : i32
      %dma_wait3A_168 = tpu.memref_slice %arg2[%dma_wait3A_166, %dma_wait3A_167] : memref<100096x16xf32, #tpu.memory_space<hbm>> -> memref<128x16xf32, #tpu.memory_space<hbm>>
      %dma_wait3A_169 = arith.constant 384 : i32
      %dma_wait3A_170 = arith.constant 0 : i32
      %dma_wait3A_171 = tpu.memref_slice %arg8[%dma_wait3A_169, %dma_wait3A_170] : memref<512x16xf32, #tpu.memory_space<vmem>> -> memref<128x16xf32, #tpu.memory_space<vmem>>
      %dma_wait3A_172 = arith.constant 0 : i32
      %dma_wait3A_173 = arith.constant 0 : i32
      %dma_wait3A_174 = tpu.memref_slice %arg2[%dma_wait3A_172, %dma_wait3A_173] : memref<100096x16xf32, #tpu.memory_space<hbm>> -> memref<128x16xf32, #tpu.memory_space<hbm>>
      tpu.wait_dma2 semaphore(%arg12 : memref<!tpu.dma_semaphore, #tpu.memory_space<semaphore_mem>>) src(%dma_wait3A_174 : memref<128x16xf32, #tpu.memory_space<hbm>>) dst(%dma_wait3A_171 : memref<128x16xf32, #tpu.memory_space<vmem>>)
      %dma_wait3A_175 = arith.constant 0 : i32
      %dma_wait3A_176 = arith.constant 0 : i32
      %dma_wait3A_177 = tpu.memref_slice %arg3[%mul3A_4, %dma_wait3A_175, %dma_wait3A_176] : memref<25096x2x128xi32, #tpu.memory_space<hbm>> -> memref<4x2x128xi32, #tpu.memory_space<hbm>>
      %dma_wait3A_178 = arith.constant 0 : i32
      %dma_wait3A_179 = arith.constant 0 : i32
      %dma_wait3A_180 = tpu.memref_slice %arg3[%mul3A_4, %dma_wait3A_178, %dma_wait3A_179] : memref<25096x2x128xi32, #tpu.memory_space<hbm>> -> memref<4x2x128xi32, #tpu.memory_space<hbm>>
      tpu.wait_dma2 semaphore(%arg11 : memref<!tpu.dma_semaphore, #tpu.memory_space<semaphore_mem>>) src(%dma_wait3A_180 : memref<4x2x128xi32, #tpu.memory_space<hbm>>) dst(%arg7 : memref<4x2x128xi32, #tpu.memory_space<vmem>>)
      %dma_start3A_181 = arith.constant 0 : i32
      %dma_start3A_182 = arith.constant 0 : i32
      %dma_start3A_183 = arith.constant 0 : i32
      %dma_start3A_184 = arith.constant 0 : i32
      %dma_start3A_185 = tpu.memref_slice %arg9[%dma_start3A_183, %dma_start3A_184] : memref<512x16xf32, #tpu.memory_space<vmem>> -> memref<128x16xf32, #tpu.memory_space<vmem>>
      %dma_start3A_186 = arith.constant 0 : i32
      %dma_start3A_187 = tpu.memref_slice %arg7[%dma_start3A_181, %dma_start3A_182, %dma_start3A_186] : memref<4x2x128xi32, #tpu.memory_space<vmem>> -> memref<1x1x128xi32, #tpu.memory_space<vmem>>
      %dma_start3A_188 = tpu.memref_squeeze %dma_start3A_187 : memref<1x1x128xi32, #tpu.memory_space<vmem>> -> memref<128xi32, #tpu.memory_space<vmem>>
      %dma_start3A_189 = arith.constant 0 : i32
      %dma_start3A_190 = arith.constant 0 : i32
      %dma_start3A_191 = tpu.memref_slice %arg2[%dma_start3A_189, %dma_start3A_190] : memref<100096x16xf32, #tpu.memory_space<hbm>> -> memref<100096x16xf32, #tpu.memory_space<hbm>>
      tpu.enqueue_indirect_dma source(%dma_start3A_191 : memref<100096x16xf32, #tpu.memory_space<hbm>>) target(%dma_start3A_185 : memref<128x16xf32, #tpu.memory_space<vmem>>) offsets(%dma_start3A_188 : memref<128xi32, #tpu.memory_space<vmem>>) semaphore(%arg12 : memref<!tpu.dma_semaphore, #tpu.memory_space<semaphore_mem>>)
      %dma_start3A_192 = arith.constant 1 : i32
      %dma_start3A_193 = arith.constant 0 : i32
      %dma_start3A_194 = arith.constant 128 : i32
      %dma_start3A_195 = arith.constant 0 : i32
      %dma_start3A_196 = tpu.memref_slice %arg9[%dma_start3A_194, %dma_start3A_195] : memref<512x16xf32, #tpu.memory_space<vmem>> -> memref<128x16xf32, #tpu.memory_space<vmem>>
      %dma_start3A_197 = arith.constant 0 : i32
      %dma_start3A_198 = tpu.memref_slice %arg7[%dma_start3A_192, %dma_start3A_193, %dma_start3A_197] : memref<4x2x128xi32, #tpu.memory_space<vmem>> -> memref<1x1x128xi32, #tpu.memory_space<vmem>>
      %dma_start3A_199 = tpu.memref_squeeze %dma_start3A_198 : memref<1x1x128xi32, #tpu.memory_space<vmem>> -> memref<128xi32, #tpu.memory_space<vmem>>
      %dma_start3A_200 = arith.constant 0 : i32
      %dma_start3A_201 = arith.constant 0 : i32
      %dma_start3A_202 = tpu.memref_slice %arg2[%dma_start3A_200, %dma_start3A_201] : memref<100096x16xf32, #tpu.memory_space<hbm>> -> memref<100096x16xf32, #tpu.memory_space<hbm>>
      tpu.enqueue_indirect_dma source(%dma_start3A_202 : memref<100096x16xf32, #tpu.memory_space<hbm>>) target(%dma_start3A_196 : memref<128x16xf32, #tpu.memory_space<vmem>>) offsets(%dma_start3A_199 : memref<128xi32, #tpu.memory_space<vmem>>) semaphore(%arg12 : memref<!tpu.dma_semaphore, #tpu.memory_space<semaphore_mem>>)
      %dma_start3A_203 = arith.constant 2 : i32
      %dma_start3A_204 = arith.constant 0 : i32
      %dma_start3A_205 = arith.constant 256 : i32
      %dma_start3A_206 = arith.constant 0 : i32
      %dma_start3A_207 = tpu.memref_slice %arg9[%dma_start3A_205, %dma_start3A_206] : memref<512x16xf32, #tpu.memory_space<vmem>> -> memref<128x16xf32, #tpu.memory_space<vmem>>
      %dma_start3A_208 = arith.constant 0 : i32
      %dma_start3A_209 = tpu.memref_slice %arg7[%dma_start3A_203, %dma_start3A_204, %dma_start3A_208] : memref<4x2x128xi32, #tpu.memory_space<vmem>> -> memref<1x1x128xi32, #tpu.memory_space<vmem>>
      %dma_start3A_210 = tpu.memref_squeeze %dma_start3A_209 : memref<1x1x128xi32, #tpu.memory_space<vmem>> -> memref<128xi32, #tpu.memory_space<vmem>>
      %dma_start3A_211 = arith.constant 0 : i32
      %dma_start3A_212 = arith.constant 0 : i32
      %dma_start3A_213 = tpu.memref_slice %arg2[%dma_start3A_211, %dma_start3A_212] : memref<100096x16xf32, #tpu.memory_space<hbm>> -> memref<100096x16xf32, #tpu.memory_space<hbm>>
      tpu.enqueue_indirect_dma source(%dma_start3A_213 : memref<100096x16xf32, #tpu.memory_space<hbm>>) target(%dma_start3A_207 : memref<128x16xf32, #tpu.memory_space<vmem>>) offsets(%dma_start3A_210 : memref<128xi32, #tpu.memory_space<vmem>>) semaphore(%arg12 : memref<!tpu.dma_semaphore, #tpu.memory_space<semaphore_mem>>)
      %dma_start3A_214 = arith.constant 3 : i32
      %dma_start3A_215 = arith.constant 0 : i32
      %dma_start3A_216 = arith.constant 384 : i32
      %dma_start3A_217 = arith.constant 0 : i32
      %dma_start3A_218 = tpu.memref_slice %arg9[%dma_start3A_216, %dma_start3A_217] : memref<512x16xf32, #tpu.memory_space<vmem>> -> memref<128x16xf32, #tpu.memory_space<vmem>>
      %dma_start3A_219 = arith.constant 0 : i32
      %dma_start3A_220 = tpu.memref_slice %arg7[%dma_start3A_214, %dma_start3A_215, %dma_start3A_219] : memref<4x2x128xi32, #tpu.memory_space<vmem>> -> memref<1x1x128xi32, #tpu.memory_space<vmem>>
      %dma_start3A_221 = tpu.memref_squeeze %dma_start3A_220 : memref<1x1x128xi32, #tpu.memory_space<vmem>> -> memref<128xi32, #tpu.memory_space<vmem>>
      %dma_start3A_222 = arith.constant 0 : i32
      %dma_start3A_223 = arith.constant 0 : i32
      %dma_start3A_224 = tpu.memref_slice %arg2[%dma_start3A_222, %dma_start3A_223] : memref<100096x16xf32, #tpu.memory_space<hbm>> -> memref<100096x16xf32, #tpu.memory_space<hbm>>
      tpu.enqueue_indirect_dma source(%dma_start3A_224 : memref<100096x16xf32, #tpu.memory_space<hbm>>) target(%dma_start3A_218 : memref<128x16xf32, #tpu.memory_space<vmem>>) offsets(%dma_start3A_221 : memref<128xi32, #tpu.memory_space<vmem>>) semaphore(%arg12 : memref<!tpu.dma_semaphore, #tpu.memory_space<semaphore_mem>>)
      %run_scoped3A = arith.constant 0 : i32
      %run_scoped3A_225 = arith.constant 1 : i32
      "tpu.region"() ({
        %run_scoped3A_364 = tpu.sem_alloc : memref<!tpu.dma_semaphore, #tpu.memory_space<semaphore_mem>>
        %dma_start3A_365 = arith.constant 0 : i32
        %dma_start3A_366 = arith.constant 0 : i32
        %dma_start3A_367 = tpu.memref_slice %arg8[%dma_start3A_365, %dma_start3A_366] : memref<512x16xf32, #tpu.memory_space<vmem>> -> memref<128x16xf32, #tpu.memory_space<vmem>>
        %dma_start3A_368 = arith.constant 0 : i32
        %dma_start3A_369 = tpu.memref_slice %arg6[%run_scoped3A, %run_scoped3A_225, %dma_start3A_368] : memref<4x2x128xi32, #tpu.memory_space<vmem>> -> memref<1x1x128xi32, #tpu.memory_space<vmem>>
        %dma_start3A_370 = tpu.memref_squeeze %dma_start3A_369 : memref<1x1x128xi32, #tpu.memory_space<vmem>> -> memref<128xi32, #tpu.memory_space<vmem>>
        %dma_start3A_371 = arith.constant 0 : i32
        %dma_start3A_372 = arith.constant 0 : i32
        %dma_start3A_373 = tpu.memref_slice %arg10[%dma_start3A_371, %dma_start3A_372] : memref<100096x16xf32, #tpu.memory_space<vmem_shared>> -> memref<100096x16xf32, #tpu.memory_space<vmem_shared>>
        tpu.enqueue_indirect_dma source(%dma_start3A_367 : memref<128x16xf32, #tpu.memory_space<vmem>>) target(%dma_start3A_373 : memref<100096x16xf32, #tpu.memory_space<vmem_shared>>) offsets(%dma_start3A_370 : memref<128xi32, #tpu.memory_space<vmem>>) semaphore(%run_scoped3A_364 : memref<!tpu.dma_semaphore, #tpu.memory_space<semaphore_mem>>) {add = true}
        %dma_wait3A_374 = arith.constant 0 : i32
        %dma_wait3A_375 = arith.constant 0 : i32
        %dma_wait3A_376 = tpu.memref_slice %arg8[%dma_wait3A_374, %dma_wait3A_375] : memref<512x16xf32, #tpu.memory_space<vmem>> -> memref<128x16xf32, #tpu.memory_space<vmem>>
        %dma_wait3A_377 = arith.constant 0 : i32
        %dma_wait3A_378 = tpu.memref_slice %arg6[%run_scoped3A, %run_scoped3A_225, %dma_wait3A_377] : memref<4x2x128xi32, #tpu.memory_space<vmem>> -> memref<1x1x128xi32, #tpu.memory_space<vmem>>
        %dma_wait3A_379 = tpu.memref_squeeze %dma_wait3A_378 : memref<1x1x128xi32, #tpu.memory_space<vmem>> -> memref<128xi32, #tpu.memory_space<vmem>>
        %dma_wait3A_380 = arith.constant 0 : i32
        %dma_wait3A_381 = arith.constant 0 : i32
        %dma_wait3A_382 = tpu.memref_slice %arg10[%dma_wait3A_380, %dma_wait3A_381] : memref<100096x16xf32, #tpu.memory_space<vmem_shared>> -> memref<100096x16xf32, #tpu.memory_space<vmem_shared>>
        tpu.wait_indirect_dma semaphore(%run_scoped3A_364 : memref<!tpu.dma_semaphore, #tpu.memory_space<semaphore_mem>>) src(%dma_wait3A_376 : memref<128x16xf32, #tpu.memory_space<vmem>>) dst(%dma_wait3A_382 : memref<100096x16xf32, #tpu.memory_space<vmem_shared>>)
        tpu.yield
      }) : () -> ()
      %run_scoped3A_226 = arith.constant 1 : i32
      %run_scoped3A_227 = arith.constant 1 : i32
      "tpu.region"() ({
        %run_scoped3A_364 = tpu.sem_alloc : memref<!tpu.dma_semaphore, #tpu.memory_space<semaphore_mem>>
        %dma_start3A_365 = arith.constant 128 : i32
        %dma_start3A_366 = arith.constant 0 : i32
        %dma_start3A_367 = tpu.memref_slice %arg8[%dma_start3A_365, %dma_start3A_366] : memref<512x16xf32, #tpu.memory_space<vmem>> -> memref<128x16xf32, #tpu.memory_space<vmem>>
        %dma_start3A_368 = arith.constant 0 : i32
        %dma_start3A_369 = tpu.memref_slice %arg6[%run_scoped3A_226, %run_scoped3A_227, %dma_start3A_368] : memref<4x2x128xi32, #tpu.memory_space<vmem>> -> memref<1x1x128xi32, #tpu.memory_space<vmem>>
        %dma_start3A_370 = tpu.memref_squeeze %dma_start3A_369 : memref<1x1x128xi32, #tpu.memory_space<vmem>> -> memref<128xi32, #tpu.memory_space<vmem>>
        %dma_start3A_371 = arith.constant 0 : i32
        %dma_start3A_372 = arith.constant 0 : i32
        %dma_start3A_373 = tpu.memref_slice %arg10[%dma_start3A_371, %dma_start3A_372] : memref<100096x16xf32, #tpu.memory_space<vmem_shared>> -> memref<100096x16xf32, #tpu.memory_space<vmem_shared>>
        tpu.enqueue_indirect_dma source(%dma_start3A_367 : memref<128x16xf32, #tpu.memory_space<vmem>>) target(%dma_start3A_373 : memref<100096x16xf32, #tpu.memory_space<vmem_shared>>) offsets(%dma_start3A_370 : memref<128xi32, #tpu.memory_space<vmem>>) semaphore(%run_scoped3A_364 : memref<!tpu.dma_semaphore, #tpu.memory_space<semaphore_mem>>) {add = true}
        %dma_wait3A_374 = arith.constant 128 : i32
        %dma_wait3A_375 = arith.constant 0 : i32
        %dma_wait3A_376 = tpu.memref_slice %arg8[%dma_wait3A_374, %dma_wait3A_375] : memref<512x16xf32, #tpu.memory_space<vmem>> -> memref<128x16xf32, #tpu.memory_space<vmem>>
        %dma_wait3A_377 = arith.constant 0 : i32
        %dma_wait3A_378 = tpu.memref_slice %arg6[%run_scoped3A_226, %run_scoped3A_227, %dma_wait3A_377] : memref<4x2x128xi32, #tpu.memory_space<vmem>> -> memref<1x1x128xi32, #tpu.memory_space<vmem>>
        %dma_wait3A_379 = tpu.memref_squeeze %dma_wait3A_378 : memref<1x1x128xi32, #tpu.memory_space<vmem>> -> memref<128xi32, #tpu.memory_space<vmem>>
        %dma_wait3A_380 = arith.constant 0 : i32
        %dma_wait3A_381 = arith.constant 0 : i32
        %dma_wait3A_382 = tpu.memref_slice %arg10[%dma_wait3A_380, %dma_wait3A_381] : memref<100096x16xf32, #tpu.memory_space<vmem_shared>> -> memref<100096x16xf32, #tpu.memory_space<vmem_shared>>
        tpu.wait_indirect_dma semaphore(%run_scoped3A_364 : memref<!tpu.dma_semaphore, #tpu.memory_space<semaphore_mem>>) src(%dma_wait3A_376 : memref<128x16xf32, #tpu.memory_space<vmem>>) dst(%dma_wait3A_382 : memref<100096x16xf32, #tpu.memory_space<vmem_shared>>)
        tpu.yield
      }) : () -> ()
      %run_scoped3A_228 = arith.constant 2 : i32
      %run_scoped3A_229 = arith.constant 1 : i32
      "tpu.region"() ({
        %run_scoped3A_364 = tpu.sem_alloc : memref<!tpu.dma_semaphore, #tpu.memory_space<semaphore_mem>>
        %dma_start3A_365 = arith.constant 256 : i32
        %dma_start3A_366 = arith.constant 0 : i32
        %dma_start3A_367 = tpu.memref_slice %arg8[%dma_start3A_365, %dma_start3A_366] : memref<512x16xf32, #tpu.memory_space<vmem>> -> memref<128x16xf32, #tpu.memory_space<vmem>>
        %dma_start3A_368 = arith.constant 0 : i32
        %dma_start3A_369 = tpu.memref_slice %arg6[%run_scoped3A_228, %run_scoped3A_229, %dma_start3A_368] : memref<4x2x128xi32, #tpu.memory_space<vmem>> -> memref<1x1x128xi32, #tpu.memory_space<vmem>>
        %dma_start3A_370 = tpu.memref_squeeze %dma_start3A_369 : memref<1x1x128xi32, #tpu.memory_space<vmem>> -> memref<128xi32, #tpu.memory_space<vmem>>
        %dma_start3A_371 = arith.constant 0 : i32
        %dma_start3A_372 = arith.constant 0 : i32
        %dma_start3A_373 = tpu.memref_slice %arg10[%dma_start3A_371, %dma_start3A_372] : memref<100096x16xf32, #tpu.memory_space<vmem_shared>> -> memref<100096x16xf32, #tpu.memory_space<vmem_shared>>
        tpu.enqueue_indirect_dma source(%dma_start3A_367 : memref<128x16xf32, #tpu.memory_space<vmem>>) target(%dma_start3A_373 : memref<100096x16xf32, #tpu.memory_space<vmem_shared>>) offsets(%dma_start3A_370 : memref<128xi32, #tpu.memory_space<vmem>>) semaphore(%run_scoped3A_364 : memref<!tpu.dma_semaphore, #tpu.memory_space<semaphore_mem>>) {add = true}
        %dma_wait3A_374 = arith.constant 256 : i32
        %dma_wait3A_375 = arith.constant 0 : i32
        %dma_wait3A_376 = tpu.memref_slice %arg8[%dma_wait3A_374, %dma_wait3A_375] : memref<512x16xf32, #tpu.memory_space<vmem>> -> memref<128x16xf32, #tpu.memory_space<vmem>>
        %dma_wait3A_377 = arith.constant 0 : i32
        %dma_wait3A_378 = tpu.memref_slice %arg6[%run_scoped3A_228, %run_scoped3A_229, %dma_wait3A_377] : memref<4x2x128xi32, #tpu.memory_space<vmem>> -> memref<1x1x128xi32, #tpu.memory_space<vmem>>
        %dma_wait3A_379 = tpu.memref_squeeze %dma_wait3A_378 : memref<1x1x128xi32, #tpu.memory_space<vmem>> -> memref<128xi32, #tpu.memory_space<vmem>>
        %dma_wait3A_380 = arith.constant 0 : i32
        %dma_wait3A_381 = arith.constant 0 : i32
        %dma_wait3A_382 = tpu.memref_slice %arg10[%dma_wait3A_380, %dma_wait3A_381] : memref<100096x16xf32, #tpu.memory_space<vmem_shared>> -> memref<100096x16xf32, #tpu.memory_space<vmem_shared>>
        tpu.wait_indirect_dma semaphore(%run_scoped3A_364 : memref<!tpu.dma_semaphore, #tpu.memory_space<semaphore_mem>>) src(%dma_wait3A_376 : memref<128x16xf32, #tpu.memory_space<vmem>>) dst(%dma_wait3A_382 : memref<100096x16xf32, #tpu.memory_space<vmem_shared>>)
        tpu.yield
      }) : () -> ()
      %run_scoped3A_230 = arith.constant 3 : i32
      %run_scoped3A_231 = arith.constant 1 : i32
      "tpu.region"() ({
        %run_scoped3A_364 = tpu.sem_alloc : memref<!tpu.dma_semaphore, #tpu.memory_space<semaphore_mem>>
        %dma_start3A_365 = arith.constant 384 : i32
        %dma_start3A_366 = arith.constant 0 : i32
        %dma_start3A_367 = tpu.memref_slice %arg8[%dma_start3A_365, %dma_start3A_366] : memref<512x16xf32, #tpu.memory_space<vmem>> -> memref<128x16xf32, #tpu.memory_space<vmem>>
        %dma_start3A_368 = arith.constant 0 : i32
        %dma_start3A_369 = tpu.memref_slice %arg6[%run_scoped3A_230, %run_scoped3A_231, %dma_start3A_368] : memref<4x2x128xi32, #tpu.memory_space<vmem>> -> memref<1x1x128xi32, #tpu.memory_space<vmem>>
        %dma_start3A_370 = tpu.memref_squeeze %dma_start3A_369 : memref<1x1x128xi32, #tpu.memory_space<vmem>> -> memref<128xi32, #tpu.memory_space<vmem>>
        %dma_start3A_371 = arith.constant 0 : i32
        %dma_start3A_372 = arith.constant 0 : i32
        %dma_start3A_373 = tpu.memref_slice %arg10[%dma_start3A_371, %dma_start3A_372] : memref<100096x16xf32, #tpu.memory_space<vmem_shared>> -> memref<100096x16xf32, #tpu.memory_space<vmem_shared>>
        tpu.enqueue_indirect_dma source(%dma_start3A_367 : memref<128x16xf32, #tpu.memory_space<vmem>>) target(%dma_start3A_373 : memref<100096x16xf32, #tpu.memory_space<vmem_shared>>) offsets(%dma_start3A_370 : memref<128xi32, #tpu.memory_space<vmem>>) semaphore(%run_scoped3A_364 : memref<!tpu.dma_semaphore, #tpu.memory_space<semaphore_mem>>) {add = true}
        %dma_wait3A_374 = arith.constant 384 : i32
        %dma_wait3A_375 = arith.constant 0 : i32
        %dma_wait3A_376 = tpu.memref_slice %arg8[%dma_wait3A_374, %dma_wait3A_375] : memref<512x16xf32, #tpu.memory_space<vmem>> -> memref<128x16xf32, #tpu.memory_space<vmem>>
        %dma_wait3A_377 = arith.constant 0 : i32
        %dma_wait3A_378 = tpu.memref_slice %arg6[%run_scoped3A_230, %run_scoped3A_231, %dma_wait3A_377] : memref<4x2x128xi32, #tpu.memory_space<vmem>> -> memref<1x1x128xi32, #tpu.memory_space<vmem>>
        %dma_wait3A_379 = tpu.memref_squeeze %dma_wait3A_378 : memref<1x1x128xi32, #tpu.memory_space<vmem>> -> memref<128xi32, #tpu.memory_space<vmem>>
        %dma_wait3A_380 = arith.constant 0 : i32
        %dma_wait3A_381 = arith.constant 0 : i32
        %dma_wait3A_382 = tpu.memref_slice %arg10[%dma_wait3A_380, %dma_wait3A_381] : memref<100096x16xf32, #tpu.memory_space<vmem_shared>> -> memref<100096x16xf32, #tpu.memory_space<vmem_shared>>
        tpu.wait_indirect_dma semaphore(%run_scoped3A_364 : memref<!tpu.dma_semaphore, #tpu.memory_space<semaphore_mem>>) src(%dma_wait3A_376 : memref<128x16xf32, #tpu.memory_space<vmem>>) dst(%dma_wait3A_382 : memref<100096x16xf32, #tpu.memory_space<vmem_shared>>)
        tpu.yield
      }) : () -> ()
      %add3A_232 = arith.constant 2 : i32
      %add3A_233 = arith.addi %add3A_126, %add3A_232 : i32
      %mul3A_234 = arith.constant 4 : i32
      %mul3A_235 = arith.muli %add3A_233, %mul3A_234 : i32
      %add3A_236 = arith.addi %mul3A_4, %mul3A_235 : i32
      %dma_start3A_237 = arith.constant 0 : i32
      %dma_start3A_238 = arith.constant 0 : i32
      %dma_start3A_239 = tpu.memref_slice %arg3[%add3A_236, %dma_start3A_237, %dma_start3A_238] : memref<25096x2x128xi32, #tpu.memory_space<hbm>> -> memref<4x2x128xi32, #tpu.memory_space<hbm>>
      %dma_start3A_240 = arith.constant 0 : i32
      %dma_start3A_241 = arith.constant 0 : i32
      %dma_start3A_242 = tpu.memref_slice %arg3[%add3A_236, %dma_start3A_240, %dma_start3A_241] : memref<25096x2x128xi32, #tpu.memory_space<hbm>> -> memref<4x2x128xi32, #tpu.memory_space<hbm>>
      tpu.enqueue_dma source(%dma_start3A_242 : memref<4x2x128xi32, #tpu.memory_space<hbm>>) target(%arg6 : memref<4x2x128xi32, #tpu.memory_space<vmem>>) target_semaphore(%arg11 : memref<!tpu.dma_semaphore, #tpu.memory_space<semaphore_mem>>)
      %mul3A_243 = arith.constant 2 : i32
      %mul3A_244 = arith.muli %add3A_122, %mul3A_243 : i32
      %add3A_245 = arith.constant 1 : i32
      %add3A_246 = arith.addi %mul3A_244, %add3A_245 : i32
      %dma_wait3A_247 = arith.constant 0 : i32
      %dma_wait3A_248 = arith.constant 0 : i32
      %dma_wait3A_249 = tpu.memref_slice %arg9[%dma_wait3A_247, %dma_wait3A_248] : memref<512x16xf32, #tpu.memory_space<vmem>> -> memref<128x16xf32, #tpu.memory_space<vmem>>
      %dma_wait3A_250 = arith.constant 0 : i32
      %dma_wait3A_251 = arith.constant 0 : i32
      %dma_wait3A_252 = tpu.memref_slice %arg2[%dma_wait3A_250, %dma_wait3A_251] : memref<100096x16xf32, #tpu.memory_space<hbm>> -> memref<128x16xf32, #tpu.memory_space<hbm>>
      %dma_wait3A_253 = arith.constant 0 : i32
      %dma_wait3A_254 = arith.constant 0 : i32
      %dma_wait3A_255 = tpu.memref_slice %arg9[%dma_wait3A_253, %dma_wait3A_254] : memref<512x16xf32, #tpu.memory_space<vmem>> -> memref<128x16xf32, #tpu.memory_space<vmem>>
      %dma_wait3A_256 = arith.constant 0 : i32
      %dma_wait3A_257 = arith.constant 0 : i32
      %dma_wait3A_258 = tpu.memref_slice %arg2[%dma_wait3A_256, %dma_wait3A_257] : memref<100096x16xf32, #tpu.memory_space<hbm>> -> memref<128x16xf32, #tpu.memory_space<hbm>>
      tpu.wait_dma2 semaphore(%arg12 : memref<!tpu.dma_semaphore, #tpu.memory_space<semaphore_mem>>) src(%dma_wait3A_258 : memref<128x16xf32, #tpu.memory_space<hbm>>) dst(%dma_wait3A_255 : memref<128x16xf32, #tpu.memory_space<vmem>>)
      %dma_wait3A_259 = arith.constant 128 : i32
      %dma_wait3A_260 = arith.constant 0 : i32
      %dma_wait3A_261 = tpu.memref_slice %arg9[%dma_wait3A_259, %dma_wait3A_260] : memref<512x16xf32, #tpu.memory_space<vmem>> -> memref<128x16xf32, #tpu.memory_space<vmem>>
      %dma_wait3A_262 = arith.constant 0 : i32
      %dma_wait3A_263 = arith.constant 0 : i32
      %dma_wait3A_264 = tpu.memref_slice %arg2[%dma_wait3A_262, %dma_wait3A_263] : memref<100096x16xf32, #tpu.memory_space<hbm>> -> memref<128x16xf32, #tpu.memory_space<hbm>>
      %dma_wait3A_265 = arith.constant 128 : i32
      %dma_wait3A_266 = arith.constant 0 : i32
      %dma_wait3A_267 = tpu.memref_slice %arg9[%dma_wait3A_265, %dma_wait3A_266] : memref<512x16xf32, #tpu.memory_space<vmem>> -> memref<128x16xf32, #tpu.memory_space<vmem>>
      %dma_wait3A_268 = arith.constant 0 : i32
      %dma_wait3A_269 = arith.constant 0 : i32
      %dma_wait3A_270 = tpu.memref_slice %arg2[%dma_wait3A_268, %dma_wait3A_269] : memref<100096x16xf32, #tpu.memory_space<hbm>> -> memref<128x16xf32, #tpu.memory_space<hbm>>
      tpu.wait_dma2 semaphore(%arg12 : memref<!tpu.dma_semaphore, #tpu.memory_space<semaphore_mem>>) src(%dma_wait3A_270 : memref<128x16xf32, #tpu.memory_space<hbm>>) dst(%dma_wait3A_267 : memref<128x16xf32, #tpu.memory_space<vmem>>)
      %dma_wait3A_271 = arith.constant 256 : i32
      %dma_wait3A_272 = arith.constant 0 : i32
      %dma_wait3A_273 = tpu.memref_slice %arg9[%dma_wait3A_271, %dma_wait3A_272] : memref<512x16xf32, #tpu.memory_space<vmem>> -> memref<128x16xf32, #tpu.memory_space<vmem>>
      %dma_wait3A_274 = arith.constant 0 : i32
      %dma_wait3A_275 = arith.constant 0 : i32
      %dma_wait3A_276 = tpu.memref_slice %arg2[%dma_wait3A_274, %dma_wait3A_275] : memref<100096x16xf32, #tpu.memory_space<hbm>> -> memref<128x16xf32, #tpu.memory_space<hbm>>
      %dma_wait3A_277 = arith.constant 256 : i32
      %dma_wait3A_278 = arith.constant 0 : i32
      %dma_wait3A_279 = tpu.memref_slice %arg9[%dma_wait3A_277, %dma_wait3A_278] : memref<512x16xf32, #tpu.memory_space<vmem>> -> memref<128x16xf32, #tpu.memory_space<vmem>>
      %dma_wait3A_280 = arith.constant 0 : i32
      %dma_wait3A_281 = arith.constant 0 : i32
      %dma_wait3A_282 = tpu.memref_slice %arg2[%dma_wait3A_280, %dma_wait3A_281] : memref<100096x16xf32, #tpu.memory_space<hbm>> -> memref<128x16xf32, #tpu.memory_space<hbm>>
      tpu.wait_dma2 semaphore(%arg12 : memref<!tpu.dma_semaphore, #tpu.memory_space<semaphore_mem>>) src(%dma_wait3A_282 : memref<128x16xf32, #tpu.memory_space<hbm>>) dst(%dma_wait3A_279 : memref<128x16xf32, #tpu.memory_space<vmem>>)
      %dma_wait3A_283 = arith.constant 384 : i32
      %dma_wait3A_284 = arith.constant 0 : i32
      %dma_wait3A_285 = tpu.memref_slice %arg9[%dma_wait3A_283, %dma_wait3A_284] : memref<512x16xf32, #tpu.memory_space<vmem>> -> memref<128x16xf32, #tpu.memory_space<vmem>>
      %dma_wait3A_286 = arith.constant 0 : i32
      %dma_wait3A_287 = arith.constant 0 : i32
      %dma_wait3A_288 = tpu.memref_slice %arg2[%dma_wait3A_286, %dma_wait3A_287] : memref<100096x16xf32, #tpu.memory_space<hbm>> -> memref<128x16xf32, #tpu.memory_space<hbm>>
      %dma_wait3A_289 = arith.constant 384 : i32
      %dma_wait3A_290 = arith.constant 0 : i32
      %dma_wait3A_291 = tpu.memref_slice %arg9[%dma_wait3A_289, %dma_wait3A_290] : memref<512x16xf32, #tpu.memory_space<vmem>> -> memref<128x16xf32, #tpu.memory_space<vmem>>
      %dma_wait3A_292 = arith.constant 0 : i32
      %dma_wait3A_293 = arith.constant 0 : i32
      %dma_wait3A_294 = tpu.memref_slice %arg2[%dma_wait3A_292, %dma_wait3A_293] : memref<100096x16xf32, #tpu.memory_space<hbm>> -> memref<128x16xf32, #tpu.memory_space<hbm>>
      tpu.wait_dma2 semaphore(%arg12 : memref<!tpu.dma_semaphore, #tpu.memory_space<semaphore_mem>>) src(%dma_wait3A_294 : memref<128x16xf32, #tpu.memory_space<hbm>>) dst(%dma_wait3A_291 : memref<128x16xf32, #tpu.memory_space<vmem>>)
      %dma_wait3A_295 = arith.constant 0 : i32
      %dma_wait3A_296 = arith.constant 0 : i32
      %dma_wait3A_297 = tpu.memref_slice %arg3[%mul3A_4, %dma_wait3A_295, %dma_wait3A_296] : memref<25096x2x128xi32, #tpu.memory_space<hbm>> -> memref<4x2x128xi32, #tpu.memory_space<hbm>>
      %dma_wait3A_298 = arith.constant 0 : i32
      %dma_wait3A_299 = arith.constant 0 : i32
      %dma_wait3A_300 = tpu.memref_slice %arg3[%mul3A_4, %dma_wait3A_298, %dma_wait3A_299] : memref<25096x2x128xi32, #tpu.memory_space<hbm>> -> memref<4x2x128xi32, #tpu.memory_space<hbm>>
      tpu.wait_dma2 semaphore(%arg11 : memref<!tpu.dma_semaphore, #tpu.memory_space<semaphore_mem>>) src(%dma_wait3A_300 : memref<4x2x128xi32, #tpu.memory_space<hbm>>) dst(%arg6 : memref<4x2x128xi32, #tpu.memory_space<vmem>>)
      %dma_start3A_301 = arith.constant 0 : i32
      %dma_start3A_302 = arith.constant 0 : i32
      %dma_start3A_303 = arith.constant 0 : i32
      %dma_start3A_304 = arith.constant 0 : i32
      %dma_start3A_305 = tpu.memref_slice %arg8[%dma_start3A_303, %dma_start3A_304] : memref<512x16xf32, #tpu.memory_space<vmem>> -> memref<128x16xf32, #tpu.memory_space<vmem>>
      %dma_start3A_306 = arith.constant 0 : i32
      %dma_start3A_307 = tpu.memref_slice %arg6[%dma_start3A_301, %dma_start3A_302, %dma_start3A_306] : memref<4x2x128xi32, #tpu.memory_space<vmem>> -> memref<1x1x128xi32, #tpu.memory_space<vmem>>
      %dma_start3A_308 = tpu.memref_squeeze %dma_start3A_307 : memref<1x1x128xi32, #tpu.memory_space<vmem>> -> memref<128xi32, #tpu.memory_space<vmem>>
      %dma_start3A_309 = arith.constant 0 : i32
      %dma_start3A_310 = arith.constant 0 : i32
      %dma_start3A_311 = tpu.memref_slice %arg2[%dma_start3A_309, %dma_start3A_310] : memref<100096x16xf32, #tpu.memory_space<hbm>> -> memref<100096x16xf32, #tpu.memory_space<hbm>>
      tpu.enqueue_indirect_dma source(%dma_start3A_311 : memref<100096x16xf32, #tpu.memory_space<hbm>>) target(%dma_start3A_305 : memref<128x16xf32, #tpu.memory_space<vmem>>) offsets(%dma_start3A_308 : memref<128xi32, #tpu.memory_space<vmem>>) semaphore(%arg12 : memref<!tpu.dma_semaphore, #tpu.memory_space<semaphore_mem>>)
      %dma_start3A_312 = arith.constant 1 : i32
      %dma_start3A_313 = arith.constant 0 : i32
      %dma_start3A_314 = arith.constant 128 : i32
      %dma_start3A_315 = arith.constant 0 : i32
      %dma_start3A_316 = tpu.memref_slice %arg8[%dma_start3A_314, %dma_start3A_315] : memref<512x16xf32, #tpu.memory_space<vmem>> -> memref<128x16xf32, #tpu.memory_space<vmem>>
      %dma_start3A_317 = arith.constant 0 : i32
      %dma_start3A_318 = tpu.memref_slice %arg6[%dma_start3A_312, %dma_start3A_313, %dma_start3A_317] : memref<4x2x128xi32, #tpu.memory_space<vmem>> -> memref<1x1x128xi32, #tpu.memory_space<vmem>>
      %dma_start3A_319 = tpu.memref_squeeze %dma_start3A_318 : memref<1x1x128xi32, #tpu.memory_space<vmem>> -> memref<128xi32, #tpu.memory_space<vmem>>
      %dma_start3A_320 = arith.constant 0 : i32
      %dma_start3A_321 = arith.constant 0 : i32
      %dma_start3A_322 = tpu.memref_slice %arg2[%dma_start3A_320, %dma_start3A_321] : memref<100096x16xf32, #tpu.memory_space<hbm>> -> memref<100096x16xf32, #tpu.memory_space<hbm>>
      tpu.enqueue_indirect_dma source(%dma_start3A_322 : memref<100096x16xf32, #tpu.memory_space<hbm>>) target(%dma_start3A_316 : memref<128x16xf32, #tpu.memory_space<vmem>>) offsets(%dma_start3A_319 : memref<128xi32, #tpu.memory_space<vmem>>) semaphore(%arg12 : memref<!tpu.dma_semaphore, #tpu.memory_space<semaphore_mem>>)
      %dma_start3A_323 = arith.constant 2 : i32
      %dma_start3A_324 = arith.constant 0 : i32
      %dma_start3A_325 = arith.constant 256 : i32
      %dma_start3A_326 = arith.constant 0 : i32
      %dma_start3A_327 = tpu.memref_slice %arg8[%dma_start3A_325, %dma_start3A_326] : memref<512x16xf32, #tpu.memory_space<vmem>> -> memref<128x16xf32, #tpu.memory_space<vmem>>
      %dma_start3A_328 = arith.constant 0 : i32
      %dma_start3A_329 = tpu.memref_slice %arg6[%dma_start3A_323, %dma_start3A_324, %dma_start3A_328] : memref<4x2x128xi32, #tpu.memory_space<vmem>> -> memref<1x1x128xi32, #tpu.memory_space<vmem>>
      %dma_start3A_330 = tpu.memref_squeeze %dma_start3A_329 : memref<1x1x128xi32, #tpu.memory_space<vmem>> -> memref<128xi32, #tpu.memory_space<vmem>>
      %dma_start3A_331 = arith.constant 0 : i32
      %dma_start3A_332 = arith.constant 0 : i32
      %dma_start3A_333 = tpu.memref_slice %arg2[%dma_start3A_331, %dma_start3A_332] : memref<100096x16xf32, #tpu.memory_space<hbm>> -> memref<100096x16xf32, #tpu.memory_space<hbm>>
      tpu.enqueue_indirect_dma source(%dma_start3A_333 : memref<100096x16xf32, #tpu.memory_space<hbm>>) target(%dma_start3A_327 : memref<128x16xf32, #tpu.memory_space<vmem>>) offsets(%dma_start3A_330 : memref<128xi32, #tpu.memory_space<vmem>>) semaphore(%arg12 : memref<!tpu.dma_semaphore, #tpu.memory_space<semaphore_mem>>)
      %dma_start3A_334 = arith.constant 3 : i32
      %dma_start3A_335 = arith.constant 0 : i32
      %dma_start3A_336 = arith.constant 384 : i32
      %dma_start3A_337 = arith.constant 0 : i32
      %dma_start3A_338 = tpu.memref_slice %arg8[%dma_start3A_336, %dma_start3A_337] : memref<512x16xf32, #tpu.memory_space<vmem>> -> memref<128x16xf32, #tpu.memory_space<vmem>>
      %dma_start3A_339 = arith.constant 0 : i32
      %dma_start3A_340 = tpu.memref_slice %arg6[%dma_start3A_334, %dma_start3A_335, %dma_start3A_339] : memref<4x2x128xi32, #tpu.memory_space<vmem>> -> memref<1x1x128xi32, #tpu.memory_space<vmem>>
      %dma_start3A_341 = tpu.memref_squeeze %dma_start3A_340 : memref<1x1x128xi32, #tpu.memory_space<vmem>> -> memref<128xi32, #tpu.memory_space<vmem>>
      %dma_start3A_342 = arith.constant 0 : i32
      %dma_start3A_343 = arith.constant 0 : i32
      %dma_start3A_344 = tpu.memref_slice %arg2[%dma_start3A_342, %dma_start3A_343] : memref<100096x16xf32, #tpu.memory_space<hbm>> -> memref<100096x16xf32, #tpu.memory_space<hbm>>
      tpu.enqueue_indirect_dma source(%dma_start3A_344 : memref<100096x16xf32, #tpu.memory_space<hbm>>) target(%dma_start3A_338 : memref<128x16xf32, #tpu.memory_space<vmem>>) offsets(%dma_start3A_341 : memref<128xi32, #tpu.memory_space<vmem>>) semaphore(%arg12 : memref<!tpu.dma_semaphore, #tpu.memory_space<semaphore_mem>>)
      %run_scoped3A_345 = arith.constant 0 : i32
      %run_scoped3A_346 = arith.constant 1 : i32
      "tpu.region"() ({
        %run_scoped3A_364 = tpu.sem_alloc : memref<!tpu.dma_semaphore, #tpu.memory_space<semaphore_mem>>
        %dma_start3A_365 = arith.constant 0 : i32
        %dma_start3A_366 = arith.constant 0 : i32
        %dma_start3A_367 = tpu.memref_slice %arg9[%dma_start3A_365, %dma_start3A_366] : memref<512x16xf32, #tpu.memory_space<vmem>> -> memref<128x16xf32, #tpu.memory_space<vmem>>
        %dma_start3A_368 = arith.constant 0 : i32
        %dma_start3A_369 = tpu.memref_slice %arg7[%run_scoped3A_345, %run_scoped3A_346, %dma_start3A_368] : memref<4x2x128xi32, #tpu.memory_space<vmem>> -> memref<1x1x128xi32, #tpu.memory_space<vmem>>
        %dma_start3A_370 = tpu.memref_squeeze %dma_start3A_369 : memref<1x1x128xi32, #tpu.memory_space<vmem>> -> memref<128xi32, #tpu.memory_space<vmem>>
        %dma_start3A_371 = arith.constant 0 : i32
        %dma_start3A_372 = arith.constant 0 : i32
        %dma_start3A_373 = tpu.memref_slice %arg10[%dma_start3A_371, %dma_start3A_372] : memref<100096x16xf32, #tpu.memory_space<vmem_shared>> -> memref<100096x16xf32, #tpu.memory_space<vmem_shared>>
        tpu.enqueue_indirect_dma source(%dma_start3A_367 : memref<128x16xf32, #tpu.memory_space<vmem>>) target(%dma_start3A_373 : memref<100096x16xf32, #tpu.memory_space<vmem_shared>>) offsets(%dma_start3A_370 : memref<128xi32, #tpu.memory_space<vmem>>) semaphore(%run_scoped3A_364 : memref<!tpu.dma_semaphore, #tpu.memory_space<semaphore_mem>>) {add = true}
        %dma_wait3A_374 = arith.constant 0 : i32
        %dma_wait3A_375 = arith.constant 0 : i32
        %dma_wait3A_376 = tpu.memref_slice %arg9[%dma_wait3A_374, %dma_wait3A_375] : memref<512x16xf32, #tpu.memory_space<vmem>> -> memref<128x16xf32, #tpu.memory_space<vmem>>
        %dma_wait3A_377 = arith.constant 0 : i32
        %dma_wait3A_378 = tpu.memref_slice %arg7[%run_scoped3A_345, %run_scoped3A_346, %dma_wait3A_377] : memref<4x2x128xi32, #tpu.memory_space<vmem>> -> memref<1x1x128xi32, #tpu.memory_space<vmem>>
        %dma_wait3A_379 = tpu.memref_squeeze %dma_wait3A_378 : memref<1x1x128xi32, #tpu.memory_space<vmem>> -> memref<128xi32, #tpu.memory_space<vmem>>
        %dma_wait3A_380 = arith.constant 0 : i32
        %dma_wait3A_381 = arith.constant 0 : i32
        %dma_wait3A_382 = tpu.memref_slice %arg10[%dma_wait3A_380, %dma_wait3A_381] : memref<100096x16xf32, #tpu.memory_space<vmem_shared>> -> memref<100096x16xf32, #tpu.memory_space<vmem_shared>>
        tpu.wait_indirect_dma semaphore(%run_scoped3A_364 : memref<!tpu.dma_semaphore, #tpu.memory_space<semaphore_mem>>) src(%dma_wait3A_376 : memref<128x16xf32, #tpu.memory_space<vmem>>) dst(%dma_wait3A_382 : memref<100096x16xf32, #tpu.memory_space<vmem_shared>>)
        tpu.yield
      }) : () -> ()
      %run_scoped3A_347 = arith.constant 1 : i32
      %run_scoped3A_348 = arith.constant 1 : i32
      "tpu.region"() ({
        %run_scoped3A_364 = tpu.sem_alloc : memref<!tpu.dma_semaphore, #tpu.memory_space<semaphore_mem>>
        %dma_start3A_365 = arith.constant 128 : i32
        %dma_start3A_366 = arith.constant 0 : i32
        %dma_start3A_367 = tpu.memref_slice %arg9[%dma_start3A_365, %dma_start3A_366] : memref<512x16xf32, #tpu.memory_space<vmem>> -> memref<128x16xf32, #tpu.memory_space<vmem>>
        %dma_start3A_368 = arith.constant 0 : i32
        %dma_start3A_369 = tpu.memref_slice %arg7[%run_scoped3A_347, %run_scoped3A_348, %dma_start3A_368] : memref<4x2x128xi32, #tpu.memory_space<vmem>> -> memref<1x1x128xi32, #tpu.memory_space<vmem>>
        %dma_start3A_370 = tpu.memref_squeeze %dma_start3A_369 : memref<1x1x128xi32, #tpu.memory_space<vmem>> -> memref<128xi32, #tpu.memory_space<vmem>>
        %dma_start3A_371 = arith.constant 0 : i32
        %dma_start3A_372 = arith.constant 0 : i32
        %dma_start3A_373 = tpu.memref_slice %arg10[%dma_start3A_371, %dma_start3A_372] : memref<100096x16xf32, #tpu.memory_space<vmem_shared>> -> memref<100096x16xf32, #tpu.memory_space<vmem_shared>>
        tpu.enqueue_indirect_dma source(%dma_start3A_367 : memref<128x16xf32, #tpu.memory_space<vmem>>) target(%dma_start3A_373 : memref<100096x16xf32, #tpu.memory_space<vmem_shared>>) offsets(%dma_start3A_370 : memref<128xi32, #tpu.memory_space<vmem>>) semaphore(%run_scoped3A_364 : memref<!tpu.dma_semaphore, #tpu.memory_space<semaphore_mem>>) {add = true}
        %dma_wait3A_374 = arith.constant 128 : i32
        %dma_wait3A_375 = arith.constant 0 : i32
        %dma_wait3A_376 = tpu.memref_slice %arg9[%dma_wait3A_374, %dma_wait3A_375] : memref<512x16xf32, #tpu.memory_space<vmem>> -> memref<128x16xf32, #tpu.memory_space<vmem>>
        %dma_wait3A_377 = arith.constant 0 : i32
        %dma_wait3A_378 = tpu.memref_slice %arg7[%run_scoped3A_347, %run_scoped3A_348, %dma_wait3A_377] : memref<4x2x128xi32, #tpu.memory_space<vmem>> -> memref<1x1x128xi32, #tpu.memory_space<vmem>>
        %dma_wait3A_379 = tpu.memref_squeeze %dma_wait3A_378 : memref<1x1x128xi32, #tpu.memory_space<vmem>> -> memref<128xi32, #tpu.memory_space<vmem>>
        %dma_wait3A_380 = arith.constant 0 : i32
        %dma_wait3A_381 = arith.constant 0 : i32
        %dma_wait3A_382 = tpu.memref_slice %arg10[%dma_wait3A_380, %dma_wait3A_381] : memref<100096x16xf32, #tpu.memory_space<vmem_shared>> -> memref<100096x16xf32, #tpu.memory_space<vmem_shared>>
        tpu.wait_indirect_dma semaphore(%run_scoped3A_364 : memref<!tpu.dma_semaphore, #tpu.memory_space<semaphore_mem>>) src(%dma_wait3A_376 : memref<128x16xf32, #tpu.memory_space<vmem>>) dst(%dma_wait3A_382 : memref<100096x16xf32, #tpu.memory_space<vmem_shared>>)
        tpu.yield
      }) : () -> ()
      %run_scoped3A_349 = arith.constant 2 : i32
      %run_scoped3A_350 = arith.constant 1 : i32
      "tpu.region"() ({
        %run_scoped3A_364 = tpu.sem_alloc : memref<!tpu.dma_semaphore, #tpu.memory_space<semaphore_mem>>
        %dma_start3A_365 = arith.constant 256 : i32
        %dma_start3A_366 = arith.constant 0 : i32
        %dma_start3A_367 = tpu.memref_slice %arg9[%dma_start3A_365, %dma_start3A_366] : memref<512x16xf32, #tpu.memory_space<vmem>> -> memref<128x16xf32, #tpu.memory_space<vmem>>
        %dma_start3A_368 = arith.constant 0 : i32
        %dma_start3A_369 = tpu.memref_slice %arg7[%run_scoped3A_349, %run_scoped3A_350, %dma_start3A_368] : memref<4x2x128xi32, #tpu.memory_space<vmem>> -> memref<1x1x128xi32, #tpu.memory_space<vmem>>
        %dma_start3A_370 = tpu.memref_squeeze %dma_start3A_369 : memref<1x1x128xi32, #tpu.memory_space<vmem>> -> memref<128xi32, #tpu.memory_space<vmem>>
        %dma_start3A_371 = arith.constant 0 : i32
        %dma_start3A_372 = arith.constant 0 : i32
        %dma_start3A_373 = tpu.memref_slice %arg10[%dma_start3A_371, %dma_start3A_372] : memref<100096x16xf32, #tpu.memory_space<vmem_shared>> -> memref<100096x16xf32, #tpu.memory_space<vmem_shared>>
        tpu.enqueue_indirect_dma source(%dma_start3A_367 : memref<128x16xf32, #tpu.memory_space<vmem>>) target(%dma_start3A_373 : memref<100096x16xf32, #tpu.memory_space<vmem_shared>>) offsets(%dma_start3A_370 : memref<128xi32, #tpu.memory_space<vmem>>) semaphore(%run_scoped3A_364 : memref<!tpu.dma_semaphore, #tpu.memory_space<semaphore_mem>>) {add = true}
        %dma_wait3A_374 = arith.constant 256 : i32
        %dma_wait3A_375 = arith.constant 0 : i32
        %dma_wait3A_376 = tpu.memref_slice %arg9[%dma_wait3A_374, %dma_wait3A_375] : memref<512x16xf32, #tpu.memory_space<vmem>> -> memref<128x16xf32, #tpu.memory_space<vmem>>
        %dma_wait3A_377 = arith.constant 0 : i32
        %dma_wait3A_378 = tpu.memref_slice %arg7[%run_scoped3A_349, %run_scoped3A_350, %dma_wait3A_377] : memref<4x2x128xi32, #tpu.memory_space<vmem>> -> memref<1x1x128xi32, #tpu.memory_space<vmem>>
        %dma_wait3A_379 = tpu.memref_squeeze %dma_wait3A_378 : memref<1x1x128xi32, #tpu.memory_space<vmem>> -> memref<128xi32, #tpu.memory_space<vmem>>
        %dma_wait3A_380 = arith.constant 0 : i32
        %dma_wait3A_381 = arith.constant 0 : i32
        %dma_wait3A_382 = tpu.memref_slice %arg10[%dma_wait3A_380, %dma_wait3A_381] : memref<100096x16xf32, #tpu.memory_space<vmem_shared>> -> memref<100096x16xf32, #tpu.memory_space<vmem_shared>>
        tpu.wait_indirect_dma semaphore(%run_scoped3A_364 : memref<!tpu.dma_semaphore, #tpu.memory_space<semaphore_mem>>) src(%dma_wait3A_376 : memref<128x16xf32, #tpu.memory_space<vmem>>) dst(%dma_wait3A_382 : memref<100096x16xf32, #tpu.memory_space<vmem_shared>>)
        tpu.yield
      }) : () -> ()
      %run_scoped3A_351 = arith.constant 3 : i32
      %run_scoped3A_352 = arith.constant 1 : i32
      "tpu.region"() ({
        %run_scoped3A_364 = tpu.sem_alloc : memref<!tpu.dma_semaphore, #tpu.memory_space<semaphore_mem>>
        %dma_start3A_365 = arith.constant 384 : i32
        %dma_start3A_366 = arith.constant 0 : i32
        %dma_start3A_367 = tpu.memref_slice %arg9[%dma_start3A_365, %dma_start3A_366] : memref<512x16xf32, #tpu.memory_space<vmem>> -> memref<128x16xf32, #tpu.memory_space<vmem>>
        %dma_start3A_368 = arith.constant 0 : i32
        %dma_start3A_369 = tpu.memref_slice %arg7[%run_scoped3A_351, %run_scoped3A_352, %dma_start3A_368] : memref<4x2x128xi32, #tpu.memory_space<vmem>> -> memref<1x1x128xi32, #tpu.memory_space<vmem>>
        %dma_start3A_370 = tpu.memref_squeeze %dma_start3A_369 : memref<1x1x128xi32, #tpu.memory_space<vmem>> -> memref<128xi32, #tpu.memory_space<vmem>>
        %dma_start3A_371 = arith.constant 0 : i32
        %dma_start3A_372 = arith.constant 0 : i32
        %dma_start3A_373 = tpu.memref_slice %arg10[%dma_start3A_371, %dma_start3A_372] : memref<100096x16xf32, #tpu.memory_space<vmem_shared>> -> memref<100096x16xf32, #tpu.memory_space<vmem_shared>>
        tpu.enqueue_indirect_dma source(%dma_start3A_367 : memref<128x16xf32, #tpu.memory_space<vmem>>) target(%dma_start3A_373 : memref<100096x16xf32, #tpu.memory_space<vmem_shared>>) offsets(%dma_start3A_370 : memref<128xi32, #tpu.memory_space<vmem>>) semaphore(%run_scoped3A_364 : memref<!tpu.dma_semaphore, #tpu.memory_space<semaphore_mem>>) {add = true}
        %dma_wait3A_374 = arith.constant 384 : i32
        %dma_wait3A_375 = arith.constant 0 : i32
        %dma_wait3A_376 = tpu.memref_slice %arg9[%dma_wait3A_374, %dma_wait3A_375] : memref<512x16xf32, #tpu.memory_space<vmem>> -> memref<128x16xf32, #tpu.memory_space<vmem>>
        %dma_wait3A_377 = arith.constant 0 : i32
        %dma_wait3A_378 = tpu.memref_slice %arg7[%run_scoped3A_351, %run_scoped3A_352, %dma_wait3A_377] : memref<4x2x128xi32, #tpu.memory_space<vmem>> -> memref<1x1x128xi32, #tpu.memory_space<vmem>>
        %dma_wait3A_379 = tpu.memref_squeeze %dma_wait3A_378 : memref<1x1x128xi32, #tpu.memory_space<vmem>> -> memref<128xi32, #tpu.memory_space<vmem>>
        %dma_wait3A_380 = arith.constant 0 : i32
        %dma_wait3A_381 = arith.constant 0 : i32
        %dma_wait3A_382 = tpu.memref_slice %arg10[%dma_wait3A_380, %dma_wait3A_381] : memref<100096x16xf32, #tpu.memory_space<vmem_shared>> -> memref<100096x16xf32, #tpu.memory_space<vmem_shared>>
        tpu.wait_indirect_dma semaphore(%run_scoped3A_364 : memref<!tpu.dma_semaphore, #tpu.memory_space<semaphore_mem>>) src(%dma_wait3A_376 : memref<128x16xf32, #tpu.memory_space<vmem>>) dst(%dma_wait3A_382 : memref<100096x16xf32, #tpu.memory_space<vmem_shared>>)
        tpu.yield
      }) : () -> ()
      %add3A_353 = arith.constant 2 : i32
      %add3A_354 = arith.addi %add3A_246, %add3A_353 : i32
      %mul3A_355 = arith.constant 4 : i32
      %mul3A_356 = arith.muli %add3A_354, %mul3A_355 : i32
      %add3A_357 = arith.addi %mul3A_4, %mul3A_356 : i32
      %dma_start3A_358 = arith.constant 0 : i32
      %dma_start3A_359 = arith.constant 0 : i32
      %dma_start3A_360 = tpu.memref_slice %arg3[%add3A_357, %dma_start3A_358, %dma_start3A_359] : memref<25096x2x128xi32, #tpu.memory_space<hbm>> -> memref<4x2x128xi32, #tpu.memory_space<hbm>>
      %dma_start3A_361 = arith.constant 0 : i32
      %dma_start3A_362 = arith.constant 0 : i32
      %dma_start3A_363 = tpu.memref_slice %arg3[%add3A_357, %dma_start3A_361, %dma_start3A_362] : memref<25096x2x128xi32, #tpu.memory_space<hbm>> -> memref<4x2x128xi32, #tpu.memory_space<hbm>>
      tpu.enqueue_dma source(%dma_start3A_363 : memref<4x2x128xi32, #tpu.memory_space<hbm>>) target(%arg7 : memref<4x2x128xi32, #tpu.memory_space<vmem>>) target_semaphore(%arg11 : memref<!tpu.dma_semaphore, #tpu.memory_space<semaphore_mem>>)
    }
    %scan3A_59 = arith.constant 98 : i32
    %dma_wait3A = arith.constant 0 : i32
    %dma_wait3A_60 = arith.constant 0 : i32
    %dma_wait3A_61 = tpu.memref_slice %arg8[%dma_wait3A, %dma_wait3A_60] : memref<512x16xf32, #tpu.memory_space<vmem>> -> memref<128x16xf32, #tpu.memory_space<vmem>>
    %dma_wait3A_62 = arith.constant 0 : i32
    %dma_wait3A_63 = arith.constant 0 : i32
    %dma_wait3A_64 = tpu.memref_slice %arg2[%dma_wait3A_62, %dma_wait3A_63] : memref<100096x16xf32, #tpu.memory_space<hbm>> -> memref<128x16xf32, #tpu.memory_space<hbm>>
    %dma_wait3A_65 = arith.constant 0 : i32
    %dma_wait3A_66 = arith.constant 0 : i32
    %dma_wait3A_67 = tpu.memref_slice %arg8[%dma_wait3A_65, %dma_wait3A_66] : memref<512x16xf32, #tpu.memory_space<vmem>> -> memref<128x16xf32, #tpu.memory_space<vmem>>
    %dma_wait3A_68 = arith.constant 0 : i32
    %dma_wait3A_69 = arith.constant 0 : i32
    %dma_wait3A_70 = tpu.memref_slice %arg2[%dma_wait3A_68, %dma_wait3A_69] : memref<100096x16xf32, #tpu.memory_space<hbm>> -> memref<128x16xf32, #tpu.memory_space<hbm>>
    tpu.wait_dma2 semaphore(%arg12 : memref<!tpu.dma_semaphore, #tpu.memory_space<semaphore_mem>>) src(%dma_wait3A_70 : memref<128x16xf32, #tpu.memory_space<hbm>>) dst(%dma_wait3A_67 : memref<128x16xf32, #tpu.memory_space<vmem>>)
    %dma_wait3A_71 = arith.constant 128 : i32
    %dma_wait3A_72 = arith.constant 0 : i32
    %dma_wait3A_73 = tpu.memref_slice %arg8[%dma_wait3A_71, %dma_wait3A_72] : memref<512x16xf32, #tpu.memory_space<vmem>> -> memref<128x16xf32, #tpu.memory_space<vmem>>
    %dma_wait3A_74 = arith.constant 0 : i32
    %dma_wait3A_75 = arith.constant 0 : i32
    %dma_wait3A_76 = tpu.memref_slice %arg2[%dma_wait3A_74, %dma_wait3A_75] : memref<100096x16xf32, #tpu.memory_space<hbm>> -> memref<128x16xf32, #tpu.memory_space<hbm>>
    %dma_wait3A_77 = arith.constant 128 : i32
    %dma_wait3A_78 = arith.constant 0 : i32
    %dma_wait3A_79 = tpu.memref_slice %arg8[%dma_wait3A_77, %dma_wait3A_78] : memref<512x16xf32, #tpu.memory_space<vmem>> -> memref<128x16xf32, #tpu.memory_space<vmem>>
    %dma_wait3A_80 = arith.constant 0 : i32
    %dma_wait3A_81 = arith.constant 0 : i32
    %dma_wait3A_82 = tpu.memref_slice %arg2[%dma_wait3A_80, %dma_wait3A_81] : memref<100096x16xf32, #tpu.memory_space<hbm>> -> memref<128x16xf32, #tpu.memory_space<hbm>>
    tpu.wait_dma2 semaphore(%arg12 : memref<!tpu.dma_semaphore, #tpu.memory_space<semaphore_mem>>) src(%dma_wait3A_82 : memref<128x16xf32, #tpu.memory_space<hbm>>) dst(%dma_wait3A_79 : memref<128x16xf32, #tpu.memory_space<vmem>>)
    %dma_wait3A_83 = arith.constant 256 : i32
    %dma_wait3A_84 = arith.constant 0 : i32
    %dma_wait3A_85 = tpu.memref_slice %arg8[%dma_wait3A_83, %dma_wait3A_84] : memref<512x16xf32, #tpu.memory_space<vmem>> -> memref<128x16xf32, #tpu.memory_space<vmem>>
    %dma_wait3A_86 = arith.constant 0 : i32
    %dma_wait3A_87 = arith.constant 0 : i32
    %dma_wait3A_88 = tpu.memref_slice %arg2[%dma_wait3A_86, %dma_wait3A_87] : memref<100096x16xf32, #tpu.memory_space<hbm>> -> memref<128x16xf32, #tpu.memory_space<hbm>>
    %dma_wait3A_89 = arith.constant 256 : i32
    %dma_wait3A_90 = arith.constant 0 : i32
    %dma_wait3A_91 = tpu.memref_slice %arg8[%dma_wait3A_89, %dma_wait3A_90] : memref<512x16xf32, #tpu.memory_space<vmem>> -> memref<128x16xf32, #tpu.memory_space<vmem>>
    %dma_wait3A_92 = arith.constant 0 : i32
    %dma_wait3A_93 = arith.constant 0 : i32
    %dma_wait3A_94 = tpu.memref_slice %arg2[%dma_wait3A_92, %dma_wait3A_93] : memref<100096x16xf32, #tpu.memory_space<hbm>> -> memref<128x16xf32, #tpu.memory_space<hbm>>
    tpu.wait_dma2 semaphore(%arg12 : memref<!tpu.dma_semaphore, #tpu.memory_space<semaphore_mem>>) src(%dma_wait3A_94 : memref<128x16xf32, #tpu.memory_space<hbm>>) dst(%dma_wait3A_91 : memref<128x16xf32, #tpu.memory_space<vmem>>)
    %dma_wait3A_95 = arith.constant 384 : i32
    %dma_wait3A_96 = arith.constant 0 : i32
    %dma_wait3A_97 = tpu.memref_slice %arg8[%dma_wait3A_95, %dma_wait3A_96] : memref<512x16xf32, #tpu.memory_space<vmem>> -> memref<128x16xf32, #tpu.memory_space<vmem>>
    %dma_wait3A_98 = arith.constant 0 : i32
    %dma_wait3A_99 = arith.constant 0 : i32
    %dma_wait3A_100 = tpu.memref_slice %arg2[%dma_wait3A_98, %dma_wait3A_99] : memref<100096x16xf32, #tpu.memory_space<hbm>> -> memref<128x16xf32, #tpu.memory_space<hbm>>
    %dma_wait3A_101 = arith.constant 384 : i32
    %dma_wait3A_102 = arith.constant 0 : i32
    %dma_wait3A_103 = tpu.memref_slice %arg8[%dma_wait3A_101, %dma_wait3A_102] : memref<512x16xf32, #tpu.memory_space<vmem>> -> memref<128x16xf32, #tpu.memory_space<vmem>>
    %dma_wait3A_104 = arith.constant 0 : i32
    %dma_wait3A_105 = arith.constant 0 : i32
    %dma_wait3A_106 = tpu.memref_slice %arg2[%dma_wait3A_104, %dma_wait3A_105] : memref<100096x16xf32, #tpu.memory_space<hbm>> -> memref<128x16xf32, #tpu.memory_space<hbm>>
    tpu.wait_dma2 semaphore(%arg12 : memref<!tpu.dma_semaphore, #tpu.memory_space<semaphore_mem>>) src(%dma_wait3A_106 : memref<128x16xf32, #tpu.memory_space<hbm>>) dst(%dma_wait3A_103 : memref<128x16xf32, #tpu.memory_space<vmem>>)
    %dma_wait3A_107 = arith.constant 0 : i32
    %dma_wait3A_108 = arith.constant 0 : i32
    %dma_wait3A_109 = tpu.memref_slice %arg3[%mul3A_4, %dma_wait3A_107, %dma_wait3A_108] : memref<25096x2x128xi32, #tpu.memory_space<hbm>> -> memref<4x2x128xi32, #tpu.memory_space<hbm>>
    %dma_wait3A_110 = arith.constant 0 : i32
    %dma_wait3A_111 = arith.constant 0 : i32
    %dma_wait3A_112 = tpu.memref_slice %arg3[%mul3A_4, %dma_wait3A_110, %dma_wait3A_111] : memref<25096x2x128xi32, #tpu.memory_space<hbm>> -> memref<4x2x128xi32, #tpu.memory_space<hbm>>
    tpu.wait_dma2 semaphore(%arg11 : memref<!tpu.dma_semaphore, #tpu.memory_space<semaphore_mem>>) src(%dma_wait3A_112 : memref<4x2x128xi32, #tpu.memory_space<hbm>>) dst(%arg6 : memref<4x2x128xi32, #tpu.memory_space<vmem>>)
    %barrier3A_113 = arith.constant 0 : index
    tpu.barrier barrier_id(%barrier3A_113)
    %mul3A_114 = arith.constant 6256 : i32
    %mul3A_115 = arith.muli %arg1, %mul3A_114 : i32
    %mul3A_116 = arith.constant 6256 : i32
    %mul3A_117 = arith.muli %arg1, %mul3A_116 : i32
    "tpu.region"() ({
      %run_scoped3A = tpu.sem_alloc : memref<!tpu.dma_semaphore, #tpu.memory_space<semaphore_mem>>
      %dma_start3A_118 = arith.constant 0 : i32
      %dma_start3A_119 = tpu.memref_slice %arg5[%arg0, %mul3A_117, %dma_start3A_118] : memref<2x100096x16xf32, #tpu.memory_space<hbm>> -> memref<1x6256x16xf32, #tpu.memory_space<hbm>>
      %dma_start3A_120 = tpu.memref_squeeze %dma_start3A_119 : memref<1x6256x16xf32, #tpu.memory_space<hbm>> -> memref<6256x16xf32, #tpu.memory_space<hbm>>
      %dma_start3A_121 = arith.constant 0 : i32
      %dma_start3A_122 = tpu.memref_slice %arg10[%mul3A_115, %dma_start3A_121] : memref<100096x16xf32, #tpu.memory_space<vmem_shared>> -> memref<6256x16xf32, #tpu.memory_space<vmem_shared>>
      tpu.enqueue_dma source(%dma_start3A_122 : memref<6256x16xf32, #tpu.memory_space<vmem_shared>>) target(%dma_start3A_120 : memref<6256x16xf32, #tpu.memory_space<hbm>>) target_semaphore(%run_scoped3A : memref<!tpu.dma_semaphore, #tpu.memory_space<semaphore_mem>>)
      %dma_wait3A_123 = arith.constant 0 : i32
      %dma_wait3A_124 = tpu.memref_slice %arg5[%arg0, %mul3A_117, %dma_wait3A_123] : memref<2x100096x16xf32, #tpu.memory_space<hbm>> -> memref<1x6256x16xf32, #tpu.memory_space<hbm>>
      %dma_wait3A_125 = tpu.memref_squeeze %dma_wait3A_124 : memref<1x6256x16xf32, #tpu.memory_space<hbm>> -> memref<6256x16xf32, #tpu.memory_space<hbm>>
      %dma_wait3A_126 = arith.constant 0 : i32
      %dma_wait3A_127 = tpu.memref_slice %arg10[%mul3A_115, %dma_wait3A_126] : memref<100096x16xf32, #tpu.memory_space<vmem_shared>> -> memref<6256x16xf32, #tpu.memory_space<vmem_shared>>
      tpu.wait_dma2 semaphore(%run_scoped3A : memref<!tpu.dma_semaphore, #tpu.memory_space<semaphore_mem>>) src(%dma_wait3A_127 : memref<6256x16xf32, #tpu.memory_space<vmem_shared>>) dst(%dma_wait3A_125 : memref<6256x16xf32, #tpu.memory_space<hbm>>)
      tpu.yield
    }) : () -> ()
    return
  }
}

module attributes {stable_mosaic.version = 14 : i64} {
  func.func @body(%arg0: i32, %arg1: memref<3128x128xf32, #tpu.memory_space<vmem>>, %arg2: memref<3128x128xf32, #tpu.memory_space<vmem>>, %arg3: memref<3128x128xf32, #tpu.memory_space<vmem>>) attributes {dimension_semantics = [#tpu.dimension_semantics<arbitrary>], iteration_bounds = array<i64: 4>, scalar_prefetch = 0 : i64, scratch_operands = 0 : i64, tpu.core_type = #tpu.core_type<tc>, window_params = [{transform_indices = @transform_0, window_bounds = array<i64: 3128, 128>}, {transform_indices = @transform_1, window_bounds = array<i64: 3128, 128>}, {transform_indices = @transform_2, window_bounds = array<i64: 3128, 128>}]} {
    %get3A = arith.constant 0 : index
    %get3A_0 = arith.constant 0 : index
    %get3A_1 = vector.load %arg1[%get3A, %get3A_0] : memref<3128x128xf32, #tpu.memory_space<vmem>>, vector<3128x128xf32>
    %get3A_2 = arith.constant 0 : index
    %get3A_3 = arith.constant 0 : index
    %get3A_4 = vector.load %arg2[%get3A_2, %get3A_3] : memref<3128x128xf32, #tpu.memory_space<vmem>>, vector<3128x128xf32>
    %add3A = arith.addf %get3A_1, %get3A_4 : vector<3128x128xf32>
    %add3A_5 = arith.constant 1.000000e+00 : f32
    %add3A_6 = vector.broadcast %add3A_5 : f32 to vector<3128x128xf32>
    %add3A_7 = arith.addf %add3A, %add3A_6 : vector<3128x128xf32>
    %rsqrt3A = math.rsqrt %add3A_7 : vector<3128x128xf32>
    %swap3A = arith.constant 0 : index
    %swap3A_8 = arith.constant 0 : index
    %swap3A_9 = vector.load %arg3[%swap3A, %swap3A_8] : memref<3128x128xf32, #tpu.memory_space<vmem>>, vector<3128x128xf32>
    tpu.vector_store %arg3[%swap3A, %swap3A_8], %rsqrt3A {strides = array<i32>} : memref<3128x128xf32, #tpu.memory_space<vmem>>, vector<3128x128xf32>,
    return
  }
  func.func @transform_0(%arg0: i32) -> (i32, i32) {
    %c0_i32 = arith.constant 0 : i32
    %c0_i32_0 = arith.constant 0 : i32
    return %arg0, %c0_i32 : i32, i32
  }
  func.func @transform_1(%arg0: i32) -> (i32, i32) {
    %add3A = arith.constant 4 : i32
    %add3A_0 = arith.addi %add3A, %arg0 : i32
    %c0_i32 = arith.constant 0 : i32
    %c0_i32_1 = arith.constant 0 : i32
    return %add3A_0, %c0_i32 : i32, i32
  }
  func.func @transform_2(%arg0: i32) -> (i32, i32) {
    %c0_i32 = arith.constant 0 : i32
    %c0_i32_0 = arith.constant 0 : i32
    return %arg0, %c0_i32 : i32, i32
  }
}

module attributes {stable_mosaic.version = 14 : i64} {
  func.func @body(%arg0: i32, %arg1: memref<3128x16xf32, #tpu.memory_space<vmem>>, %arg2: memref<3128x3xf32, #tpu.memory_space<vmem>>, %arg3: memref<3x16xf32, #tpu.memory_space<vmem>>, %arg4: memref<3128x16xf32, #tpu.memory_space<vmem>>) attributes {dimension_semantics = [#tpu.dimension_semantics<arbitrary>], iteration_bounds = array<i64: 32>, scalar_prefetch = 0 : i64, scratch_operands = 0 : i64, tpu.core_type = #tpu.core_type<tc>, window_params = [{transform_indices = @transform_0, window_bounds = array<i64: 3128, 16>}, {transform_indices = @transform_1, window_bounds = array<i64: 3128, 3>}, {pipeline_mode = #tpu.pipeline_mode<synchronous>, transform_indices = @transform_2, window_bounds = array<i64: 3, 16>}, {transform_indices = @transform_3, window_bounds = array<i64: 3128, 16>}]} {
    %get3A = arith.constant 0 : index
    %get3A_0 = arith.constant 0 : index
    %get3A_1 = vector.load %arg2[%get3A, %get3A_0] : memref<3128x3xf32, #tpu.memory_space<vmem>>, vector<3128x3xf32>
    %convert_element_type3A = arith.truncf %get3A_1 : vector<3128x3xf32> to vector<3128x3xbf16>
    %get3A_2 = arith.constant 0 : index
    %get3A_3 = arith.constant 0 : index
    %get3A_4 = vector.load %arg3[%get3A_2, %get3A_3] : memref<3x16xf32, #tpu.memory_space<vmem>>, vector<3x16xf32>
    %convert_element_type3A_5 = arith.truncf %get3A_4 : vector<3x16xf32> to vector<3x16xbf16>
    %dot_general3A = arith.constant dense<0.000000e+00> : vector<3128x16xf32>
    %dot_general3A_6 = tpu.matmul %convert_element_type3A, %convert_element_type3A_5, %dot_general3A {dimension_numbers = #tpu.dot_dimension_numbers<[1], [0], [0], [1], [0, 0, 1, 1], [], []>, transpose_lhs_hint = false} : vector<3128x3xbf16>, vector<3x16xbf16>, vector<3128x16xf32> -> vector<3128x16xf32>
    %get3A_7 = arith.constant 0 : index
    %get3A_8 = arith.constant 0 : index
    %get3A_9 = vector.load %arg1[%get3A_7, %get3A_8] : memref<3128x16xf32, #tpu.memory_space<vmem>>, vector<3128x16xf32>
    %mul3A = arith.mulf %get3A_9, %dot_general3A_6 : vector<3128x16xf32>
    %swap3A = arith.constant 0 : index
    %swap3A_10 = arith.constant 0 : index
    %swap3A_11 = vector.load %arg4[%swap3A, %swap3A_10] : memref<3128x16xf32, #tpu.memory_space<vmem>>, vector<3128x16xf32>
    tpu.vector_store %arg4[%swap3A, %swap3A_10], %mul3A {strides = array<i32>} : memref<3128x16xf32, #tpu.memory_space<vmem>>, vector<3128x16xf32>,
    return
  }
  func.func @transform_0(%arg0: i32) -> (i32, i32) {
    %c0_i32 = arith.constant 0 : i32
    %c0_i32_0 = arith.constant 0 : i32
    return %arg0, %c0_i32 : i32, i32
  }
  func.func @transform_1(%arg0: i32) -> (i32, i32) {
    %c0_i32 = arith.constant 0 : i32
    %c0_i32_0 = arith.constant 0 : i32
    return %arg0, %c0_i32 : i32, i32
  }
  func.func @transform_2(%arg0: i32) -> (i32, i32) {
    %c0_i32 = arith.constant 0 : i32
    %c0_i32_0 = arith.constant 0 : i32
    %c0_i32_1 = arith.constant 0 : i32
    return %c0_i32, %c0_i32_0 : i32, i32
  }
  func.func @transform_3(%arg0: i32) -> (i32, i32) {
    %c0_i32 = arith.constant 0 : i32
    %c0_i32_0 = arith.constant 0 : i32
    return %arg0, %c0_i32 : i32, i32
  }
}

module attributes {stable_mosaic.version = 14 : i64} {
  func.func @body(%arg0: i32, %arg1: memref<3128x128xf32, #tpu.memory_space<vmem>>, %arg2: memref<3128x128xf32, #tpu.memory_space<vmem>>, %arg3: memref<3128x128xf32, #tpu.memory_space<vmem>>, %arg4: memref<3128x128xf32, #tpu.memory_space<vmem>>, %arg5: memref<1x128xf32, #tpu.memory_space<vmem>>, %arg6: memref<128x128xbf16, #tpu.memory_space<vmem>>, %arg7: memref<3128x128xf32, #tpu.memory_space<vmem>>) attributes {dimension_semantics = [#tpu.dimension_semantics<arbitrary>], iteration_bounds = array<i64: 4>, scalar_prefetch = 0 : i64, scratch_operands = 0 : i64, tpu.core_type = #tpu.core_type<tc>, window_params = [{transform_indices = @transform_0, window_bounds = array<i64: 3128, 128>}, {transform_indices = @transform_1, window_bounds = array<i64: 3128, 128>}, {transform_indices = @transform_2, window_bounds = array<i64: 3128, 128>}, {transform_indices = @transform_3, window_bounds = array<i64: 3128, 128>}, {pipeline_mode = #tpu.pipeline_mode<synchronous>, transform_indices = @transform_4, window_bounds = array<i64: 1, 128>}, {pipeline_mode = #tpu.pipeline_mode<synchronous>, transform_indices = @transform_5, window_bounds = array<i64: 128, 128>}, {transform_indices = @transform_6, window_bounds = array<i64: 3128, 128>}]} {
    %get3A = arith.constant 0 : index
    %get3A_0 = arith.constant 0 : index
    %get3A_1 = vector.load %arg4[%get3A, %get3A_0] : memref<3128x128xf32, #tpu.memory_space<vmem>>, vector<3128x128xf32>
    %get3A_2 = arith.constant 0 : index
    %get3A_3 = arith.constant 0 : index
    %get3A_4 = vector.load %arg1[%get3A_2, %get3A_3] : memref<3128x128xf32, #tpu.memory_space<vmem>>, vector<3128x128xf32>
    %get3A_5 = arith.constant 0 : index
    %get3A_6 = arith.constant 0 : index
    %get3A_7 = vector.load %arg2[%get3A_5, %get3A_6] : memref<3128x128xf32, #tpu.memory_space<vmem>>, vector<3128x128xf32>
    %add3A = arith.addf %get3A_4, %get3A_7 : vector<3128x128xf32>
    %get3A_8 = arith.constant 0 : index
    %get3A_9 = arith.constant 0 : index
    %get3A_10 = vector.load %arg3[%get3A_8, %get3A_9] : memref<3128x128xf32, #tpu.memory_space<vmem>>, vector<3128x128xf32>
    %add3A_11 = arith.addf %add3A, %get3A_10 : vector<3128x128xf32>
    %mul3A = arith.mulf %get3A_1, %add3A_11 : vector<3128x128xf32>
    %get3A_12 = arith.constant 0 : index
    %get3A_13 = arith.constant 0 : index
    %get3A_14 = vector.load %arg5[%get3A_12, %get3A_13] : memref<1x128xf32, #tpu.memory_space<vmem>>, vector<1x128xf32>
    %add3A_15 = vector.broadcast %get3A_14 : vector<1x128xf32> to vector<3128x128xf32>
    %add3A_16 = arith.addf %mul3A, %add3A_15 : vector<3128x128xf32>
    %max3A = arith.constant 0.000000e+00 : f32
    %max3A_17 = vector.broadcast %max3A : f32 to vector<3128x128xf32>
    %max3A_18 = arith.maximumf %add3A_16, %max3A_17 : vector<3128x128xf32>
    %convert_element_type3A = arith.truncf %max3A_18 : vector<3128x128xf32> to vector<3128x128xbf16>
    %get3A_19 = arith.constant 0 : index
    %get3A_20 = arith.constant 0 : index
    %get3A_21 = vector.load %arg6[%get3A_19, %get3A_20] : memref<128x128xbf16, #tpu.memory_space<vmem>>, vector<128x128xbf16>
    %dot_general3A = arith.constant dense<0.000000e+00> : vector<3128x128xf32>
    %dot_general3A_22 = tpu.matmul %convert_element_type3A, %get3A_21, %dot_general3A {dimension_numbers = #tpu.dot_dimension_numbers<[1], [0], [0], [1], [0, 0, 1, 1], [], []>, transpose_lhs_hint = false} : vector<3128x128xbf16>, vector<128x128xbf16>, vector<3128x128xf32> -> vector<3128x128xf32>
    %mul3A_23 = arith.mulf %get3A_1, %dot_general3A_22 : vector<3128x128xf32>
    %swap3A = arith.constant 0 : index
    %swap3A_24 = arith.constant 0 : index
    %swap3A_25 = vector.load %arg7[%swap3A, %swap3A_24] : memref<3128x128xf32, #tpu.memory_space<vmem>>, vector<3128x128xf32>
    tpu.vector_store %arg7[%swap3A, %swap3A_24], %mul3A_23 {strides = array<i32>} : memref<3128x128xf32, #tpu.memory_space<vmem>>, vector<3128x128xf32>,
    return
  }
  func.func @transform_0(%arg0: i32) -> (i32, i32) {
    %c0_i32 = arith.constant 0 : i32
    %c0_i32_0 = arith.constant 0 : i32
    return %arg0, %c0_i32 : i32, i32
  }
  func.func @transform_1(%arg0: i32) -> (i32, i32) {
    %add3A = arith.constant 4 : i32
    %add3A_0 = arith.addi %add3A, %arg0 : i32
    %c0_i32 = arith.constant 0 : i32
    %c0_i32_1 = arith.constant 0 : i32
    return %add3A_0, %c0_i32 : i32, i32
  }
  func.func @transform_2(%arg0: i32) -> (i32, i32) {
    %c0_i32 = arith.constant 0 : i32
    %c0_i32_0 = arith.constant 0 : i32
    return %arg0, %c0_i32 : i32, i32
  }
  func.func @transform_3(%arg0: i32) -> (i32, i32) {
    %c0_i32 = arith.constant 0 : i32
    %c0_i32_0 = arith.constant 0 : i32
    return %arg0, %c0_i32 : i32, i32
  }
  func.func @transform_4(%arg0: i32) -> (i32, i32) {
    %c0_i32 = arith.constant 0 : i32
    %c0_i32_0 = arith.constant 0 : i32
    %c0_i32_1 = arith.constant 0 : i32
    return %c0_i32, %c0_i32_0 : i32, i32
  }
  func.func @transform_5(%arg0: i32) -> (i32, i32) {
    %c0_i32 = arith.constant 0 : i32
    %c0_i32_0 = arith.constant 0 : i32
    %c0_i32_1 = arith.constant 0 : i32
    return %c0_i32, %c0_i32_0 : i32, i32
  }
  func.func @transform_6(%arg0: i32) -> (i32, i32) {
    %c0_i32 = arith.constant 0 : i32
    %c0_i32_0 = arith.constant 0 : i32
    return %arg0, %c0_i32 : i32, i32
  }
}

module attributes {stable_mosaic.version = 14 : i64} {
  func.func @body(%arg0: i32, %arg1: memref<3128x128xf32, #tpu.memory_space<vmem>>, %arg2: memref<3128x128xf32, #tpu.memory_space<vmem>>, %arg3: memref<3128x128xf32, #tpu.memory_space<vmem>>, %arg4: memref<3128x128xf32, #tpu.memory_space<vmem>>, %arg5: memref<3128x128xf32, #tpu.memory_space<vmem>>) attributes {dimension_semantics = [#tpu.dimension_semantics<arbitrary>], iteration_bounds = array<i64: 4>, scalar_prefetch = 0 : i64, scratch_operands = 0 : i64, tpu.core_type = #tpu.core_type<tc>, window_params = [{transform_indices = @transform_0, window_bounds = array<i64: 3128, 128>}, {transform_indices = @transform_1, window_bounds = array<i64: 3128, 128>}, {transform_indices = @transform_2, window_bounds = array<i64: 3128, 128>}, {transform_indices = @transform_3, window_bounds = array<i64: 3128, 128>}, {transform_indices = @transform_4, window_bounds = array<i64: 3128, 128>}]} {
    %get3A = arith.constant 0 : index
    %get3A_0 = arith.constant 0 : index
    %get3A_1 = vector.load %arg4[%get3A, %get3A_0] : memref<3128x128xf32, #tpu.memory_space<vmem>>, vector<3128x128xf32>
    %get3A_2 = arith.constant 0 : index
    %get3A_3 = arith.constant 0 : index
    %get3A_4 = vector.load %arg1[%get3A_2, %get3A_3] : memref<3128x128xf32, #tpu.memory_space<vmem>>, vector<3128x128xf32>
    %get3A_5 = arith.constant 0 : index
    %get3A_6 = arith.constant 0 : index
    %get3A_7 = vector.load %arg2[%get3A_5, %get3A_6] : memref<3128x128xf32, #tpu.memory_space<vmem>>, vector<3128x128xf32>
    %add3A = arith.addf %get3A_4, %get3A_7 : vector<3128x128xf32>
    %get3A_8 = arith.constant 0 : index
    %get3A_9 = arith.constant 0 : index
    %get3A_10 = vector.load %arg3[%get3A_8, %get3A_9] : memref<3128x128xf32, #tpu.memory_space<vmem>>, vector<3128x128xf32>
    %add3A_11 = arith.addf %add3A, %get3A_10 : vector<3128x128xf32>
    %mul3A = arith.mulf %get3A_1, %add3A_11 : vector<3128x128xf32>
    %swap3A = arith.constant 0 : index
    %swap3A_12 = arith.constant 0 : index
    %swap3A_13 = vector.load %arg5[%swap3A, %swap3A_12] : memref<3128x128xf32, #tpu.memory_space<vmem>>, vector<3128x128xf32>
    tpu.vector_store %arg5[%swap3A, %swap3A_12], %mul3A {strides = array<i32>} : memref<3128x128xf32, #tpu.memory_space<vmem>>, vector<3128x128xf32>,
    return
  }
  func.func @transform_0(%arg0: i32) -> (i32, i32) {
    %c0_i32 = arith.constant 0 : i32
    %c0_i32_0 = arith.constant 0 : i32
    return %arg0, %c0_i32 : i32, i32
  }
  func.func @transform_1(%arg0: i32) -> (i32, i32) {
    %add3A = arith.constant 4 : i32
    %add3A_0 = arith.addi %add3A, %arg0 : i32
    %c0_i32 = arith.constant 0 : i32
    %c0_i32_1 = arith.constant 0 : i32
    return %add3A_0, %c0_i32 : i32, i32
  }
  func.func @transform_2(%arg0: i32) -> (i32, i32) {
    %c0_i32 = arith.constant 0 : i32
    %c0_i32_0 = arith.constant 0 : i32
    return %arg0, %c0_i32 : i32, i32
  }
  func.func @transform_3(%arg0: i32) -> (i32, i32) {
    %c0_i32 = arith.constant 0 : i32
    %c0_i32_0 = arith.constant 0 : i32
    return %arg0, %c0_i32 : i32, i32
  }
  func.func @transform_4(%arg0: i32) -> (i32, i32) {
    %c0_i32 = arith.constant 0 : i32
    %c0_i32_0 = arith.constant 0 : i32
    return %arg0, %c0_i32 : i32, i32
  }
}

module attributes {stable_mosaic.version = 14 : i64} {
  func.func @body(%arg0: memref<2x2x128x16xf32, #tpu.memory_space<vmem>>, %arg1: memref<1x16xf32, #tpu.memory_space<vmem>>, %arg2: memref<16x16xf32, #tpu.memory_space<vmem>>, %arg3: memref<1x16xf32, #tpu.memory_space<vmem>>, %arg4: memref<16x7xf32, #tpu.memory_space<vmem>>, %arg5: memref<1x7xf32, #tpu.memory_space<vmem>>, %arg6: memref<64x7xf32, #tpu.memory_space<vmem>>) attributes {dimension_semantics = [], scalar_prefetch = 0 : i64, scratch_operands = 0 : i64, tpu.core_type = #tpu.core_type<tc>} {
    %get3A = arith.constant 0 : index
    %get3A_0 = arith.constant 0 : index
    %get3A_1 = arith.constant 0 : index
    %get3A_2 = arith.constant 0 : index
    %get3A_3 = vector.load %arg0[%get3A, %get3A_0, %get3A_1, %get3A_2] : memref<2x2x128x16xf32, #tpu.memory_space<vmem>>, vector<2x2x128x16xf32>
    %slice3A = vector.extract_strided_slice %get3A_3 {offsets = [0, 0, 0, 0], sizes = [1, 1, 64, 16], strides = [1, 1, 1, 1]} : vector<2x2x128x16xf32> to vector<1x1x64x16xf32>
    %squeeze3A = vector.shape_cast %slice3A : vector<1x1x64x16xf32> to vector<64x16xf32>
    %slice3A_4 = vector.extract_strided_slice %get3A_3 {offsets = [1, 0, 0, 0], sizes = [1, 1, 64, 16], strides = [1, 1, 1, 1]} : vector<2x2x128x16xf32> to vector<1x1x64x16xf32>
    %squeeze3A_5 = vector.shape_cast %slice3A_4 : vector<1x1x64x16xf32> to vector<64x16xf32>
    %add3A = arith.addf %squeeze3A, %squeeze3A_5 : vector<64x16xf32>
    %slice3A_6 = vector.extract_strided_slice %get3A_3 {offsets = [0, 1, 0, 0], sizes = [1, 1, 64, 1], strides = [1, 1, 1, 1]} : vector<2x2x128x16xf32> to vector<1x1x64x1xf32>
    %squeeze3A_7 = vector.shape_cast %slice3A_6 : vector<1x1x64x1xf32> to vector<64x1xf32>
    %slice3A_8 = vector.extract_strided_slice %get3A_3 {offsets = [1, 1, 0, 0], sizes = [1, 1, 64, 1], strides = [1, 1, 1, 1]} : vector<2x2x128x16xf32> to vector<1x1x64x1xf32>
    %squeeze3A_9 = vector.shape_cast %slice3A_8 : vector<1x1x64x1xf32> to vector<64x1xf32>
    %add3A_10 = arith.addf %squeeze3A_7, %squeeze3A_9 : vector<64x1xf32>
    %get3A_11 = arith.constant 0 : index
    %get3A_12 = arith.constant 0 : index
    %get3A_13 = vector.load %arg1[%get3A_11, %get3A_12] : memref<1x16xf32, #tpu.memory_space<vmem>>, vector<1x16xf32>
    %mul3A = vector.broadcast %add3A_10 : vector<64x1xf32> to vector<64x16xf32>
    %mul3A_14 = vector.broadcast %get3A_13 : vector<1x16xf32> to vector<64x16xf32>
    %mul3A_15 = arith.mulf %mul3A, %mul3A_14 : vector<64x16xf32>
    %add3A_16 = arith.addf %add3A, %mul3A_15 : vector<64x16xf32>
    %convert_element_type3A = arith.truncf %add3A_16 : vector<64x16xf32> to vector<64x16xbf16>
    %convert_element_type3A_17 = arith.extf %convert_element_type3A : vector<64x16xbf16> to vector<64x16xf32>
    %get3A_18 = arith.constant 0 : index
    %get3A_19 = arith.constant 0 : index
    %get3A_20 = vector.load %arg2[%get3A_18, %get3A_19] : memref<16x16xf32, #tpu.memory_space<vmem>>, vector<16x16xf32>
    %convert_element_type3A_21 = arith.truncf %get3A_20 : vector<16x16xf32> to vector<16x16xbf16>
    %convert_element_type3A_22 = arith.extf %convert_element_type3A_21 : vector<16x16xbf16> to vector<16x16xf32>
    %get3A_23 = arith.constant 0 : index
    %get3A_24 = arith.constant 0 : index
    %get3A_25 = vector.load %arg3[%get3A_23, %get3A_24] : memref<1x16xf32, #tpu.memory_space<vmem>>, vector<1x16xf32>
    %broadcast_in_dim3A = vector.shape_cast %get3A_25 : vector<1x16xf32> to vector<1x16xf32>
    %broadcast_in_dim3A_26 = vector.broadcast %broadcast_in_dim3A : vector<1x16xf32> to vector<64x16xf32>
    %slice3A_27 = vector.extract_strided_slice %convert_element_type3A_17 {offsets = [0, 0], sizes = [64, 1], strides = [1, 1]} : vector<64x16xf32> to vector<64x1xf32>
    %slice3A_28 = vector.extract_strided_slice %convert_element_type3A_22 {offsets = [0, 0], sizes = [1, 16], strides = [1, 1]} : vector<16x16xf32> to vector<1x16xf32>
    %mul3A_29 = vector.broadcast %slice3A_27 : vector<64x1xf32> to vector<64x16xf32>
    %mul3A_30 = vector.broadcast %slice3A_28 : vector<1x16xf32> to vector<64x16xf32>
    %mul3A_31 = arith.mulf %mul3A_29, %mul3A_30 : vector<64x16xf32>
    %add3A_32 = arith.addf %broadcast_in_dim3A_26, %mul3A_31 : vector<64x16xf32>
    %slice3A_33 = vector.extract_strided_slice %convert_element_type3A_17 {offsets = [0, 1], sizes = [64, 1], strides = [1, 1]} : vector<64x16xf32> to vector<64x1xf32>
    %slice3A_34 = vector.extract_strided_slice %convert_element_type3A_22 {offsets = [1, 0], sizes = [1, 16], strides = [1, 1]} : vector<16x16xf32> to vector<1x16xf32>
    %mul3A_35 = vector.broadcast %slice3A_33 : vector<64x1xf32> to vector<64x16xf32>
    %mul3A_36 = vector.broadcast %slice3A_34 : vector<1x16xf32> to vector<64x16xf32>
    %mul3A_37 = arith.mulf %mul3A_35, %mul3A_36 : vector<64x16xf32>
    %add3A_38 = arith.addf %add3A_32, %mul3A_37 : vector<64x16xf32>
    %slice3A_39 = vector.extract_strided_slice %convert_element_type3A_17 {offsets = [0, 2], sizes = [64, 1], strides = [1, 1]} : vector<64x16xf32> to vector<64x1xf32>
    %slice3A_40 = vector.extract_strided_slice %convert_element_type3A_22 {offsets = [2, 0], sizes = [1, 16], strides = [1, 1]} : vector<16x16xf32> to vector<1x16xf32>
    %mul3A_41 = vector.broadcast %slice3A_39 : vector<64x1xf32> to vector<64x16xf32>
    %mul3A_42 = vector.broadcast %slice3A_40 : vector<1x16xf32> to vector<64x16xf32>
    %mul3A_43 = arith.mulf %mul3A_41, %mul3A_42 : vector<64x16xf32>
    %add3A_44 = arith.addf %add3A_38, %mul3A_43 : vector<64x16xf32>
    %slice3A_45 = vector.extract_strided_slice %convert_element_type3A_17 {offsets = [0, 3], sizes = [64, 1], strides = [1, 1]} : vector<64x16xf32> to vector<64x1xf32>
    %slice3A_46 = vector.extract_strided_slice %convert_element_type3A_22 {offsets = [3, 0], sizes = [1, 16], strides = [1, 1]} : vector<16x16xf32> to vector<1x16xf32>
    %mul3A_47 = vector.broadcast %slice3A_45 : vector<64x1xf32> to vector<64x16xf32>
    %mul3A_48 = vector.broadcast %slice3A_46 : vector<1x16xf32> to vector<64x16xf32>
    %mul3A_49 = arith.mulf %mul3A_47, %mul3A_48 : vector<64x16xf32>
    %add3A_50 = arith.addf %add3A_44, %mul3A_49 : vector<64x16xf32>
    %slice3A_51 = vector.extract_strided_slice %convert_element_type3A_17 {offsets = [0, 4], sizes = [64, 1], strides = [1, 1]} : vector<64x16xf32> to vector<64x1xf32>
    %slice3A_52 = vector.extract_strided_slice %convert_element_type3A_22 {offsets = [4, 0], sizes = [1, 16], strides = [1, 1]} : vector<16x16xf32> to vector<1x16xf32>
    %mul3A_53 = vector.broadcast %slice3A_51 : vector<64x1xf32> to vector<64x16xf32>
    %mul3A_54 = vector.broadcast %slice3A_52 : vector<1x16xf32> to vector<64x16xf32>
    %mul3A_55 = arith.mulf %mul3A_53, %mul3A_54 : vector<64x16xf32>
    %add3A_56 = arith.addf %add3A_50, %mul3A_55 : vector<64x16xf32>
    %slice3A_57 = vector.extract_strided_slice %convert_element_type3A_17 {offsets = [0, 5], sizes = [64, 1], strides = [1, 1]} : vector<64x16xf32> to vector<64x1xf32>
    %slice3A_58 = vector.extract_strided_slice %convert_element_type3A_22 {offsets = [5, 0], sizes = [1, 16], strides = [1, 1]} : vector<16x16xf32> to vector<1x16xf32>
    %mul3A_59 = vector.broadcast %slice3A_57 : vector<64x1xf32> to vector<64x16xf32>
    %mul3A_60 = vector.broadcast %slice3A_58 : vector<1x16xf32> to vector<64x16xf32>
    %mul3A_61 = arith.mulf %mul3A_59, %mul3A_60 : vector<64x16xf32>
    %add3A_62 = arith.addf %add3A_56, %mul3A_61 : vector<64x16xf32>
    %slice3A_63 = vector.extract_strided_slice %convert_element_type3A_17 {offsets = [0, 6], sizes = [64, 1], strides = [1, 1]} : vector<64x16xf32> to vector<64x1xf32>
    %slice3A_64 = vector.extract_strided_slice %convert_element_type3A_22 {offsets = [6, 0], sizes = [1, 16], strides = [1, 1]} : vector<16x16xf32> to vector<1x16xf32>
    %mul3A_65 = vector.broadcast %slice3A_63 : vector<64x1xf32> to vector<64x16xf32>
    %mul3A_66 = vector.broadcast %slice3A_64 : vector<1x16xf32> to vector<64x16xf32>
    %mul3A_67 = arith.mulf %mul3A_65, %mul3A_66 : vector<64x16xf32>
    %add3A_68 = arith.addf %add3A_62, %mul3A_67 : vector<64x16xf32>
    %slice3A_69 = vector.extract_strided_slice %convert_element_type3A_17 {offsets = [0, 7], sizes = [64, 1], strides = [1, 1]} : vector<64x16xf32> to vector<64x1xf32>
    %slice3A_70 = vector.extract_strided_slice %convert_element_type3A_22 {offsets = [7, 0], sizes = [1, 16], strides = [1, 1]} : vector<16x16xf32> to vector<1x16xf32>
    %mul3A_71 = vector.broadcast %slice3A_69 : vector<64x1xf32> to vector<64x16xf32>
    %mul3A_72 = vector.broadcast %slice3A_70 : vector<1x16xf32> to vector<64x16xf32>
    %mul3A_73 = arith.mulf %mul3A_71, %mul3A_72 : vector<64x16xf32>
    %add3A_74 = arith.addf %add3A_68, %mul3A_73 : vector<64x16xf32>
    %slice3A_75 = vector.extract_strided_slice %convert_element_type3A_17 {offsets = [0, 8], sizes = [64, 1], strides = [1, 1]} : vector<64x16xf32> to vector<64x1xf32>
    %slice3A_76 = vector.extract_strided_slice %convert_element_type3A_22 {offsets = [8, 0], sizes = [1, 16], strides = [1, 1]} : vector<16x16xf32> to vector<1x16xf32>
    %mul3A_77 = vector.broadcast %slice3A_75 : vector<64x1xf32> to vector<64x16xf32>
    %mul3A_78 = vector.broadcast %slice3A_76 : vector<1x16xf32> to vector<64x16xf32>
    %mul3A_79 = arith.mulf %mul3A_77, %mul3A_78 : vector<64x16xf32>
    %add3A_80 = arith.addf %add3A_74, %mul3A_79 : vector<64x16xf32>
    %slice3A_81 = vector.extract_strided_slice %convert_element_type3A_17 {offsets = [0, 9], sizes = [64, 1], strides = [1, 1]} : vector<64x16xf32> to vector<64x1xf32>
    %slice3A_82 = vector.extract_strided_slice %convert_element_type3A_22 {offsets = [9, 0], sizes = [1, 16], strides = [1, 1]} : vector<16x16xf32> to vector<1x16xf32>
    %mul3A_83 = vector.broadcast %slice3A_81 : vector<64x1xf32> to vector<64x16xf32>
    %mul3A_84 = vector.broadcast %slice3A_82 : vector<1x16xf32> to vector<64x16xf32>
    %mul3A_85 = arith.mulf %mul3A_83, %mul3A_84 : vector<64x16xf32>
    %add3A_86 = arith.addf %add3A_80, %mul3A_85 : vector<64x16xf32>
    %slice3A_87 = vector.extract_strided_slice %convert_element_type3A_17 {offsets = [0, 10], sizes = [64, 1], strides = [1, 1]} : vector<64x16xf32> to vector<64x1xf32>
    %slice3A_88 = vector.extract_strided_slice %convert_element_type3A_22 {offsets = [10, 0], sizes = [1, 16], strides = [1, 1]} : vector<16x16xf32> to vector<1x16xf32>
    %mul3A_89 = vector.broadcast %slice3A_87 : vector<64x1xf32> to vector<64x16xf32>
    %mul3A_90 = vector.broadcast %slice3A_88 : vector<1x16xf32> to vector<64x16xf32>
    %mul3A_91 = arith.mulf %mul3A_89, %mul3A_90 : vector<64x16xf32>
    %add3A_92 = arith.addf %add3A_86, %mul3A_91 : vector<64x16xf32>
    %slice3A_93 = vector.extract_strided_slice %convert_element_type3A_17 {offsets = [0, 11], sizes = [64, 1], strides = [1, 1]} : vector<64x16xf32> to vector<64x1xf32>
    %slice3A_94 = vector.extract_strided_slice %convert_element_type3A_22 {offsets = [11, 0], sizes = [1, 16], strides = [1, 1]} : vector<16x16xf32> to vector<1x16xf32>
    %mul3A_95 = vector.broadcast %slice3A_93 : vector<64x1xf32> to vector<64x16xf32>
    %mul3A_96 = vector.broadcast %slice3A_94 : vector<1x16xf32> to vector<64x16xf32>
    %mul3A_97 = arith.mulf %mul3A_95, %mul3A_96 : vector<64x16xf32>
    %add3A_98 = arith.addf %add3A_92, %mul3A_97 : vector<64x16xf32>
    %slice3A_99 = vector.extract_strided_slice %convert_element_type3A_17 {offsets = [0, 12], sizes = [64, 1], strides = [1, 1]} : vector<64x16xf32> to vector<64x1xf32>
    %slice3A_100 = vector.extract_strided_slice %convert_element_type3A_22 {offsets = [12, 0], sizes = [1, 16], strides = [1, 1]} : vector<16x16xf32> to vector<1x16xf32>
    %mul3A_101 = vector.broadcast %slice3A_99 : vector<64x1xf32> to vector<64x16xf32>
    %mul3A_102 = vector.broadcast %slice3A_100 : vector<1x16xf32> to vector<64x16xf32>
    %mul3A_103 = arith.mulf %mul3A_101, %mul3A_102 : vector<64x16xf32>
    %add3A_104 = arith.addf %add3A_98, %mul3A_103 : vector<64x16xf32>
    %slice3A_105 = vector.extract_strided_slice %convert_element_type3A_17 {offsets = [0, 13], sizes = [64, 1], strides = [1, 1]} : vector<64x16xf32> to vector<64x1xf32>
    %slice3A_106 = vector.extract_strided_slice %convert_element_type3A_22 {offsets = [13, 0], sizes = [1, 16], strides = [1, 1]} : vector<16x16xf32> to vector<1x16xf32>
    %mul3A_107 = vector.broadcast %slice3A_105 : vector<64x1xf32> to vector<64x16xf32>
    %mul3A_108 = vector.broadcast %slice3A_106 : vector<1x16xf32> to vector<64x16xf32>
    %mul3A_109 = arith.mulf %mul3A_107, %mul3A_108 : vector<64x16xf32>
    %add3A_110 = arith.addf %add3A_104, %mul3A_109 : vector<64x16xf32>
    %slice3A_111 = vector.extract_strided_slice %convert_element_type3A_17 {offsets = [0, 14], sizes = [64, 1], strides = [1, 1]} : vector<64x16xf32> to vector<64x1xf32>
    %slice3A_112 = vector.extract_strided_slice %convert_element_type3A_22 {offsets = [14, 0], sizes = [1, 16], strides = [1, 1]} : vector<16x16xf32> to vector<1x16xf32>
    %mul3A_113 = vector.broadcast %slice3A_111 : vector<64x1xf32> to vector<64x16xf32>
    %mul3A_114 = vector.broadcast %slice3A_112 : vector<1x16xf32> to vector<64x16xf32>
    %mul3A_115 = arith.mulf %mul3A_113, %mul3A_114 : vector<64x16xf32>
    %add3A_116 = arith.addf %add3A_110, %mul3A_115 : vector<64x16xf32>
    %slice3A_117 = vector.extract_strided_slice %convert_element_type3A_17 {offsets = [0, 15], sizes = [64, 1], strides = [1, 1]} : vector<64x16xf32> to vector<64x1xf32>
    %slice3A_118 = vector.extract_strided_slice %convert_element_type3A_22 {offsets = [15, 0], sizes = [1, 16], strides = [1, 1]} : vector<16x16xf32> to vector<1x16xf32>
    %mul3A_119 = vector.broadcast %slice3A_117 : vector<64x1xf32> to vector<64x16xf32>
    %mul3A_120 = vector.broadcast %slice3A_118 : vector<1x16xf32> to vector<64x16xf32>
    %mul3A_121 = arith.mulf %mul3A_119, %mul3A_120 : vector<64x16xf32>
    %add3A_122 = arith.addf %add3A_116, %mul3A_121 : vector<64x16xf32>
    %max3A = arith.constant 0.000000e+00 : f32
    %max3A_123 = vector.broadcast %max3A : f32 to vector<64x16xf32>
    %max3A_124 = arith.maximumf %add3A_122, %max3A_123 : vector<64x16xf32>
    %convert_element_type3A_125 = arith.truncf %max3A_124 : vector<64x16xf32> to vector<64x16xbf16>
    %convert_element_type3A_126 = arith.extf %convert_element_type3A_125 : vector<64x16xbf16> to vector<64x16xf32>
    %get3A_127 = arith.constant 0 : index
    %get3A_128 = arith.constant 0 : index
    %get3A_129 = vector.load %arg4[%get3A_127, %get3A_128] : memref<16x7xf32, #tpu.memory_space<vmem>>, vector<16x7xf32>
    %convert_element_type3A_130 = arith.truncf %get3A_129 : vector<16x7xf32> to vector<16x7xbf16>
    %convert_element_type3A_131 = arith.extf %convert_element_type3A_130 : vector<16x7xbf16> to vector<16x7xf32>
    %get3A_132 = arith.constant 0 : index
    %get3A_133 = arith.constant 0 : index
    %get3A_134 = vector.load %arg5[%get3A_132, %get3A_133] : memref<1x7xf32, #tpu.memory_space<vmem>>, vector<1x7xf32>
    %broadcast_in_dim3A_135 = vector.shape_cast %get3A_134 : vector<1x7xf32> to vector<1x7xf32>
    %broadcast_in_dim3A_136 = vector.broadcast %broadcast_in_dim3A_135 : vector<1x7xf32> to vector<64x7xf32>
    %slice3A_137 = vector.extract_strided_slice %convert_element_type3A_126 {offsets = [0, 0], sizes = [64, 1], strides = [1, 1]} : vector<64x16xf32> to vector<64x1xf32>
    %slice3A_138 = vector.extract_strided_slice %convert_element_type3A_131 {offsets = [0, 0], sizes = [1, 7], strides = [1, 1]} : vector<16x7xf32> to vector<1x7xf32>
    %mul3A_139 = vector.broadcast %slice3A_137 : vector<64x1xf32> to vector<64x7xf32>
    %mul3A_140 = vector.broadcast %slice3A_138 : vector<1x7xf32> to vector<64x7xf32>
    %mul3A_141 = arith.mulf %mul3A_139, %mul3A_140 : vector<64x7xf32>
    %add3A_142 = arith.addf %broadcast_in_dim3A_136, %mul3A_141 : vector<64x7xf32>
    %slice3A_143 = vector.extract_strided_slice %convert_element_type3A_126 {offsets = [0, 1], sizes = [64, 1], strides = [1, 1]} : vector<64x16xf32> to vector<64x1xf32>
    %slice3A_144 = vector.extract_strided_slice %convert_element_type3A_131 {offsets = [1, 0], sizes = [1, 7], strides = [1, 1]} : vector<16x7xf32> to vector<1x7xf32>
    %mul3A_145 = vector.broadcast %slice3A_143 : vector<64x1xf32> to vector<64x7xf32>
    %mul3A_146 = vector.broadcast %slice3A_144 : vector<1x7xf32> to vector<64x7xf32>
    %mul3A_147 = arith.mulf %mul3A_145, %mul3A_146 : vector<64x7xf32>
    %add3A_148 = arith.addf %add3A_142, %mul3A_147 : vector<64x7xf32>
    %slice3A_149 = vector.extract_strided_slice %convert_element_type3A_126 {offsets = [0, 2], sizes = [64, 1], strides = [1, 1]} : vector<64x16xf32> to vector<64x1xf32>
    %slice3A_150 = vector.extract_strided_slice %convert_element_type3A_131 {offsets = [2, 0], sizes = [1, 7], strides = [1, 1]} : vector<16x7xf32> to vector<1x7xf32>
    %mul3A_151 = vector.broadcast %slice3A_149 : vector<64x1xf32> to vector<64x7xf32>
    %mul3A_152 = vector.broadcast %slice3A_150 : vector<1x7xf32> to vector<64x7xf32>
    %mul3A_153 = arith.mulf %mul3A_151, %mul3A_152 : vector<64x7xf32>
    %add3A_154 = arith.addf %add3A_148, %mul3A_153 : vector<64x7xf32>
    %slice3A_155 = vector.extract_strided_slice %convert_element_type3A_126 {offsets = [0, 3], sizes = [64, 1], strides = [1, 1]} : vector<64x16xf32> to vector<64x1xf32>
    %slice3A_156 = vector.extract_strided_slice %convert_element_type3A_131 {offsets = [3, 0], sizes = [1, 7], strides = [1, 1]} : vector<16x7xf32> to vector<1x7xf32>
    %mul3A_157 = vector.broadcast %slice3A_155 : vector<64x1xf32> to vector<64x7xf32>
    %mul3A_158 = vector.broadcast %slice3A_156 : vector<1x7xf32> to vector<64x7xf32>
    %mul3A_159 = arith.mulf %mul3A_157, %mul3A_158 : vector<64x7xf32>
    %add3A_160 = arith.addf %add3A_154, %mul3A_159 : vector<64x7xf32>
    %slice3A_161 = vector.extract_strided_slice %convert_element_type3A_126 {offsets = [0, 4], sizes = [64, 1], strides = [1, 1]} : vector<64x16xf32> to vector<64x1xf32>
    %slice3A_162 = vector.extract_strided_slice %convert_element_type3A_131 {offsets = [4, 0], sizes = [1, 7], strides = [1, 1]} : vector<16x7xf32> to vector<1x7xf32>
    %mul3A_163 = vector.broadcast %slice3A_161 : vector<64x1xf32> to vector<64x7xf32>
    %mul3A_164 = vector.broadcast %slice3A_162 : vector<1x7xf32> to vector<64x7xf32>
    %mul3A_165 = arith.mulf %mul3A_163, %mul3A_164 : vector<64x7xf32>
    %add3A_166 = arith.addf %add3A_160, %mul3A_165 : vector<64x7xf32>
    %slice3A_167 = vector.extract_strided_slice %convert_element_type3A_126 {offsets = [0, 5], sizes = [64, 1], strides = [1, 1]} : vector<64x16xf32> to vector<64x1xf32>
    %slice3A_168 = vector.extract_strided_slice %convert_element_type3A_131 {offsets = [5, 0], sizes = [1, 7], strides = [1, 1]} : vector<16x7xf32> to vector<1x7xf32>
    %mul3A_169 = vector.broadcast %slice3A_167 : vector<64x1xf32> to vector<64x7xf32>
    %mul3A_170 = vector.broadcast %slice3A_168 : vector<1x7xf32> to vector<64x7xf32>
    %mul3A_171 = arith.mulf %mul3A_169, %mul3A_170 : vector<64x7xf32>
    %add3A_172 = arith.addf %add3A_166, %mul3A_171 : vector<64x7xf32>
    %slice3A_173 = vector.extract_strided_slice %convert_element_type3A_126 {offsets = [0, 6], sizes = [64, 1], strides = [1, 1]} : vector<64x16xf32> to vector<64x1xf32>
    %slice3A_174 = vector.extract_strided_slice %convert_element_type3A_131 {offsets = [6, 0], sizes = [1, 7], strides = [1, 1]} : vector<16x7xf32> to vector<1x7xf32>
    %mul3A_175 = vector.broadcast %slice3A_173 : vector<64x1xf32> to vector<64x7xf32>
    %mul3A_176 = vector.broadcast %slice3A_174 : vector<1x7xf32> to vector<64x7xf32>
    %mul3A_177 = arith.mulf %mul3A_175, %mul3A_176 : vector<64x7xf32>
    %add3A_178 = arith.addf %add3A_172, %mul3A_177 : vector<64x7xf32>
    %slice3A_179 = vector.extract_strided_slice %convert_element_type3A_126 {offsets = [0, 7], sizes = [64, 1], strides = [1, 1]} : vector<64x16xf32> to vector<64x1xf32>
    %slice3A_180 = vector.extract_strided_slice %convert_element_type3A_131 {offsets = [7, 0], sizes = [1, 7], strides = [1, 1]} : vector<16x7xf32> to vector<1x7xf32>
    %mul3A_181 = vector.broadcast %slice3A_179 : vector<64x1xf32> to vector<64x7xf32>
    %mul3A_182 = vector.broadcast %slice3A_180 : vector<1x7xf32> to vector<64x7xf32>
    %mul3A_183 = arith.mulf %mul3A_181, %mul3A_182 : vector<64x7xf32>
    %add3A_184 = arith.addf %add3A_178, %mul3A_183 : vector<64x7xf32>
    %slice3A_185 = vector.extract_strided_slice %convert_element_type3A_126 {offsets = [0, 8], sizes = [64, 1], strides = [1, 1]} : vector<64x16xf32> to vector<64x1xf32>
    %slice3A_186 = vector.extract_strided_slice %convert_element_type3A_131 {offsets = [8, 0], sizes = [1, 7], strides = [1, 1]} : vector<16x7xf32> to vector<1x7xf32>
    %mul3A_187 = vector.broadcast %slice3A_185 : vector<64x1xf32> to vector<64x7xf32>
    %mul3A_188 = vector.broadcast %slice3A_186 : vector<1x7xf32> to vector<64x7xf32>
    %mul3A_189 = arith.mulf %mul3A_187, %mul3A_188 : vector<64x7xf32>
    %add3A_190 = arith.addf %add3A_184, %mul3A_189 : vector<64x7xf32>
    %slice3A_191 = vector.extract_strided_slice %convert_element_type3A_126 {offsets = [0, 9], sizes = [64, 1], strides = [1, 1]} : vector<64x16xf32> to vector<64x1xf32>
    %slice3A_192 = vector.extract_strided_slice %convert_element_type3A_131 {offsets = [9, 0], sizes = [1, 7], strides = [1, 1]} : vector<16x7xf32> to vector<1x7xf32>
    %mul3A_193 = vector.broadcast %slice3A_191 : vector<64x1xf32> to vector<64x7xf32>
    %mul3A_194 = vector.broadcast %slice3A_192 : vector<1x7xf32> to vector<64x7xf32>
    %mul3A_195 = arith.mulf %mul3A_193, %mul3A_194 : vector<64x7xf32>
    %add3A_196 = arith.addf %add3A_190, %mul3A_195 : vector<64x7xf32>
    %slice3A_197 = vector.extract_strided_slice %convert_element_type3A_126 {offsets = [0, 10], sizes = [64, 1], strides = [1, 1]} : vector<64x16xf32> to vector<64x1xf32>
    %slice3A_198 = vector.extract_strided_slice %convert_element_type3A_131 {offsets = [10, 0], sizes = [1, 7], strides = [1, 1]} : vector<16x7xf32> to vector<1x7xf32>
    %mul3A_199 = vector.broadcast %slice3A_197 : vector<64x1xf32> to vector<64x7xf32>
    %mul3A_200 = vector.broadcast %slice3A_198 : vector<1x7xf32> to vector<64x7xf32>
    %mul3A_201 = arith.mulf %mul3A_199, %mul3A_200 : vector<64x7xf32>
    %add3A_202 = arith.addf %add3A_196, %mul3A_201 : vector<64x7xf32>
    %slice3A_203 = vector.extract_strided_slice %convert_element_type3A_126 {offsets = [0, 11], sizes = [64, 1], strides = [1, 1]} : vector<64x16xf32> to vector<64x1xf32>
    %slice3A_204 = vector.extract_strided_slice %convert_element_type3A_131 {offsets = [11, 0], sizes = [1, 7], strides = [1, 1]} : vector<16x7xf32> to vector<1x7xf32>
    %mul3A_205 = vector.broadcast %slice3A_203 : vector<64x1xf32> to vector<64x7xf32>
    %mul3A_206 = vector.broadcast %slice3A_204 : vector<1x7xf32> to vector<64x7xf32>
    %mul3A_207 = arith.mulf %mul3A_205, %mul3A_206 : vector<64x7xf32>
    %add3A_208 = arith.addf %add3A_202, %mul3A_207 : vector<64x7xf32>
    %slice3A_209 = vector.extract_strided_slice %convert_element_type3A_126 {offsets = [0, 12], sizes = [64, 1], strides = [1, 1]} : vector<64x16xf32> to vector<64x1xf32>
    %slice3A_210 = vector.extract_strided_slice %convert_element_type3A_131 {offsets = [12, 0], sizes = [1, 7], strides = [1, 1]} : vector<16x7xf32> to vector<1x7xf32>
    %mul3A_211 = vector.broadcast %slice3A_209 : vector<64x1xf32> to vector<64x7xf32>
    %mul3A_212 = vector.broadcast %slice3A_210 : vector<1x7xf32> to vector<64x7xf32>
    %mul3A_213 = arith.mulf %mul3A_211, %mul3A_212 : vector<64x7xf32>
    %add3A_214 = arith.addf %add3A_208, %mul3A_213 : vector<64x7xf32>
    %slice3A_215 = vector.extract_strided_slice %convert_element_type3A_126 {offsets = [0, 13], sizes = [64, 1], strides = [1, 1]} : vector<64x16xf32> to vector<64x1xf32>
    %slice3A_216 = vector.extract_strided_slice %convert_element_type3A_131 {offsets = [13, 0], sizes = [1, 7], strides = [1, 1]} : vector<16x7xf32> to vector<1x7xf32>
    %mul3A_217 = vector.broadcast %slice3A_215 : vector<64x1xf32> to vector<64x7xf32>
    %mul3A_218 = vector.broadcast %slice3A_216 : vector<1x7xf32> to vector<64x7xf32>
    %mul3A_219 = arith.mulf %mul3A_217, %mul3A_218 : vector<64x7xf32>
    %add3A_220 = arith.addf %add3A_214, %mul3A_219 : vector<64x7xf32>
    %slice3A_221 = vector.extract_strided_slice %convert_element_type3A_126 {offsets = [0, 14], sizes = [64, 1], strides = [1, 1]} : vector<64x16xf32> to vector<64x1xf32>
    %slice3A_222 = vector.extract_strided_slice %convert_element_type3A_131 {offsets = [14, 0], sizes = [1, 7], strides = [1, 1]} : vector<16x7xf32> to vector<1x7xf32>
    %mul3A_223 = vector.broadcast %slice3A_221 : vector<64x1xf32> to vector<64x7xf32>
    %mul3A_224 = vector.broadcast %slice3A_222 : vector<1x7xf32> to vector<64x7xf32>
    %mul3A_225 = arith.mulf %mul3A_223, %mul3A_224 : vector<64x7xf32>
    %add3A_226 = arith.addf %add3A_220, %mul3A_225 : vector<64x7xf32>
    %slice3A_227 = vector.extract_strided_slice %convert_element_type3A_126 {offsets = [0, 15], sizes = [64, 1], strides = [1, 1]} : vector<64x16xf32> to vector<64x1xf32>
    %slice3A_228 = vector.extract_strided_slice %convert_element_type3A_131 {offsets = [15, 0], sizes = [1, 7], strides = [1, 1]} : vector<16x7xf32> to vector<1x7xf32>
    %mul3A_229 = vector.broadcast %slice3A_227 : vector<64x1xf32> to vector<64x7xf32>
    %mul3A_230 = vector.broadcast %slice3A_228 : vector<1x7xf32> to vector<64x7xf32>
    %mul3A_231 = arith.mulf %mul3A_229, %mul3A_230 : vector<64x7xf32>
    %add3A_232 = arith.addf %add3A_226, %mul3A_231 : vector<64x7xf32>
    %reduce_max3A = arith.constant dense<0xFF800000> : vector<64xf32>
    %reduce_max3A_233 = vector.multi_reduction <maximumf>, %add3A_232, %reduce_max3A [1] : vector<64x7xf32> to vector<64xf32>
    %broadcast_in_dim3A_234 = vector.shape_cast %reduce_max3A_233 : vector<64xf32> to vector<64x1xf32>
    %sub3A = vector.broadcast %broadcast_in_dim3A_234 : vector<64x1xf32> to vector<64x7xf32>
    %sub3A_235 = arith.subf %add3A_232, %sub3A : vector<64x7xf32>
    %exp3A = math.exp %sub3A_235 : vector<64x7xf32>
    %reduce_sum3A = arith.constant dense<0.000000e+00> : vector<64xf32>
    %reduce_sum3A_236 = vector.multi_reduction <add>, %exp3A, %reduce_sum3A [1] : vector<64x7xf32> to vector<64xf32>
    %broadcast_in_dim3A_237 = vector.shape_cast %reduce_sum3A_236 : vector<64xf32> to vector<64x1xf32>
    %log3A = math.log %broadcast_in_dim3A_237 : vector<64x1xf32>
    %sub3A_238 = vector.broadcast %broadcast_in_dim3A_234 : vector<64x1xf32> to vector<64x7xf32>
    %sub3A_239 = arith.subf %add3A_232, %sub3A_238 : vector<64x7xf32>
    %sub3A_240 = vector.broadcast %log3A : vector<64x1xf32> to vector<64x7xf32>
    %sub3A_241 = arith.subf %sub3A_239, %sub3A_240 : vector<64x7xf32>
    %swap3A = arith.constant 0 : index
    %swap3A_242 = arith.constant 0 : index
    %swap3A_243 = vector.load %arg6[%swap3A, %swap3A_242] : memref<64x7xf32, #tpu.memory_space<vmem>>, vector<64x7xf32>
    tpu.vector_store %arg6[%swap3A, %swap3A_242], %sub3A_241 {strides = array<i32>} : memref<64x7xf32, #tpu.memory_space<vmem>>, vector<64x7xf32>,
    return
  }
}

</mosaic_0001>

<sc_bundles>
// kernel: kernel.11.cloned.1.call-start
scs
__scs_entry_jumppad:
0x0: {  	(pc) =	sbr.rel $0x88, $3  }
0x1: {  	(tag) =	ssettag $0x0;
	lr =	simm.s32 $0x1  }
0x2: {  	[smem:$0x3F96] =	sst lr;
	_ =	strace $0xD0000000  }
0x3: {  	_ = 	snop  }
0x4: {  	_ = 	snop  }
0x5: {  	_ = 	snop  }
0x6: {  	_ = 	snop  }
0x7: {  	_ = 	snop  }
__scs_overlays_trampoline_lowered:
0x8: {  	[smem:$0x3FA5] =	sst s0  }
0x9: {  	[smem:$0x3FA6] =	sst s1  }
0xa: {  	[smem:$0x3FA7] =	sst s2  }
0xb: {  	[smem:$0x3FA8] =	sst s3  }
0xc: {  	[smem:$0x3FA9] =	sst s4  }
0xd: {  	[smem:$0x3FAA] =	sst s5  }
0xe: {  	[smem:$0x3FAB] =	sst s6  }
0xf: {  	[smem:$0x3FAC] =	sst s7  }
0x10: {  	[smem:$0x3FAD] =	sst s8  }
0x11: {  	[smem:$0x3FAE] =	sst s9;
	s0 =	simm.s32 @!p0 $0x0  }
0x12: {  	s1 =	sld [smem:$0x3F94];
	s0 =	simm.s32 @p0 $0x1  }
0x13: {  	[smem:$0x3FAF] =	sst s0;
	s0 =	simm.s32 @!p1 $0x0  }
0x14: {  	s2 =	sld [smem:$0x3F93];
	s0 =	simm.s32 @p1 $0x1  }
0x15: {  	[smem:$0x3FB0] =	sst s0;
	s0 =	simm.s32 @!p2 $0x0  }
0x16: {  	s3 =	sld [smem:$0x3FDB];
	s0 =	simm.s32 @p2 $0x1  }
0x17: {  	s4 =	simm.s32 $0x1BF5;
	[smem:$0x3FB2] =	sst s0  }
0x18: {  	s0 =	sld [smem:$0x3F95];
	_ =	swait.ge [sflag:s4], $0x0  }
0x19: {  	s7 =	sld [smem:$0x3F96]  }
0x1a: {  	s8 =	sadd.s32 $0xFFFFE003, lr  }
0x1b: {  	s9 =	sadd.s32 $0xFFFFFEF7, lr;
	s5 =	simm.s32 $0xFFFFFFFF;
	p2 =	slt.u32 s8, $0xFFFFF086  }
0x1c: {  	p1 =	slt.u32 s9, $0xF7A;
	s5 =	simm.s32 @!p2 $0x0  }
0x1d: {  	s5 =	simm.s32 @p1 $0x1;
	p0 =	seq.s32 s7, s2  }
0x1e: {  	s7 =	smul.u32 @!p0 $0xF7A, s2;
	p2 =	seq.s32 @!p0 s5, $0x0  }
0x1f: {  	s9 =	smul.u32 $0xF7A, s1;
	s8 =	simm.s32 @!p0 $0x1BF5;
	p2 =	por !p2, p0  }
0x20: {  	[sflag:s8] =	ssyncset.s32 @!p0 $0xFFFFF086;
	s6 =	sadd.s32 @!p0 s3, s7;
	s7 =	simm.s32 @!p0 $0x108  }
0x21: {  	s3 =	sadd.s32 s3, s9;
	s6 =	sadd.s32 @!p0 $0x88, s6;
	s7 =	simm.s32 @p2 $0x1082  }
0x22: {  	[simem:s7], [sflag:s8] =	dma.local @!p0 [hbm:s6], $0xF7A  }
0x23: {  	s9 =	sor.u32 $0xD0000000, s2;
	s6 =	simm.s32 $0x108;
	_ =	swait.ge @!p0 [sflag:s8], $0x0  }
0x24: {  	s3 =	sadd.s32 $0x88, s3;
	s6 =	simm.s32 @!p1 $0x1082;
	[sflag:s4] =	ssyncset.s32 $0xFFFFF086  }
0x25: {  	[simem:s6], [sflag:s4] =	dma.local [hbm:s3], $0xF7A  }
0x26: {  	[smem:$0x3F96] =	sst s1;
	(tag) =	ssettag s2;
	_ =	strace s9  }
0x27: {  	s1 =	sld [smem:$0x3FA6]  }
0x28: {  	s2 =	sld [smem:$0x3FA7]  }
0x29: {  	s4 =	sld [smem:$0x3FA9]  }
0x2a: {  	p0 =	seq.s32 s5, $0x0;
	s5 =	sld [smem:$0x3FAA]  }
0x2b: {  	s6 =	sld [smem:$0x3FAB]  }
0x2c: {  	s7 =	sld [smem:$0x3FAC]  }
0x2d: {  	s3 =	simm.s32 $0x108;
	s8 =	sld [smem:$0x3FAD]  }
0x2e: {  	s3 =	simm.s32 @!p0 $0x1082;
	s9 =	sld [smem:$0x3FAE]  }
0x2f: {  	lr =	sadd.s32 s0, s3;
	s0 =	sld [smem:$0x3FA5]  }
0x30: {  	s3 =	sld [smem:$0x3FA8]  }
0x31: {  	[smem:$0x3FB1] =	sst s10  }
0x32: {  	s10 =	sld [smem:$0x3FAF];
	_ =	sdelay $0x3  }
0x33: {  	p0 =	seq.s32 s10, $0x1;
	s10 =	sld [smem:$0x3FB1];
	_ =	sdelay $0x3  }
0x34: {  	[smem:$0x3FB1] =	sst s10  }
0x35: {  	s10 =	sld [smem:$0x3FB0];
	_ =	sdelay $0x3  }
0x36: {  	p1 =	seq.s32 s10, $0x1;
	s10 =	sld [smem:$0x3FB1];
	_ =	sdelay $0x3  }
0x37: {  	[smem:$0x3FB1] =	sst s10  }
0x38: {  	s10 =	sld [smem:$0x3FB2]  }
0x39: {  	_ = 	snop;
	(pc) =	sbr.ind lr, $3  }
0x3a: {  	_ = 	snop  }
0x3b: {  	_ = 	snop  }
0x3c: {  	p2 =	seq.s32 s10, $0x1;
	s10 =	sld [smem:$0x3FB1]  }
0x3d: {  	_ =	shalt  }
0x3e: {  	_ =	shalt  }
0x3f: {  	_ =	shalt  }
0x40: {  	_ =	shalt  }
0x41: {  	_ =	shalt  }
0x42: {  	_ =	shalt  }
0x43: {  	_ =	shalt  }
0x44: {  	_ =	shalt  }
0x45: {  	_ =	shalt  }
0x46: {  	_ =	shalt  }
0x47: {  	_ =	shalt  }
0x48: {  	_ =	shalt  }
0x49: {  	_ =	shalt  }
0x4a: {  	_ =	shalt  }
0x4b: {  	_ =	shalt  }
0x4c: {  	_ =	shalt  }
0x4d: {  	_ =	shalt  }
0x4e: {  	_ =	shalt  }
0x4f: {  	_ =	shalt  }
0x50: {  	_ =	shalt  }
0x51: {  	_ =	shalt  }
0x52: {  	_ =	shalt  }
0x53: {  	_ =	shalt  }
0x54: {  	_ =	shalt  }
0x55: {  	_ =	shalt  }
0x56: {  	_ =	shalt  }
0x57: {  	_ =	shalt  }
0x58: {  	_ =	shalt  }
0x59: {  	_ =	shalt  }
0x5a: {  	_ =	shalt  }
0x5b: {  	_ =	shalt  }
0x5c: {  	_ =	shalt  }
0x5d: {  	_ =	shalt  }
0x5e: {  	_ =	shalt  }
0x5f: {  	_ =	shalt  }
0x60: {  	_ =	shalt  }
0x61: {  	_ =	shalt  }
0x62: {  	_ =	shalt  }
0x63: {  	_ =	shalt  }
0x64: {  	_ =	shalt  }
0x65: {  	_ =	shalt  }
0x66: {  	_ =	shalt  }
0x67: {  	_ =	shalt  }
0x68: {  	_ =	shalt  }
0x69: {  	_ =	shalt  }
0x6a: {  	_ =	shalt  }
0x6b: {  	_ =	shalt  }
0x6c: {  	_ =	shalt  }
0x6d: {  	_ =	shalt  }
0x6e: {  	_ =	shalt  }
0x6f: {  	_ =	shalt  }
0x70: {  	_ =	shalt  }
0x71: {  	_ =	shalt  }
0x72: {  	_ =	shalt  }
0x73: {  	_ =	shalt  }
0x74: {  	_ =	shalt  }
0x75: {  	_ =	shalt  }
0x76: {  	_ =	shalt  }
0x77: {  	_ =	shalt  }
0x78: {  	_ =	shalt  }
0x79: {  	_ =	shalt  }
0x7a: {  	_ =	shalt  }
0x7b: {  	_ =	shalt  }
0x7c: {  	_ =	shalt  }
0x7d: {  	_ =	shalt  }
0x7e: {  	_ =	shalt  }
0x7f: {  	_ =	shalt  }
0x80: {  	_ =	shalt  }
0x81: {  	_ =	shalt  }
0x82: {  	_ =	shalt  }
0x83: {  	_ =	shalt  }
0x84: {  	_ =	shalt  }
0x85: {  	_ =	shalt  }
0x86: {  	_ =	shalt  }
0x87: {  	_ =	shalt  }
.Lfunc_end0:
.L_simem_size_0:
called_computation_lowered:
.L_overlay_start_0:
0x88: {  	s2 =	sld [smem:$0x3FD9]  }
0x89: {  	s3 =	sld [smem:$0x3FFE];
	_ =	sdelay $0x1  }
0x8a: {  	s1 =	srdreg.scid  }
0x8b: {  	s0 =	sand.u32 $0x1, s1  }
0x8c: {  	s16 =	sshll.u32 s0, $0xA;
	s2 =	sadd.s32 s3, s2  }
0x8d: {  	s2 =	sadd.s32 s2, s16  }
0x8e: {  	[smem:$0x3FBD] =	sst s2  }
0x8f: {  	_ = 	snop  }
0x90: {  	(tm) =	ssettm $0x1  }
0x91: {  	s17 =	sld [smem:$0x3FFB];
	_ =	sdelay $0x3  }
0x92: {  	_ =	strace s17  }
0x93: {  	s2 =	sld [smem:$0x3FFC];
	_ =	sdelay $0x3  }
0x94: {  	_ =	strace s2  }
0x95: {  	s2 =	sld [smem:$0x3FFD];
	_ =	sdelay $0x3  }
0x96: {  	_ =	strace s2  }
0x97: {  	_ =	strace $0x8FFFFFFF  }
0x98: {  	s18 =	sld [smem:$0x3FDB];
	_ =	sdelay $0x1  }
0x99: {  	s19 =	simm.s32 $_scs_section_size  }
0x9a: {  	s4 =	simm.s32 $_size__tile_overlayer_lowered;
	s5 =	simm.s32 $_tile_overlayer_lowered  }
0x9b: {  	s22 =	simm.s32 $0x1BFF;
	s21 =	sshll.u32 s5, $0x1;
	s2 =	sadd.s32 s19, s18  }
0x9c: {  	s6 =	simm.s32 $0x0;
	s20 =	sshll.u32 s4, $0x1;
	s4 =	sadd.s32 s21, s2  }
0x9d: {  	[timem:s6], [sflag:s22] =	dma.local [hbm:s4], s20  }
0x9e: {  	_ =	swait.ge [sflag:s22], s20  }
0x9f: {  	s3 =	ssub.s32 $0x0, s20;
	[sflag:s22] =	ssyncset.done $0x0  }
0xa0: {  	[sflag:s22] =	ssyncadd.s32 s3;
	_ =	sdelay $0x1  }
0xa1: {  	s23 =	simm.s32 $0x1B8B  }
0xa2: {  	_ =	swait.ge [sflag:s23], $0x1  }
0xa3: {  	[sflag:s23] =	ssyncset.done $0x0  }
0xa4: {  	s25 =	simm.s32 $0x1B8E;
	s24 =	sld [smem:$0x3FFE];
	[sflag:s23] =	ssyncadd.s32 $0xFFFFFFFF  }
0xa5: {  	s26 =	simm.s32 $execute0_lowered;
	[smem:$0x3FD2] =	sst s25  }
0xa6: {  	s4 =	sshll.u32 s26, $0x1;
	_ =	strace $0x80000046;
	[dreg:$0x1] =	wrdreg $0xFFFFFFFF  }
0xa7: {  	s28 =	simm.s32 $_size_execute0_lowered;
	s2 =	sadd.s32 s2, s4;
	[dreg:$0x0] =	wrdreg $0x0  }
0xa8: {  	s4 =	sshll.u32 s28, $0x1;
	[dreg:$0x2] =	wrdreg s2  }
0xa9: {  	[dreg:$0x3] =	wrdreg s4  }
0xaa: {  	[dreg:$0x4] =	wrdreg $0xC0  }
0xab: {  	_ =	task [dreg:s6], $0x5FFFF  }
0xac: {  	[dreg:$0x1] =	wrdreg $0xFFFFFFFF  }
0xad: {  	[dreg:$0x0] =	wrdreg $0x60  }
0xae: {  	[dreg:$0x2] =	wrdreg s24  }
0xaf: {  	[dreg:$0x3] =	wrdreg $0x10000  }
0xb0: {  	[dreg:$0x4] =	wrdreg $0x9  }
0xb1: {  	_ =	task.clear_ibuf [dreg:s6], $0x5FFFF;
	_ =	strace $0x90000046  }
0xb2: {  	s29 =	simm.s32 $0x9;
	_ =	strace $0x80000048  }
0xb3: {  	_ =	swait.ge [sflag:s29], $0x1  }
0xb4: {  	[sflag:s29] =	ssyncadd.s32 $0xFFFFFFFF  }
0xb5: {  	_ =	strace $0x90000048  }
0xb6: {  	_ =	sfence  }
0xb7: {  	s30 =	sld [smem:$0x0];
	_ =	sdelay $0x2  }
0xb8: {  	s31 =	sshll.u32 s1, $0xD;
	s1 =	sshrl.u32 s1, $0x2  }
0xb9: {  	s3 =	sand.u32 $0x4000, s31;
	s1 =	sadd.s32 s1, s30  }
0xba: {  	s0 =	sor.u32 s3, s0;
	s1 =	sshll.u32 s1, $0x11  }
0xbb: {  	s0 =	sor.u32 s1, s0  }
0xbc: {  	s0 =	sadd.s32 $0x8F2B, s0  }
0xbd: {  	[sflag:s0] =	ssyncadd.remote.s32 $0x1  }
0xbe: {  	_ =	sfence.sel $0xFFFF  }
0xbf: {  	[dreg:$0x0] =	wrdreg $0xFFFFFFFF;
	(pc) =	sbr.abs _section_cstart, $3  }
0xc0: {  	[dreg:$0x1] =	wrdreg $0xFFFFFFFF  }
0xc1: {  	_ =	task.clear_ibuf [dreg:s6], $0x2FFFF;
	_ =	strace $0x9FFFFFFF  }
0xc2: {  	(tm) =	ssettm $0x7FFFFFFF  }
0xc3: {  	_ =	shalt  }
tec
execute0_lowered:
.L_overlay_start_1:
0x0: {  	(tag) =	ssettag $0x1  }
0x1: {  	s6 =	rddreg [dreg:$0x0]  }
0x2: {  	s2 =	rddreg [dreg:$0x1]  }
0x3: {  	s0 =	rddreg [dreg:$0x2]  }
0x4: {  	s4 =	srdreg.scid;
	s1 =	stileid.u32;
	s3 =	simm.s32 $0x0  }
0x5: {  	s15 =	simm.s32 $0x800;
	s16 =	simm.s32 $0x400;
	s17 =	simm.s32 $0x80  }
0x6: {  	s18 =	simm.s32 $0x180;
	s19 =	simm.s32 $0x280;
	s20 =	simm.s32 $0x380  }
0x7: {  	s21 =	simm.s32 $0x1;
	s22 =	simm.s32 $0x480;
	s23 =	simm.s32 $0x580  }
0x8: {  	s24 =	simm.s32 $0x680;
	s25 =	simm.s32 $0x780;
	s26 =	simm.s32 $0x0  }
0x9: {  	s7 =	sand.u32 $0x1, s4;
	s8 =	smul.u32 $0x18700, s1;
	[smem:$0x7FF] =	sst s3  }
0xa: {  	s10 =	sadd.s32 $0x2C00, s6;
	s4 =	sadd.s32 $0xC6E00, s6;
	s5 =	sadd.s32 $0xCA000, s6  }
0xb: {  	s11 =	sshll.u32 s1, $0x1;
	s12 =	smul.u32 $0x620, s1;
	s29 =	sshll.u32 s1, $0x6  }
0xc: {  	s9 =	smul.u32 $0x187000, s7;
	_ =	strace $0x80000047;
	s13 =	ssub.s32 $0x2, s7  }
0xd: {  	s11 =	sor.u32 s7, s11;
	s7 =	smul.u32 $0x310, s7;
	s28 =	sshrl.u32 s13, $0x1  }
0xe: {  	s11 =	smul.u32 $0x6200, s11;
	s14 =	sadd.s32 s8, s2;
	s9 =	sadd.s32 s8, s9  }
0xf: {  	s13 =	ssub.s32 s13, s28;
	s7 =	sadd.s32 s7, s12;
	s9 =	sshrl.u32 s9, $0x3  }
0x10: {  	s30 =	sshll.u32 s7, $0x5;
	s7 =	sor.u32 $0x1C02, s29;
	s9 =	sadd.s32 s9, s6  }
0x11: {  	s6 =	sadd.s32 s10, s11;
	s31 =	sadd.s32 s30, s10;
	s10 =	smax.u32 s13, $0x1  }
0x12: {  	s13 =	sshrl.u32 s14, $0x3;
	s14 =	simm.s32 $0x2;
	s8 =	sadd.s32 $0x80, s6  }
0x13: {  	s9 =	sadd.s32 $0xCA200, s9;
	s11 =	sadd.s32 $0x180, s31;
	s12 =	sadd.s32 $0x100, s31  }
.LBB2_1:
0x14: {  	[spmem:s13], [sflag:s7] =	dma.local [hbm:s4], $0x30E0  }
0x15: {  	_ =	swait.ge [sflag:s14], $0x30E0  }
0x16: {  	[sflag:s14] =	ssyncset.done $0x0  }
0x17: {  	[sflag:s14] =	ssyncadd.s32 $0xFFFFCF20  }
0x18: {  	[tilespmem:s15], [sflag:$0x2] =	stream.linear.gather [hbm4b:s5+s3], $0x800, $0x38;
	[tilespmem:$0x19700] =	vst v63  }
0x19: {  	_ =	swait.ge [sflag:s14], $0x800  }
0x1a: {  	[sflag:s14] =	ssyncset.done $0x0  }
0x1b: {  	[sflag:s14] =	ssyncadd.s32 $0xFFFFF800  }
0x1c: {  	[bflag:$0x0] =	sbarrier.arrive $0xFFFF  }
0x1d: {  	[tilespmem:s3], [sflag:$0x2] =	stream.linear.gather [hbm4b:s6+s3], $0x400, $0x38;
	[tilespmem:$0x19700] =	vst v63  }
0x1e: {  	_ =	swait.ge [sflag:s14], $0x400  }
0x1f: {  	[sflag:s14] =	ssyncset.done $0x0  }
0x20: {  	[sflag:s14] =	ssyncadd.s32 $0xFFFFFC00  }
0x21: {  	[tilespmem:s16], [sflag:$0x1] =	stream.linear.gather [hbm4b:s8+s3], $0x400, $0x38;
	[tilespmem:$0x19700] =	vst v63  }
0x22: {  	_ = 	snop  }
0x23: {  	[spmem:s2] =	stream.indirect.scatter.add.f32 [tilespmem:s15], [sflag:$0x2], $0x10, s17, s17, $0xb8;
	[tilespmem:$0x19700] =	vst v63  }
0x24: {  	_ =	swait.ge [sflag:s14], $0x800  }
0x25: {  	[sflag:s14] =	ssyncset.done $0x0  }
0x26: {  	[sflag:s14] =	ssyncadd.s32 $0xFFFFF800  }
0x27: {  	[spmem:s2] =	stream.indirect.scatter.add.f32 [tilespmem:s15], [sflag:$0x2], $0x10, s18, s17, $0xb8;
	[tilespmem:$0x19700] =	vst v63  }
0x28: {  	_ =	swait.ge [sflag:s14], $0x800  }
0x29: {  	[sflag:s14] =	ssyncset.done $0x0  }
0x2a: {  	[sflag:s14] =	ssyncadd.s32 $0xFFFFF800  }
0x2b: {  	[spmem:s2] =	stream.indirect.scatter.add.f32 [tilespmem:s15], [sflag:$0x2], $0x10, s19, s17, $0xb8;
	[tilespmem:$0x19700] =	vst v63  }
0x2c: {  	_ =	swait.ge [sflag:s14], $0x800  }
0x2d: {  	[sflag:s14] =	ssyncset.done $0x0  }
0x2e: {  	[sflag:s14] =	ssyncadd.s32 $0xFFFFF800  }
0x2f: {  	[spmem:s2] =	stream.indirect.scatter.add.f32 [tilespmem:s15], [sflag:$0x2], $0x10, s20, s17, $0xb8;
	[tilespmem:$0x19700] =	vst v63  }
0x30: {  	_ =	swait.ge [sflag:s14], $0x800  }
0x31: {  	[sflag:s14] =	ssyncset.done $0x0  }
0x32: {  	[sflag:s14] =	ssyncadd.s32 $0xFFFFF800  }
0x33: {  	_ =	swait.ge [sflag:s21], $0x400  }
0x34: {  	[sflag:s21] =	ssyncset.done $0x0  }
0x35: {  	s28 =	sadd.s32 $0x0, s12;
	[sflag:s21] =	ssyncadd.s32 $0xFFFFFC00  }
0x36: {  	[tilespmem:s3], [sflag:$0x1] =	stream.linear.gather [hbm4b:s28+s3], $0x400, $0x38;
	[tilespmem:$0x19700] =	vst v63  }
0x37: {  	_ = 	snop  }
0x38: {  	[spmem:s2] =	stream.indirect.scatter.add.f32 [tilespmem:s15], [sflag:$0x2], $0x10, s22, s17, $0xb8;
	[tilespmem:$0x19700] =	vst v63  }
0x39: {  	_ =	swait.ge [sflag:s14], $0x800  }
0x3a: {  	[sflag:s14] =	ssyncset.done $0x0  }
0x3b: {  	[sflag:s14] =	ssyncadd.s32 $0xFFFFF800  }
0x3c: {  	[spmem:s2] =	stream.indirect.scatter.add.f32 [tilespmem:s15], [sflag:$0x2], $0x10, s23, s17, $0xb8;
	[tilespmem:$0x19700] =	vst v63  }
0x3d: {  	_ =	swait.ge [sflag:s14], $0x800  }
0x3e: {  	[sflag:s14] =	ssyncset.done $0x0  }
0x3f: {  	[sflag:s14] =	ssyncadd.s32 $0xFFFFF800  }
0x40: {  	[spmem:s2] =	stream.indirect.scatter.add.f32 [tilespmem:s15], [sflag:$0x2], $0x10, s24, s17, $0xb8;
	[tilespmem:$0x19700] =	vst v63  }
0x41: {  	_ =	swait.ge [sflag:s14], $0x800  }
0x42: {  	[sflag:s14] =	ssyncset.done $0x0  }
0x43: {  	[sflag:s14] =	ssyncadd.s32 $0xFFFFF800  }
0x44: {  	[spmem:s2] =	stream.indirect.scatter.add.f32 [tilespmem:s15], [sflag:$0x2], $0x10, s25, s17, $0xb8;
	[tilespmem:$0x19700] =	vst v63  }
0x45: {  	_ =	swait.ge [sflag:s14], $0x800  }
0x46: {  	[sflag:s14] =	ssyncset.done $0x0  }
0x47: {  	[sflag:s14] =	ssyncadd.s32 $0xFFFFF800  }
0x48: {  	_ =	swait.ge [sflag:s21], $0x400  }
0x49: {  	[sflag:s21] =	ssyncset.done $0x0  }
0x4a: {  	s29 =	sadd.s32 $0x0, s11;
	s28 =	simm.s32 $0x100;
	[sflag:s21] =	ssyncadd.s32 $0xFFFFFC00  }
.LBB2_2:
0x4b: {  	[tilespmem:s16], [sflag:$0x1] =	stream.linear.gather [hbm4b:s29+s3], $0x400, $0x38;
	[tilespmem:$0x19700] =	vst v63  }
0x4c: {  	p0 =	sne.s32 s28, $0x6100;
	s29 =	smov.u32 s28;
	s28 =	sadd.s32 $0x100, s28  }
0x4d: {  	[spmem:s2] =	stream.indirect.scatter.add.f32 [tilespmem:s15], [sflag:$0x2], $0x10, s17, s17, $0xb8;
	[tilespmem:$0x19700] =	vst v63  }
0x4e: {  	_ =	swait.ge [sflag:s14], $0x800  }
0x4f: {  	[sflag:s14] =	ssyncset.done $0x0  }
0x50: {  	[sflag:s14] =	ssyncadd.s32 $0xFFFFF800  }
0x51: {  	[spmem:s2] =	stream.indirect.scatter.add.f32 [tilespmem:s15], [sflag:$0x2], $0x10, s18, s17, $0xb8;
	[tilespmem:$0x19700] =	vst v63  }
0x52: {  	_ =	swait.ge [sflag:s14], $0x800  }
0x53: {  	[sflag:s14] =	ssyncset.done $0x0  }
0x54: {  	[sflag:s14] =	ssyncadd.s32 $0xFFFFF800  }
0x55: {  	[spmem:s2] =	stream.indirect.scatter.add.f32 [tilespmem:s15], [sflag:$0x2], $0x10, s19, s17, $0xb8;
	[tilespmem:$0x19700] =	vst v63  }
0x56: {  	_ =	swait.ge [sflag:s14], $0x800  }
0x57: {  	[sflag:s14] =	ssyncset.done $0x0  }
0x58: {  	[sflag:s14] =	ssyncadd.s32 $0xFFFFF800  }
0x59: {  	[spmem:s2] =	stream.indirect.scatter.add.f32 [tilespmem:s15], [sflag:$0x2], $0x10, s20, s17, $0xb8;
	[tilespmem:$0x19700] =	vst v63  }
0x5a: {  	_ =	swait.ge [sflag:s14], $0x800  }
0x5b: {  	[sflag:s14] =	ssyncset.done $0x0  }
0x5c: {  	[sflag:s14] =	ssyncadd.s32 $0xFFFFF800  }
0x5d: {  	_ =	swait.ge [sflag:s21], $0x400  }
0x5e: {  	[sflag:s21] =	ssyncset.done $0x0  }
0x5f: {  	s30 =	sadd.s32 s29, s12;
	[sflag:s21] =	ssyncadd.s32 $0xFFFFFC00  }
0x60: {  	[tilespmem:s3], [sflag:$0x1] =	stream.linear.gather [hbm4b:s30+s3], $0x400, $0x38;
	[tilespmem:$0x19700] =	vst v63  }
0x61: {  	_ = 	snop  }
0x62: {  	[spmem:s2] =	stream.indirect.scatter.add.f32 [tilespmem:s15], [sflag:$0x2], $0x10, s22, s17, $0xb8;
	[tilespmem:$0x19700] =	vst v63  }
0x63: {  	_ =	swait.ge [sflag:s14], $0x800  }
0x64: {  	[sflag:s14] =	ssyncset.done $0x0  }
0x65: {  	[sflag:s14] =	ssyncadd.s32 $0xFFFFF800  }
0x66: {  	[spmem:s2] =	stream.indirect.scatter.add.f32 [tilespmem:s15], [sflag:$0x2], $0x10, s23, s17, $0xb8;
	[tilespmem:$0x19700] =	vst v63  }
0x67: {  	_ =	swait.ge [sflag:s14], $0x800  }
0x68: {  	[sflag:s14] =	ssyncset.done $0x0  }
0x69: {  	[sflag:s14] =	ssyncadd.s32 $0xFFFFF800  }
0x6a: {  	[spmem:s2] =	stream.indirect.scatter.add.f32 [tilespmem:s15], [sflag:$0x2], $0x10, s24, s17, $0xb8;
	[tilespmem:$0x19700] =	vst v63  }
0x6b: {  	_ =	swait.ge [sflag:s14], $0x800  }
0x6c: {  	[sflag:s14] =	ssyncset.done $0x0  }
0x6d: {  	[sflag:s14] =	ssyncadd.s32 $0xFFFFF800  }
0x6e: {  	[spmem:s2] =	stream.indirect.scatter.add.f32 [tilespmem:s15], [sflag:$0x2], $0x10, s25, s17, $0xb8;
	[tilespmem:$0x19700] =	vst v63  }
0x6f: {  	_ =	swait.ge [sflag:s14], $0x800  }
.Ltmp0:
0x70: {  	[sflag:s14] =	ssyncset.done $0x0;
	(pc) =	sbr.rel @p0 .LBB2_2-.Ltmp0, $4  }
0x71: {  	[sflag:s14] =	ssyncadd.s32 $0xFFFFF800  }
0x72: {  	_ =	swait.ge [sflag:s21], $0x400  }
0x73: {  	[sflag:s21] =	ssyncset.done $0x0  }
0x74: {  	s29 =	sadd.s32 s29, s11;
	[sflag:s21] =	ssyncadd.s32 $0xFFFFFC00  }
0x75: {  	[tilespmem:s16], [sflag:$0x1] =	stream.linear.gather [hbm4b:s29+s3], $0x400, $0x38;
	[tilespmem:$0x19700] =	vst v63  }
0x76: {  	_ =	swait.ge [sflag:s21], $0x400  }
0x77: {  	s26 =	sadd.s32 $0x1, s26;
	[sflag:s21] =	ssyncset.done $0x0  }
0x78: {  	p0 =	sne.s32 s26, s10;
	[sflag:s21] =	ssyncadd.s32 $0xFFFFFC00  }
.Ltmp1:
0x79: {  	[bflag:$0x0] =	sbarrier.arrive $0xFFFF;
	(pc) =	sbr.rel @p0 .LBB2_1-.Ltmp1, $4  }
0x7a: {  	[hbm:s9], [sflag:s7] =	dma.local [spmem:s13], $0x30E0  }
0x7b: {  	_ =	swait.ge [sflag:s14], $0x30E0  }
0x7c: {  	[sflag:s14] =	ssyncset.done $0x0  }
0x7d: {  	[sflag:s14] =	ssyncadd.s32 $0xFFFFCF20  }
0x7e: {  	_ =	sfence.sel $0x180000  }
0x7f: {  	[bflag:$0x0] =	sbarrier.arrive $0xFFFF  }
0x80: {  	p0 =	sne.s32 s1, $0x0;
	_ =	strace $0x90000047  }
0x81: {  	s0 =	sadd.s32 @!p0 $0x100000, s0;
	[bflag:$0x2] =	sbarrier.arrive $0xFFFF  }
0x82: {  	[sflag:s0] =	ssyncadd.tile.s32 @!p0 $0x1;
	_ =	shalt  }
.Lfunc_end2:
_tile_overlayer_lowered:
.L_overlay_start_2:
0x83: {  	(tag) =	ssettag $0x2  }
0x84: {  	s0 =	rddreg [dreg:$0x0];
	s2 =	stileid.u32  }
0x85: {  	s1 =	rddreg [dreg:$0x1];
	p0 =	sne.s32 s2, $0x0  }
0x86: {  	s3 =	rddreg [dreg:$0x2];
	[bflag:$0x3] =	sbarrier.arrive $0xFFFF;
	s2 =	simm.s32 @!p0 $0x1C02  }
0x87: {  	[timem:s3], [sflag:s2] =	dma.local @!p0 [hbm:s0], s1  }
0x88: {  	s0 =	simm.s32 @!p0 $0x2  }
0x89: {  	_ =	swait.ge @!p0 [sflag:s0], s1  }
0x8a: {  	s1 =	ssub.s32 @!p0 $0x0, s1;
	[sflag:s0] =	ssyncset.done @!p0 $0x0  }
0x8b: {  	[sflag:s0] =	ssyncadd.s32 @!p0 s1  }
0x8c: {  	[bflag:$0x3] =	sbarrier.arrive $0xFFFF  }
0x8d: {  	_ =	shalt  }

// kernel: kernel.14.cloned.1.call-start
scs
__scs_entry_jumppad:
0x0: {  	(pc) =	sbr.rel $0x88, $3  }
0x1: {  	(tag) =	ssettag $0x0;
	lr =	simm.s32 $0x1  }
0x2: {  	[smem:$0x3F96] =	sst lr;
	_ =	strace $0xD0000000  }
0x3: {  	_ = 	snop  }
0x4: {  	_ = 	snop  }
0x5: {  	_ = 	snop  }
0x6: {  	_ = 	snop  }
0x7: {  	_ = 	snop  }
__scs_overlays_trampoline_lowered:
0x8: {  	[smem:$0x3FA5] =	sst s0  }
0x9: {  	[smem:$0x3FA6] =	sst s1  }
0xa: {  	[smem:$0x3FA7] =	sst s2  }
0xb: {  	[smem:$0x3FA8] =	sst s3  }
0xc: {  	[smem:$0x3FA9] =	sst s4  }
0xd: {  	[smem:$0x3FAA] =	sst s5  }
0xe: {  	[smem:$0x3FAB] =	sst s6  }
0xf: {  	[smem:$0x3FAC] =	sst s7  }
0x10: {  	[smem:$0x3FAD] =	sst s8  }
0x11: {  	[smem:$0x3FAE] =	sst s9;
	s0 =	simm.s32 @!p0 $0x0  }
0x12: {  	s1 =	sld [smem:$0x3F94];
	s0 =	simm.s32 @p0 $0x1  }
0x13: {  	[smem:$0x3FAF] =	sst s0;
	s0 =	simm.s32 @!p1 $0x0  }
0x14: {  	s2 =	sld [smem:$0x3F93];
	s0 =	simm.s32 @p1 $0x1  }
0x15: {  	[smem:$0x3FB0] =	sst s0;
	s0 =	simm.s32 @!p2 $0x0  }
0x16: {  	s3 =	sld [smem:$0x3FDB];
	s0 =	simm.s32 @p2 $0x1  }
0x17: {  	s4 =	simm.s32 $0x1BF5;
	[smem:$0x3FB2] =	sst s0  }
0x18: {  	s0 =	sld [smem:$0x3F95];
	_ =	swait.ge [sflag:s4], $0x0  }
0x19: {  	s7 =	sld [smem:$0x3F96]  }
0x1a: {  	s8 =	sadd.s32 $0xFFFFE003, lr  }
0x1b: {  	s9 =	sadd.s32 $0xFFFFFEF7, lr;
	s5 =	simm.s32 $0xFFFFFFFF;
	p2 =	slt.u32 s8, $0xFFFFF086  }
0x1c: {  	p1 =	slt.u32 s9, $0xF7A;
	s5 =	simm.s32 @!p2 $0x0  }
0x1d: {  	s5 =	simm.s32 @p1 $0x1;
	p0 =	seq.s32 s7, s2  }
0x1e: {  	s7 =	smul.u32 @!p0 $0xF7A, s2;
	p2 =	seq.s32 @!p0 s5, $0x0  }
0x1f: {  	s9 =	smul.u32 $0xF7A, s1;
	s8 =	simm.s32 @!p0 $0x1BF5;
	p2 =	por !p2, p0  }
0x20: {  	[sflag:s8] =	ssyncset.s32 @!p0 $0xFFFFF086;
	s6 =	sadd.s32 @!p0 s3, s7;
	s7 =	simm.s32 @!p0 $0x108  }
0x21: {  	s3 =	sadd.s32 s3, s9;
	s6 =	sadd.s32 @!p0 $0x88, s6;
	s7 =	simm.s32 @p2 $0x1082  }
0x22: {  	[simem:s7], [sflag:s8] =	dma.local @!p0 [hbm:s6], $0xF7A  }
0x23: {  	s9 =	sor.u32 $0xD0000000, s2;
	s6 =	simm.s32 $0x108;
	_ =	swait.ge @!p0 [sflag:s8], $0x0  }
0x24: {  	s3 =	sadd.s32 $0x88, s3;
	s6 =	simm.s32 @!p1 $0x1082;
	[sflag:s4] =	ssyncset.s32 $0xFFFFF086  }
0x25: {  	[simem:s6], [sflag:s4] =	dma.local [hbm:s3], $0xF7A  }
0x26: {  	[smem:$0x3F96] =	sst s1;
	(tag) =	ssettag s2;
	_ =	strace s9  }
0x27: {  	s1 =	sld [smem:$0x3FA6]  }
0x28: {  	s2 =	sld [smem:$0x3FA7]  }
0x29: {  	s4 =	sld [smem:$0x3FA9]  }
0x2a: {  	p0 =	seq.s32 s5, $0x0;
	s5 =	sld [smem:$0x3FAA]  }
0x2b: {  	s6 =	sld [smem:$0x3FAB]  }
0x2c: {  	s7 =	sld [smem:$0x3FAC]  }
0x2d: {  	s3 =	simm.s32 $0x108;
	s8 =	sld [smem:$0x3FAD]  }
0x2e: {  	s3 =	simm.s32 @!p0 $0x1082;
	s9 =	sld [smem:$0x3FAE]  }
0x2f: {  	lr =	sadd.s32 s0, s3;
	s0 =	sld [smem:$0x3FA5]  }
0x30: {  	s3 =	sld [smem:$0x3FA8]  }
0x31: {  	[smem:$0x3FB1] =	sst s10  }
0x32: {  	s10 =	sld [smem:$0x3FAF];
	_ =	sdelay $0x3  }
0x33: {  	p0 =	seq.s32 s10, $0x1;
	s10 =	sld [smem:$0x3FB1];
	_ =	sdelay $0x3  }
0x34: {  	[smem:$0x3FB1] =	sst s10  }
0x35: {  	s10 =	sld [smem:$0x3FB0];
	_ =	sdelay $0x3  }
0x36: {  	p1 =	seq.s32 s10, $0x1;
	s10 =	sld [smem:$0x3FB1];
	_ =	sdelay $0x3  }
0x37: {  	[smem:$0x3FB1] =	sst s10  }
0x38: {  	s10 =	sld [smem:$0x3FB2]  }
0x39: {  	_ = 	snop;
	(pc) =	sbr.ind lr, $3  }
0x3a: {  	_ = 	snop  }
0x3b: {  	_ = 	snop  }
0x3c: {  	p2 =	seq.s32 s10, $0x1;
	s10 =	sld [smem:$0x3FB1]  }
0x3d: {  	_ =	shalt  }
0x3e: {  	_ =	shalt  }
0x3f: {  	_ =	shalt  }
0x40: {  	_ =	shalt  }
0x41: {  	_ =	shalt  }
0x42: {  	_ =	shalt  }
0x43: {  	_ =	shalt  }
0x44: {  	_ =	shalt  }
0x45: {  	_ =	shalt  }
0x46: {  	_ =	shalt  }
0x47: {  	_ =	shalt  }
0x48: {  	_ =	shalt  }
0x49: {  	_ =	shalt  }
0x4a: {  	_ =	shalt  }
0x4b: {  	_ =	shalt  }
0x4c: {  	_ =	shalt  }
0x4d: {  	_ =	shalt  }
0x4e: {  	_ =	shalt  }
0x4f: {  	_ =	shalt  }
0x50: {  	_ =	shalt  }
0x51: {  	_ =	shalt  }
0x52: {  	_ =	shalt  }
0x53: {  	_ =	shalt  }
0x54: {  	_ =	shalt  }
0x55: {  	_ =	shalt  }
0x56: {  	_ =	shalt  }
0x57: {  	_ =	shalt  }
0x58: {  	_ =	shalt  }
0x59: {  	_ =	shalt  }
0x5a: {  	_ =	shalt  }
0x5b: {  	_ =	shalt  }
0x5c: {  	_ =	shalt  }
0x5d: {  	_ =	shalt  }
0x5e: {  	_ =	shalt  }
0x5f: {  	_ =	shalt  }
0x60: {  	_ =	shalt  }
0x61: {  	_ =	shalt  }
0x62: {  	_ =	shalt  }
0x63: {  	_ =	shalt  }
0x64: {  	_ =	shalt  }
0x65: {  	_ =	shalt  }
0x66: {  	_ =	shalt  }
0x67: {  	_ =	shalt  }
0x68: {  	_ =	shalt  }
0x69: {  	_ =	shalt  }
0x6a: {  	_ =	shalt  }
0x6b: {  	_ =	shalt  }
0x6c: {  	_ =	shalt  }
0x6d: {  	_ =	shalt  }
0x6e: {  	_ =	shalt  }
0x6f: {  	_ =	shalt  }
0x70: {  	_ =	shalt  }
0x71: {  	_ =	shalt  }
0x72: {  	_ =	shalt  }
0x73: {  	_ =	shalt  }
0x74: {  	_ =	shalt  }
0x75: {  	_ =	shalt  }
0x76: {  	_ =	shalt  }
0x77: {  	_ =	shalt  }
0x78: {  	_ =	shalt  }
0x79: {  	_ =	shalt  }
0x7a: {  	_ =	shalt  }
0x7b: {  	_ =	shalt  }
0x7c: {  	_ =	shalt  }
0x7d: {  	_ =	shalt  }
0x7e: {  	_ =	shalt  }
0x7f: {  	_ =	shalt  }
0x80: {  	_ =	shalt  }
0x81: {  	_ =	shalt  }
0x82: {  	_ =	shalt  }
0x83: {  	_ =	shalt  }
0x84: {  	_ =	shalt  }
0x85: {  	_ =	shalt  }
0x86: {  	_ =	shalt  }
0x87: {  	_ =	shalt  }
.Lfunc_end0:
.L_simem_size_0:
called_computation.1_lowered:
.L_overlay_start_0:
0x88: {  	s2 =	sld [smem:$0x3FD9]  }
0x89: {  	s3 =	sld [smem:$0x3FFE];
	_ =	sdelay $0x1  }
0x8a: {  	s1 =	srdreg.scid  }
0x8b: {  	s0 =	sand.u32 $0x1, s1  }
0x8c: {  	s16 =	sshll.u32 s0, $0xA;
	s2 =	sadd.s32 s3, s2  }
0x8d: {  	s2 =	sadd.s32 s2, s16  }
0x8e: {  	[smem:$0x3FBD] =	sst s2  }
0x8f: {  	_ = 	snop  }
0x90: {  	(tm) =	ssettm $0x1  }
0x91: {  	s17 =	sld [smem:$0x3FFB];
	_ =	sdelay $0x3  }
0x92: {  	_ =	strace s17  }
0x93: {  	s2 =	sld [smem:$0x3FFC];
	_ =	sdelay $0x3  }
0x94: {  	_ =	strace s2  }
0x95: {  	s2 =	sld [smem:$0x3FFD];
	_ =	sdelay $0x3  }
0x96: {  	_ =	strace s2  }
0x97: {  	_ =	strace $0x8FFFFFFF  }
0x98: {  	s18 =	sld [smem:$0x3FDB];
	_ =	sdelay $0x1  }
0x99: {  	s19 =	simm.s32 $_scs_section_size  }
0x9a: {  	s4 =	simm.s32 $_size__tile_overlayer_lowered;
	s5 =	simm.s32 $_tile_overlayer_lowered  }
0x9b: {  	s22 =	simm.s32 $0x1BFF;
	s21 =	sshll.u32 s5, $0x1;
	s2 =	sadd.s32 s19, s18  }
0x9c: {  	s6 =	simm.s32 $0x0;
	s20 =	sshll.u32 s4, $0x1;
	s4 =	sadd.s32 s21, s2  }
0x9d: {  	[timem:s6], [sflag:s22] =	dma.local [hbm:s4], s20  }
0x9e: {  	_ =	swait.ge [sflag:s22], s20  }
0x9f: {  	s3 =	ssub.s32 $0x0, s20;
	[sflag:s22] =	ssyncset.done $0x0  }
0xa0: {  	[sflag:s22] =	ssyncadd.s32 s3;
	_ =	sdelay $0x1  }
0xa1: {  	s23 =	simm.s32 $0x1B8B  }
0xa2: {  	_ =	swait.ge [sflag:s23], $0x1  }
0xa3: {  	[sflag:s23] =	ssyncset.done $0x0  }
0xa4: {  	s25 =	simm.s32 $0x1B8E;
	s24 =	sld [smem:$0x3FFE];
	[sflag:s23] =	ssyncadd.s32 $0xFFFFFFFF  }
0xa5: {  	s26 =	simm.s32 $execute0_lowered;
	[smem:$0x3FD2] =	sst s25  }
0xa6: {  	s4 =	sshll.u32 s26, $0x1;
	_ =	strace $0x80000049;
	[dreg:$0x1] =	wrdreg $0xFFFFFFFF  }
0xa7: {  	s28 =	simm.s32 $_size_execute0_lowered;
	s2 =	sadd.s32 s2, s4;
	[dreg:$0x0] =	wrdreg $0x0  }
0xa8: {  	s4 =	sshll.u32 s28, $0x1;
	[dreg:$0x2] =	wrdreg s2  }
0xa9: {  	[dreg:$0x3] =	wrdreg s4  }
0xaa: {  	[dreg:$0x4] =	wrdreg $0xC0  }
0xab: {  	_ =	task [dreg:s6], $0x5FFFF  }
0xac: {  	[dreg:$0x1] =	wrdreg $0xFFFFFFFF  }
0xad: {  	[dreg:$0x0] =	wrdreg $0x60  }
0xae: {  	[dreg:$0x2] =	wrdreg s24  }
0xaf: {  	[dreg:$0x3] =	wrdreg $0x48000  }
0xb0: {  	[dreg:$0x4] =	wrdreg $0x9  }
0xb1: {  	_ =	task.clear_ibuf [dreg:s6], $0x5FFFF;
	_ =	strace $0x90000049  }
0xb2: {  	s29 =	simm.s32 $0x9;
	_ =	strace $0x8000004B  }
0xb3: {  	_ =	swait.ge [sflag:s29], $0x1  }
0xb4: {  	[sflag:s29] =	ssyncadd.s32 $0xFFFFFFFF  }
0xb5: {  	_ =	strace $0x9000004B  }
0xb6: {  	_ =	sfence  }
0xb7: {  	s30 =	sld [smem:$0x0];
	_ =	sdelay $0x2  }
0xb8: {  	s31 =	sshll.u32 s1, $0xD;
	s1 =	sshrl.u32 s1, $0x2  }
0xb9: {  	s3 =	sand.u32 $0x4000, s31;
	s1 =	sadd.s32 s1, s30  }
0xba: {  	s0 =	sor.u32 s3, s0;
	s1 =	sshll.u32 s1, $0x11  }
0xbb: {  	s0 =	sor.u32 s1, s0  }
0xbc: {  	s0 =	sadd.s32 $0x8F2B, s0  }
0xbd: {  	[sflag:s0] =	ssyncadd.remote.s32 $0x1  }
0xbe: {  	_ =	sfence.sel $0xFFFF  }
0xbf: {  	[dreg:$0x0] =	wrdreg $0xFFFFFFFF;
	(pc) =	sbr.abs _section_cstart, $3  }
0xc0: {  	[dreg:$0x1] =	wrdreg $0xFFFFFFFF  }
0xc1: {  	_ =	task.clear_ibuf [dreg:s6], $0x2FFFF;
	_ =	strace $0x9FFFFFFF  }
0xc2: {  	(tm) =	ssettm $0x7FFFFFFF  }
0xc3: {  	_ =	shalt  }
tec
execute0_lowered:
.L_overlay_start_1:
0x0: {  	(tag) =	ssettag $0x1  }
0x1: {  	s0 =	rddreg [dreg:$0x0]  }
0x2: {  	s2 =	rddreg [dreg:$0x1];
	s1 =	srdreg.scid  }
0x3: {  	s12 =	stileid.u32;
	s3 =	simm.s32 $0x0;
	s13 =	simm.s32 $0x400  }
0x4: {  	s14 =	simm.s32 $0x80;
	s15 =	simm.s32 $0x800;
	s16 =	simm.s32 $0x100  }
0x5: {  	s17 =	simm.s32 $0x1000;
	s18 =	simm.s32 $0x200;
	s25 =	simm.s32 $0x500  }
0x6: {  	s26 =	simm.s32 $0x600;
	s28 =	simm.s32 $0x700;
	s29 =	simm.s32 $0x4000  }
0x7: {  	s30 =	simm.s32 $0x180;
	s31 =	simm.s32 $0x280;
	s1 =	sand.u32 $0x1, s1  }
0x8: {  	s5 =	smul.u32 $0x18700, s12;
	[smem:$0x7FF] =	sst s3;
	s4 =	sadd.s32 $0xCA200, s0  }
0x9: {  	s7 =	sadd.s32 $0x2C00, s0;
	s8 =	smul.u32 $0x620, s12;
	s9 =	sadd.s32 $0xC6E00, s0  }
0xa: {  	s10 =	sshll.u32 s12, $0x1;
	s21 =	sshll.u32 s12, $0x6;
	s12 =	simm.s32 $0x3  }
0xb: {  	s6 =	smul.u32 $0x187000, s1;
	_ =	strace $0x8000004A;
	[dreg:$0x7] =	wrdreg s9  }
0xc: {  	s19 =	smul.u32 $0x310, s1;
	s20 =	ssub.s32 $0x2, s1;
	s1 =	sor.u32 s1, s10  }
0xd: {  	s10 =	sor.u32 $0x1C03, s21;
	s21 =	simm.s32 $0x2000;
	[dreg:$0x5] =	wrdreg s25  }
0xe: {  	[dreg:$0x6] =	wrdreg s26;
	s25 =	simm.s32 $0x3000;
	s26 =	simm.s32 $0x3800  }
0xf: {  	s9 =	simm.s32 $0x780;
	s11 =	sshrl.u32 s20, $0x1;
	s1 =	smul.u32 $0x6200, s1  }
0x10: {  	[dreg:$0x8] =	wrdreg s10;
	s6 =	sadd.s32 s5, s6;
	s8 =	sadd.s32 s19, s8  }
0x11: {  	s5 =	sadd.s32 s5, s2;
	s19 =	simm.s32 $0x1800;
	s8 =	sshll.u32 s8, $0x5  }
0x12: {  	s6 =	sshrl.u32 s6, $0x3;
	s8 =	sadd.s32 s8, s7;
	s7 =	sadd.s32 s7, s1  }
0x13: {  	s0 =	sadd.s32 s6, s0;
	[dreg:$0x9] =	wrdreg s7;
	s7 =	sadd.s32 $0x80, s7  }
0x14: {  	s6 =	ssub.s32 s20, s11;
	s22 =	sadd.s32 $0x180, s8;
	[dreg:$0xa] =	wrdreg s7  }
0x15: {  	s20 =	simm.s32 $0x300;
	s0 =	sadd.s32 $0xFB000, s0;
	[dreg:$0x3] =	wrdreg s22  }
0x16: {  	s1 =	simm.s32 $0x480;
	s24 =	smax.u32 s6, $0x1;
	[dreg:$0xb] =	wrdreg s0  }
0x17: {  	s11 =	simm.s32 $0x0;
	s23 =	sadd.s32 $0x100, s8;
	[dreg:$0xc] =	wrdreg s24  }
0x18: {  	s8 =	simm.s32 $0x680;
	[dreg:$0x4] =	wrdreg s23;
	s7 =	sshrl.u32 s5, $0x3  }
0x19: {  	s22 =	simm.s32 $0x2;
	s23 =	simm.s32 $0x1;
	s24 =	simm.s32 $0x2800  }
0x1a: {  	s0 =	simm.s32 $0x380;
	s5 =	simm.s32 $0x580;
	[dreg:$0xd] =	wrdreg s7  }
.LBB2_1:
0x1b: {  	[dreg:$0xe] =	wrdreg s11  }
0x1c: {  	s6 =	rddreg [dreg:$0x7]  }
0x1d: {  	[spmem:s7], [sflag:s10] =	dma.local [hbm:s6], $0x30E0  }
0x1e: {  	_ =	swait.ge [sflag:s12], $0x30E0  }
0x1f: {  	[sflag:s12] =	ssyncset.done $0x0  }
0x20: {  	[sflag:s12] =	ssyncadd.s32 $0xFFFFCF20  }
0x21: {  	[bflag:$0x0] =	sbarrier.arrive $0xFFFF  }
0x22: {  	s11 =	rddreg [dreg:$0x9]  }
0x23: {  	[tilespmem:s3], [sflag:$0x3] =	stream.linear.gather [hbm4b:s11+s3], $0x400, $0x38;
	[tilespmem:$0x1CF00] =	vst v63  }
0x24: {  	_ =	swait.ge [sflag:s12], $0x400  }
0x25: {  	[sflag:s12] =	ssyncset.done $0x0  }
0x26: {  	s7 =	rddreg [dreg:$0xa];
	[sflag:s12] =	ssyncadd.s32 $0xFFFFFC00  }
0x27: {  	[tilespmem:s13], [sflag:$0x1] =	stream.linear.gather [hbm4b:s7+s3], $0x400, $0x38;
	[tilespmem:$0x1CF00] =	vst v63  }
0x28: {  	_ = 	snop  }
0x29: {  	[tilespmem:s15], [sflag:$0x2] =	stream.indirect.gather [hbm4b:s4+s14], $0x10, s3, s14, $0xb8;
	[tilespmem:$0x1CF00] =	vst v63  }
0x2a: {  	_ = 	snop  }
0x2b: {  	[tilespmem:s17], [sflag:$0x2] =	stream.indirect.gather [hbm4b:s4+s14], $0x10, s16, s14, $0xb8;
	[tilespmem:$0x1CF00] =	vst v63  }
0x2c: {  	_ = 	snop  }
0x2d: {  	[tilespmem:s19], [sflag:$0x2] =	stream.indirect.gather [hbm4b:s4+s14], $0x10, s18, s14, $0xb8;
	[tilespmem:$0x1CF00] =	vst v63  }
0x2e: {  	_ = 	snop  }
0x2f: {  	[tilespmem:s21], [sflag:$0x2] =	stream.indirect.gather [hbm4b:s4+s14], $0x10, s20, s14, $0xb8;
	[tilespmem:$0x1CF00] =	vst v63  }
0x30: {  	_ =	swait.ge [sflag:s22], $0x800  }
0x31: {  	[sflag:s22] =	ssyncset.done $0x0  }
0x32: {  	[sflag:s22] =	ssyncadd.s32 $0xFFFFF800  }
0x33: {  	_ =	swait.ge [sflag:s22], $0x800  }
0x34: {  	[sflag:s22] =	ssyncset.done $0x0  }
0x35: {  	[sflag:s22] =	ssyncadd.s32 $0xFFFFF800  }
0x36: {  	_ =	swait.ge [sflag:s22], $0x800  }
0x37: {  	[sflag:s22] =	ssyncset.done $0x0  }
0x38: {  	[sflag:s22] =	ssyncadd.s32 $0xFFFFF800  }
0x39: {  	_ =	swait.ge [sflag:s22], $0x800  }
0x3a: {  	[sflag:s22] =	ssyncset.done $0x0  }
0x3b: {  	[sflag:s22] =	ssyncadd.s32 $0xFFFFF800  }
0x3c: {  	_ =	swait.ge [sflag:s23], $0x400  }
0x3d: {  	[sflag:s23] =	ssyncset.done $0x0  }
0x3e: {  	[sflag:s23] =	ssyncadd.s32 $0xFFFFFC00  }
0x3f: {  	[tilespmem:s24], [sflag:$0x2] =	stream.indirect.gather [hbm4b:s4+s14], $0x10, s13, s14, $0xb8;
	[tilespmem:$0x1CF00] =	vst v63  }
0x40: {  	s10 =	rddreg [dreg:$0x5]  }
0x41: {  	[tilespmem:s25], [sflag:$0x2] =	stream.indirect.gather [hbm4b:s4+s14], $0x10, s10, s14, $0xb8;
	[tilespmem:$0x1CF00] =	vst v63  }
0x42: {  	s11 =	rddreg [dreg:$0x6]  }
0x43: {  	[tilespmem:s26], [sflag:$0x2] =	stream.indirect.gather [hbm4b:s4+s14], $0x10, s11, s14, $0xb8;
	[tilespmem:$0x1CF00] =	vst v63  }
0x44: {  	_ = 	snop  }
0x45: {  	[tilespmem:s29], [sflag:$0x2] =	stream.indirect.gather [hbm4b:s4+s14], $0x10, s28, s14, $0xb8;
	[tilespmem:$0x1CF00] =	vst v63  }
0x46: {  	_ = 	snop  }
0x47: {  	[spmem:s2] =	stream.indirect.scatter.add.f32 [tilespmem:s15], [sflag:$0x3], $0x10, s14, s14, $0xb8;
	[tilespmem:$0x1CF00] =	vst v63  }
0x48: {  	_ =	swait.ge [sflag:s12], $0x800  }
0x49: {  	[sflag:s12] =	ssyncset.done $0x0  }
0x4a: {  	[sflag:s12] =	ssyncadd.s32 $0xFFFFF800  }
0x4b: {  	[spmem:s2] =	stream.indirect.scatter.add.f32 [tilespmem:s17], [sflag:$0x3], $0x10, s30, s14, $0xb8;
	[tilespmem:$0x1CF00] =	vst v63  }
0x4c: {  	_ =	swait.ge [sflag:s12], $0x800  }
0x4d: {  	[sflag:s12] =	ssyncset.done $0x0  }
0x4e: {  	[sflag:s12] =	ssyncadd.s32 $0xFFFFF800  }
0x4f: {  	[spmem:s2] =	stream.indirect.scatter.add.f32 [tilespmem:s19], [sflag:$0x3], $0x10, s31, s14, $0xb8;
	[tilespmem:$0x1CF00] =	vst v63  }
0x50: {  	_ =	swait.ge [sflag:s12], $0x800  }
0x51: {  	[sflag:s12] =	ssyncset.done $0x0  }
0x52: {  	[sflag:s12] =	ssyncadd.s32 $0xFFFFF800  }
0x53: {  	[spmem:s2] =	stream.indirect.scatter.add.f32 [tilespmem:s21], [sflag:$0x3], $0x10, s0, s14, $0xb8;
	[tilespmem:$0x1CF00] =	vst v63  }
0x54: {  	_ =	swait.ge [sflag:s12], $0x800  }
0x55: {  	s10 =	rddreg [dreg:$0x4];
	[sflag:s12] =	ssyncset.done $0x0  }
0x56: {  	[sflag:s12] =	ssyncadd.s32 $0xFFFFF800;
	s6 =	sadd.s32 $0x0, s10  }
0x57: {  	[tilespmem:s3], [sflag:$0x1] =	stream.linear.gather [hbm4b:s6+s3], $0x400, $0x38;
	[tilespmem:$0x1CF00] =	vst v63  }
0x58: {  	_ =	swait.ge [sflag:s22], $0x800  }
0x59: {  	[sflag:s22] =	ssyncset.done $0x0  }
0x5a: {  	[sflag:s22] =	ssyncadd.s32 $0xFFFFF800  }
0x5b: {  	_ =	swait.ge [sflag:s22], $0x800  }
0x5c: {  	[sflag:s22] =	ssyncset.done $0x0  }
0x5d: {  	[sflag:s22] =	ssyncadd.s32 $0xFFFFF800  }
0x5e: {  	_ =	swait.ge [sflag:s22], $0x800  }
0x5f: {  	[sflag:s22] =	ssyncset.done $0x0  }
0x60: {  	[sflag:s22] =	ssyncadd.s32 $0xFFFFF800  }
0x61: {  	_ =	swait.ge [sflag:s22], $0x800  }
0x62: {  	[sflag:s22] =	ssyncset.done $0x0  }
0x63: {  	[sflag:s22] =	ssyncadd.s32 $0xFFFFF800  }
0x64: {  	_ =	swait.ge [sflag:s23], $0x400  }
0x65: {  	[sflag:s23] =	ssyncset.done $0x0  }
0x66: {  	[sflag:s23] =	ssyncadd.s32 $0xFFFFFC00  }
0x67: {  	[tilespmem:s15], [sflag:$0x2] =	stream.indirect.gather [hbm4b:s4+s14], $0x10, s3, s14, $0xb8;
	[tilespmem:$0x1CF00] =	vst v63  }
0x68: {  	_ = 	snop  }
0x69: {  	[tilespmem:s17], [sflag:$0x2] =	stream.indirect.gather [hbm4b:s4+s14], $0x10, s16, s14, $0xb8;
	[tilespmem:$0x1CF00] =	vst v63  }
0x6a: {  	_ = 	snop  }
0x6b: {  	[tilespmem:s19], [sflag:$0x2] =	stream.indirect.gather [hbm4b:s4+s14], $0x10, s18, s14, $0xb8;
	[tilespmem:$0x1CF00] =	vst v63  }
0x6c: {  	_ = 	snop  }
0x6d: {  	[tilespmem:s21], [sflag:$0x2] =	stream.indirect.gather [hbm4b:s4+s14], $0x10, s20, s14, $0xb8;
	[tilespmem:$0x1CF00] =	vst v63  }
0x6e: {  	_ = 	snop  }
0x6f: {  	[spmem:s2] =	stream.indirect.scatter.add.f32 [tilespmem:s24], [sflag:$0x3], $0x10, s1, s14, $0xb8;
	[tilespmem:$0x1CF00] =	vst v63  }
0x70: {  	_ =	swait.ge [sflag:s12], $0x800  }
0x71: {  	[sflag:s12] =	ssyncset.done $0x0  }
0x72: {  	[sflag:s12] =	ssyncadd.s32 $0xFFFFF800  }
0x73: {  	[spmem:s2] =	stream.indirect.scatter.add.f32 [tilespmem:s25], [sflag:$0x3], $0x10, s5, s14, $0xb8;
	[tilespmem:$0x1CF00] =	vst v63  }
0x74: {  	_ =	swait.ge [sflag:s12], $0x800  }
0x75: {  	[sflag:s12] =	ssyncset.done $0x0  }
0x76: {  	[sflag:s12] =	ssyncadd.s32 $0xFFFFF800  }
0x77: {  	[spmem:s2] =	stream.indirect.scatter.add.f32 [tilespmem:s26], [sflag:$0x3], $0x10, s8, s14, $0xb8;
	[tilespmem:$0x1CF00] =	vst v63  }
0x78: {  	_ =	swait.ge [sflag:s12], $0x800  }
0x79: {  	[sflag:s12] =	ssyncset.done $0x0  }
0x7a: {  	[sflag:s12] =	ssyncadd.s32 $0xFFFFF800  }
0x7b: {  	[spmem:s2] =	stream.indirect.scatter.add.f32 [tilespmem:s29], [sflag:$0x3], $0x10, s9, s14, $0xb8;
	[tilespmem:$0x1CF00] =	vst v63  }
0x7c: {  	_ =	swait.ge [sflag:s12], $0x800  }
0x7d: {  	s11 =	rddreg [dreg:$0x3];
	[sflag:s12] =	ssyncset.done $0x0  }
0x7e: {  	s7 =	simm.s32 $0x100;
	[sflag:s12] =	ssyncadd.s32 $0xFFFFF800;
	s6 =	sadd.s32 $0x0, s11  }
.LBB2_2:
0x7f: {  	[tilespmem:s13], [sflag:$0x1] =	stream.linear.gather [hbm4b:s6+s3], $0x400, $0x38;
	[tilespmem:$0x1CF00] =	vst v63  }
0x80: {  	_ =	swait.ge [sflag:s22], $0x800  }
0x81: {  	[sflag:s22] =	ssyncset.done $0x0  }
0x82: {  	[sflag:s22] =	ssyncadd.s32 $0xFFFFF800  }
0x83: {  	_ =	swait.ge [sflag:s22], $0x800  }
0x84: {  	[sflag:s22] =	ssyncset.done $0x0  }
0x85: {  	[sflag:s22] =	ssyncadd.s32 $0xFFFFF800  }
0x86: {  	_ =	swait.ge [sflag:s22], $0x800  }
0x87: {  	[sflag:s22] =	ssyncset.done $0x0  }
0x88: {  	[sflag:s22] =	ssyncadd.s32 $0xFFFFF800  }
0x89: {  	_ =	swait.ge [sflag:s22], $0x800  }
0x8a: {  	[sflag:s22] =	ssyncset.done $0x0  }
0x8b: {  	[sflag:s22] =	ssyncadd.s32 $0xFFFFF800  }
0x8c: {  	_ =	swait.ge [sflag:s23], $0x400  }
0x8d: {  	[sflag:s23] =	ssyncset.done $0x0  }
0x8e: {  	[sflag:s23] =	ssyncadd.s32 $0xFFFFFC00  }
0x8f: {  	[tilespmem:s24], [sflag:$0x2] =	stream.indirect.gather [hbm4b:s4+s14], $0x10, s13, s14, $0xb8;
	[tilespmem:$0x1CF00] =	vst v63  }
0x90: {  	s11 =	rddreg [dreg:$0x5]  }
0x91: {  	[tilespmem:s25], [sflag:$0x2] =	stream.indirect.gather [hbm4b:s4+s14], $0x10, s11, s14, $0xb8;
	[tilespmem:$0x1CF00] =	vst v63  }
0x92: {  	s10 =	rddreg [dreg:$0x6]  }
0x93: {  	[tilespmem:s26], [sflag:$0x2] =	stream.indirect.gather [hbm4b:s4+s14], $0x10, s10, s14, $0xb8;
	[tilespmem:$0x1CF00] =	vst v63  }
0x94: {  	_ = 	snop  }
0x95: {  	[tilespmem:s29], [sflag:$0x2] =	stream.indirect.gather [hbm4b:s4+s14], $0x10, s28, s14, $0xb8;
	[tilespmem:$0x1CF00] =	vst v63  }
0x96: {  	_ = 	snop  }
0x97: {  	[spmem:s2] =	stream.indirect.scatter.add.f32 [tilespmem:s15], [sflag:$0x3], $0x10, s14, s14, $0xb8;
	[tilespmem:$0x1CF00] =	vst v63  }
0x98: {  	_ =	swait.ge [sflag:s12], $0x800  }
0x99: {  	[sflag:s12] =	ssyncset.done $0x0  }
0x9a: {  	[sflag:s12] =	ssyncadd.s32 $0xFFFFF800  }
0x9b: {  	[spmem:s2] =	stream.indirect.scatter.add.f32 [tilespmem:s17], [sflag:$0x3], $0x10, s30, s14, $0xb8;
	[tilespmem:$0x1CF00] =	vst v63  }
0x9c: {  	_ =	swait.ge [sflag:s12], $0x800  }
0x9d: {  	[sflag:s12] =	ssyncset.done $0x0  }
0x9e: {  	[sflag:s12] =	ssyncadd.s32 $0xFFFFF800  }
0x9f: {  	[spmem:s2] =	stream.indirect.scatter.add.f32 [tilespmem:s19], [sflag:$0x3], $0x10, s31, s14, $0xb8;
	[tilespmem:$0x1CF00] =	vst v63  }
0xa0: {  	_ =	swait.ge [sflag:s12], $0x800  }
0xa1: {  	[sflag:s12] =	ssyncset.done $0x0  }
0xa2: {  	[sflag:s12] =	ssyncadd.s32 $0xFFFFF800  }
0xa3: {  	[spmem:s2] =	stream.indirect.scatter.add.f32 [tilespmem:s21], [sflag:$0x3], $0x10, s0, s14, $0xb8;
	[tilespmem:$0x1CF00] =	vst v63  }
0xa4: {  	_ =	swait.ge [sflag:s12], $0x800  }
0xa5: {  	s6 =	smov.u32 s7;
	s11 =	rddreg [dreg:$0x4];
	[sflag:s12] =	ssyncset.done $0x0  }
0xa6: {  	[sflag:s12] =	ssyncadd.s32 $0xFFFFF800;
	s10 =	sadd.s32 s6, s11  }
0xa7: {  	[tilespmem:s3], [sflag:$0x1] =	stream.linear.gather [hbm4b:s10+s3], $0x400, $0x38;
	[tilespmem:$0x1CF00] =	vst v63  }
0xa8: {  	_ =	swait.ge [sflag:s22], $0x800  }
0xa9: {  	[sflag:s22] =	ssyncset.done $0x0  }
0xaa: {  	[sflag:s22] =	ssyncadd.s32 $0xFFFFF800  }
0xab: {  	_ =	swait.ge [sflag:s22], $0x800  }
0xac: {  	[sflag:s22] =	ssyncset.done $0x0  }
0xad: {  	[sflag:s22] =	ssyncadd.s32 $0xFFFFF800  }
0xae: {  	_ =	swait.ge [sflag:s22], $0x800  }
0xaf: {  	[sflag:s22] =	ssyncset.done $0x0  }
0xb0: {  	[sflag:s22] =	ssyncadd.s32 $0xFFFFF800  }
0xb1: {  	_ =	swait.ge [sflag:s22], $0x800  }
0xb2: {  	[sflag:s22] =	ssyncset.done $0x0  }
0xb3: {  	[sflag:s22] =	ssyncadd.s32 $0xFFFFF800  }
0xb4: {  	_ =	swait.ge [sflag:s23], $0x400  }
0xb5: {  	[sflag:s23] =	ssyncset.done $0x0  }
0xb6: {  	[sflag:s23] =	ssyncadd.s32 $0xFFFFFC00  }
0xb7: {  	[tilespmem:s15], [sflag:$0x2] =	stream.indirect.gather [hbm4b:s4+s14], $0x10, s3, s14, $0xb8;
	[tilespmem:$0x1CF00] =	vst v63  }
0xb8: {  	_ = 	snop  }
0xb9: {  	[tilespmem:s17], [sflag:$0x2] =	stream.indirect.gather [hbm4b:s4+s14], $0x10, s16, s14, $0xb8;
	[tilespmem:$0x1CF00] =	vst v63  }
0xba: {  	_ = 	snop  }
0xbb: {  	[tilespmem:s19], [sflag:$0x2] =	stream.indirect.gather [hbm4b:s4+s14], $0x10, s18, s14, $0xb8;
	[tilespmem:$0x1CF00] =	vst v63  }
0xbc: {  	_ = 	snop  }
0xbd: {  	[tilespmem:s21], [sflag:$0x2] =	stream.indirect.gather [hbm4b:s4+s14], $0x10, s20, s14, $0xb8;
	[tilespmem:$0x1CF00] =	vst v63  }
0xbe: {  	_ = 	snop  }
0xbf: {  	[spmem:s2] =	stream.indirect.scatter.add.f32 [tilespmem:s24], [sflag:$0x3], $0x10, s1, s14, $0xb8;
	[tilespmem:$0x1CF00] =	vst v63  }
0xc0: {  	_ =	swait.ge [sflag:s12], $0x800  }
0xc1: {  	[sflag:s12] =	ssyncset.done $0x0  }
0xc2: {  	[sflag:s12] =	ssyncadd.s32 $0xFFFFF800  }
0xc3: {  	[spmem:s2] =	stream.indirect.scatter.add.f32 [tilespmem:s25], [sflag:$0x3], $0x10, s5, s14, $0xb8;
	[tilespmem:$0x1CF00] =	vst v63  }
0xc4: {  	_ =	swait.ge [sflag:s12], $0x800  }
0xc5: {  	[sflag:s12] =	ssyncset.done $0x0  }
0xc6: {  	[sflag:s12] =	ssyncadd.s32 $0xFFFFF800  }
0xc7: {  	[spmem:s2] =	stream.indirect.scatter.add.f32 [tilespmem:s26], [sflag:$0x3], $0x10, s8, s14, $0xb8;
	[tilespmem:$0x1CF00] =	vst v63  }
0xc8: {  	_ =	swait.ge [sflag:s12], $0x800  }
0xc9: {  	p0 =	sne.s32 s7, $0x6100;
	[sflag:s12] =	ssyncset.done $0x0  }
.Ltmp0:
0xca: {  	[sflag:s12] =	ssyncadd.s32 $0xFFFFF800;
	(pc) =	sbr.rel @p0 .LBB2_2-.Ltmp0, $4  }
0xcb: {  	[spmem:s2] =	stream.indirect.scatter.add.f32 [tilespmem:s29], [sflag:$0x3], $0x10, s9, s14, $0xb8;
	[tilespmem:$0x1CF00] =	vst v63  }
0xcc: {  	_ =	swait.ge [sflag:s12], $0x800  }
0xcd: {  	[sflag:s12] =	ssyncset.done $0x0;
	s11 =	rddreg [dreg:$0x3]  }
0xce: {  	s7 =	sadd.s32 $0x100, s7;
	[sflag:s12] =	ssyncadd.s32 $0xFFFFF800;
	s6 =	sadd.s32 s6, s11  }
0xcf: {  	[tilespmem:s13], [sflag:$0x1] =	stream.linear.gather [hbm4b:s6+s3], $0x400, $0x38;
	[tilespmem:$0x1CF00] =	vst v63  }
0xd0: {  	_ =	swait.ge [sflag:s22], $0x800  }
0xd1: {  	[sflag:s22] =	ssyncset.done $0x0  }
0xd2: {  	[sflag:s22] =	ssyncadd.s32 $0xFFFFF800  }
0xd3: {  	_ =	swait.ge [sflag:s22], $0x800  }
0xd4: {  	[sflag:s22] =	ssyncset.done $0x0  }
0xd5: {  	[sflag:s22] =	ssyncadd.s32 $0xFFFFF800  }
0xd6: {  	_ =	swait.ge [sflag:s22], $0x800  }
0xd7: {  	[sflag:s22] =	ssyncset.done $0x0  }
0xd8: {  	[sflag:s22] =	ssyncadd.s32 $0xFFFFF800  }
0xd9: {  	_ =	swait.ge [sflag:s22], $0x800  }
0xda: {  	[sflag:s22] =	ssyncset.done $0x0  }
0xdb: {  	[sflag:s22] =	ssyncadd.s32 $0xFFFFF800  }
0xdc: {  	_ =	swait.ge [sflag:s23], $0x400  }
0xdd: {  	[sflag:s23] =	ssyncset.done $0x0  }
0xde: {  	[sflag:s23] =	ssyncadd.s32 $0xFFFFFC00  }
0xdf: {  	[bflag:$0x0] =	sbarrier.arrive $0xFFFF  }
0xe0: {  	s10 =	rddreg [dreg:$0x8]  }
0xe1: {  	s11 =	rddreg [dreg:$0xb]  }
0xe2: {  	s7 =	rddreg [dreg:$0xd]  }
0xe3: {  	[hbm:s11], [sflag:s10] =	dma.local [spmem:s7], $0x30E0  }
0xe4: {  	_ =	swait.ge [sflag:s12], $0x30E0  }
0xe5: {  	s11 =	rddreg [dreg:$0xe]  }
0xe6: {  	s6 =	rddreg [dreg:$0xc];
	s11 =	sadd.s32 $0x1, s11  }
0xe7: {  	p0 =	sne.s32 s11, s6  }
.Ltmp1:
0xe8: {  	_ = 	snop;
	(pc) =	sbr.rel @p0 .LBB2_1-.Ltmp1, $3  }
0xe9: {  	_ =	sdelay $0x1  }
0xea: {  	[sflag:s12] =	ssyncset.done $0x0  }
0xeb: {  	[sflag:s12] =	ssyncadd.s32 $0xFFFFCF20  }
0xec: {  	_ =	sfence.sel $0x180000  }
0xed: {  	[bflag:$0x0] =	sbarrier.arrive $0xFFFF  }
0xee: {  	_ =	strace $0x9000004A  }
0xef: {  	s0 =	stileid.u32;
	[bflag:$0x2] =	sbarrier.arrive $0xFFFF  }
0xf0: {  	p0 =	sne.s32 s0, $0x0;
	s0 =	rddreg [dreg:$0x2]  }
0xf1: {  	s0 =	sadd.s32 @!p0 $0x100000, s0  }
0xf2: {  	[sflag:s0] =	ssyncadd.tile.s32 @!p0 $0x1;
	_ =	shalt  }
.Lfunc_end2:
_tile_overlayer_lowered:
.L_overlay_start_2:
0xf3: {  	(tag) =	ssettag $0x2  }
0xf4: {  	s0 =	rddreg [dreg:$0x0];
	s2 =	stileid.u32  }
0xf5: {  	s1 =	rddreg [dreg:$0x1];
	p0 =	sne.s32 s2, $0x0  }
0xf6: {  	s3 =	rddreg [dreg:$0x2];
	[bflag:$0x3] =	sbarrier.arrive $0xFFFF;
	s2 =	simm.s32 @!p0 $0x1C03  }
0xf7: {  	[timem:s3], [sflag:s2] =	dma.local @!p0 [hbm:s0], s1  }
0xf8: {  	s0 =	simm.s32 @!p0 $0x3  }
0xf9: {  	_ =	swait.ge @!p0 [sflag:s0], s1  }
0xfa: {  	s1 =	ssub.s32 @!p0 $0x0, s1;
	[sflag:s0] =	ssyncset.done @!p0 $0x0  }
0xfb: {  	[sflag:s0] =	ssyncadd.s32 @!p0 s1  }
0xfc: {  	[bflag:$0x3] =	sbarrier.arrive $0xFFFF  }
0xfd: {  	_ =	shalt  }

// kernel: kernel.17.cloned.1.call-start
scs
__scs_entry_jumppad:
0x0: {  	(pc) =	sbr.rel $0x88, $3  }
0x1: {  	(tag) =	ssettag $0x0;
	lr =	simm.s32 $0x1  }
0x2: {  	[smem:$0x3F96] =	sst lr;
	_ =	strace $0xD0000000  }
0x3: {  	_ = 	snop  }
0x4: {  	_ = 	snop  }
0x5: {  	_ = 	snop  }
0x6: {  	_ = 	snop  }
0x7: {  	_ = 	snop  }
__scs_overlays_trampoline_lowered:
0x8: {  	[smem:$0x3FA5] =	sst s0  }
0x9: {  	[smem:$0x3FA6] =	sst s1  }
0xa: {  	[smem:$0x3FA7] =	sst s2  }
0xb: {  	[smem:$0x3FA8] =	sst s3  }
0xc: {  	[smem:$0x3FA9] =	sst s4  }
0xd: {  	[smem:$0x3FAA] =	sst s5  }
0xe: {  	[smem:$0x3FAB] =	sst s6  }
0xf: {  	[smem:$0x3FAC] =	sst s7  }
0x10: {  	[smem:$0x3FAD] =	sst s8  }
0x11: {  	[smem:$0x3FAE] =	sst s9;
	s0 =	simm.s32 @!p0 $0x0  }
0x12: {  	s1 =	sld [smem:$0x3F94];
	s0 =	simm.s32 @p0 $0x1  }
0x13: {  	[smem:$0x3FAF] =	sst s0;
	s0 =	simm.s32 @!p1 $0x0  }
0x14: {  	s2 =	sld [smem:$0x3F93];
	s0 =	simm.s32 @p1 $0x1  }
0x15: {  	[smem:$0x3FB0] =	sst s0;
	s0 =	simm.s32 @!p2 $0x0  }
0x16: {  	s3 =	sld [smem:$0x3FDB];
	s0 =	simm.s32 @p2 $0x1  }
0x17: {  	s4 =	simm.s32 $0x1BF5;
	[smem:$0x3FB2] =	sst s0  }
0x18: {  	s0 =	sld [smem:$0x3F95];
	_ =	swait.ge [sflag:s4], $0x0  }
0x19: {  	s7 =	sld [smem:$0x3F96]  }
0x1a: {  	s8 =	sadd.s32 $0xFFFFE003, lr  }
0x1b: {  	s9 =	sadd.s32 $0xFFFFFEF7, lr;
	s5 =	simm.s32 $0xFFFFFFFF;
	p2 =	slt.u32 s8, $0xFFFFF086  }
0x1c: {  	p1 =	slt.u32 s9, $0xF7A;
	s5 =	simm.s32 @!p2 $0x0  }
0x1d: {  	s5 =	simm.s32 @p1 $0x1;
	p0 =	seq.s32 s7, s2  }
0x1e: {  	s7 =	smul.u32 @!p0 $0xF7A, s2;
	p2 =	seq.s32 @!p0 s5, $0x0  }
0x1f: {  	s9 =	smul.u32 $0xF7A, s1;
	s8 =	simm.s32 @!p0 $0x1BF5;
	p2 =	por !p2, p0  }
0x20: {  	[sflag:s8] =	ssyncset.s32 @!p0 $0xFFFFF086;
	s6 =	sadd.s32 @!p0 s3, s7;
	s7 =	simm.s32 @!p0 $0x108  }
0x21: {  	s3 =	sadd.s32 s3, s9;
	s6 =	sadd.s32 @!p0 $0x88, s6;
	s7 =	simm.s32 @p2 $0x1082  }
0x22: {  	[simem:s7], [sflag:s8] =	dma.local @!p0 [hbm:s6], $0xF7A  }
0x23: {  	s9 =	sor.u32 $0xD0000000, s2;
	s6 =	simm.s32 $0x108;
	_ =	swait.ge @!p0 [sflag:s8], $0x0  }
0x24: {  	s3 =	sadd.s32 $0x88, s3;
	s6 =	simm.s32 @!p1 $0x1082;
	[sflag:s4] =	ssyncset.s32 $0xFFFFF086  }
0x25: {  	[simem:s6], [sflag:s4] =	dma.local [hbm:s3], $0xF7A  }
0x26: {  	[smem:$0x3F96] =	sst s1;
	(tag) =	ssettag s2;
	_ =	strace s9  }
0x27: {  	s1 =	sld [smem:$0x3FA6]  }
0x28: {  	s2 =	sld [smem:$0x3FA7]  }
0x29: {  	s4 =	sld [smem:$0x3FA9]  }
0x2a: {  	p0 =	seq.s32 s5, $0x0;
	s5 =	sld [smem:$0x3FAA]  }
0x2b: {  	s6 =	sld [smem:$0x3FAB]  }
0x2c: {  	s7 =	sld [smem:$0x3FAC]  }
0x2d: {  	s3 =	simm.s32 $0x108;
	s8 =	sld [smem:$0x3FAD]  }
0x2e: {  	s3 =	simm.s32 @!p0 $0x1082;
	s9 =	sld [smem:$0x3FAE]  }
0x2f: {  	lr =	sadd.s32 s0, s3;
	s0 =	sld [smem:$0x3FA5]  }
0x30: {  	s3 =	sld [smem:$0x3FA8]  }
0x31: {  	[smem:$0x3FB1] =	sst s10  }
0x32: {  	s10 =	sld [smem:$0x3FAF];
	_ =	sdelay $0x3  }
0x33: {  	p0 =	seq.s32 s10, $0x1;
	s10 =	sld [smem:$0x3FB1];
	_ =	sdelay $0x3  }
0x34: {  	[smem:$0x3FB1] =	sst s10  }
0x35: {  	s10 =	sld [smem:$0x3FB0];
	_ =	sdelay $0x3  }
0x36: {  	p1 =	seq.s32 s10, $0x1;
	s10 =	sld [smem:$0x3FB1];
	_ =	sdelay $0x3  }
0x37: {  	[smem:$0x3FB1] =	sst s10  }
0x38: {  	s10 =	sld [smem:$0x3FB2]  }
0x39: {  	_ = 	snop;
	(pc) =	sbr.ind lr, $3  }
0x3a: {  	_ = 	snop  }
0x3b: {  	_ = 	snop  }
0x3c: {  	p2 =	seq.s32 s10, $0x1;
	s10 =	sld [smem:$0x3FB1]  }
0x3d: {  	_ =	shalt  }
0x3e: {  	_ =	shalt  }
0x3f: {  	_ =	shalt  }
0x40: {  	_ =	shalt  }
0x41: {  	_ =	shalt  }
0x42: {  	_ =	shalt  }
0x43: {  	_ =	shalt  }
0x44: {  	_ =	shalt  }
0x45: {  	_ =	shalt  }
0x46: {  	_ =	shalt  }
0x47: {  	_ =	shalt  }
0x48: {  	_ =	shalt  }
0x49: {  	_ =	shalt  }
0x4a: {  	_ =	shalt  }
0x4b: {  	_ =	shalt  }
0x4c: {  	_ =	shalt  }
0x4d: {  	_ =	shalt  }
0x4e: {  	_ =	shalt  }
0x4f: {  	_ =	shalt  }
0x50: {  	_ =	shalt  }
0x51: {  	_ =	shalt  }
0x52: {  	_ =	shalt  }
0x53: {  	_ =	shalt  }
0x54: {  	_ =	shalt  }
0x55: {  	_ =	shalt  }
0x56: {  	_ =	shalt  }
0x57: {  	_ =	shalt  }
0x58: {  	_ =	shalt  }
0x59: {  	_ =	shalt  }
0x5a: {  	_ =	shalt  }
0x5b: {  	_ =	shalt  }
0x5c: {  	_ =	shalt  }
0x5d: {  	_ =	shalt  }
0x5e: {  	_ =	shalt  }
0x5f: {  	_ =	shalt  }
0x60: {  	_ =	shalt  }
0x61: {  	_ =	shalt  }
0x62: {  	_ =	shalt  }
0x63: {  	_ =	shalt  }
0x64: {  	_ =	shalt  }
0x65: {  	_ =	shalt  }
0x66: {  	_ =	shalt  }
0x67: {  	_ =	shalt  }
0x68: {  	_ =	shalt  }
0x69: {  	_ =	shalt  }
0x6a: {  	_ =	shalt  }
0x6b: {  	_ =	shalt  }
0x6c: {  	_ =	shalt  }
0x6d: {  	_ =	shalt  }
0x6e: {  	_ =	shalt  }
0x6f: {  	_ =	shalt  }
0x70: {  	_ =	shalt  }
0x71: {  	_ =	shalt  }
0x72: {  	_ =	shalt  }
0x73: {  	_ =	shalt  }
0x74: {  	_ =	shalt  }
0x75: {  	_ =	shalt  }
0x76: {  	_ =	shalt  }
0x77: {  	_ =	shalt  }
0x78: {  	_ =	shalt  }
0x79: {  	_ =	shalt  }
0x7a: {  	_ =	shalt  }
0x7b: {  	_ =	shalt  }
0x7c: {  	_ =	shalt  }
0x7d: {  	_ =	shalt  }
0x7e: {  	_ =	shalt  }
0x7f: {  	_ =	shalt  }
0x80: {  	_ =	shalt  }
0x81: {  	_ =	shalt  }
0x82: {  	_ =	shalt  }
0x83: {  	_ =	shalt  }
0x84: {  	_ =	shalt  }
0x85: {  	_ =	shalt  }
0x86: {  	_ =	shalt  }
0x87: {  	_ =	shalt  }
.Lfunc_end0:
.L_simem_size_0:
called_computation.2_lowered:
.L_overlay_start_0:
0x88: {  	s2 =	sld [smem:$0x3FD9]  }
0x89: {  	s3 =	sld [smem:$0x3FFE];
	_ =	sdelay $0x1  }
0x8a: {  	s1 =	srdreg.scid  }
0x8b: {  	s0 =	sand.u32 $0x1, s1  }
0x8c: {  	s16 =	sshll.u32 s0, $0xA;
	s2 =	sadd.s32 s3, s2  }
0x8d: {  	s2 =	sadd.s32 s2, s16  }
0x8e: {  	[smem:$0x3FBD] =	sst s2  }
0x8f: {  	_ = 	snop  }
0x90: {  	(tm) =	ssettm $0x1  }
0x91: {  	s17 =	sld [smem:$0x3FFB];
	_ =	sdelay $0x3  }
0x92: {  	_ =	strace s17  }
0x93: {  	s2 =	sld [smem:$0x3FFC];
	_ =	sdelay $0x3  }
0x94: {  	_ =	strace s2  }
0x95: {  	s2 =	sld [smem:$0x3FFD];
	_ =	sdelay $0x3  }
0x96: {  	_ =	strace s2  }
0x97: {  	_ =	strace $0x8FFFFFFF  }
0x98: {  	s18 =	sld [smem:$0x3FDB];
	_ =	sdelay $0x1  }
0x99: {  	s19 =	simm.s32 $_scs_section_size  }
0x9a: {  	s4 =	simm.s32 $_size__tile_overlayer_lowered;
	s5 =	simm.s32 $_tile_overlayer_lowered  }
0x9b: {  	s22 =	simm.s32 $0x1BFF;
	s21 =	sshll.u32 s5, $0x1;
	s2 =	sadd.s32 s19, s18  }
0x9c: {  	s6 =	simm.s32 $0x0;
	s20 =	sshll.u32 s4, $0x1;
	s4 =	sadd.s32 s21, s2  }
0x9d: {  	[timem:s6], [sflag:s22] =	dma.local [hbm:s4], s20  }
0x9e: {  	_ =	swait.ge [sflag:s22], s20  }
0x9f: {  	s3 =	ssub.s32 $0x0, s20;
	[sflag:s22] =	ssyncset.done $0x0  }
0xa0: {  	[sflag:s22] =	ssyncadd.s32 s3;
	_ =	sdelay $0x1  }
0xa1: {  	s23 =	simm.s32 $0x1B8B  }
0xa2: {  	_ =	swait.ge [sflag:s23], $0x1  }
0xa3: {  	[sflag:s23] =	ssyncset.done $0x0  }
0xa4: {  	s25 =	simm.s32 $0x1B8E;
	s24 =	sld [smem:$0x3FFE];
	[sflag:s23] =	ssyncadd.s32 $0xFFFFFFFF  }
0xa5: {  	s26 =	simm.s32 $execute0_lowered;
	[smem:$0x3FD2] =	sst s25  }
0xa6: {  	s4 =	sshll.u32 s26, $0x1;
	_ =	strace $0x8000004C;
	[dreg:$0x1] =	wrdreg $0xFFFFFFFF  }
0xa7: {  	s28 =	simm.s32 $_size_execute0_lowered;
	s2 =	sadd.s32 s2, s4;
	[dreg:$0x0] =	wrdreg $0x0  }
0xa8: {  	s4 =	sshll.u32 s28, $0x1;
	[dreg:$0x2] =	wrdreg s2  }
0xa9: {  	[dreg:$0x3] =	wrdreg s4  }
0xaa: {  	[dreg:$0x4] =	wrdreg $0xC0  }
0xab: {  	_ =	task [dreg:s6], $0x5FFFF  }
0xac: {  	[dreg:$0x1] =	wrdreg $0xFFFFFFFF  }
0xad: {  	[dreg:$0x0] =	wrdreg $0x60  }
0xae: {  	[dreg:$0x2] =	wrdreg s24  }
0xaf: {  	[dreg:$0x3] =	wrdreg $0x48000  }
0xb0: {  	[dreg:$0x4] =	wrdreg $0x9  }
0xb1: {  	_ =	task.clear_ibuf [dreg:s6], $0x5FFFF;
	_ =	strace $0x9000004C  }
0xb2: {  	s29 =	simm.s32 $0x9;
	_ =	strace $0x8000004E  }
0xb3: {  	_ =	swait.ge [sflag:s29], $0x1  }
0xb4: {  	[sflag:s29] =	ssyncadd.s32 $0xFFFFFFFF  }
0xb5: {  	_ =	strace $0x9000004E  }
0xb6: {  	_ =	sfence  }
0xb7: {  	s30 =	sld [smem:$0x0];
	_ =	sdelay $0x2  }
0xb8: {  	s31 =	sshll.u32 s1, $0xD;
	s1 =	sshrl.u32 s1, $0x2  }
0xb9: {  	s3 =	sand.u32 $0x4000, s31;
	s1 =	sadd.s32 s1, s30  }
0xba: {  	s0 =	sor.u32 s3, s0;
	s1 =	sshll.u32 s1, $0x11  }
0xbb: {  	s0 =	sor.u32 s1, s0  }
0xbc: {  	s0 =	sadd.s32 $0x8F2B, s0  }
0xbd: {  	[sflag:s0] =	ssyncadd.remote.s32 $0x1  }
0xbe: {  	_ =	sfence.sel $0xFFFF  }
0xbf: {  	[dreg:$0x0] =	wrdreg $0xFFFFFFFF;
	(pc) =	sbr.abs _section_cstart, $3  }
0xc0: {  	[dreg:$0x1] =	wrdreg $0xFFFFFFFF  }
0xc1: {  	_ =	task.clear_ibuf [dreg:s6], $0x2FFFF;
	_ =	strace $0x9FFFFFFF  }
0xc2: {  	(tm) =	ssettm $0x7FFFFFFF  }
0xc3: {  	_ =	shalt  }
tec
execute0_lowered:
.L_overlay_start_1:
0x0: {  	(tag) =	ssettag $0x1  }
0x1: {  	s0 =	rddreg [dreg:$0x0]  }
0x2: {  	s2 =	rddreg [dreg:$0x1];
	s1 =	srdreg.scid  }
0x3: {  	s12 =	stileid.u32;
	s3 =	simm.s32 $0x0;
	s13 =	simm.s32 $0x400  }
0x4: {  	s14 =	simm.s32 $0x80;
	s15 =	simm.s32 $0x800;
	s16 =	simm.s32 $0x100  }
0x5: {  	s17 =	simm.s32 $0x1000;
	s18 =	simm.s32 $0x200;
	s25 =	simm.s32 $0x500  }
0x6: {  	s26 =	simm.s32 $0x600;
	s28 =	simm.s32 $0x700;
	s29 =	simm.s32 $0x4000  }
0x7: {  	s30 =	simm.s32 $0x180;
	s31 =	simm.s32 $0x280;
	s1 =	sand.u32 $0x1, s1  }
0x8: {  	s5 =	smul.u32 $0x18700, s12;
	[smem:$0x7FF] =	sst s3;
	s4 =	sadd.s32 $0xCA200, s0  }
0x9: {  	s7 =	sadd.s32 $0x2C00, s0;
	s8 =	smul.u32 $0x620, s12;
	s9 =	sadd.s32 $0xC6E00, s0  }
0xa: {  	s10 =	sshll.u32 s12, $0x1;
	s21 =	sshll.u32 s12, $0x6;
	s12 =	simm.s32 $0x3  }
0xb: {  	s6 =	smul.u32 $0x187000, s1;
	_ =	strace $0x8000004D;
	[dreg:$0x7] =	wrdreg s9  }
0xc: {  	s19 =	smul.u32 $0x310, s1;
	s20 =	ssub.s32 $0x2, s1;
	s1 =	sor.u32 s1, s10  }
0xd: {  	s10 =	sor.u32 $0x1C03, s21;
	s21 =	simm.s32 $0x2000;
	[dreg:$0x5] =	wrdreg s25  }
0xe: {  	[dreg:$0x6] =	wrdreg s26;
	s25 =	simm.s32 $0x3000;
	s26 =	simm.s32 $0x3800  }
0xf: {  	s9 =	simm.s32 $0x780;
	s11 =	sshrl.u32 s20, $0x1;
	s1 =	smul.u32 $0x6200, s1  }
0x10: {  	[dreg:$0x8] =	wrdreg s10;
	s6 =	sadd.s32 s5, s6;
	s8 =	sadd.s32 s19, s8  }
0x11: {  	s5 =	sadd.s32 s5, s2;
	s19 =	simm.s32 $0x1800;
	s8 =	sshll.u32 s8, $0x5  }
0x12: {  	s6 =	sshrl.u32 s6, $0x3;
	s8 =	sadd.s32 s8, s7;
	s7 =	sadd.s32 s7, s1  }
0x13: {  	s0 =	sadd.s32 s6, s0;
	[dreg:$0x9] =	wrdreg s7;
	s7 =	sadd.s32 $0x80, s7  }
0x14: {  	s6 =	ssub.s32 s20, s11;
	s22 =	sadd.s32 $0x180, s8;
	[dreg:$0xa] =	wrdreg s7  }
0x15: {  	s20 =	simm.s32 $0x300;
	s0 =	sadd.s32 $0xFB000, s0;
	[dreg:$0x3] =	wrdreg s22  }
0x16: {  	s1 =	simm.s32 $0x480;
	s24 =	smax.u32 s6, $0x1;
	[dreg:$0xb] =	wrdreg s0  }
0x17: {  	s11 =	simm.s32 $0x0;
	s23 =	sadd.s32 $0x100, s8;
	[dreg:$0xc] =	wrdreg s24  }
0x18: {  	s8 =	simm.s32 $0x680;
	[dreg:$0x4] =	wrdreg s23;
	s7 =	sshrl.u32 s5, $0x3  }
0x19: {  	s22 =	simm.s32 $0x2;
	s23 =	simm.s32 $0x1;
	s24 =	simm.s32 $0x2800  }
0x1a: {  	s0 =	simm.s32 $0x380;
	s5 =	simm.s32 $0x580;
	[dreg:$0xd] =	wrdreg s7  }
.LBB2_1:
0x1b: {  	[dreg:$0xe] =	wrdreg s11  }
0x1c: {  	s6 =	rddreg [dreg:$0x7]  }
0x1d: {  	[spmem:s7], [sflag:s10] =	dma.local [hbm:s6], $0x30E0  }
0x1e: {  	_ =	swait.ge [sflag:s12], $0x30E0  }
0x1f: {  	[sflag:s12] =	ssyncset.done $0x0  }
0x20: {  	[sflag:s12] =	ssyncadd.s32 $0xFFFFCF20  }
0x21: {  	[bflag:$0x0] =	sbarrier.arrive $0xFFFF  }
0x22: {  	s11 =	rddreg [dreg:$0x9]  }
0x23: {  	[tilespmem:s3], [sflag:$0x3] =	stream.linear.gather [hbm4b:s11+s3], $0x400, $0x38;
	[tilespmem:$0x1CF00] =	vst v63  }
0x24: {  	_ =	swait.ge [sflag:s12], $0x400  }
0x25: {  	[sflag:s12] =	ssyncset.done $0x0  }
0x26: {  	s7 =	rddreg [dreg:$0xa];
	[sflag:s12] =	ssyncadd.s32 $0xFFFFFC00  }
0x27: {  	[tilespmem:s13], [sflag:$0x1] =	stream.linear.gather [hbm4b:s7+s3], $0x400, $0x38;
	[tilespmem:$0x1CF00] =	vst v63  }
0x28: {  	_ = 	snop  }
0x29: {  	[tilespmem:s15], [sflag:$0x2] =	stream.indirect.gather [hbm4b:s4+s14], $0x10, s3, s14, $0xb8;
	[tilespmem:$0x1CF00] =	vst v63  }
0x2a: {  	_ = 	snop  }
0x2b: {  	[tilespmem:s17], [sflag:$0x2] =	stream.indirect.gather [hbm4b:s4+s14], $0x10, s16, s14, $0xb8;
	[tilespmem:$0x1CF00] =	vst v63  }
0x2c: {  	_ = 	snop  }
0x2d: {  	[tilespmem:s19], [sflag:$0x2] =	stream.indirect.gather [hbm4b:s4+s14], $0x10, s18, s14, $0xb8;
	[tilespmem:$0x1CF00] =	vst v63  }
0x2e: {  	_ = 	snop  }
0x2f: {  	[tilespmem:s21], [sflag:$0x2] =	stream.indirect.gather [hbm4b:s4+s14], $0x10, s20, s14, $0xb8;
	[tilespmem:$0x1CF00] =	vst v63  }
0x30: {  	_ =	swait.ge [sflag:s22], $0x800  }
0x31: {  	[sflag:s22] =	ssyncset.done $0x0  }
0x32: {  	[sflag:s22] =	ssyncadd.s32 $0xFFFFF800  }
0x33: {  	_ =	swait.ge [sflag:s22], $0x800  }
0x34: {  	[sflag:s22] =	ssyncset.done $0x0  }
0x35: {  	[sflag:s22] =	ssyncadd.s32 $0xFFFFF800  }
0x36: {  	_ =	swait.ge [sflag:s22], $0x800  }
0x37: {  	[sflag:s22] =	ssyncset.done $0x0  }
0x38: {  	[sflag:s22] =	ssyncadd.s32 $0xFFFFF800  }
0x39: {  	_ =	swait.ge [sflag:s22], $0x800  }
0x3a: {  	[sflag:s22] =	ssyncset.done $0x0  }
0x3b: {  	[sflag:s22] =	ssyncadd.s32 $0xFFFFF800  }
0x3c: {  	_ =	swait.ge [sflag:s23], $0x400  }
0x3d: {  	[sflag:s23] =	ssyncset.done $0x0  }
0x3e: {  	[sflag:s23] =	ssyncadd.s32 $0xFFFFFC00  }
0x3f: {  	[tilespmem:s24], [sflag:$0x2] =	stream.indirect.gather [hbm4b:s4+s14], $0x10, s13, s14, $0xb8;
	[tilespmem:$0x1CF00] =	vst v63  }
0x40: {  	s10 =	rddreg [dreg:$0x5]  }
0x41: {  	[tilespmem:s25], [sflag:$0x2] =	stream.indirect.gather [hbm4b:s4+s14], $0x10, s10, s14, $0xb8;
	[tilespmem:$0x1CF00] =	vst v63  }
0x42: {  	s11 =	rddreg [dreg:$0x6]  }
0x43: {  	[tilespmem:s26], [sflag:$0x2] =	stream.indirect.gather [hbm4b:s4+s14], $0x10, s11, s14, $0xb8;
	[tilespmem:$0x1CF00] =	vst v63  }
0x44: {  	_ = 	snop  }
0x45: {  	[tilespmem:s29], [sflag:$0x2] =	stream.indirect.gather [hbm4b:s4+s14], $0x10, s28, s14, $0xb8;
	[tilespmem:$0x1CF00] =	vst v63  }
0x46: {  	_ = 	snop  }
0x47: {  	[spmem:s2] =	stream.indirect.scatter.add.f32 [tilespmem:s15], [sflag:$0x3], $0x10, s14, s14, $0xb8;
	[tilespmem:$0x1CF00] =	vst v63  }
0x48: {  	_ =	swait.ge [sflag:s12], $0x800  }
0x49: {  	[sflag:s12] =	ssyncset.done $0x0  }
0x4a: {  	[sflag:s12] =	ssyncadd.s32 $0xFFFFF800  }
0x4b: {  	[spmem:s2] =	stream.indirect.scatter.add.f32 [tilespmem:s17], [sflag:$0x3], $0x10, s30, s14, $0xb8;
	[tilespmem:$0x1CF00] =	vst v63  }
0x4c: {  	_ =	swait.ge [sflag:s12], $0x800  }
0x4d: {  	[sflag:s12] =	ssyncset.done $0x0  }
0x4e: {  	[sflag:s12] =	ssyncadd.s32 $0xFFFFF800  }
0x4f: {  	[spmem:s2] =	stream.indirect.scatter.add.f32 [tilespmem:s19], [sflag:$0x3], $0x10, s31, s14, $0xb8;
	[tilespmem:$0x1CF00] =	vst v63  }
0x50: {  	_ =	swait.ge [sflag:s12], $0x800  }
0x51: {  	[sflag:s12] =	ssyncset.done $0x0  }
0x52: {  	[sflag:s12] =	ssyncadd.s32 $0xFFFFF800  }
0x53: {  	[spmem:s2] =	stream.indirect.scatter.add.f32 [tilespmem:s21], [sflag:$0x3], $0x10, s0, s14, $0xb8;
	[tilespmem:$0x1CF00] =	vst v63  }
0x54: {  	_ =	swait.ge [sflag:s12], $0x800  }
0x55: {  	s10 =	rddreg [dreg:$0x4];
	[sflag:s12] =	ssyncset.done $0x0  }
0x56: {  	[sflag:s12] =	ssyncadd.s32 $0xFFFFF800;
	s6 =	sadd.s32 $0x0, s10  }
0x57: {  	[tilespmem:s3], [sflag:$0x1] =	stream.linear.gather [hbm4b:s6+s3], $0x400, $0x38;
	[tilespmem:$0x1CF00] =	vst v63  }
0x58: {  	_ =	swait.ge [sflag:s22], $0x800  }
0x59: {  	[sflag:s22] =	ssyncset.done $0x0  }
0x5a: {  	[sflag:s22] =	ssyncadd.s32 $0xFFFFF800  }
0x5b: {  	_ =	swait.ge [sflag:s22], $0x800  }
0x5c: {  	[sflag:s22] =	ssyncset.done $0x0  }
0x5d: {  	[sflag:s22] =	ssyncadd.s32 $0xFFFFF800  }
0x5e: {  	_ =	swait.ge [sflag:s22], $0x800  }
0x5f: {  	[sflag:s22] =	ssyncset.done $0x0  }
0x60: {  	[sflag:s22] =	ssyncadd.s32 $0xFFFFF800  }
0x61: {  	_ =	swait.ge [sflag:s22], $0x800  }
0x62: {  	[sflag:s22] =	ssyncset.done $0x0  }
0x63: {  	[sflag:s22] =	ssyncadd.s32 $0xFFFFF800  }
0x64: {  	_ =	swait.ge [sflag:s23], $0x400  }
0x65: {  	[sflag:s23] =	ssyncset.done $0x0  }
0x66: {  	[sflag:s23] =	ssyncadd.s32 $0xFFFFFC00  }
0x67: {  	[tilespmem:s15], [sflag:$0x2] =	stream.indirect.gather [hbm4b:s4+s14], $0x10, s3, s14, $0xb8;
	[tilespmem:$0x1CF00] =	vst v63  }
0x68: {  	_ = 	snop  }
0x69: {  	[tilespmem:s17], [sflag:$0x2] =	stream.indirect.gather [hbm4b:s4+s14], $0x10, s16, s14, $0xb8;
	[tilespmem:$0x1CF00] =	vst v63  }
0x6a: {  	_ = 	snop  }
0x6b: {  	[tilespmem:s19], [sflag:$0x2] =	stream.indirect.gather [hbm4b:s4+s14], $0x10, s18, s14, $0xb8;
	[tilespmem:$0x1CF00] =	vst v63  }
0x6c: {  	_ = 	snop  }
0x6d: {  	[tilespmem:s21], [sflag:$0x2] =	stream.indirect.gather [hbm4b:s4+s14], $0x10, s20, s14, $0xb8;
	[tilespmem:$0x1CF00] =	vst v63  }
0x6e: {  	_ = 	snop  }
0x6f: {  	[spmem:s2] =	stream.indirect.scatter.add.f32 [tilespmem:s24], [sflag:$0x3], $0x10, s1, s14, $0xb8;
	[tilespmem:$0x1CF00] =	vst v63  }
0x70: {  	_ =	swait.ge [sflag:s12], $0x800  }
0x71: {  	[sflag:s12] =	ssyncset.done $0x0  }
0x72: {  	[sflag:s12] =	ssyncadd.s32 $0xFFFFF800  }
0x73: {  	[spmem:s2] =	stream.indirect.scatter.add.f32 [tilespmem:s25], [sflag:$0x3], $0x10, s5, s14, $0xb8;
	[tilespmem:$0x1CF00] =	vst v63  }
0x74: {  	_ =	swait.ge [sflag:s12], $0x800  }
0x75: {  	[sflag:s12] =	ssyncset.done $0x0  }
0x76: {  	[sflag:s12] =	ssyncadd.s32 $0xFFFFF800  }
0x77: {  	[spmem:s2] =	stream.indirect.scatter.add.f32 [tilespmem:s26], [sflag:$0x3], $0x10, s8, s14, $0xb8;
	[tilespmem:$0x1CF00] =	vst v63  }
0x78: {  	_ =	swait.ge [sflag:s12], $0x800  }
0x79: {  	[sflag:s12] =	ssyncset.done $0x0  }
0x7a: {  	[sflag:s12] =	ssyncadd.s32 $0xFFFFF800  }
0x7b: {  	[spmem:s2] =	stream.indirect.scatter.add.f32 [tilespmem:s29], [sflag:$0x3], $0x10, s9, s14, $0xb8;
	[tilespmem:$0x1CF00] =	vst v63  }
0x7c: {  	_ =	swait.ge [sflag:s12], $0x800  }
0x7d: {  	s11 =	rddreg [dreg:$0x3];
	[sflag:s12] =	ssyncset.done $0x0  }
0x7e: {  	s7 =	simm.s32 $0x100;
	[sflag:s12] =	ssyncadd.s32 $0xFFFFF800;
	s6 =	sadd.s32 $0x0, s11  }
.LBB2_2:
0x7f: {  	[tilespmem:s13], [sflag:$0x1] =	stream.linear.gather [hbm4b:s6+s3], $0x400, $0x38;
	[tilespmem:$0x1CF00] =	vst v63  }
0x80: {  	_ =	swait.ge [sflag:s22], $0x800  }
0x81: {  	[sflag:s22] =	ssyncset.done $0x0  }
0x82: {  	[sflag:s22] =	ssyncadd.s32 $0xFFFFF800  }
0x83: {  	_ =	swait.ge [sflag:s22], $0x800  }
0x84: {  	[sflag:s22] =	ssyncset.done $0x0  }
0x85: {  	[sflag:s22] =	ssyncadd.s32 $0xFFFFF800  }
0x86: {  	_ =	swait.ge [sflag:s22], $0x800  }
0x87: {  	[sflag:s22] =	ssyncset.done $0x0  }
0x88: {  	[sflag:s22] =	ssyncadd.s32 $0xFFFFF800  }
0x89: {  	_ =	swait.ge [sflag:s22], $0x800  }
0x8a: {  	[sflag:s22] =	ssyncset.done $0x0  }
0x8b: {  	[sflag:s22] =	ssyncadd.s32 $0xFFFFF800  }
0x8c: {  	_ =	swait.ge [sflag:s23], $0x400  }
0x8d: {  	[sflag:s23] =	ssyncset.done $0x0  }
0x8e: {  	[sflag:s23] =	ssyncadd.s32 $0xFFFFFC00  }
0x8f: {  	[tilespmem:s24], [sflag:$0x2] =	stream.indirect.gather [hbm4b:s4+s14], $0x10, s13, s14, $0xb8;
	[tilespmem:$0x1CF00] =	vst v63  }
0x90: {  	s11 =	rddreg [dreg:$0x5]  }
0x91: {  	[tilespmem:s25], [sflag:$0x2] =	stream.indirect.gather [hbm4b:s4+s14], $0x10, s11, s14, $0xb8;
	[tilespmem:$0x1CF00] =	vst v63  }
0x92: {  	s10 =	rddreg [dreg:$0x6]  }
0x93: {  	[tilespmem:s26], [sflag:$0x2] =	stream.indirect.gather [hbm4b:s4+s14], $0x10, s10, s14, $0xb8;
	[tilespmem:$0x1CF00] =	vst v63  }
0x94: {  	_ = 	snop  }
0x95: {  	[tilespmem:s29], [sflag:$0x2] =	stream.indirect.gather [hbm4b:s4+s14], $0x10, s28, s14, $0xb8;
	[tilespmem:$0x1CF00] =	vst v63  }
0x96: {  	_ = 	snop  }
0x97: {  	[spmem:s2] =	stream.indirect.scatter.add.f32 [tilespmem:s15], [sflag:$0x3], $0x10, s14, s14, $0xb8;
	[tilespmem:$0x1CF00] =	vst v63  }
0x98: {  	_ =	swait.ge [sflag:s12], $0x800  }
0x99: {  	[sflag:s12] =	ssyncset.done $0x0  }
0x9a: {  	[sflag:s12] =	ssyncadd.s32 $0xFFFFF800  }
0x9b: {  	[spmem:s2] =	stream.indirect.scatter.add.f32 [tilespmem:s17], [sflag:$0x3], $0x10, s30, s14, $0xb8;
	[tilespmem:$0x1CF00] =	vst v63  }
0x9c: {  	_ =	swait.ge [sflag:s12], $0x800  }
0x9d: {  	[sflag:s12] =	ssyncset.done $0x0  }
0x9e: {  	[sflag:s12] =	ssyncadd.s32 $0xFFFFF800  }
0x9f: {  	[spmem:s2] =	stream.indirect.scatter.add.f32 [tilespmem:s19], [sflag:$0x3], $0x10, s31, s14, $0xb8;
	[tilespmem:$0x1CF00] =	vst v63  }
0xa0: {  	_ =	swait.ge [sflag:s12], $0x800  }
0xa1: {  	[sflag:s12] =	ssyncset.done $0x0  }
0xa2: {  	[sflag:s12] =	ssyncadd.s32 $0xFFFFF800  }
0xa3: {  	[spmem:s2] =	stream.indirect.scatter.add.f32 [tilespmem:s21], [sflag:$0x3], $0x10, s0, s14, $0xb8;
	[tilespmem:$0x1CF00] =	vst v63  }
0xa4: {  	_ =	swait.ge [sflag:s12], $0x800  }
0xa5: {  	s6 =	smov.u32 s7;
	s11 =	rddreg [dreg:$0x4];
	[sflag:s12] =	ssyncset.done $0x0  }
0xa6: {  	[sflag:s12] =	ssyncadd.s32 $0xFFFFF800;
	s10 =	sadd.s32 s6, s11  }
0xa7: {  	[tilespmem:s3], [sflag:$0x1] =	stream.linear.gather [hbm4b:s10+s3], $0x400, $0x38;
	[tilespmem:$0x1CF00] =	vst v63  }
0xa8: {  	_ =	swait.ge [sflag:s22], $0x800  }
0xa9: {  	[sflag:s22] =	ssyncset.done $0x0  }
0xaa: {  	[sflag:s22] =	ssyncadd.s32 $0xFFFFF800  }
0xab: {  	_ =	swait.ge [sflag:s22], $0x800  }
0xac: {  	[sflag:s22] =	ssyncset.done $0x0  }
0xad: {  	[sflag:s22] =	ssyncadd.s32 $0xFFFFF800  }
0xae: {  	_ =	swait.ge [sflag:s22], $0x800  }
0xaf: {  	[sflag:s22] =	ssyncset.done $0x0  }
0xb0: {  	[sflag:s22] =	ssyncadd.s32 $0xFFFFF800  }
0xb1: {  	_ =	swait.ge [sflag:s22], $0x800  }
0xb2: {  	[sflag:s22] =	ssyncset.done $0x0  }
0xb3: {  	[sflag:s22] =	ssyncadd.s32 $0xFFFFF800  }
0xb4: {  	_ =	swait.ge [sflag:s23], $0x400  }
0xb5: {  	[sflag:s23] =	ssyncset.done $0x0  }
0xb6: {  	[sflag:s23] =	ssyncadd.s32 $0xFFFFFC00  }
0xb7: {  	[tilespmem:s15], [sflag:$0x2] =	stream.indirect.gather [hbm4b:s4+s14], $0x10, s3, s14, $0xb8;
	[tilespmem:$0x1CF00] =	vst v63  }
0xb8: {  	_ = 	snop  }
0xb9: {  	[tilespmem:s17], [sflag:$0x2] =	stream.indirect.gather [hbm4b:s4+s14], $0x10, s16, s14, $0xb8;
	[tilespmem:$0x1CF00] =	vst v63  }
0xba: {  	_ = 	snop  }
0xbb: {  	[tilespmem:s19], [sflag:$0x2] =	stream.indirect.gather [hbm4b:s4+s14], $0x10, s18, s14, $0xb8;
	[tilespmem:$0x1CF00] =	vst v63  }
0xbc: {  	_ = 	snop  }
0xbd: {  	[tilespmem:s21], [sflag:$0x2] =	stream.indirect.gather [hbm4b:s4+s14], $0x10, s20, s14, $0xb8;
	[tilespmem:$0x1CF00] =	vst v63  }
0xbe: {  	_ = 	snop  }
0xbf: {  	[spmem:s2] =	stream.indirect.scatter.add.f32 [tilespmem:s24], [sflag:$0x3], $0x10, s1, s14, $0xb8;
	[tilespmem:$0x1CF00] =	vst v63  }
0xc0: {  	_ =	swait.ge [sflag:s12], $0x800  }
0xc1: {  	[sflag:s12] =	ssyncset.done $0x0  }
0xc2: {  	[sflag:s12] =	ssyncadd.s32 $0xFFFFF800  }
0xc3: {  	[spmem:s2] =	stream.indirect.scatter.add.f32 [tilespmem:s25], [sflag:$0x3], $0x10, s5, s14, $0xb8;
	[tilespmem:$0x1CF00] =	vst v63  }
0xc4: {  	_ =	swait.ge [sflag:s12], $0x800  }
0xc5: {  	[sflag:s12] =	ssyncset.done $0x0  }
0xc6: {  	[sflag:s12] =	ssyncadd.s32 $0xFFFFF800  }
0xc7: {  	[spmem:s2] =	stream.indirect.scatter.add.f32 [tilespmem:s26], [sflag:$0x3], $0x10, s8, s14, $0xb8;
	[tilespmem:$0x1CF00] =	vst v63  }
0xc8: {  	_ =	swait.ge [sflag:s12], $0x800  }
0xc9: {  	p0 =	sne.s32 s7, $0x6100;
	[sflag:s12] =	ssyncset.done $0x0  }
.Ltmp0:
0xca: {  	[sflag:s12] =	ssyncadd.s32 $0xFFFFF800;
	(pc) =	sbr.rel @p0 .LBB2_2-.Ltmp0, $4  }
0xcb: {  	[spmem:s2] =	stream.indirect.scatter.add.f32 [tilespmem:s29], [sflag:$0x3], $0x10, s9, s14, $0xb8;
	[tilespmem:$0x1CF00] =	vst v63  }
0xcc: {  	_ =	swait.ge [sflag:s12], $0x800  }
0xcd: {  	[sflag:s12] =	ssyncset.done $0x0;
	s11 =	rddreg [dreg:$0x3]  }
0xce: {  	s7 =	sadd.s32 $0x100, s7;
	[sflag:s12] =	ssyncadd.s32 $0xFFFFF800;
	s6 =	sadd.s32 s6, s11  }
0xcf: {  	[tilespmem:s13], [sflag:$0x1] =	stream.linear.gather [hbm4b:s6+s3], $0x400, $0x38;
	[tilespmem:$0x1CF00] =	vst v63  }
0xd0: {  	_ =	swait.ge [sflag:s22], $0x800  }
0xd1: {  	[sflag:s22] =	ssyncset.done $0x0  }
0xd2: {  	[sflag:s22] =	ssyncadd.s32 $0xFFFFF800  }
0xd3: {  	_ =	swait.ge [sflag:s22], $0x800  }
0xd4: {  	[sflag:s22] =	ssyncset.done $0x0  }
0xd5: {  	[sflag:s22] =	ssyncadd.s32 $0xFFFFF800  }
0xd6: {  	_ =	swait.ge [sflag:s22], $0x800  }
0xd7: {  	[sflag:s22] =	ssyncset.done $0x0  }
0xd8: {  	[sflag:s22] =	ssyncadd.s32 $0xFFFFF800  }
0xd9: {  	_ =	swait.ge [sflag:s22], $0x800  }
0xda: {  	[sflag:s22] =	ssyncset.done $0x0  }
0xdb: {  	[sflag:s22] =	ssyncadd.s32 $0xFFFFF800  }
0xdc: {  	_ =	swait.ge [sflag:s23], $0x400  }
0xdd: {  	[sflag:s23] =	ssyncset.done $0x0  }
0xde: {  	[sflag:s23] =	ssyncadd.s32 $0xFFFFFC00  }
0xdf: {  	[bflag:$0x0] =	sbarrier.arrive $0xFFFF  }
0xe0: {  	s10 =	rddreg [dreg:$0x8]  }
0xe1: {  	s11 =	rddreg [dreg:$0xb]  }
0xe2: {  	s7 =	rddreg [dreg:$0xd]  }
0xe3: {  	[hbm:s11], [sflag:s10] =	dma.local [spmem:s7], $0x30E0  }
0xe4: {  	_ =	swait.ge [sflag:s12], $0x30E0  }
0xe5: {  	s11 =	rddreg [dreg:$0xe]  }
0xe6: {  	s6 =	rddreg [dreg:$0xc];
	s11 =	sadd.s32 $0x1, s11  }
0xe7: {  	p0 =	sne.s32 s11, s6  }
.Ltmp1:
0xe8: {  	_ = 	snop;
	(pc) =	sbr.rel @p0 .LBB2_1-.Ltmp1, $3  }
0xe9: {  	_ =	sdelay $0x1  }
0xea: {  	[sflag:s12] =	ssyncset.done $0x0  }
0xeb: {  	[sflag:s12] =	ssyncadd.s32 $0xFFFFCF20  }
0xec: {  	_ =	sfence.sel $0x180000  }
0xed: {  	[bflag:$0x0] =	sbarrier.arrive $0xFFFF  }
0xee: {  	_ =	strace $0x9000004D  }
0xef: {  	s0 =	stileid.u32;
	[bflag:$0x2] =	sbarrier.arrive $0xFFFF  }
0xf0: {  	p0 =	sne.s32 s0, $0x0;
	s0 =	rddreg [dreg:$0x2]  }
0xf1: {  	s0 =	sadd.s32 @!p0 $0x100000, s0  }
0xf2: {  	[sflag:s0] =	ssyncadd.tile.s32 @!p0 $0x1;
	_ =	shalt  }
.Lfunc_end2:
_tile_overlayer_lowered:
.L_overlay_start_2:
0xf3: {  	(tag) =	ssettag $0x2  }
0xf4: {  	s0 =	rddreg [dreg:$0x0];
	s2 =	stileid.u32  }
0xf5: {  	s1 =	rddreg [dreg:$0x1];
	p0 =	sne.s32 s2, $0x0  }
0xf6: {  	s3 =	rddreg [dreg:$0x2];
	[bflag:$0x3] =	sbarrier.arrive $0xFFFF;
	s2 =	simm.s32 @!p0 $0x1C03  }
0xf7: {  	[timem:s3], [sflag:s2] =	dma.local @!p0 [hbm:s0], s1  }
0xf8: {  	s0 =	simm.s32 @!p0 $0x3  }
0xf9: {  	_ =	swait.ge @!p0 [sflag:s0], s1  }
0xfa: {  	s1 =	ssub.s32 @!p0 $0x0, s1;
	[sflag:s0] =	ssyncset.done @!p0 $0x0  }
0xfb: {  	[sflag:s0] =	ssyncadd.s32 @!p0 s1  }
0xfc: {  	[bflag:$0x3] =	sbarrier.arrive $0xFFFF  }
0xfd: {  	_ =	shalt  }

// kernel: kernel.20.cloned.1.call-start
scs
__scs_entry_jumppad:
0x0: {  	(pc) =	sbr.rel $0x88, $3  }
0x1: {  	(tag) =	ssettag $0x0;
	lr =	simm.s32 $0x1  }
0x2: {  	[smem:$0x3F96] =	sst lr;
	_ =	strace $0xD0000000  }
0x3: {  	_ = 	snop  }
0x4: {  	_ = 	snop  }
0x5: {  	_ = 	snop  }
0x6: {  	_ = 	snop  }
0x7: {  	_ = 	snop  }
__scs_overlays_trampoline_lowered:
0x8: {  	[smem:$0x3FA5] =	sst s0  }
0x9: {  	[smem:$0x3FA6] =	sst s1  }
0xa: {  	[smem:$0x3FA7] =	sst s2  }
0xb: {  	[smem:$0x3FA8] =	sst s3  }
0xc: {  	[smem:$0x3FA9] =	sst s4  }
0xd: {  	[smem:$0x3FAA] =	sst s5  }
0xe: {  	[smem:$0x3FAB] =	sst s6  }
0xf: {  	[smem:$0x3FAC] =	sst s7  }
0x10: {  	[smem:$0x3FAD] =	sst s8  }
0x11: {  	[smem:$0x3FAE] =	sst s9;
	s0 =	simm.s32 @!p0 $0x0  }
0x12: {  	s1 =	sld [smem:$0x3F94];
	s0 =	simm.s32 @p0 $0x1  }
0x13: {  	[smem:$0x3FAF] =	sst s0;
	s0 =	simm.s32 @!p1 $0x0  }
0x14: {  	s2 =	sld [smem:$0x3F93];
	s0 =	simm.s32 @p1 $0x1  }
0x15: {  	[smem:$0x3FB0] =	sst s0;
	s0 =	simm.s32 @!p2 $0x0  }
0x16: {  	s3 =	sld [smem:$0x3FDB];
	s0 =	simm.s32 @p2 $0x1  }
0x17: {  	s4 =	simm.s32 $0x1BF5;
	[smem:$0x3FB2] =	sst s0  }
0x18: {  	s0 =	sld [smem:$0x3F95];
	_ =	swait.ge [sflag:s4], $0x0  }
0x19: {  	s7 =	sld [smem:$0x3F96]  }
0x1a: {  	s8 =	sadd.s32 $0xFFFFE003, lr  }
0x1b: {  	s9 =	sadd.s32 $0xFFFFFEF7, lr;
	s5 =	simm.s32 $0xFFFFFFFF;
	p2 =	slt.u32 s8, $0xFFFFF086  }
0x1c: {  	p1 =	slt.u32 s9, $0xF7A;
	s5 =	simm.s32 @!p2 $0x0  }
0x1d: {  	s5 =	simm.s32 @p1 $0x1;
	p0 =	seq.s32 s7, s2  }
0x1e: {  	s7 =	smul.u32 @!p0 $0xF7A, s2;
	p2 =	seq.s32 @!p0 s5, $0x0  }
0x1f: {  	s9 =	smul.u32 $0xF7A, s1;
	s8 =	simm.s32 @!p0 $0x1BF5;
	p2 =	por !p2, p0  }
0x20: {  	[sflag:s8] =	ssyncset.s32 @!p0 $0xFFFFF086;
	s6 =	sadd.s32 @!p0 s3, s7;
	s7 =	simm.s32 @!p0 $0x108  }
0x21: {  	s3 =	sadd.s32 s3, s9;
	s6 =	sadd.s32 @!p0 $0x88, s6;
	s7 =	simm.s32 @p2 $0x1082  }
0x22: {  	[simem:s7], [sflag:s8] =	dma.local @!p0 [hbm:s6], $0xF7A  }
0x23: {  	s9 =	sor.u32 $0xD0000000, s2;
	s6 =	simm.s32 $0x108;
	_ =	swait.ge @!p0 [sflag:s8], $0x0  }
0x24: {  	s3 =	sadd.s32 $0x88, s3;
	s6 =	simm.s32 @!p1 $0x1082;
	[sflag:s4] =	ssyncset.s32 $0xFFFFF086  }
0x25: {  	[simem:s6], [sflag:s4] =	dma.local [hbm:s3], $0xF7A  }
0x26: {  	[smem:$0x3F96] =	sst s1;
	(tag) =	ssettag s2;
	_ =	strace s9  }
0x27: {  	s1 =	sld [smem:$0x3FA6]  }
0x28: {  	s2 =	sld [smem:$0x3FA7]  }
0x29: {  	s4 =	sld [smem:$0x3FA9]  }
0x2a: {  	p0 =	seq.s32 s5, $0x0;
	s5 =	sld [smem:$0x3FAA]  }
0x2b: {  	s6 =	sld [smem:$0x3FAB]  }
0x2c: {  	s7 =	sld [smem:$0x3FAC]  }
0x2d: {  	s3 =	simm.s32 $0x108;
	s8 =	sld [smem:$0x3FAD]  }
0x2e: {  	s3 =	simm.s32 @!p0 $0x1082;
	s9 =	sld [smem:$0x3FAE]  }
0x2f: {  	lr =	sadd.s32 s0, s3;
	s0 =	sld [smem:$0x3FA5]  }
0x30: {  	s3 =	sld [smem:$0x3FA8]  }
0x31: {  	[smem:$0x3FB1] =	sst s10  }
0x32: {  	s10 =	sld [smem:$0x3FAF];
	_ =	sdelay $0x3  }
0x33: {  	p0 =	seq.s32 s10, $0x1;
	s10 =	sld [smem:$0x3FB1];
	_ =	sdelay $0x3  }
0x34: {  	[smem:$0x3FB1] =	sst s10  }
0x35: {  	s10 =	sld [smem:$0x3FB0];
	_ =	sdelay $0x3  }
0x36: {  	p1 =	seq.s32 s10, $0x1;
	s10 =	sld [smem:$0x3FB1];
	_ =	sdelay $0x3  }
0x37: {  	[smem:$0x3FB1] =	sst s10  }
0x38: {  	s10 =	sld [smem:$0x3FB2]  }
0x39: {  	_ = 	snop;
	(pc) =	sbr.ind lr, $3  }
0x3a: {  	_ = 	snop  }
0x3b: {  	_ = 	snop  }
0x3c: {  	p2 =	seq.s32 s10, $0x1;
	s10 =	sld [smem:$0x3FB1]  }
0x3d: {  	_ =	shalt  }
0x3e: {  	_ =	shalt  }
0x3f: {  	_ =	shalt  }
0x40: {  	_ =	shalt  }
0x41: {  	_ =	shalt  }
0x42: {  	_ =	shalt  }
0x43: {  	_ =	shalt  }
0x44: {  	_ =	shalt  }
0x45: {  	_ =	shalt  }
0x46: {  	_ =	shalt  }
0x47: {  	_ =	shalt  }
0x48: {  	_ =	shalt  }
0x49: {  	_ =	shalt  }
0x4a: {  	_ =	shalt  }
0x4b: {  	_ =	shalt  }
0x4c: {  	_ =	shalt  }
0x4d: {  	_ =	shalt  }
0x4e: {  	_ =	shalt  }
0x4f: {  	_ =	shalt  }
0x50: {  	_ =	shalt  }
0x51: {  	_ =	shalt  }
0x52: {  	_ =	shalt  }
0x53: {  	_ =	shalt  }
0x54: {  	_ =	shalt  }
0x55: {  	_ =	shalt  }
0x56: {  	_ =	shalt  }
0x57: {  	_ =	shalt  }
0x58: {  	_ =	shalt  }
0x59: {  	_ =	shalt  }
0x5a: {  	_ =	shalt  }
0x5b: {  	_ =	shalt  }
0x5c: {  	_ =	shalt  }
0x5d: {  	_ =	shalt  }
0x5e: {  	_ =	shalt  }
0x5f: {  	_ =	shalt  }
0x60: {  	_ =	shalt  }
0x61: {  	_ =	shalt  }
0x62: {  	_ =	shalt  }
0x63: {  	_ =	shalt  }
0x64: {  	_ =	shalt  }
0x65: {  	_ =	shalt  }
0x66: {  	_ =	shalt  }
0x67: {  	_ =	shalt  }
0x68: {  	_ =	shalt  }
0x69: {  	_ =	shalt  }
0x6a: {  	_ =	shalt  }
0x6b: {  	_ =	shalt  }
0x6c: {  	_ =	shalt  }
0x6d: {  	_ =	shalt  }
0x6e: {  	_ =	shalt  }
0x6f: {  	_ =	shalt  }
0x70: {  	_ =	shalt  }
0x71: {  	_ =	shalt  }
0x72: {  	_ =	shalt  }
0x73: {  	_ =	shalt  }
0x74: {  	_ =	shalt  }
0x75: {  	_ =	shalt  }
0x76: {  	_ =	shalt  }
0x77: {  	_ =	shalt  }
0x78: {  	_ =	shalt  }
0x79: {  	_ =	shalt  }
0x7a: {  	_ =	shalt  }
0x7b: {  	_ =	shalt  }
0x7c: {  	_ =	shalt  }
0x7d: {  	_ =	shalt  }
0x7e: {  	_ =	shalt  }
0x7f: {  	_ =	shalt  }
0x80: {  	_ =	shalt  }
0x81: {  	_ =	shalt  }
0x82: {  	_ =	shalt  }
0x83: {  	_ =	shalt  }
0x84: {  	_ =	shalt  }
0x85: {  	_ =	shalt  }
0x86: {  	_ =	shalt  }
0x87: {  	_ =	shalt  }
.Lfunc_end0:
.L_simem_size_0:
called_computation.3_lowered:
.L_overlay_start_0:
0x88: {  	s2 =	sld [smem:$0x3FD9]  }
0x89: {  	s3 =	sld [smem:$0x3FFE];
	_ =	sdelay $0x1  }
0x8a: {  	s1 =	srdreg.scid  }
0x8b: {  	s0 =	sand.u32 $0x1, s1  }
0x8c: {  	s16 =	sshll.u32 s0, $0xA;
	s2 =	sadd.s32 s3, s2  }
0x8d: {  	s2 =	sadd.s32 s2, s16  }
0x8e: {  	[smem:$0x3FBD] =	sst s2  }
0x8f: {  	_ = 	snop  }
0x90: {  	(tm) =	ssettm $0x1  }
0x91: {  	s17 =	sld [smem:$0x3FFB];
	_ =	sdelay $0x3  }
0x92: {  	_ =	strace s17  }
0x93: {  	s2 =	sld [smem:$0x3FFC];
	_ =	sdelay $0x3  }
0x94: {  	_ =	strace s2  }
0x95: {  	s2 =	sld [smem:$0x3FFD];
	_ =	sdelay $0x3  }
0x96: {  	_ =	strace s2  }
0x97: {  	_ =	strace $0x8FFFFFFF  }
0x98: {  	s18 =	sld [smem:$0x3FDB];
	_ =	sdelay $0x1  }
0x99: {  	s19 =	simm.s32 $_scs_section_size  }
0x9a: {  	s4 =	simm.s32 $_size__tile_overlayer_lowered;
	s5 =	simm.s32 $_tile_overlayer_lowered  }
0x9b: {  	s22 =	simm.s32 $0x1BFF;
	s21 =	sshll.u32 s5, $0x1;
	s2 =	sadd.s32 s19, s18  }
0x9c: {  	s6 =	simm.s32 $0x0;
	s20 =	sshll.u32 s4, $0x1;
	s4 =	sadd.s32 s21, s2  }
0x9d: {  	[timem:s6], [sflag:s22] =	dma.local [hbm:s4], s20  }
0x9e: {  	_ =	swait.ge [sflag:s22], s20  }
0x9f: {  	s3 =	ssub.s32 $0x0, s20;
	[sflag:s22] =	ssyncset.done $0x0  }
0xa0: {  	[sflag:s22] =	ssyncadd.s32 s3;
	_ =	sdelay $0x1  }
0xa1: {  	s23 =	simm.s32 $0x1B8B  }
0xa2: {  	_ =	swait.ge [sflag:s23], $0x1  }
0xa3: {  	[sflag:s23] =	ssyncset.done $0x0  }
0xa4: {  	s25 =	simm.s32 $0x1B8E;
	s24 =	sld [smem:$0x3FFE];
	[sflag:s23] =	ssyncadd.s32 $0xFFFFFFFF  }
0xa5: {  	s26 =	simm.s32 $execute0_lowered;
	[smem:$0x3FD2] =	sst s25  }
0xa6: {  	s4 =	sshll.u32 s26, $0x1;
	_ =	strace $0x8000004F;
	[dreg:$0x1] =	wrdreg $0xFFFFFFFF  }
0xa7: {  	s28 =	simm.s32 $_size_execute0_lowered;
	s2 =	sadd.s32 s2, s4;
	[dreg:$0x0] =	wrdreg $0x0  }
0xa8: {  	s4 =	sshll.u32 s28, $0x1;
	[dreg:$0x2] =	wrdreg s2  }
0xa9: {  	[dreg:$0x3] =	wrdreg s4  }
0xaa: {  	[dreg:$0x4] =	wrdreg $0xC0  }
0xab: {  	_ =	task [dreg:s6], $0x5FFFF  }
0xac: {  	[dreg:$0x1] =	wrdreg $0xFFFFFFFF  }
0xad: {  	[dreg:$0x0] =	wrdreg $0x60  }
0xae: {  	[dreg:$0x2] =	wrdreg s24  }
0xaf: {  	[dreg:$0x3] =	wrdreg $0x10800  }
0xb0: {  	[dreg:$0x4] =	wrdreg $0x11000  }
0xb1: {  	[dreg:$0x5] =	wrdreg $0x9  }
0xb2: {  	_ =	task.clear_ibuf [dreg:s6], $0x6FFFF;
	_ =	strace $0x9000004F  }
0xb3: {  	s29 =	simm.s32 $0x9;
	_ =	strace $0x80000051  }
0xb4: {  	_ =	swait.ge [sflag:s29], $0x1  }
0xb5: {  	[sflag:s29] =	ssyncadd.s32 $0xFFFFFFFF  }
0xb6: {  	_ =	strace $0x90000051  }
0xb7: {  	_ =	sfence  }
0xb8: {  	s30 =	sld [smem:$0x0];
	_ =	sdelay $0x2  }
0xb9: {  	s31 =	sshll.u32 s1, $0xD;
	s1 =	sshrl.u32 s1, $0x2  }
0xba: {  	s3 =	sand.u32 $0x4000, s31;
	s1 =	sadd.s32 s1, s30  }
0xbb: {  	s0 =	sor.u32 s3, s0;
	s1 =	sshll.u32 s1, $0x11  }
0xbc: {  	s0 =	sor.u32 s1, s0  }
0xbd: {  	s0 =	sadd.s32 $0x8F2B, s0  }
0xbe: {  	[sflag:s0] =	ssyncadd.remote.s32 $0x1  }
0xbf: {  	_ =	sfence.sel $0xFFFF  }
0xc0: {  	[dreg:$0x0] =	wrdreg $0xFFFFFFFF;
	(pc) =	sbr.abs _section_cstart, $3  }
0xc1: {  	[dreg:$0x1] =	wrdreg $0xFFFFFFFF  }
0xc2: {  	_ =	task.clear_ibuf [dreg:s6], $0x2FFFF;
	_ =	strace $0x9FFFFFFF  }
0xc3: {  	(tm) =	ssettm $0x7FFFFFFF  }
tec
execute0_lowered:
.L_overlay_start_1:
0x0: {  	(tag) =	ssettag $0x1  }
0x1: {  	s6 =	rddreg [dreg:$0x0]  }
0x2: {  	s1 =	rddreg [dreg:$0x1]  }
0x3: {  	s2 =	rddreg [dreg:$0x2];
	s11 =	stileid.u32  }
0x4: {  	s0 =	rddreg [dreg:$0x3];
	s3 =	simm.s32 $0x0;
	s7 =	srdreg.scid  }
0x5: {  	s15 =	simm.s32 $0x80;
	s16 =	simm.s32 $0x0;
	s4 =	smul.u32 $0x3200, s11  }
0x6: {  	[smem:$0x7FF] =	sst s3;
	s5 =	smul.u32 $0x320, s11;
	s7 =	sand.u32 $0x1, s7  }
0x7: {  	p0 =	sne.s32 s11, $0x0;
	_ =	strace $0x80000050;
	s13 =	smul.u32 $0x1900, s7  }
0x8: {  	s8 =	sshll.u32 s7, $0x9;
	s12 =	ssub.s32 $0x2, s7;
	s14 =	smul.u32 $0x190, s7  }
0x9: {  	s11 =	sshrl.u32 @!p0 s1, $0x3;
	s9 =	sadd.s32 s4, s6;
	s10 =	sadd.s32 s5, s6  }
0xa: {  	s4 =	sadd.s32 $0xFC200, s6;
	s8 =	sadd.s32 s8, s6;
	s31 =	sshrl.u32 s12, $0x1  }
0xb: {  	s5 =	sadd.s32 $0xCA000, s6;
	s12 =	ssub.s32 s12, s31;
	s6 =	sadd.s32 $0xFC400, s8  }
0xc: {  	s7 =	sadd.s32 $0xFC500, s8;
	s9 =	sadd.s32 s13, s9;
	s10 =	sadd.s32 s14, s10  }
0xd: {  	s13 =	simm.s32 $0x880;
	s14 =	simm.s32 $0x1;
	s8 =	smax.u32 s12, $0x1  }
0xe: {  	s9 =	sadd.s32 $0xCA200, s9;
	s10 =	sadd.s32 $0x15CC00, s10;
	s12 =	sshrl.u32 @!p0 s2, $0x3  }
.LBB2_1:
0xf: {  	s17 =	simm.s32 @!p0 $0x1C01;
	s18 =	simm.s32 @!p0 $0x1  }
0x10: {  	[spmem:s11], [sflag:s17] =	dma.local @!p0 [hbm:s4], $0x100  }
0x11: {  	_ =	swait.ge @!p0 [sflag:s18], $0x100  }
0x12: {  	[sflag:s18] =	ssyncset.done @!p0 $0x0  }
0x13: {  	[sflag:s18] =	ssyncadd.s32 @!p0 $0xFFFFFF00  }
0x14: {  	[spmem:s12], [sflag:s17] =	dma.local @!p0 [hbm:s4], $0x100  }
0x15: {  	_ =	swait.ge @!p0 [sflag:s18], $0x100  }
0x16: {  	[sflag:s18] =	ssyncset.done @!p0 $0x0  }
0x17: {  	[sflag:s18] =	ssyncadd.s32 @!p0 $0xFFFFFF00  }
0x18: {  	[tilespmem:s13], [sflag:$0x1] =	stream.linear.gather [hbm4b:s5+s3], $0x800, $0x38;
	[tilespmem:$0x1180] =	vst v63  }
0x19: {  	_ =	swait.ge [sflag:s14], $0x800  }
0x1a: {  	[sflag:s14] =	ssyncset.done $0x0  }
0x1b: {  	[sflag:s14] =	ssyncadd.s32 $0xFFFFF800  }
0x1c: {  	s31 =	sadd.s32 $0x0, s10;
	[bflag:$0x0] =	sbarrier.arrive $0xFFFF  }
0x1d: {  	[tilespmem:s3], [sflag:$0x1] =	stream.linear.gather [hbm4b:s31+s3], $0x80, $0x38;
	[tilespmem:$0x1180] =	vst v63  }
0x1e: {  	_ =	swait.ge [sflag:s14], $0x80  }
0x1f: {  	[sflag:s14] =	ssyncset.done $0x0  }
0x20: {  	[sflag:s14] =	ssyncadd.s32 $0xFFFFFF80  }
0x21: {  	[tilespmem:s15], [sflag:$0x1] =	stream.linear.gather [hbm4b:s9+s3], $0x800, $0x38;
	[tilespmem:$0x1180] =	vst v63  }
0x22: {  	_ =	swait.ge [sflag:s14], $0x800  }
0x23: {  	[sflag:s14] =	ssyncset.done $0x0  }
0x24: {  	[sflag:s14] =	ssyncadd.s32 $0xFFFFF800  }
0x25: {  	[spmem:s1] =	stream.indirect.scatter.add.f32 [tilespmem:s15], [sflag:$0x1], $0x10, s3, s15, $0xb8;
	[tilespmem:$0x1180] =	vst v63  }
0x26: {  	_ =	swait.ge [sflag:s14], $0x800  }
0x27: {  	[sflag:s14] =	ssyncset.done $0x0  }
0x28: {  	[sflag:s14] =	ssyncadd.s32 $0xFFFFF800  }
0x29: {  	[spmem:s2] =	stream.indirect.scatter.add.f32 [tilespmem:s13], [sflag:$0x1], $0x10, s3, s15, $0xb8;
	[tilespmem:$0x1180] =	vst v63  }
0x2a: {  	s19 =	simm.s32 $0x20;
	_ =	swait.ge [sflag:s14], $0x800  }
0x2b: {  	s17 =	sadd.s32 $0x100, s9;
	s18 =	simm.s32 $0x10;
	[sflag:s14] =	ssyncset.done $0x0  }
.LBB2_2:
0x2c: {  	s20 =	sadd.s32 s18, s10  }
0x2d: {  	[sflag:s14] =	ssyncadd.s32 $0xFFFFF800;
	s18 =	smov.u32 s19;
	s21 =	sadd.s32 $0x10, s19  }
0x2e: {  	[tilespmem:s3], [sflag:$0x1] =	stream.linear.gather [hbm4b:s20+s3], $0x80, $0x38;
	[tilespmem:$0x1180] =	vst v63  }
0x2f: {  	p1 =	sne.s32 s19, $0x180;
	_ =	swait.ge [sflag:s14], $0x80  }
0x30: {  	[sflag:s14] =	ssyncset.done $0x0  }
0x31: {  	[sflag:s14] =	ssyncadd.s32 $0xFFFFFF80  }
0x32: {  	[tilespmem:s15], [sflag:$0x1] =	stream.linear.gather [hbm4b:s17+s3], $0x800, $0x38;
	[tilespmem:$0x1180] =	vst v63  }
0x33: {  	_ =	swait.ge [sflag:s14], $0x800  }
0x34: {  	[sflag:s14] =	ssyncset.done $0x0  }
0x35: {  	[sflag:s14] =	ssyncadd.s32 $0xFFFFF800  }
0x36: {  	[spmem:s1] =	stream.indirect.scatter.add.f32 [tilespmem:s15], [sflag:$0x1], $0x10, s3, s15, $0xb8;
	[tilespmem:$0x1180] =	vst v63  }
0x37: {  	_ =	swait.ge [sflag:s14], $0x800  }
.Ltmp0:
0x38: {  	[sflag:s14] =	ssyncset.done $0x0;
	(pc) =	sbr.rel @p1 .LBB2_2-.Ltmp0, $4  }
0x39: {  	[sflag:s14] =	ssyncadd.s32 $0xFFFFF800  }
0x3a: {  	[spmem:s2] =	stream.indirect.scatter.add.f32 [tilespmem:s13], [sflag:$0x1], $0x10, s3, s15, $0xb8;
	[tilespmem:$0x1180] =	vst v63  }
0x3b: {  	_ =	swait.ge [sflag:s14], $0x800  }
0x3c: {  	s19 =	smov.u32 s21;
	s17 =	sadd.s32 $0x100, s17;
	[sflag:s14] =	ssyncset.done $0x0  }
0x3d: {  	s18 =	sadd.s32 s18, s10;
	[sflag:s14] =	ssyncadd.s32 $0xFFFFF800  }
0x3e: {  	[tilespmem:s3], [sflag:$0x1] =	stream.linear.gather [hbm4b:s18+s3], $0x80, $0x38;
	[tilespmem:$0x1180] =	vst v63  }
0x3f: {  	_ =	swait.ge [sflag:s14], $0x80  }
0x40: {  	[sflag:s14] =	ssyncset.done $0x0  }
0x41: {  	[sflag:s14] =	ssyncadd.s32 $0xFFFFFF80  }
0x42: {  	[tilespmem:s15], [sflag:$0x1] =	stream.linear.gather [hbm4b:s17+s3], $0x800, $0x38;
	[tilespmem:$0x1180] =	vst v63  }
0x43: {  	_ =	swait.ge [sflag:s14], $0x800  }
0x44: {  	[sflag:s14] =	ssyncset.done $0x0  }
0x45: {  	[sflag:s14] =	ssyncadd.s32 $0xFFFFF800  }
0x46: {  	[spmem:s1] =	stream.indirect.scatter.add.f32 [tilespmem:s15], [sflag:$0x1], $0x10, s3, s15, $0xb8;
	[tilespmem:$0x1180] =	vst v63  }
0x47: {  	_ =	swait.ge [sflag:s14], $0x800  }
0x48: {  	[sflag:s14] =	ssyncset.done $0x0  }
0x49: {  	[sflag:s14] =	ssyncadd.s32 $0xFFFFF800  }
0x4a: {  	[spmem:s2] =	stream.indirect.scatter.add.f32 [tilespmem:s13], [sflag:$0x1], $0x10, s3, s15, $0xb8;
	[tilespmem:$0x1180] =	vst v63  }
0x4b: {  	_ =	swait.ge [sflag:s14], $0x800  }
0x4c: {  	[sflag:s14] =	ssyncset.done $0x0  }
0x4d: {  	[sflag:s14] =	ssyncadd.s32 $0xFFFFF800  }
0x4e: {  	s18 =	simm.s32 @!p0 $0x1;
	s17 =	simm.s32 @!p0 $0x1C01;
	[bflag:$0x0] =	sbarrier.arrive $0xFFFF  }
0x4f: {  	[hbm:s6], [sflag:s17] =	dma.local @!p0 [spmem:s11], $0x100  }
0x50: {  	s16 =	sadd.s32 $0x1, s16;
	_ =	swait.ge @!p0 [sflag:s18], $0x100  }
0x51: {  	p1 =	sne.s32 s16, s8;
	[sflag:s18] =	ssyncset.done @!p0 $0x0  }
.Ltmp1:
0x52: {  	[sflag:s18] =	ssyncadd.s32 @!p0 $0xFFFFFF00;
	(pc) =	sbr.rel @p1 .LBB2_1-.Ltmp1, $4  }
0x53: {  	[hbm:s7], [sflag:s17] =	dma.local @!p0 [spmem:s12], $0x100  }
0x54: {  	_ =	swait.ge @!p0 [sflag:s18], $0x100  }
0x55: {  	[sflag:s18] =	ssyncset.done @!p0 $0x0  }
0x56: {  	[sflag:s18] =	ssyncadd.s32 @!p0 $0xFFFFFF00  }
0x57: {  	_ =	sfence.sel $0x180000  }
0x58: {  	[bflag:$0x0] =	sbarrier.arrive $0xFFFF  }
0x59: {  	_ =	strace $0x90000050  }
0x5a: {  	s0 =	sadd.s32 @!p0 $0x100000, s0;
	[bflag:$0x2] =	sbarrier.arrive $0xFFFF  }
0x5b: {  	[sflag:s0] =	ssyncadd.tile.s32 @!p0 $0x1;
	_ =	shalt  }
.Lfunc_end2:
_tile_overlayer_lowered:
.L_overlay_start_2:
0x5c: {  	(tag) =	ssettag $0x2  }
0x5d: {  	s0 =	rddreg [dreg:$0x0];
	s2 =	stileid.u32  }
0x5e: {  	s1 =	rddreg [dreg:$0x1];
	p0 =	sne.s32 s2, $0x0  }
0x5f: {  	s3 =	rddreg [dreg:$0x2];
	[bflag:$0x3] =	sbarrier.arrive $0xFFFF;
	s2 =	simm.s32 @!p0 $0x1C01  }
0x60: {  	[timem:s3], [sflag:s2] =	dma.local @!p0 [hbm:s0], s1  }
0x61: {  	s0 =	simm.s32 @!p0 $0x1  }
0x62: {  	_ =	swait.ge @!p0 [sflag:s0], s1  }
0x63: {  	s1 =	ssub.s32 @!p0 $0x0, s1;
	[sflag:s0] =	ssyncset.done @!p0 $0x0  }
0x64: {  	[sflag:s0] =	ssyncadd.s32 @!p0 s1  }
0x65: {  	[bflag:$0x3] =	sbarrier.arrive $0xFFFF  }
0x66: {  	_ =	shalt  }

</sc_bundles>
